<compile_context>
chip_gen: v7x
topology: tpu7x:2x2x1
jax: 0.10.2.dev20260603
libtpu: 0.0.44.dev20260713+nightly
codegen_flags: <defaults>
</compile_context>

<pallas_src>
import functools

import jax
import jax.numpy as jnp
from jax import lax
from jax.experimental import pallas as pl
from jax.experimental.pallas import tpu as pltpu
from jax.experimental.pallas import tpu_sc as plsc

D = 32
NC = 2
NS = 16
NW = NC * NS
G = 16


def _sc_scores(node_emb, ctx_emb, vi, vj, neg_flat, K):
    B = vi.shape[0]
    b_per_w = B // NW
    n_per_w = b_per_w * K
    CH = G * K
    n_chunks = b_per_w // G
    mesh = plsc.VectorSubcoreMesh(core_axis_name="c", subcore_axis_name="s")

    @functools.partial(
        pl.kernel,
        mesh=mesh,
        out_type=jax.ShapeDtypeStruct((K + 1, B), jnp.float32),
        scratch_types=[
            pltpu.VMEM((b_per_w,), jnp.int32),
            pltpu.VMEM((b_per_w,), jnp.int32),
            pltpu.VMEM((n_per_w,), jnp.int32),
            pltpu.VMEM((G, D), jnp.float32),
            pltpu.VMEM((G, D), jnp.float32),
            pltpu.VMEM((G, D), jnp.float32),
            pltpu.VMEM((G, D), jnp.float32),
            pltpu.VMEM((CH, D), jnp.float32),
            pltpu.VMEM((CH, D), jnp.float32),
            pltpu.VMEM((D, G), jnp.float32),
            pltpu.VMEM((K + 1, b_per_w), jnp.float32),
            pltpu.SemaphoreType.DMA,
            pltpu.SemaphoreType.DMA,
            pltpu.SemaphoreType.DMA,
        ],
        compiler_params=pltpu.CompilerParams(
            disable_bounds_checks=True, needs_layout_passes=False),
    )
    def k(node_hbm, ctx_hbm, vi_hbm, vj_hbm, neg_hbm, out_hbm,
          vi_idx, vj_idx, ng_idx, vib0, vib1, vjb0, vjb1, nb0, nb1, vjt,
          sc_v, sem, sn0, sn1):
        wid = lax.axis_index("s") * NC + lax.axis_index("c")
        base = wid * b_per_w
        lanes = lax.iota(jnp.int32, G)
        lanes_k = lanes * K

        pltpu.async_copy(vi_hbm.at[pl.ds(base, b_per_w)], vi_idx, sem)
        pltpu.async_copy(vj_hbm.at[pl.ds(base, b_per_w)], vj_idx, sem)
        pltpu.async_copy(neg_hbm.at[pl.ds(base * K, n_per_w)], ng_idx, sem)
        pltpu.make_async_copy(vi_hbm.at[pl.ds(0, b_per_w)], vi_idx, sem).wait()
        pltpu.make_async_copy(vj_hbm.at[pl.ds(0, b_per_w)], vj_idx, sem).wait()
        pltpu.make_async_copy(neg_hbm.at[pl.ds(0, n_per_w)], ng_idx,
                              sem).wait()

        def fire_chunk(c, vib, vjb, ngb, s):
            idxv = vi_idx[pl.ds(c * G, G)]
            idxw = vj_idx[pl.ds(c * G, G)]
            for l in range(G):
                pltpu.async_copy(node_hbm.at[pl.ds(idxv[l], 1), :],
                                 vib.at[pl.ds(l, 1), :], s)
                pltpu.async_copy(ctx_hbm.at[pl.ds(idxw[l], 1), :],
                                 vjb.at[pl.ds(l, 1), :], s)
            co = c * CH

            @pl.loop(0, CH, step=G)
            def _(rr):
                idxn = ng_idx[pl.ds(co + rr, G)]
                for l in range(G):
                    pltpu.async_copy(ctx_hbm.at[pl.ds(idxn[l], 1), :],
                                     ngb.at[pl.ds(rr + l, 1), :], s)

        def drain_chunk(ngb, s):
            @pl.loop(0, CH + 2 * G)
            def _(r):
                pltpu.make_async_copy(
                    ctx_hbm.at[pl.ds(0, 1), :],
                    ngb.at[pl.ds(0, 1), :], s).wait()

        def compute(c, vib, vjb, ngb):
            g = c * G
            pos = jnp.zeros((G,), jnp.float32)
            for d in range(D):
                cd = jnp.full((G,), d, jnp.int32)
                vjc = plsc.load_gather(vjb, [lanes, cd])
                vic = plsc.load_gather(vib, [lanes, cd])
                vjt[d, :] = vjc
                pos = pos + vic * vjc
            sc_v[0, pl.ds(g, G)] = pos

            @pl.loop(0, K)
            def _(kk):
                rows_k = lanes_k + kk
                acc = jnp.zeros((G,), jnp.float32)
                for d in range(D):
                    cd = jnp.full((G,), d, jnp.int32)
                    nc = plsc.load_gather(ngb, [rows_k, cd])
                    acc = acc + nc * vjt[d, :]
                sc_v[kk + 1, pl.ds(g, G)] = acc

        fire_chunk(0, vib0, vjb0, nb0, sn0)

        @pl.loop(0, n_chunks)
        def _(c):
            @pl.when(c % 2 == 0)
            def _():
                @pl.when(c + 1 < n_chunks)
                def _():
                    fire_chunk(c + 1, vib1, vjb1, nb1, sn1)
                drain_chunk(nb0, sn0)
                compute(c, vib0, vjb0, nb0)

            @pl.when(c % 2 == 1)
            def _():
                @pl.when(c + 1 < n_chunks)
                def _():
                    fire_chunk(c + 1, vib0, vjb0, nb0, sn0)
                drain_chunk(nb1, sn1)
                compute(c, vib1, vjb1, nb1)

        pltpu.sync_copy(sc_v, out_hbm.at[:, pl.ds(base, b_per_w)])

    return k(node_emb, ctx_emb, vi, vj, neg_flat)


def _tc_loss(scores, B, K):
    BLK = 2048
    grid = B // BLK

    def body(s_ref, out_ref):
        i = pl.program_id(0)
        s = s_ref[...]
        pos = jax.nn.sigmoid(s[0, :])
        negl = jax.nn.log_sigmoid(-s[1:, :])
        part = jnp.sum(negl) + jnp.sum(pos)

        @pl.when(i == 0)
        def _():
            out_ref[0, 0] = 0.0

        out_ref[0, 0] += part

    out = pl.pallas_call(
        body,
        grid=(grid,),
        in_specs=[pl.BlockSpec((K + 1, BLK), lambda i: (0, i))],
        out_specs=pl.BlockSpec(memory_space=pltpu.SMEM),
        out_shape=jax.ShapeDtypeStruct((1, 1), jnp.float32),
    )(scores)
    return out[0, 0]


@jax.jit
def kernel(v_i, v_j, negative_samples, node_embeddings, context_embeddings):
    B, K = negative_samples.shape
    neg_flat = negative_samples.reshape(-1)
    scores = _sc_scores(node_embeddings, context_embeddings, v_i, v_j,
                        neg_flat, K)
    total = _tc_loss(scores, B, K)
    return -(total / B)

# --- scband reference (transcript-rebuilt; emitter-appended) ---
"""Pipeline reference for scband-line-50233937494021 (READ-ONLY COPY).

The authoritative reference and input builder live on the scoring server;
editing this copy changes nothing except your own understanding.
"""

import jax, jax.numpy as jnp
import numpy as np

EMBED_SIZE = 1000000
EMBED_DIM = 32
B = 16384
K = 20


def setup_inputs(seed: int = 0) -> dict:
    key = jax.random.key(seed)
    k1, k2, k3, k4, k5 = jax.random.split(key, 5)
    return {
        "v_i": jax.random.randint(k1, (B,), 0, EMBED_SIZE, dtype=jnp.int64 if jax.config.jax_enable_x64 else jnp.int32),
        "v_j": jax.random.randint(k2, (B,), 0, EMBED_SIZE, dtype=jnp.int64 if jax.config.jax_enable_x64 else jnp.int32),
        "negative_samples": jax.random.randint(k3, (B, K), 0, EMBED_SIZE, dtype=jnp.int64 if jax.config.jax_enable_x64 else jnp.int32),
        "node_embeddings": jax.random.normal(k4, (EMBED_SIZE, EMBED_DIM), dtype=jnp.float32) * 0.02,
        "context_embeddings": jax.random.normal(k5, (EMBED_SIZE, EMBED_DIM), dtype=jnp.float32) * 0.02,
    }


def reference(v_i, v_j, negative_samples, node_embeddings, context_embeddings):
    # v_i_emb = self.node_embeddings(v_i)
    v_i_emb = jnp.take(node_embeddings, v_i, axis=0)
    # v_j_emb = self.context_embeddings(v_j)
    v_j_emb = jnp.take(context_embeddings, v_j, axis=0)
    # negative_samples_emb = self.context_embeddings(negative_samples)
    negative_samples_emb = jnp.take(context_embeddings, negative_samples, axis=0)  # [B, K, D]
    # positive_ = sigmoid(sum(v_i_emb * v_j_emb, 1))
    positive_ = jax.nn.sigmoid(jnp.sum(v_i_emb * v_j_emb, axis=1))  # [B]
    # negative_mul = v_j_emb.view(B, 1, D) * (-negative_samples_emb)
    negative_mul = v_j_emb.reshape(negative_samples.shape[0], 1, EMBED_DIM) * (-negative_samples_emb)  # [B, K, D]
    # negative_ = sum(logsigmoid(sum(negative_mul, 2)), 1)
    negative_ = jnp.sum(jax.nn.log_sigmoid(jnp.sum(negative_mul, axis=2)), axis=1)  # [B]
    loss = negative_ + positive_
    return -jnp.mean(loss)

if __name__ == "__main__":
    import jax
    _d = setup_inputs()
    print(jax.jit(kernel)(*tuple(_d.values())))

</pallas_src>

<mosaic_0001>
#map = affine_map<(d0, d1) -> (0, 0)>
#map1 = affine_map<(d0, d1) -> (0)>
module attributes {stable_mosaic.version = 14 : i64} {
  func.func @k(%arg0: i32, %arg1: i32, %arg2: memref<1000000x32xf32, #tpu.memory_space<hbm>>, %arg3: memref<1000000x32xf32, #tpu.memory_space<hbm>>, %arg4: memref<16384xi32, #tpu.memory_space<hbm>>, %arg5: memref<16384xi32, #tpu.memory_space<hbm>>, %arg6: memref<327680xi32, #tpu.memory_space<hbm>>, %arg7: memref<21x16384xf32, #tpu.memory_space<hbm>>, %arg8: memref<512xi32, #tpu.memory_space<vmem>>, %arg9: memref<512xi32, #tpu.memory_space<vmem>>, %arg10: memref<10240xi32, #tpu.memory_space<vmem>>, %arg11: memref<16x32xf32, #tpu.memory_space<vmem>>, %arg12: memref<16x32xf32, #tpu.memory_space<vmem>>, %arg13: memref<16x32xf32, #tpu.memory_space<vmem>>, %arg14: memref<16x32xf32, #tpu.memory_space<vmem>>, %arg15: memref<320x32xf32, #tpu.memory_space<vmem>>, %arg16: memref<320x32xf32, #tpu.memory_space<vmem>>, %arg17: memref<32x16xf32, #tpu.memory_space<vmem>>, %arg18: memref<21x512xf32, #tpu.memory_space<vmem>>, %arg19: memref<!tpu.dma_semaphore, #tpu.memory_space<semaphore_mem>>, %arg20: memref<!tpu.dma_semaphore, #tpu.memory_space<semaphore_mem>>, %arg21: memref<!tpu.dma_semaphore, #tpu.memory_space<semaphore_mem>>) attributes {dimension_semantics = [#tpu.dimension_semantics<core_parallel>, #tpu.dimension_semantics<subcore_parallel>], iteration_bounds = array<i64: 2, 16>, scalar_prefetch = 0 : i64, scratch_operands = 14 : i64, tpu.core_type = #tpu.core_type<sc_vector_subcore>, window_params = [{transform_indices = #map}, {transform_indices = #map}, {transform_indices = #map1}, {transform_indices = #map1}, {transform_indices = #map1}, {transform_indices = #map}]} {
    %mul3A = arith.constant 2 : i32
    %mul3A_0 = arith.muli %arg1, %mul3A : i32
    %add3A = arith.addi %mul3A_0, %arg0 : i32
    %mul3A_1 = arith.constant 512 : i32
    %mul3A_2 = arith.muli %add3A, %mul3A_1 : i32
    %iota3A = tpu.iota {dimensions = array<i32: 0>} : vector<16xi32>
    %mul3A_3 = arith.constant 20 : i32
    %mul3A_4 = vector.broadcast %mul3A_3 : i32 to vector<16xi32>
    %mul3A_5 = arith.muli %iota3A, %mul3A_4 : vector<16xi32>
    %dma_start3A = tpu.memref_slice %arg4[%mul3A_2] : memref<16384xi32, #tpu.memory_space<hbm>> -> memref<512xi32, #tpu.memory_space<hbm>>
    %dma_start3A_6 = tpu.memref_slice %arg4[%mul3A_2] : memref<16384xi32, #tpu.memory_space<hbm>> -> memref<512xi32, #tpu.memory_space<hbm>>
    tpu.enqueue_dma source(%dma_start3A_6 : memref<512xi32, #tpu.memory_space<hbm>>) target(%arg8 : memref<512xi32, #tpu.memory_space<vmem>>) target_semaphore(%arg19 : memref<!tpu.dma_semaphore, #tpu.memory_space<semaphore_mem>>)
    %dma_start3A_7 = tpu.memref_slice %arg5[%mul3A_2] : memref<16384xi32, #tpu.memory_space<hbm>> -> memref<512xi32, #tpu.memory_space<hbm>>
    %dma_start3A_8 = tpu.memref_slice %arg5[%mul3A_2] : memref<16384xi32, #tpu.memory_space<hbm>> -> memref<512xi32, #tpu.memory_space<hbm>>
    tpu.enqueue_dma source(%dma_start3A_8 : memref<512xi32, #tpu.memory_space<hbm>>) target(%arg9 : memref<512xi32, #tpu.memory_space<vmem>>) target_semaphore(%arg19 : memref<!tpu.dma_semaphore, #tpu.memory_space<semaphore_mem>>)
    %mul3A_9 = arith.constant 20 : i32
    %mul3A_10 = arith.muli %mul3A_2, %mul3A_9 : i32
    %dma_start3A_11 = tpu.memref_slice %arg6[%mul3A_10] : memref<327680xi32, #tpu.memory_space<hbm>> -> memref<10240xi32, #tpu.memory_space<hbm>>
    %dma_start3A_12 = tpu.memref_slice %arg6[%mul3A_10] : memref<327680xi32, #tpu.memory_space<hbm>> -> memref<10240xi32, #tpu.memory_space<hbm>>
    tpu.enqueue_dma source(%dma_start3A_12 : memref<10240xi32, #tpu.memory_space<hbm>>) target(%arg10 : memref<10240xi32, #tpu.memory_space<vmem>>) target_semaphore(%arg19 : memref<!tpu.dma_semaphore, #tpu.memory_space<semaphore_mem>>)
    %dma_wait3A = arith.constant 0 : i32
    %dma_wait3A_13 = tpu.memref_slice %arg4[%dma_wait3A] : memref<16384xi32, #tpu.memory_space<hbm>> -> memref<512xi32, #tpu.memory_space<hbm>>
    %dma_wait3A_14 = arith.constant 0 : i32
    %dma_wait3A_15 = tpu.memref_slice %arg4[%dma_wait3A_14] : memref<16384xi32, #tpu.memory_space<hbm>> -> memref<512xi32, #tpu.memory_space<hbm>>
    tpu.wait_dma2 semaphore(%arg19 : memref<!tpu.dma_semaphore, #tpu.memory_space<semaphore_mem>>) src(%dma_wait3A_15 : memref<512xi32, #tpu.memory_space<hbm>>) dst(%arg8 : memref<512xi32, #tpu.memory_space<vmem>>)
    %dma_wait3A_16 = arith.constant 0 : i32
    %dma_wait3A_17 = tpu.memref_slice %arg5[%dma_wait3A_16] : memref<16384xi32, #tpu.memory_space<hbm>> -> memref<512xi32, #tpu.memory_space<hbm>>
    %dma_wait3A_18 = arith.constant 0 : i32
    %dma_wait3A_19 = tpu.memref_slice %arg5[%dma_wait3A_18] : memref<16384xi32, #tpu.memory_space<hbm>> -> memref<512xi32, #tpu.memory_space<hbm>>
    tpu.wait_dma2 semaphore(%arg19 : memref<!tpu.dma_semaphore, #tpu.memory_space<semaphore_mem>>) src(%dma_wait3A_19 : memref<512xi32, #tpu.memory_space<hbm>>) dst(%arg9 : memref<512xi32, #tpu.memory_space<vmem>>)
    %dma_wait3A_20 = arith.constant 0 : i32
    %dma_wait3A_21 = tpu.memref_slice %arg6[%dma_wait3A_20] : memref<327680xi32, #tpu.memory_space<hbm>> -> memref<10240xi32, #tpu.memory_space<hbm>>
    %dma_wait3A_22 = arith.constant 0 : i32
    %dma_wait3A_23 = tpu.memref_slice %arg6[%dma_wait3A_22] : memref<327680xi32, #tpu.memory_space<hbm>> -> memref<10240xi32, #tpu.memory_space<hbm>>
    tpu.wait_dma2 semaphore(%arg19 : memref<!tpu.dma_semaphore, #tpu.memory_space<semaphore_mem>>) src(%dma_wait3A_23 : memref<10240xi32, #tpu.memory_space<hbm>>) dst(%arg10 : memref<10240xi32, #tpu.memory_space<vmem>>)
    %get3A = arith.constant 0 : index
    %get3A_24 = tpu.vector_load %arg8[%get3A] {strides = array<i32>} : memref<512xi32, #tpu.memory_space<vmem>>, vector<16xi32>,
    %get3A_25 = arith.constant 0 : index
    %get3A_26 = tpu.vector_load %arg9[%get3A_25] {strides = array<i32>} : memref<512xi32, #tpu.memory_space<vmem>>, vector<16xi32>,
    %slice3A = vector.extract_strided_slice %get3A_24 {offsets = [0], sizes = [1], strides = [1]} : vector<16xi32> to vector<1xi32>
    %squeeze3A = vector.extract %slice3A[0] : i32 from vector<1xi32>
    %dma_start3A_27 = arith.constant 0 : i32
    %dma_start3A_28 = arith.constant 0 : i32
    %dma_start3A_29 = tpu.memref_slice %arg11[%dma_start3A_27, %dma_start3A_28] : memref<16x32xf32, #tpu.memory_space<vmem>> -> memref<1x32xf32, #tpu.memory_space<vmem>>
    %dma_start3A_30 = arith.constant 0 : i32
    %dma_start3A_31 = tpu.memref_slice %arg2[%squeeze3A, %dma_start3A_30] : memref<1000000x32xf32, #tpu.memory_space<hbm>> -> memref<1x32xf32, #tpu.memory_space<hbm>>
    %dma_start3A_32 = arith.constant 0 : i32
    %dma_start3A_33 = arith.constant 0 : i32
    %dma_start3A_34 = tpu.memref_slice %arg11[%dma_start3A_32, %dma_start3A_33] : memref<16x32xf32, #tpu.memory_space<vmem>> -> memref<1x32xf32, #tpu.memory_space<vmem>>
    %dma_start3A_35 = arith.constant 0 : i32
    %dma_start3A_36 = tpu.memref_slice %arg2[%squeeze3A, %dma_start3A_35] : memref<1000000x32xf32, #tpu.memory_space<hbm>> -> memref<1x32xf32, #tpu.memory_space<hbm>>
    tpu.enqueue_dma source(%dma_start3A_36 : memref<1x32xf32, #tpu.memory_space<hbm>>) target(%dma_start3A_34 : memref<1x32xf32, #tpu.memory_space<vmem>>) target_semaphore(%arg20 : memref<!tpu.dma_semaphore, #tpu.memory_space<semaphore_mem>>)
    %slice3A_37 = vector.extract_strided_slice %get3A_26 {offsets = [0], sizes = [1], strides = [1]} : vector<16xi32> to vector<1xi32>
    %squeeze3A_38 = vector.extract %slice3A_37[0] : i32 from vector<1xi32>
    %dma_start3A_39 = arith.constant 0 : i32
    %dma_start3A_40 = arith.constant 0 : i32
    %dma_start3A_41 = tpu.memref_slice %arg13[%dma_start3A_39, %dma_start3A_40] : memref<16x32xf32, #tpu.memory_space<vmem>> -> memref<1x32xf32, #tpu.memory_space<vmem>>
    %dma_start3A_42 = arith.constant 0 : i32
    %dma_start3A_43 = tpu.memref_slice %arg3[%squeeze3A_38, %dma_start3A_42] : memref<1000000x32xf32, #tpu.memory_space<hbm>> -> memref<1x32xf32, #tpu.memory_space<hbm>>
    %dma_start3A_44 = arith.constant 0 : i32
    %dma_start3A_45 = arith.constant 0 : i32
    %dma_start3A_46 = tpu.memref_slice %arg13[%dma_start3A_44, %dma_start3A_45] : memref<16x32xf32, #tpu.memory_space<vmem>> -> memref<1x32xf32, #tpu.memory_space<vmem>>
    %dma_start3A_47 = arith.constant 0 : i32
    %dma_start3A_48 = tpu.memref_slice %arg3[%squeeze3A_38, %dma_start3A_47] : memref<1000000x32xf32, #tpu.memory_space<hbm>> -> memref<1x32xf32, #tpu.memory_space<hbm>>
    tpu.enqueue_dma source(%dma_start3A_48 : memref<1x32xf32, #tpu.memory_space<hbm>>) target(%dma_start3A_46 : memref<1x32xf32, #tpu.memory_space<vmem>>) target_semaphore(%arg20 : memref<!tpu.dma_semaphore, #tpu.memory_space<semaphore_mem>>)
    %slice3A_49 = vector.extract_strided_slice %get3A_24 {offsets = [1], sizes = [1], strides = [1]} : vector<16xi32> to vector<1xi32>
    %squeeze3A_50 = vector.extract %slice3A_49[0] : i32 from vector<1xi32>
    %dma_start3A_51 = arith.constant 1 : i32
    %dma_start3A_52 = arith.constant 0 : i32
    %dma_start3A_53 = tpu.memref_slice %arg11[%dma_start3A_51, %dma_start3A_52] : memref<16x32xf32, #tpu.memory_space<vmem>> -> memref<1x32xf32, #tpu.memory_space<vmem>>
    %dma_start3A_54 = arith.constant 0 : i32
    %dma_start3A_55 = tpu.memref_slice %arg2[%squeeze3A_50, %dma_start3A_54] : memref<1000000x32xf32, #tpu.memory_space<hbm>> -> memref<1x32xf32, #tpu.memory_space<hbm>>
    %dma_start3A_56 = arith.constant 1 : i32
    %dma_start3A_57 = arith.constant 0 : i32
    %dma_start3A_58 = tpu.memref_slice %arg11[%dma_start3A_56, %dma_start3A_57] : memref<16x32xf32, #tpu.memory_space<vmem>> -> memref<1x32xf32, #tpu.memory_space<vmem>>
    %dma_start3A_59 = arith.constant 0 : i32
    %dma_start3A_60 = tpu.memref_slice %arg2[%squeeze3A_50, %dma_start3A_59] : memref<1000000x32xf32, #tpu.memory_space<hbm>> -> memref<1x32xf32, #tpu.memory_space<hbm>>
    tpu.enqueue_dma source(%dma_start3A_60 : memref<1x32xf32, #tpu.memory_space<hbm>>) target(%dma_start3A_58 : memref<1x32xf32, #tpu.memory_space<vmem>>) target_semaphore(%arg20 : memref<!tpu.dma_semaphore, #tpu.memory_space<semaphore_mem>>)
    %slice3A_61 = vector.extract_strided_slice %get3A_26 {offsets = [1], sizes = [1], strides = [1]} : vector<16xi32> to vector<1xi32>
    %squeeze3A_62 = vector.extract %slice3A_61[0] : i32 from vector<1xi32>
    %dma_start3A_63 = arith.constant 1 : i32
    %dma_start3A_64 = arith.constant 0 : i32
    %dma_start3A_65 = tpu.memref_slice %arg13[%dma_start3A_63, %dma_start3A_64] : memref<16x32xf32, #tpu.memory_space<vmem>> -> memref<1x32xf32, #tpu.memory_space<vmem>>
    %dma_start3A_66 = arith.constant 0 : i32
    %dma_start3A_67 = tpu.memref_slice %arg3[%squeeze3A_62, %dma_start3A_66] : memref<1000000x32xf32, #tpu.memory_space<hbm>> -> memref<1x32xf32, #tpu.memory_space<hbm>>
    %dma_start3A_68 = arith.constant 1 : i32
    %dma_start3A_69 = arith.constant 0 : i32
    %dma_start3A_70 = tpu.memref_slice %arg13[%dma_start3A_68, %dma_start3A_69] : memref<16x32xf32, #tpu.memory_space<vmem>> -> memref<1x32xf32, #tpu.memory_space<vmem>>
    %dma_start3A_71 = arith.constant 0 : i32
    %dma_start3A_72 = tpu.memref_slice %arg3[%squeeze3A_62, %dma_start3A_71] : memref<1000000x32xf32, #tpu.memory_space<hbm>> -> memref<1x32xf32, #tpu.memory_space<hbm>>
    tpu.enqueue_dma source(%dma_start3A_72 : memref<1x32xf32, #tpu.memory_space<hbm>>) target(%dma_start3A_70 : memref<1x32xf32, #tpu.memory_space<vmem>>) target_semaphore(%arg20 : memref<!tpu.dma_semaphore, #tpu.memory_space<semaphore_mem>>)
    %slice3A_73 = vector.extract_strided_slice %get3A_24 {offsets = [2], sizes = [1], strides = [1]} : vector<16xi32> to vector<1xi32>
    %squeeze3A_74 = vector.extract %slice3A_73[0] : i32 from vector<1xi32>
    %dma_start3A_75 = arith.constant 2 : i32
    %dma_start3A_76 = arith.constant 0 : i32
    %dma_start3A_77 = tpu.memref_slice %arg11[%dma_start3A_75, %dma_start3A_76] : memref<16x32xf32, #tpu.memory_space<vmem>> -> memref<1x32xf32, #tpu.memory_space<vmem>>
    %dma_start3A_78 = arith.constant 0 : i32
    %dma_start3A_79 = tpu.memref_slice %arg2[%squeeze3A_74, %dma_start3A_78] : memref<1000000x32xf32, #tpu.memory_space<hbm>> -> memref<1x32xf32, #tpu.memory_space<hbm>>
    %dma_start3A_80 = arith.constant 2 : i32
    %dma_start3A_81 = arith.constant 0 : i32
    %dma_start3A_82 = tpu.memref_slice %arg11[%dma_start3A_80, %dma_start3A_81] : memref<16x32xf32, #tpu.memory_space<vmem>> -> memref<1x32xf32, #tpu.memory_space<vmem>>
    %dma_start3A_83 = arith.constant 0 : i32
    %dma_start3A_84 = tpu.memref_slice %arg2[%squeeze3A_74, %dma_start3A_83] : memref<1000000x32xf32, #tpu.memory_space<hbm>> -> memref<1x32xf32, #tpu.memory_space<hbm>>
    tpu.enqueue_dma source(%dma_start3A_84 : memref<1x32xf32, #tpu.memory_space<hbm>>) target(%dma_start3A_82 : memref<1x32xf32, #tpu.memory_space<vmem>>) target_semaphore(%arg20 : memref<!tpu.dma_semaphore, #tpu.memory_space<semaphore_mem>>)
    %slice3A_85 = vector.extract_strided_slice %get3A_26 {offsets = [2], sizes = [1], strides = [1]} : vector<16xi32> to vector<1xi32>
    %squeeze3A_86 = vector.extract %slice3A_85[0] : i32 from vector<1xi32>
    %dma_start3A_87 = arith.constant 2 : i32
    %dma_start3A_88 = arith.constant 0 : i32
    %dma_start3A_89 = tpu.memref_slice %arg13[%dma_start3A_87, %dma_start3A_88] : memref<16x32xf32, #tpu.memory_space<vmem>> -> memref<1x32xf32, #tpu.memory_space<vmem>>
    %dma_start3A_90 = arith.constant 0 : i32
    %dma_start3A_91 = tpu.memref_slice %arg3[%squeeze3A_86, %dma_start3A_90] : memref<1000000x32xf32, #tpu.memory_space<hbm>> -> memref<1x32xf32, #tpu.memory_space<hbm>>
    %dma_start3A_92 = arith.constant 2 : i32
    %dma_start3A_93 = arith.constant 0 : i32
    %dma_start3A_94 = tpu.memref_slice %arg13[%dma_start3A_92, %dma_start3A_93] : memref<16x32xf32, #tpu.memory_space<vmem>> -> memref<1x32xf32, #tpu.memory_space<vmem>>
    %dma_start3A_95 = arith.constant 0 : i32
    %dma_start3A_96 = tpu.memref_slice %arg3[%squeeze3A_86, %dma_start3A_95] : memref<1000000x32xf32, #tpu.memory_space<hbm>> -> memref<1x32xf32, #tpu.memory_space<hbm>>
    tpu.enqueue_dma source(%dma_start3A_96 : memref<1x32xf32, #tpu.memory_space<hbm>>) target(%dma_start3A_94 : memref<1x32xf32, #tpu.memory_space<vmem>>) target_semaphore(%arg20 : memref<!tpu.dma_semaphore, #tpu.memory_space<semaphore_mem>>)
    %slice3A_97 = vector.extract_strided_slice %get3A_24 {offsets = [3], sizes = [1], strides = [1]} : vector<16xi32> to vector<1xi32>
    %squeeze3A_98 = vector.extract %slice3A_97[0] : i32 from vector<1xi32>
    %dma_start3A_99 = arith.constant 3 : i32
    %dma_start3A_100 = arith.constant 0 : i32
    %dma_start3A_101 = tpu.memref_slice %arg11[%dma_start3A_99, %dma_start3A_100] : memref<16x32xf32, #tpu.memory_space<vmem>> -> memref<1x32xf32, #tpu.memory_space<vmem>>
    %dma_start3A_102 = arith.constant 0 : i32
    %dma_start3A_103 = tpu.memref_slice %arg2[%squeeze3A_98, %dma_start3A_102] : memref<1000000x32xf32, #tpu.memory_space<hbm>> -> memref<1x32xf32, #tpu.memory_space<hbm>>
    %dma_start3A_104 = arith.constant 3 : i32
    %dma_start3A_105 = arith.constant 0 : i32
    %dma_start3A_106 = tpu.memref_slice %arg11[%dma_start3A_104, %dma_start3A_105] : memref<16x32xf32, #tpu.memory_space<vmem>> -> memref<1x32xf32, #tpu.memory_space<vmem>>
    %dma_start3A_107 = arith.constant 0 : i32
    %dma_start3A_108 = tpu.memref_slice %arg2[%squeeze3A_98, %dma_start3A_107] : memref<1000000x32xf32, #tpu.memory_space<hbm>> -> memref<1x32xf32, #tpu.memory_space<hbm>>
    tpu.enqueue_dma source(%dma_start3A_108 : memref<1x32xf32, #tpu.memory_space<hbm>>) target(%dma_start3A_106 : memref<1x32xf32, #tpu.memory_space<vmem>>) target_semaphore(%arg20 : memref<!tpu.dma_semaphore, #tpu.memory_space<semaphore_mem>>)
    %slice3A_109 = vector.extract_strided_slice %get3A_26 {offsets = [3], sizes = [1], strides = [1]} : vector<16xi32> to vector<1xi32>
    %squeeze3A_110 = vector.extract %slice3A_109[0] : i32 from vector<1xi32>
    %dma_start3A_111 = arith.constant 3 : i32
    %dma_start3A_112 = arith.constant 0 : i32
    %dma_start3A_113 = tpu.memref_slice %arg13[%dma_start3A_111, %dma_start3A_112] : memref<16x32xf32, #tpu.memory_space<vmem>> -> memref<1x32xf32, #tpu.memory_space<vmem>>
    %dma_start3A_114 = arith.constant 0 : i32
    %dma_start3A_115 = tpu.memref_slice %arg3[%squeeze3A_110, %dma_start3A_114] : memref<1000000x32xf32, #tpu.memory_space<hbm>> -> memref<1x32xf32, #tpu.memory_space<hbm>>
    %dma_start3A_116 = arith.constant 3 : i32
    %dma_start3A_117 = arith.constant 0 : i32
    %dma_start3A_118 = tpu.memref_slice %arg13[%dma_start3A_116, %dma_start3A_117] : memref<16x32xf32, #tpu.memory_space<vmem>> -> memref<1x32xf32, #tpu.memory_space<vmem>>
    %dma_start3A_119 = arith.constant 0 : i32
    %dma_start3A_120 = tpu.memref_slice %arg3[%squeeze3A_110, %dma_start3A_119] : memref<1000000x32xf32, #tpu.memory_space<hbm>> -> memref<1x32xf32, #tpu.memory_space<hbm>>
    tpu.enqueue_dma source(%dma_start3A_120 : memref<1x32xf32, #tpu.memory_space<hbm>>) target(%dma_start3A_118 : memref<1x32xf32, #tpu.memory_space<vmem>>) target_semaphore(%arg20 : memref<!tpu.dma_semaphore, #tpu.memory_space<semaphore_mem>>)
    %slice3A_121 = vector.extract_strided_slice %get3A_24 {offsets = [4], sizes = [1], strides = [1]} : vector<16xi32> to vector<1xi32>
    %squeeze3A_122 = vector.extract %slice3A_121[0] : i32 from vector<1xi32>
    %dma_start3A_123 = arith.constant 4 : i32
    %dma_start3A_124 = arith.constant 0 : i32
    %dma_start3A_125 = tpu.memref_slice %arg11[%dma_start3A_123, %dma_start3A_124] : memref<16x32xf32, #tpu.memory_space<vmem>> -> memref<1x32xf32, #tpu.memory_space<vmem>>
    %dma_start3A_126 = arith.constant 0 : i32
    %dma_start3A_127 = tpu.memref_slice %arg2[%squeeze3A_122, %dma_start3A_126] : memref<1000000x32xf32, #tpu.memory_space<hbm>> -> memref<1x32xf32, #tpu.memory_space<hbm>>
    %dma_start3A_128 = arith.constant 4 : i32
    %dma_start3A_129 = arith.constant 0 : i32
    %dma_start3A_130 = tpu.memref_slice %arg11[%dma_start3A_128, %dma_start3A_129] : memref<16x32xf32, #tpu.memory_space<vmem>> -> memref<1x32xf32, #tpu.memory_space<vmem>>
    %dma_start3A_131 = arith.constant 0 : i32
    %dma_start3A_132 = tpu.memref_slice %arg2[%squeeze3A_122, %dma_start3A_131] : memref<1000000x32xf32, #tpu.memory_space<hbm>> -> memref<1x32xf32, #tpu.memory_space<hbm>>
    tpu.enqueue_dma source(%dma_start3A_132 : memref<1x32xf32, #tpu.memory_space<hbm>>) target(%dma_start3A_130 : memref<1x32xf32, #tpu.memory_space<vmem>>) target_semaphore(%arg20 : memref<!tpu.dma_semaphore, #tpu.memory_space<semaphore_mem>>)
    %slice3A_133 = vector.extract_strided_slice %get3A_26 {offsets = [4], sizes = [1], strides = [1]} : vector<16xi32> to vector<1xi32>
    %squeeze3A_134 = vector.extract %slice3A_133[0] : i32 from vector<1xi32>
    %dma_start3A_135 = arith.constant 4 : i32
    %dma_start3A_136 = arith.constant 0 : i32
    %dma_start3A_137 = tpu.memref_slice %arg13[%dma_start3A_135, %dma_start3A_136] : memref<16x32xf32, #tpu.memory_space<vmem>> -> memref<1x32xf32, #tpu.memory_space<vmem>>
    %dma_start3A_138 = arith.constant 0 : i32
    %dma_start3A_139 = tpu.memref_slice %arg3[%squeeze3A_134, %dma_start3A_138] : memref<1000000x32xf32, #tpu.memory_space<hbm>> -> memref<1x32xf32, #tpu.memory_space<hbm>>
    %dma_start3A_140 = arith.constant 4 : i32
    %dma_start3A_141 = arith.constant 0 : i32
    %dma_start3A_142 = tpu.memref_slice %arg13[%dma_start3A_140, %dma_start3A_141] : memref<16x32xf32, #tpu.memory_space<vmem>> -> memref<1x32xf32, #tpu.memory_space<vmem>>
    %dma_start3A_143 = arith.constant 0 : i32
    %dma_start3A_144 = tpu.memref_slice %arg3[%squeeze3A_134, %dma_start3A_143] : memref<1000000x32xf32, #tpu.memory_space<hbm>> -> memref<1x32xf32, #tpu.memory_space<hbm>>
    tpu.enqueue_dma source(%dma_start3A_144 : memref<1x32xf32, #tpu.memory_space<hbm>>) target(%dma_start3A_142 : memref<1x32xf32, #tpu.memory_space<vmem>>) target_semaphore(%arg20 : memref<!tpu.dma_semaphore, #tpu.memory_space<semaphore_mem>>)
    %slice3A_145 = vector.extract_strided_slice %get3A_24 {offsets = [5], sizes = [1], strides = [1]} : vector<16xi32> to vector<1xi32>
    %squeeze3A_146 = vector.extract %slice3A_145[0] : i32 from vector<1xi32>
    %dma_start3A_147 = arith.constant 5 : i32
    %dma_start3A_148 = arith.constant 0 : i32
    %dma_start3A_149 = tpu.memref_slice %arg11[%dma_start3A_147, %dma_start3A_148] : memref<16x32xf32, #tpu.memory_space<vmem>> -> memref<1x32xf32, #tpu.memory_space<vmem>>
    %dma_start3A_150 = arith.constant 0 : i32
    %dma_start3A_151 = tpu.memref_slice %arg2[%squeeze3A_146, %dma_start3A_150] : memref<1000000x32xf32, #tpu.memory_space<hbm>> -> memref<1x32xf32, #tpu.memory_space<hbm>>
    %dma_start3A_152 = arith.constant 5 : i32
    %dma_start3A_153 = arith.constant 0 : i32
    %dma_start3A_154 = tpu.memref_slice %arg11[%dma_start3A_152, %dma_start3A_153] : memref<16x32xf32, #tpu.memory_space<vmem>> -> memref<1x32xf32, #tpu.memory_space<vmem>>
    %dma_start3A_155 = arith.constant 0 : i32
    %dma_start3A_156 = tpu.memref_slice %arg2[%squeeze3A_146, %dma_start3A_155] : memref<1000000x32xf32, #tpu.memory_space<hbm>> -> memref<1x32xf32, #tpu.memory_space<hbm>>
    tpu.enqueue_dma source(%dma_start3A_156 : memref<1x32xf32, #tpu.memory_space<hbm>>) target(%dma_start3A_154 : memref<1x32xf32, #tpu.memory_space<vmem>>) target_semaphore(%arg20 : memref<!tpu.dma_semaphore, #tpu.memory_space<semaphore_mem>>)
    %slice3A_157 = vector.extract_strided_slice %get3A_26 {offsets = [5], sizes = [1], strides = [1]} : vector<16xi32> to vector<1xi32>
    %squeeze3A_158 = vector.extract %slice3A_157[0] : i32 from vector<1xi32>
    %dma_start3A_159 = arith.constant 5 : i32
    %dma_start3A_160 = arith.constant 0 : i32
    %dma_start3A_161 = tpu.memref_slice %arg13[%dma_start3A_159, %dma_start3A_160] : memref<16x32xf32, #tpu.memory_space<vmem>> -> memref<1x32xf32, #tpu.memory_space<vmem>>
    %dma_start3A_162 = arith.constant 0 : i32
    %dma_start3A_163 = tpu.memref_slice %arg3[%squeeze3A_158, %dma_start3A_162] : memref<1000000x32xf32, #tpu.memory_space<hbm>> -> memref<1x32xf32, #tpu.memory_space<hbm>>
    %dma_start3A_164 = arith.constant 5 : i32
    %dma_start3A_165 = arith.constant 0 : i32
    %dma_start3A_166 = tpu.memref_slice %arg13[%dma_start3A_164, %dma_start3A_165] : memref<16x32xf32, #tpu.memory_space<vmem>> -> memref<1x32xf32, #tpu.memory_space<vmem>>
    %dma_start3A_167 = arith.constant 0 : i32
    %dma_start3A_168 = tpu.memref_slice %arg3[%squeeze3A_158, %dma_start3A_167] : memref<1000000x32xf32, #tpu.memory_space<hbm>> -> memref<1x32xf32, #tpu.memory_space<hbm>>
    tpu.enqueue_dma source(%dma_start3A_168 : memref<1x32xf32, #tpu.memory_space<hbm>>) target(%dma_start3A_166 : memref<1x32xf32, #tpu.memory_space<vmem>>) target_semaphore(%arg20 : memref<!tpu.dma_semaphore, #tpu.memory_space<semaphore_mem>>)
    %slice3A_169 = vector.extract_strided_slice %get3A_24 {offsets = [6], sizes = [1], strides = [1]} : vector<16xi32> to vector<1xi32>
    %squeeze3A_170 = vector.extract %slice3A_169[0] : i32 from vector<1xi32>
    %dma_start3A_171 = arith.constant 6 : i32
    %dma_start3A_172 = arith.constant 0 : i32
    %dma_start3A_173 = tpu.memref_slice %arg11[%dma_start3A_171, %dma_start3A_172] : memref<16x32xf32, #tpu.memory_space<vmem>> -> memref<1x32xf32, #tpu.memory_space<vmem>>
    %dma_start3A_174 = arith.constant 0 : i32
    %dma_start3A_175 = tpu.memref_slice %arg2[%squeeze3A_170, %dma_start3A_174] : memref<1000000x32xf32, #tpu.memory_space<hbm>> -> memref<1x32xf32, #tpu.memory_space<hbm>>
    %dma_start3A_176 = arith.constant 6 : i32
    %dma_start3A_177 = arith.constant 0 : i32
    %dma_start3A_178 = tpu.memref_slice %arg11[%dma_start3A_176, %dma_start3A_177] : memref<16x32xf32, #tpu.memory_space<vmem>> -> memref<1x32xf32, #tpu.memory_space<vmem>>
    %dma_start3A_179 = arith.constant 0 : i32
    %dma_start3A_180 = tpu.memref_slice %arg2[%squeeze3A_170, %dma_start3A_179] : memref<1000000x32xf32, #tpu.memory_space<hbm>> -> memref<1x32xf32, #tpu.memory_space<hbm>>
    tpu.enqueue_dma source(%dma_start3A_180 : memref<1x32xf32, #tpu.memory_space<hbm>>) target(%dma_start3A_178 : memref<1x32xf32, #tpu.memory_space<vmem>>) target_semaphore(%arg20 : memref<!tpu.dma_semaphore, #tpu.memory_space<semaphore_mem>>)
    %slice3A_181 = vector.extract_strided_slice %get3A_26 {offsets = [6], sizes = [1], strides = [1]} : vector<16xi32> to vector<1xi32>
    %squeeze3A_182 = vector.extract %slice3A_181[0] : i32 from vector<1xi32>
    %dma_start3A_183 = arith.constant 6 : i32
    %dma_start3A_184 = arith.constant 0 : i32
    %dma_start3A_185 = tpu.memref_slice %arg13[%dma_start3A_183, %dma_start3A_184] : memref<16x32xf32, #tpu.memory_space<vmem>> -> memref<1x32xf32, #tpu.memory_space<vmem>>
    %dma_start3A_186 = arith.constant 0 : i32
    %dma_start3A_187 = tpu.memref_slice %arg3[%squeeze3A_182, %dma_start3A_186] : memref<1000000x32xf32, #tpu.memory_space<hbm>> -> memref<1x32xf32, #tpu.memory_space<hbm>>
    %dma_start3A_188 = arith.constant 6 : i32
    %dma_start3A_189 = arith.constant 0 : i32
    %dma_start3A_190 = tpu.memref_slice %arg13[%dma_start3A_188, %dma_start3A_189] : memref<16x32xf32, #tpu.memory_space<vmem>> -> memref<1x32xf32, #tpu.memory_space<vmem>>
    %dma_start3A_191 = arith.constant 0 : i32
    %dma_start3A_192 = tpu.memref_slice %arg3[%squeeze3A_182, %dma_start3A_191] : memref<1000000x32xf32, #tpu.memory_space<hbm>> -> memref<1x32xf32, #tpu.memory_space<hbm>>
    tpu.enqueue_dma source(%dma_start3A_192 : memref<1x32xf32, #tpu.memory_space<hbm>>) target(%dma_start3A_190 : memref<1x32xf32, #tpu.memory_space<vmem>>) target_semaphore(%arg20 : memref<!tpu.dma_semaphore, #tpu.memory_space<semaphore_mem>>)
    %slice3A_193 = vector.extract_strided_slice %get3A_24 {offsets = [7], sizes = [1], strides = [1]} : vector<16xi32> to vector<1xi32>
    %squeeze3A_194 = vector.extract %slice3A_193[0] : i32 from vector<1xi32>
    %dma_start3A_195 = arith.constant 7 : i32
    %dma_start3A_196 = arith.constant 0 : i32
    %dma_start3A_197 = tpu.memref_slice %arg11[%dma_start3A_195, %dma_start3A_196] : memref<16x32xf32, #tpu.memory_space<vmem>> -> memref<1x32xf32, #tpu.memory_space<vmem>>
    %dma_start3A_198 = arith.constant 0 : i32
    %dma_start3A_199 = tpu.memref_slice %arg2[%squeeze3A_194, %dma_start3A_198] : memref<1000000x32xf32, #tpu.memory_space<hbm>> -> memref<1x32xf32, #tpu.memory_space<hbm>>
    %dma_start3A_200 = arith.constant 7 : i32
    %dma_start3A_201 = arith.constant 0 : i32
    %dma_start3A_202 = tpu.memref_slice %arg11[%dma_start3A_200, %dma_start3A_201] : memref<16x32xf32, #tpu.memory_space<vmem>> -> memref<1x32xf32, #tpu.memory_space<vmem>>
    %dma_start3A_203 = arith.constant 0 : i32
    %dma_start3A_204 = tpu.memref_slice %arg2[%squeeze3A_194, %dma_start3A_203] : memref<1000000x32xf32, #tpu.memory_space<hbm>> -> memref<1x32xf32, #tpu.memory_space<hbm>>
    tpu.enqueue_dma source(%dma_start3A_204 : memref<1x32xf32, #tpu.memory_space<hbm>>) target(%dma_start3A_202 : memref<1x32xf32, #tpu.memory_space<vmem>>) target_semaphore(%arg20 : memref<!tpu.dma_semaphore, #tpu.memory_space<semaphore_mem>>)
    %slice3A_205 = vector.extract_strided_slice %get3A_26 {offsets = [7], sizes = [1], strides = [1]} : vector<16xi32> to vector<1xi32>
    %squeeze3A_206 = vector.extract %slice3A_205[0] : i32 from vector<1xi32>
    %dma_start3A_207 = arith.constant 7 : i32
    %dma_start3A_208 = arith.constant 0 : i32
    %dma_start3A_209 = tpu.memref_slice %arg13[%dma_start3A_207, %dma_start3A_208] : memref<16x32xf32, #tpu.memory_space<vmem>> -> memref<1x32xf32, #tpu.memory_space<vmem>>
    %dma_start3A_210 = arith.constant 0 : i32
    %dma_start3A_211 = tpu.memref_slice %arg3[%squeeze3A_206, %dma_start3A_210] : memref<1000000x32xf32, #tpu.memory_space<hbm>> -> memref<1x32xf32, #tpu.memory_space<hbm>>
    %dma_start3A_212 = arith.constant 7 : i32
    %dma_start3A_213 = arith.constant 0 : i32
    %dma_start3A_214 = tpu.memref_slice %arg13[%dma_start3A_212, %dma_start3A_213] : memref<16x32xf32, #tpu.memory_space<vmem>> -> memref<1x32xf32, #tpu.memory_space<vmem>>
    %dma_start3A_215 = arith.constant 0 : i32
    %dma_start3A_216 = tpu.memref_slice %arg3[%squeeze3A_206, %dma_start3A_215] : memref<1000000x32xf32, #tpu.memory_space<hbm>> -> memref<1x32xf32, #tpu.memory_space<hbm>>
    tpu.enqueue_dma source(%dma_start3A_216 : memref<1x32xf32, #tpu.memory_space<hbm>>) target(%dma_start3A_214 : memref<1x32xf32, #tpu.memory_space<vmem>>) target_semaphore(%arg20 : memref<!tpu.dma_semaphore, #tpu.memory_space<semaphore_mem>>)
    %slice3A_217 = vector.extract_strided_slice %get3A_24 {offsets = [8], sizes = [1], strides = [1]} : vector<16xi32> to vector<1xi32>
    %squeeze3A_218 = vector.extract %slice3A_217[0] : i32 from vector<1xi32>
    %dma_start3A_219 = arith.constant 8 : i32
    %dma_start3A_220 = arith.constant 0 : i32
    %dma_start3A_221 = tpu.memref_slice %arg11[%dma_start3A_219, %dma_start3A_220] : memref<16x32xf32, #tpu.memory_space<vmem>> -> memref<1x32xf32, #tpu.memory_space<vmem>>
    %dma_start3A_222 = arith.constant 0 : i32
    %dma_start3A_223 = tpu.memref_slice %arg2[%squeeze3A_218, %dma_start3A_222] : memref<1000000x32xf32, #tpu.memory_space<hbm>> -> memref<1x32xf32, #tpu.memory_space<hbm>>
    %dma_start3A_224 = arith.constant 8 : i32
    %dma_start3A_225 = arith.constant 0 : i32
    %dma_start3A_226 = tpu.memref_slice %arg11[%dma_start3A_224, %dma_start3A_225] : memref<16x32xf32, #tpu.memory_space<vmem>> -> memref<1x32xf32, #tpu.memory_space<vmem>>
    %dma_start3A_227 = arith.constant 0 : i32
    %dma_start3A_228 = tpu.memref_slice %arg2[%squeeze3A_218, %dma_start3A_227] : memref<1000000x32xf32, #tpu.memory_space<hbm>> -> memref<1x32xf32, #tpu.memory_space<hbm>>
    tpu.enqueue_dma source(%dma_start3A_228 : memref<1x32xf32, #tpu.memory_space<hbm>>) target(%dma_start3A_226 : memref<1x32xf32, #tpu.memory_space<vmem>>) target_semaphore(%arg20 : memref<!tpu.dma_semaphore, #tpu.memory_space<semaphore_mem>>)
    %slice3A_229 = vector.extract_strided_slice %get3A_26 {offsets = [8], sizes = [1], strides = [1]} : vector<16xi32> to vector<1xi32>
    %squeeze3A_230 = vector.extract %slice3A_229[0] : i32 from vector<1xi32>
    %dma_start3A_231 = arith.constant 8 : i32
    %dma_start3A_232 = arith.constant 0 : i32
    %dma_start3A_233 = tpu.memref_slice %arg13[%dma_start3A_231, %dma_start3A_232] : memref<16x32xf32, #tpu.memory_space<vmem>> -> memref<1x32xf32, #tpu.memory_space<vmem>>
    %dma_start3A_234 = arith.constant 0 : i32
    %dma_start3A_235 = tpu.memref_slice %arg3[%squeeze3A_230, %dma_start3A_234] : memref<1000000x32xf32, #tpu.memory_space<hbm>> -> memref<1x32xf32, #tpu.memory_space<hbm>>
    %dma_start3A_236 = arith.constant 8 : i32
    %dma_start3A_237 = arith.constant 0 : i32
    %dma_start3A_238 = tpu.memref_slice %arg13[%dma_start3A_236, %dma_start3A_237] : memref<16x32xf32, #tpu.memory_space<vmem>> -> memref<1x32xf32, #tpu.memory_space<vmem>>
    %dma_start3A_239 = arith.constant 0 : i32
    %dma_start3A_240 = tpu.memref_slice %arg3[%squeeze3A_230, %dma_start3A_239] : memref<1000000x32xf32, #tpu.memory_space<hbm>> -> memref<1x32xf32, #tpu.memory_space<hbm>>
    tpu.enqueue_dma source(%dma_start3A_240 : memref<1x32xf32, #tpu.memory_space<hbm>>) target(%dma_start3A_238 : memref<1x32xf32, #tpu.memory_space<vmem>>) target_semaphore(%arg20 : memref<!tpu.dma_semaphore, #tpu.memory_space<semaphore_mem>>)
    %slice3A_241 = vector.extract_strided_slice %get3A_24 {offsets = [9], sizes = [1], strides = [1]} : vector<16xi32> to vector<1xi32>
    %squeeze3A_242 = vector.extract %slice3A_241[0] : i32 from vector<1xi32>
    %dma_start3A_243 = arith.constant 9 : i32
    %dma_start3A_244 = arith.constant 0 : i32
    %dma_start3A_245 = tpu.memref_slice %arg11[%dma_start3A_243, %dma_start3A_244] : memref<16x32xf32, #tpu.memory_space<vmem>> -> memref<1x32xf32, #tpu.memory_space<vmem>>
    %dma_start3A_246 = arith.constant 0 : i32
    %dma_start3A_247 = tpu.memref_slice %arg2[%squeeze3A_242, %dma_start3A_246] : memref<1000000x32xf32, #tpu.memory_space<hbm>> -> memref<1x32xf32, #tpu.memory_space<hbm>>
    %dma_start3A_248 = arith.constant 9 : i32
    %dma_start3A_249 = arith.constant 0 : i32
    %dma_start3A_250 = tpu.memref_slice %arg11[%dma_start3A_248, %dma_start3A_249] : memref<16x32xf32, #tpu.memory_space<vmem>> -> memref<1x32xf32, #tpu.memory_space<vmem>>
    %dma_start3A_251 = arith.constant 0 : i32
    %dma_start3A_252 = tpu.memref_slice %arg2[%squeeze3A_242, %dma_start3A_251] : memref<1000000x32xf32, #tpu.memory_space<hbm>> -> memref<1x32xf32, #tpu.memory_space<hbm>>
    tpu.enqueue_dma source(%dma_start3A_252 : memref<1x32xf32, #tpu.memory_space<hbm>>) target(%dma_start3A_250 : memref<1x32xf32, #tpu.memory_space<vmem>>) target_semaphore(%arg20 : memref<!tpu.dma_semaphore, #tpu.memory_space<semaphore_mem>>)
    %slice3A_253 = vector.extract_strided_slice %get3A_26 {offsets = [9], sizes = [1], strides = [1]} : vector<16xi32> to vector<1xi32>
    %squeeze3A_254 = vector.extract %slice3A_253[0] : i32 from vector<1xi32>
    %dma_start3A_255 = arith.constant 9 : i32
    %dma_start3A_256 = arith.constant 0 : i32
    %dma_start3A_257 = tpu.memref_slice %arg13[%dma_start3A_255, %dma_start3A_256] : memref<16x32xf32, #tpu.memory_space<vmem>> -> memref<1x32xf32, #tpu.memory_space<vmem>>
    %dma_start3A_258 = arith.constant 0 : i32
    %dma_start3A_259 = tpu.memref_slice %arg3[%squeeze3A_254, %dma_start3A_258] : memref<1000000x32xf32, #tpu.memory_space<hbm>> -> memref<1x32xf32, #tpu.memory_space<hbm>>
    %dma_start3A_260 = arith.constant 9 : i32
    %dma_start3A_261 = arith.constant 0 : i32
    %dma_start3A_262 = tpu.memref_slice %arg13[%dma_start3A_260, %dma_start3A_261] : memref<16x32xf32, #tpu.memory_space<vmem>> -> memref<1x32xf32, #tpu.memory_space<vmem>>
    %dma_start3A_263 = arith.constant 0 : i32
    %dma_start3A_264 = tpu.memref_slice %arg3[%squeeze3A_254, %dma_start3A_263] : memref<1000000x32xf32, #tpu.memory_space<hbm>> -> memref<1x32xf32, #tpu.memory_space<hbm>>
    tpu.enqueue_dma source(%dma_start3A_264 : memref<1x32xf32, #tpu.memory_space<hbm>>) target(%dma_start3A_262 : memref<1x32xf32, #tpu.memory_space<vmem>>) target_semaphore(%arg20 : memref<!tpu.dma_semaphore, #tpu.memory_space<semaphore_mem>>)
    %slice3A_265 = vector.extract_strided_slice %get3A_24 {offsets = [10], sizes = [1], strides = [1]} : vector<16xi32> to vector<1xi32>
    %squeeze3A_266 = vector.extract %slice3A_265[0] : i32 from vector<1xi32>
    %dma_start3A_267 = arith.constant 10 : i32
    %dma_start3A_268 = arith.constant 0 : i32
    %dma_start3A_269 = tpu.memref_slice %arg11[%dma_start3A_267, %dma_start3A_268] : memref<16x32xf32, #tpu.memory_space<vmem>> -> memref<1x32xf32, #tpu.memory_space<vmem>>
    %dma_start3A_270 = arith.constant 0 : i32
    %dma_start3A_271 = tpu.memref_slice %arg2[%squeeze3A_266, %dma_start3A_270] : memref<1000000x32xf32, #tpu.memory_space<hbm>> -> memref<1x32xf32, #tpu.memory_space<hbm>>
    %dma_start3A_272 = arith.constant 10 : i32
    %dma_start3A_273 = arith.constant 0 : i32
    %dma_start3A_274 = tpu.memref_slice %arg11[%dma_start3A_272, %dma_start3A_273] : memref<16x32xf32, #tpu.memory_space<vmem>> -> memref<1x32xf32, #tpu.memory_space<vmem>>
    %dma_start3A_275 = arith.constant 0 : i32
    %dma_start3A_276 = tpu.memref_slice %arg2[%squeeze3A_266, %dma_start3A_275] : memref<1000000x32xf32, #tpu.memory_space<hbm>> -> memref<1x32xf32, #tpu.memory_space<hbm>>
    tpu.enqueue_dma source(%dma_start3A_276 : memref<1x32xf32, #tpu.memory_space<hbm>>) target(%dma_start3A_274 : memref<1x32xf32, #tpu.memory_space<vmem>>) target_semaphore(%arg20 : memref<!tpu.dma_semaphore, #tpu.memory_space<semaphore_mem>>)
    %slice3A_277 = vector.extract_strided_slice %get3A_26 {offsets = [10], sizes = [1], strides = [1]} : vector<16xi32> to vector<1xi32>
    %squeeze3A_278 = vector.extract %slice3A_277[0] : i32 from vector<1xi32>
    %dma_start3A_279 = arith.constant 10 : i32
    %dma_start3A_280 = arith.constant 0 : i32
    %dma_start3A_281 = tpu.memref_slice %arg13[%dma_start3A_279, %dma_start3A_280] : memref<16x32xf32, #tpu.memory_space<vmem>> -> memref<1x32xf32, #tpu.memory_space<vmem>>
    %dma_start3A_282 = arith.constant 0 : i32
    %dma_start3A_283 = tpu.memref_slice %arg3[%squeeze3A_278, %dma_start3A_282] : memref<1000000x32xf32, #tpu.memory_space<hbm>> -> memref<1x32xf32, #tpu.memory_space<hbm>>
    %dma_start3A_284 = arith.constant 10 : i32
    %dma_start3A_285 = arith.constant 0 : i32
    %dma_start3A_286 = tpu.memref_slice %arg13[%dma_start3A_284, %dma_start3A_285] : memref<16x32xf32, #tpu.memory_space<vmem>> -> memref<1x32xf32, #tpu.memory_space<vmem>>
    %dma_start3A_287 = arith.constant 0 : i32
    %dma_start3A_288 = tpu.memref_slice %arg3[%squeeze3A_278, %dma_start3A_287] : memref<1000000x32xf32, #tpu.memory_space<hbm>> -> memref<1x32xf32, #tpu.memory_space<hbm>>
    tpu.enqueue_dma source(%dma_start3A_288 : memref<1x32xf32, #tpu.memory_space<hbm>>) target(%dma_start3A_286 : memref<1x32xf32, #tpu.memory_space<vmem>>) target_semaphore(%arg20 : memref<!tpu.dma_semaphore, #tpu.memory_space<semaphore_mem>>)
    %slice3A_289 = vector.extract_strided_slice %get3A_24 {offsets = [11], sizes = [1], strides = [1]} : vector<16xi32> to vector<1xi32>
    %squeeze3A_290 = vector.extract %slice3A_289[0] : i32 from vector<1xi32>
    %dma_start3A_291 = arith.constant 11 : i32
    %dma_start3A_292 = arith.constant 0 : i32
    %dma_start3A_293 = tpu.memref_slice %arg11[%dma_start3A_291, %dma_start3A_292] : memref<16x32xf32, #tpu.memory_space<vmem>> -> memref<1x32xf32, #tpu.memory_space<vmem>>
    %dma_start3A_294 = arith.constant 0 : i32
    %dma_start3A_295 = tpu.memref_slice %arg2[%squeeze3A_290, %dma_start3A_294] : memref<1000000x32xf32, #tpu.memory_space<hbm>> -> memref<1x32xf32, #tpu.memory_space<hbm>>
    %dma_start3A_296 = arith.constant 11 : i32
    %dma_start3A_297 = arith.constant 0 : i32
    %dma_start3A_298 = tpu.memref_slice %arg11[%dma_start3A_296, %dma_start3A_297] : memref<16x32xf32, #tpu.memory_space<vmem>> -> memref<1x32xf32, #tpu.memory_space<vmem>>
    %dma_start3A_299 = arith.constant 0 : i32
    %dma_start3A_300 = tpu.memref_slice %arg2[%squeeze3A_290, %dma_start3A_299] : memref<1000000x32xf32, #tpu.memory_space<hbm>> -> memref<1x32xf32, #tpu.memory_space<hbm>>
    tpu.enqueue_dma source(%dma_start3A_300 : memref<1x32xf32, #tpu.memory_space<hbm>>) target(%dma_start3A_298 : memref<1x32xf32, #tpu.memory_space<vmem>>) target_semaphore(%arg20 : memref<!tpu.dma_semaphore, #tpu.memory_space<semaphore_mem>>)
    %slice3A_301 = vector.extract_strided_slice %get3A_26 {offsets = [11], sizes = [1], strides = [1]} : vector<16xi32> to vector<1xi32>
    %squeeze3A_302 = vector.extract %slice3A_301[0] : i32 from vector<1xi32>
    %dma_start3A_303 = arith.constant 11 : i32
    %dma_start3A_304 = arith.constant 0 : i32
    %dma_start3A_305 = tpu.memref_slice %arg13[%dma_start3A_303, %dma_start3A_304] : memref<16x32xf32, #tpu.memory_space<vmem>> -> memref<1x32xf32, #tpu.memory_space<vmem>>
    %dma_start3A_306 = arith.constant 0 : i32
    %dma_start3A_307 = tpu.memref_slice %arg3[%squeeze3A_302, %dma_start3A_306] : memref<1000000x32xf32, #tpu.memory_space<hbm>> -> memref<1x32xf32, #tpu.memory_space<hbm>>
    %dma_start3A_308 = arith.constant 11 : i32
    %dma_start3A_309 = arith.constant 0 : i32
    %dma_start3A_310 = tpu.memref_slice %arg13[%dma_start3A_308, %dma_start3A_309] : memref<16x32xf32, #tpu.memory_space<vmem>> -> memref<1x32xf32, #tpu.memory_space<vmem>>
    %dma_start3A_311 = arith.constant 0 : i32
    %dma_start3A_312 = tpu.memref_slice %arg3[%squeeze3A_302, %dma_start3A_311] : memref<1000000x32xf32, #tpu.memory_space<hbm>> -> memref<1x32xf32, #tpu.memory_space<hbm>>
    tpu.enqueue_dma source(%dma_start3A_312 : memref<1x32xf32, #tpu.memory_space<hbm>>) target(%dma_start3A_310 : memref<1x32xf32, #tpu.memory_space<vmem>>) target_semaphore(%arg20 : memref<!tpu.dma_semaphore, #tpu.memory_space<semaphore_mem>>)
    %slice3A_313 = vector.extract_strided_slice %get3A_24 {offsets = [12], sizes = [1], strides = [1]} : vector<16xi32> to vector<1xi32>
    %squeeze3A_314 = vector.extract %slice3A_313[0] : i32 from vector<1xi32>
    %dma_start3A_315 = arith.constant 12 : i32
    %dma_start3A_316 = arith.constant 0 : i32
    %dma_start3A_317 = tpu.memref_slice %arg11[%dma_start3A_315, %dma_start3A_316] : memref<16x32xf32, #tpu.memory_space<vmem>> -> memref<1x32xf32, #tpu.memory_space<vmem>>
    %dma_start3A_318 = arith.constant 0 : i32
    %dma_start3A_319 = tpu.memref_slice %arg2[%squeeze3A_314, %dma_start3A_318] : memref<1000000x32xf32, #tpu.memory_space<hbm>> -> memref<1x32xf32, #tpu.memory_space<hbm>>
    %dma_start3A_320 = arith.constant 12 : i32
    %dma_start3A_321 = arith.constant 0 : i32
    %dma_start3A_322 = tpu.memref_slice %arg11[%dma_start3A_320, %dma_start3A_321] : memref<16x32xf32, #tpu.memory_space<vmem>> -> memref<1x32xf32, #tpu.memory_space<vmem>>
    %dma_start3A_323 = arith.constant 0 : i32
    %dma_start3A_324 = tpu.memref_slice %arg2[%squeeze3A_314, %dma_start3A_323] : memref<1000000x32xf32, #tpu.memory_space<hbm>> -> memref<1x32xf32, #tpu.memory_space<hbm>>
    tpu.enqueue_dma source(%dma_start3A_324 : memref<1x32xf32, #tpu.memory_space<hbm>>) target(%dma_start3A_322 : memref<1x32xf32, #tpu.memory_space<vmem>>) target_semaphore(%arg20 : memref<!tpu.dma_semaphore, #tpu.memory_space<semaphore_mem>>)
    %slice3A_325 = vector.extract_strided_slice %get3A_26 {offsets = [12], sizes = [1], strides = [1]} : vector<16xi32> to vector<1xi32>
    %squeeze3A_326 = vector.extract %slice3A_325[0] : i32 from vector<1xi32>
    %dma_start3A_327 = arith.constant 12 : i32
    %dma_start3A_328 = arith.constant 0 : i32
    %dma_start3A_329 = tpu.memref_slice %arg13[%dma_start3A_327, %dma_start3A_328] : memref<16x32xf32, #tpu.memory_space<vmem>> -> memref<1x32xf32, #tpu.memory_space<vmem>>
    %dma_start3A_330 = arith.constant 0 : i32
    %dma_start3A_331 = tpu.memref_slice %arg3[%squeeze3A_326, %dma_start3A_330] : memref<1000000x32xf32, #tpu.memory_space<hbm>> -> memref<1x32xf32, #tpu.memory_space<hbm>>
    %dma_start3A_332 = arith.constant 12 : i32
    %dma_start3A_333 = arith.constant 0 : i32
    %dma_start3A_334 = tpu.memref_slice %arg13[%dma_start3A_332, %dma_start3A_333] : memref<16x32xf32, #tpu.memory_space<vmem>> -> memref<1x32xf32, #tpu.memory_space<vmem>>
    %dma_start3A_335 = arith.constant 0 : i32
    %dma_start3A_336 = tpu.memref_slice %arg3[%squeeze3A_326, %dma_start3A_335] : memref<1000000x32xf32, #tpu.memory_space<hbm>> -> memref<1x32xf32, #tpu.memory_space<hbm>>
    tpu.enqueue_dma source(%dma_start3A_336 : memref<1x32xf32, #tpu.memory_space<hbm>>) target(%dma_start3A_334 : memref<1x32xf32, #tpu.memory_space<vmem>>) target_semaphore(%arg20 : memref<!tpu.dma_semaphore, #tpu.memory_space<semaphore_mem>>)
    %slice3A_337 = vector.extract_strided_slice %get3A_24 {offsets = [13], sizes = [1], strides = [1]} : vector<16xi32> to vector<1xi32>
    %squeeze3A_338 = vector.extract %slice3A_337[0] : i32 from vector<1xi32>
    %dma_start3A_339 = arith.constant 13 : i32
    %dma_start3A_340 = arith.constant 0 : i32
    %dma_start3A_341 = tpu.memref_slice %arg11[%dma_start3A_339, %dma_start3A_340] : memref<16x32xf32, #tpu.memory_space<vmem>> -> memref<1x32xf32, #tpu.memory_space<vmem>>
    %dma_start3A_342 = arith.constant 0 : i32
    %dma_start3A_343 = tpu.memref_slice %arg2[%squeeze3A_338, %dma_start3A_342] : memref<1000000x32xf32, #tpu.memory_space<hbm>> -> memref<1x32xf32, #tpu.memory_space<hbm>>
    %dma_start3A_344 = arith.constant 13 : i32
    %dma_start3A_345 = arith.constant 0 : i32
    %dma_start3A_346 = tpu.memref_slice %arg11[%dma_start3A_344, %dma_start3A_345] : memref<16x32xf32, #tpu.memory_space<vmem>> -> memref<1x32xf32, #tpu.memory_space<vmem>>
    %dma_start3A_347 = arith.constant 0 : i32
    %dma_start3A_348 = tpu.memref_slice %arg2[%squeeze3A_338, %dma_start3A_347] : memref<1000000x32xf32, #tpu.memory_space<hbm>> -> memref<1x32xf32, #tpu.memory_space<hbm>>
    tpu.enqueue_dma source(%dma_start3A_348 : memref<1x32xf32, #tpu.memory_space<hbm>>) target(%dma_start3A_346 : memref<1x32xf32, #tpu.memory_space<vmem>>) target_semaphore(%arg20 : memref<!tpu.dma_semaphore, #tpu.memory_space<semaphore_mem>>)
    %slice3A_349 = vector.extract_strided_slice %get3A_26 {offsets = [13], sizes = [1], strides = [1]} : vector<16xi32> to vector<1xi32>
    %squeeze3A_350 = vector.extract %slice3A_349[0] : i32 from vector<1xi32>
    %dma_start3A_351 = arith.constant 13 : i32
    %dma_start3A_352 = arith.constant 0 : i32
    %dma_start3A_353 = tpu.memref_slice %arg13[%dma_start3A_351, %dma_start3A_352] : memref<16x32xf32, #tpu.memory_space<vmem>> -> memref<1x32xf32, #tpu.memory_space<vmem>>
    %dma_start3A_354 = arith.constant 0 : i32
    %dma_start3A_355 = tpu.memref_slice %arg3[%squeeze3A_350, %dma_start3A_354] : memref<1000000x32xf32, #tpu.memory_space<hbm>> -> memref<1x32xf32, #tpu.memory_space<hbm>>
    %dma_start3A_356 = arith.constant 13 : i32
    %dma_start3A_357 = arith.constant 0 : i32
    %dma_start3A_358 = tpu.memref_slice %arg13[%dma_start3A_356, %dma_start3A_357] : memref<16x32xf32, #tpu.memory_space<vmem>> -> memref<1x32xf32, #tpu.memory_space<vmem>>
    %dma_start3A_359 = arith.constant 0 : i32
    %dma_start3A_360 = tpu.memref_slice %arg3[%squeeze3A_350, %dma_start3A_359] : memref<1000000x32xf32, #tpu.memory_space<hbm>> -> memref<1x32xf32, #tpu.memory_space<hbm>>
    tpu.enqueue_dma source(%dma_start3A_360 : memref<1x32xf32, #tpu.memory_space<hbm>>) target(%dma_start3A_358 : memref<1x32xf32, #tpu.memory_space<vmem>>) target_semaphore(%arg20 : memref<!tpu.dma_semaphore, #tpu.memory_space<semaphore_mem>>)
    %slice3A_361 = vector.extract_strided_slice %get3A_24 {offsets = [14], sizes = [1], strides = [1]} : vector<16xi32> to vector<1xi32>
    %squeeze3A_362 = vector.extract %slice3A_361[0] : i32 from vector<1xi32>
    %dma_start3A_363 = arith.constant 14 : i32
    %dma_start3A_364 = arith.constant 0 : i32
    %dma_start3A_365 = tpu.memref_slice %arg11[%dma_start3A_363, %dma_start3A_364] : memref<16x32xf32, #tpu.memory_space<vmem>> -> memref<1x32xf32, #tpu.memory_space<vmem>>
    %dma_start3A_366 = arith.constant 0 : i32
    %dma_start3A_367 = tpu.memref_slice %arg2[%squeeze3A_362, %dma_start3A_366] : memref<1000000x32xf32, #tpu.memory_space<hbm>> -> memref<1x32xf32, #tpu.memory_space<hbm>>
    %dma_start3A_368 = arith.constant 14 : i32
    %dma_start3A_369 = arith.constant 0 : i32
    %dma_start3A_370 = tpu.memref_slice %arg11[%dma_start3A_368, %dma_start3A_369] : memref<16x32xf32, #tpu.memory_space<vmem>> -> memref<1x32xf32, #tpu.memory_space<vmem>>
    %dma_start3A_371 = arith.constant 0 : i32
    %dma_start3A_372 = tpu.memref_slice %arg2[%squeeze3A_362, %dma_start3A_371] : memref<1000000x32xf32, #tpu.memory_space<hbm>> -> memref<1x32xf32, #tpu.memory_space<hbm>>
    tpu.enqueue_dma source(%dma_start3A_372 : memref<1x32xf32, #tpu.memory_space<hbm>>) target(%dma_start3A_370 : memref<1x32xf32, #tpu.memory_space<vmem>>) target_semaphore(%arg20 : memref<!tpu.dma_semaphore, #tpu.memory_space<semaphore_mem>>)
    %slice3A_373 = vector.extract_strided_slice %get3A_26 {offsets = [14], sizes = [1], strides = [1]} : vector<16xi32> to vector<1xi32>
    %squeeze3A_374 = vector.extract %slice3A_373[0] : i32 from vector<1xi32>
    %dma_start3A_375 = arith.constant 14 : i32
    %dma_start3A_376 = arith.constant 0 : i32
    %dma_start3A_377 = tpu.memref_slice %arg13[%dma_start3A_375, %dma_start3A_376] : memref<16x32xf32, #tpu.memory_space<vmem>> -> memref<1x32xf32, #tpu.memory_space<vmem>>
    %dma_start3A_378 = arith.constant 0 : i32
    %dma_start3A_379 = tpu.memref_slice %arg3[%squeeze3A_374, %dma_start3A_378] : memref<1000000x32xf32, #tpu.memory_space<hbm>> -> memref<1x32xf32, #tpu.memory_space<hbm>>
    %dma_start3A_380 = arith.constant 14 : i32
    %dma_start3A_381 = arith.constant 0 : i32
    %dma_start3A_382 = tpu.memref_slice %arg13[%dma_start3A_380, %dma_start3A_381] : memref<16x32xf32, #tpu.memory_space<vmem>> -> memref<1x32xf32, #tpu.memory_space<vmem>>
    %dma_start3A_383 = arith.constant 0 : i32
    %dma_start3A_384 = tpu.memref_slice %arg3[%squeeze3A_374, %dma_start3A_383] : memref<1000000x32xf32, #tpu.memory_space<hbm>> -> memref<1x32xf32, #tpu.memory_space<hbm>>
    tpu.enqueue_dma source(%dma_start3A_384 : memref<1x32xf32, #tpu.memory_space<hbm>>) target(%dma_start3A_382 : memref<1x32xf32, #tpu.memory_space<vmem>>) target_semaphore(%arg20 : memref<!tpu.dma_semaphore, #tpu.memory_space<semaphore_mem>>)
    %slice3A_385 = vector.extract_strided_slice %get3A_24 {offsets = [15], sizes = [1], strides = [1]} : vector<16xi32> to vector<1xi32>
    %squeeze3A_386 = vector.extract %slice3A_385[0] : i32 from vector<1xi32>
    %dma_start3A_387 = arith.constant 15 : i32
    %dma_start3A_388 = arith.constant 0 : i32
    %dma_start3A_389 = tpu.memref_slice %arg11[%dma_start3A_387, %dma_start3A_388] : memref<16x32xf32, #tpu.memory_space<vmem>> -> memref<1x32xf32, #tpu.memory_space<vmem>>
    %dma_start3A_390 = arith.constant 0 : i32
    %dma_start3A_391 = tpu.memref_slice %arg2[%squeeze3A_386, %dma_start3A_390] : memref<1000000x32xf32, #tpu.memory_space<hbm>> -> memref<1x32xf32, #tpu.memory_space<hbm>>
    %dma_start3A_392 = arith.constant 15 : i32
    %dma_start3A_393 = arith.constant 0 : i32
    %dma_start3A_394 = tpu.memref_slice %arg11[%dma_start3A_392, %dma_start3A_393] : memref<16x32xf32, #tpu.memory_space<vmem>> -> memref<1x32xf32, #tpu.memory_space<vmem>>
    %dma_start3A_395 = arith.constant 0 : i32
    %dma_start3A_396 = tpu.memref_slice %arg2[%squeeze3A_386, %dma_start3A_395] : memref<1000000x32xf32, #tpu.memory_space<hbm>> -> memref<1x32xf32, #tpu.memory_space<hbm>>
    tpu.enqueue_dma source(%dma_start3A_396 : memref<1x32xf32, #tpu.memory_space<hbm>>) target(%dma_start3A_394 : memref<1x32xf32, #tpu.memory_space<vmem>>) target_semaphore(%arg20 : memref<!tpu.dma_semaphore, #tpu.memory_space<semaphore_mem>>)
    %slice3A_397 = vector.extract_strided_slice %get3A_26 {offsets = [15], sizes = [1], strides = [1]} : vector<16xi32> to vector<1xi32>
    %squeeze3A_398 = vector.extract %slice3A_397[0] : i32 from vector<1xi32>
    %dma_start3A_399 = arith.constant 15 : i32
    %dma_start3A_400 = arith.constant 0 : i32
    %dma_start3A_401 = tpu.memref_slice %arg13[%dma_start3A_399, %dma_start3A_400] : memref<16x32xf32, #tpu.memory_space<vmem>> -> memref<1x32xf32, #tpu.memory_space<vmem>>
    %dma_start3A_402 = arith.constant 0 : i32
    %dma_start3A_403 = tpu.memref_slice %arg3[%squeeze3A_398, %dma_start3A_402] : memref<1000000x32xf32, #tpu.memory_space<hbm>> -> memref<1x32xf32, #tpu.memory_space<hbm>>
    %dma_start3A_404 = arith.constant 15 : i32
    %dma_start3A_405 = arith.constant 0 : i32
    %dma_start3A_406 = tpu.memref_slice %arg13[%dma_start3A_404, %dma_start3A_405] : memref<16x32xf32, #tpu.memory_space<vmem>> -> memref<1x32xf32, #tpu.memory_space<vmem>>
    %dma_start3A_407 = arith.constant 0 : i32
    %dma_start3A_408 = tpu.memref_slice %arg3[%squeeze3A_398, %dma_start3A_407] : memref<1000000x32xf32, #tpu.memory_space<hbm>> -> memref<1x32xf32, #tpu.memory_space<hbm>>
    tpu.enqueue_dma source(%dma_start3A_408 : memref<1x32xf32, #tpu.memory_space<hbm>>) target(%dma_start3A_406 : memref<1x32xf32, #tpu.memory_space<vmem>>) target_semaphore(%arg20 : memref<!tpu.dma_semaphore, #tpu.memory_space<semaphore_mem>>)
    %scan3A = arith.constant 0 : i32
    %scan3A_409 = arith.constant 20 : i32
    %scan3A_410 = arith.addi %scan3A, %scan3A_409 : i32
    %scan3A_411 = arith.constant 1 : i32
    scf.for %scan3A_418 = %scan3A to %scan3A_410 step %scan3A_411  : i32 {
      %mul3A_419 = arith.constant 16 : i32
      %mul3A_420 = arith.muli %scan3A_418, %mul3A_419 : i32
      %add3A_421 = arith.constant 0 : i32
      %add3A_422 = arith.addi %add3A_421, %mul3A_420 : i32
      %add3A_423 = arith.constant 0 : i32
      %add3A_424 = arith.addi %add3A_423, %add3A_422 : i32
      %get3A_425 = arith.index_cast %add3A_424 : i32 to index
      %get3A_426 = tpu.vector_load %arg10[%get3A_425] {strides = array<i32>} : memref<10240xi32, #tpu.memory_space<vmem>>, vector<16xi32>,
      %slice3A_427 = vector.extract_strided_slice %get3A_426 {offsets = [0], sizes = [1], strides = [1]} : vector<16xi32> to vector<1xi32>
      %squeeze3A_428 = vector.extract %slice3A_427[0] : i32 from vector<1xi32>
      %add3A_429 = arith.constant 0 : i32
      %add3A_430 = arith.addi %add3A_422, %add3A_429 : i32
      %dma_start3A_431 = arith.constant 0 : i32
      %dma_start3A_432 = tpu.memref_slice %arg15[%add3A_430, %dma_start3A_431] : memref<320x32xf32, #tpu.memory_space<vmem>> -> memref<1x32xf32, #tpu.memory_space<vmem>>
      %dma_start3A_433 = arith.constant 0 : i32
      %dma_start3A_434 = tpu.memref_slice %arg3[%squeeze3A_428, %dma_start3A_433] : memref<1000000x32xf32, #tpu.memory_space<hbm>> -> memref<1x32xf32, #tpu.memory_space<hbm>>
      %dma_start3A_435 = arith.constant 0 : i32
      %dma_start3A_436 = tpu.memref_slice %arg15[%add3A_430, %dma_start3A_435] : memref<320x32xf32, #tpu.memory_space<vmem>> -> memref<1x32xf32, #tpu.memory_space<vmem>>
      %dma_start3A_437 = arith.constant 0 : i32
      %dma_start3A_438 = tpu.memref_slice %arg3[%squeeze3A_428, %dma_start3A_437] : memref<1000000x32xf32, #tpu.memory_space<hbm>> -> memref<1x32xf32, #tpu.memory_space<hbm>>
      tpu.enqueue_dma source(%dma_start3A_438 : memref<1x32xf32, #tpu.memory_space<hbm>>) target(%dma_start3A_436 : memref<1x32xf32, #tpu.memory_space<vmem>>) target_semaphore(%arg20 : memref<!tpu.dma_semaphore, #tpu.memory_space<semaphore_mem>>)
      %slice3A_439 = vector.extract_strided_slice %get3A_426 {offsets = [1], sizes = [1], strides = [1]} : vector<16xi32> to vector<1xi32>
      %squeeze3A_440 = vector.extract %slice3A_439[0] : i32 from vector<1xi32>
      %add3A_441 = arith.constant 1 : i32
      %add3A_442 = arith.addi %add3A_422, %add3A_441 : i32
      %dma_start3A_443 = arith.constant 0 : i32
      %dma_start3A_444 = tpu.memref_slice %arg15[%add3A_442, %dma_start3A_443] : memref<320x32xf32, #tpu.memory_space<vmem>> -> memref<1x32xf32, #tpu.memory_space<vmem>>
      %dma_start3A_445 = arith.constant 0 : i32
      %dma_start3A_446 = tpu.memref_slice %arg3[%squeeze3A_440, %dma_start3A_445] : memref<1000000x32xf32, #tpu.memory_space<hbm>> -> memref<1x32xf32, #tpu.memory_space<hbm>>
      %dma_start3A_447 = arith.constant 0 : i32
      %dma_start3A_448 = tpu.memref_slice %arg15[%add3A_442, %dma_start3A_447] : memref<320x32xf32, #tpu.memory_space<vmem>> -> memref<1x32xf32, #tpu.memory_space<vmem>>
      %dma_start3A_449 = arith.constant 0 : i32
      %dma_start3A_450 = tpu.memref_slice %arg3[%squeeze3A_440, %dma_start3A_449] : memref<1000000x32xf32, #tpu.memory_space<hbm>> -> memref<1x32xf32, #tpu.memory_space<hbm>>
      tpu.enqueue_dma source(%dma_start3A_450 : memref<1x32xf32, #tpu.memory_space<hbm>>) target(%dma_start3A_448 : memref<1x32xf32, #tpu.memory_space<vmem>>) target_semaphore(%arg20 : memref<!tpu.dma_semaphore, #tpu.memory_space<semaphore_mem>>)
      %slice3A_451 = vector.extract_strided_slice %get3A_426 {offsets = [2], sizes = [1], strides = [1]} : vector<16xi32> to vector<1xi32>
      %squeeze3A_452 = vector.extract %slice3A_451[0] : i32 from vector<1xi32>
      %add3A_453 = arith.constant 2 : i32
      %add3A_454 = arith.addi %add3A_422, %add3A_453 : i32
      %dma_start3A_455 = arith.constant 0 : i32
      %dma_start3A_456 = tpu.memref_slice %arg15[%add3A_454, %dma_start3A_455] : memref<320x32xf32, #tpu.memory_space<vmem>> -> memref<1x32xf32, #tpu.memory_space<vmem>>
      %dma_start3A_457 = arith.constant 0 : i32
      %dma_start3A_458 = tpu.memref_slice %arg3[%squeeze3A_452, %dma_start3A_457] : memref<1000000x32xf32, #tpu.memory_space<hbm>> -> memref<1x32xf32, #tpu.memory_space<hbm>>
      %dma_start3A_459 = arith.constant 0 : i32
      %dma_start3A_460 = tpu.memref_slice %arg15[%add3A_454, %dma_start3A_459] : memref<320x32xf32, #tpu.memory_space<vmem>> -> memref<1x32xf32, #tpu.memory_space<vmem>>
      %dma_start3A_461 = arith.constant 0 : i32
      %dma_start3A_462 = tpu.memref_slice %arg3[%squeeze3A_452, %dma_start3A_461] : memref<1000000x32xf32, #tpu.memory_space<hbm>> -> memref<1x32xf32, #tpu.memory_space<hbm>>
      tpu.enqueue_dma source(%dma_start3A_462 : memref<1x32xf32, #tpu.memory_space<hbm>>) target(%dma_start3A_460 : memref<1x32xf32, #tpu.memory_space<vmem>>) target_semaphore(%arg20 : memref<!tpu.dma_semaphore, #tpu.memory_space<semaphore_mem>>)
      %slice3A_463 = vector.extract_strided_slice %get3A_426 {offsets = [3], sizes = [1], strides = [1]} : vector<16xi32> to vector<1xi32>
      %squeeze3A_464 = vector.extract %slice3A_463[0] : i32 from vector<1xi32>
      %add3A_465 = arith.constant 3 : i32
      %add3A_466 = arith.addi %add3A_422, %add3A_465 : i32
      %dma_start3A_467 = arith.constant 0 : i32
      %dma_start3A_468 = tpu.memref_slice %arg15[%add3A_466, %dma_start3A_467] : memref<320x32xf32, #tpu.memory_space<vmem>> -> memref<1x32xf32, #tpu.memory_space<vmem>>
      %dma_start3A_469 = arith.constant 0 : i32
      %dma_start3A_470 = tpu.memref_slice %arg3[%squeeze3A_464, %dma_start3A_469] : memref<1000000x32xf32, #tpu.memory_space<hbm>> -> memref<1x32xf32, #tpu.memory_space<hbm>>
      %dma_start3A_471 = arith.constant 0 : i32
      %dma_start3A_472 = tpu.memref_slice %arg15[%add3A_466, %dma_start3A_471] : memref<320x32xf32, #tpu.memory_space<vmem>> -> memref<1x32xf32, #tpu.memory_space<vmem>>
      %dma_start3A_473 = arith.constant 0 : i32
      %dma_start3A_474 = tpu.memref_slice %arg3[%squeeze3A_464, %dma_start3A_473] : memref<1000000x32xf32, #tpu.memory_space<hbm>> -> memref<1x32xf32, #tpu.memory_space<hbm>>
      tpu.enqueue_dma source(%dma_start3A_474 : memref<1x32xf32, #tpu.memory_space<hbm>>) target(%dma_start3A_472 : memref<1x32xf32, #tpu.memory_space<vmem>>) target_semaphore(%arg20 : memref<!tpu.dma_semaphore, #tpu.memory_space<semaphore_mem>>)
      %slice3A_475 = vector.extract_strided_slice %get3A_426 {offsets = [4], sizes = [1], strides = [1]} : vector<16xi32> to vector<1xi32>
      %squeeze3A_476 = vector.extract %slice3A_475[0] : i32 from vector<1xi32>
      %add3A_477 = arith.constant 4 : i32
      %add3A_478 = arith.addi %add3A_422, %add3A_477 : i32
      %dma_start3A_479 = arith.constant 0 : i32
      %dma_start3A_480 = tpu.memref_slice %arg15[%add3A_478, %dma_start3A_479] : memref<320x32xf32, #tpu.memory_space<vmem>> -> memref<1x32xf32, #tpu.memory_space<vmem>>
      %dma_start3A_481 = arith.constant 0 : i32
      %dma_start3A_482 = tpu.memref_slice %arg3[%squeeze3A_476, %dma_start3A_481] : memref<1000000x32xf32, #tpu.memory_space<hbm>> -> memref<1x32xf32, #tpu.memory_space<hbm>>
      %dma_start3A_483 = arith.constant 0 : i32
      %dma_start3A_484 = tpu.memref_slice %arg15[%add3A_478, %dma_start3A_483] : memref<320x32xf32, #tpu.memory_space<vmem>> -> memref<1x32xf32, #tpu.memory_space<vmem>>
      %dma_start3A_485 = arith.constant 0 : i32
      %dma_start3A_486 = tpu.memref_slice %arg3[%squeeze3A_476, %dma_start3A_485] : memref<1000000x32xf32, #tpu.memory_space<hbm>> -> memref<1x32xf32, #tpu.memory_space<hbm>>
      tpu.enqueue_dma source(%dma_start3A_486 : memref<1x32xf32, #tpu.memory_space<hbm>>) target(%dma_start3A_484 : memref<1x32xf32, #tpu.memory_space<vmem>>) target_semaphore(%arg20 : memref<!tpu.dma_semaphore, #tpu.memory_space<semaphore_mem>>)
      %slice3A_487 = vector.extract_strided_slice %get3A_426 {offsets = [5], sizes = [1], strides = [1]} : vector<16xi32> to vector<1xi32>
      %squeeze3A_488 = vector.extract %slice3A_487[0] : i32 from vector<1xi32>
      %add3A_489 = arith.constant 5 : i32
      %add3A_490 = arith.addi %add3A_422, %add3A_489 : i32
      %dma_start3A_491 = arith.constant 0 : i32
      %dma_start3A_492 = tpu.memref_slice %arg15[%add3A_490, %dma_start3A_491] : memref<320x32xf32, #tpu.memory_space<vmem>> -> memref<1x32xf32, #tpu.memory_space<vmem>>
      %dma_start3A_493 = arith.constant 0 : i32
      %dma_start3A_494 = tpu.memref_slice %arg3[%squeeze3A_488, %dma_start3A_493] : memref<1000000x32xf32, #tpu.memory_space<hbm>> -> memref<1x32xf32, #tpu.memory_space<hbm>>
      %dma_start3A_495 = arith.constant 0 : i32
      %dma_start3A_496 = tpu.memref_slice %arg15[%add3A_490, %dma_start3A_495] : memref<320x32xf32, #tpu.memory_space<vmem>> -> memref<1x32xf32, #tpu.memory_space<vmem>>
      %dma_start3A_497 = arith.constant 0 : i32
      %dma_start3A_498 = tpu.memref_slice %arg3[%squeeze3A_488, %dma_start3A_497] : memref<1000000x32xf32, #tpu.memory_space<hbm>> -> memref<1x32xf32, #tpu.memory_space<hbm>>
      tpu.enqueue_dma source(%dma_start3A_498 : memref<1x32xf32, #tpu.memory_space<hbm>>) target(%dma_start3A_496 : memref<1x32xf32, #tpu.memory_space<vmem>>) target_semaphore(%arg20 : memref<!tpu.dma_semaphore, #tpu.memory_space<semaphore_mem>>)
      %slice3A_499 = vector.extract_strided_slice %get3A_426 {offsets = [6], sizes = [1], strides = [1]} : vector<16xi32> to vector<1xi32>
      %squeeze3A_500 = vector.extract %slice3A_499[0] : i32 from vector<1xi32>
      %add3A_501 = arith.constant 6 : i32
      %add3A_502 = arith.addi %add3A_422, %add3A_501 : i32
      %dma_start3A_503 = arith.constant 0 : i32
      %dma_start3A_504 = tpu.memref_slice %arg15[%add3A_502, %dma_start3A_503] : memref<320x32xf32, #tpu.memory_space<vmem>> -> memref<1x32xf32, #tpu.memory_space<vmem>>
      %dma_start3A_505 = arith.constant 0 : i32
      %dma_start3A_506 = tpu.memref_slice %arg3[%squeeze3A_500, %dma_start3A_505] : memref<1000000x32xf32, #tpu.memory_space<hbm>> -> memref<1x32xf32, #tpu.memory_space<hbm>>
      %dma_start3A_507 = arith.constant 0 : i32
      %dma_start3A_508 = tpu.memref_slice %arg15[%add3A_502, %dma_start3A_507] : memref<320x32xf32, #tpu.memory_space<vmem>> -> memref<1x32xf32, #tpu.memory_space<vmem>>
      %dma_start3A_509 = arith.constant 0 : i32
      %dma_start3A_510 = tpu.memref_slice %arg3[%squeeze3A_500, %dma_start3A_509] : memref<1000000x32xf32, #tpu.memory_space<hbm>> -> memref<1x32xf32, #tpu.memory_space<hbm>>
      tpu.enqueue_dma source(%dma_start3A_510 : memref<1x32xf32, #tpu.memory_space<hbm>>) target(%dma_start3A_508 : memref<1x32xf32, #tpu.memory_space<vmem>>) target_semaphore(%arg20 : memref<!tpu.dma_semaphore, #tpu.memory_space<semaphore_mem>>)
      %slice3A_511 = vector.extract_strided_slice %get3A_426 {offsets = [7], sizes = [1], strides = [1]} : vector<16xi32> to vector<1xi32>
      %squeeze3A_512 = vector.extract %slice3A_511[0] : i32 from vector<1xi32>
      %add3A_513 = arith.constant 7 : i32
      %add3A_514 = arith.addi %add3A_422, %add3A_513 : i32
      %dma_start3A_515 = arith.constant 0 : i32
      %dma_start3A_516 = tpu.memref_slice %arg15[%add3A_514, %dma_start3A_515] : memref<320x32xf32, #tpu.memory_space<vmem>> -> memref<1x32xf32, #tpu.memory_space<vmem>>
      %dma_start3A_517 = arith.constant 0 : i32
      %dma_start3A_518 = tpu.memref_slice %arg3[%squeeze3A_512, %dma_start3A_517] : memref<1000000x32xf32, #tpu.memory_space<hbm>> -> memref<1x32xf32, #tpu.memory_space<hbm>>
      %dma_start3A_519 = arith.constant 0 : i32
      %dma_start3A_520 = tpu.memref_slice %arg15[%add3A_514, %dma_start3A_519] : memref<320x32xf32, #tpu.memory_space<vmem>> -> memref<1x32xf32, #tpu.memory_space<vmem>>
      %dma_start3A_521 = arith.constant 0 : i32
      %dma_start3A_522 = tpu.memref_slice %arg3[%squeeze3A_512, %dma_start3A_521] : memref<1000000x32xf32, #tpu.memory_space<hbm>> -> memref<1x32xf32, #tpu.memory_space<hbm>>
      tpu.enqueue_dma source(%dma_start3A_522 : memref<1x32xf32, #tpu.memory_space<hbm>>) target(%dma_start3A_520 : memref<1x32xf32, #tpu.memory_space<vmem>>) target_semaphore(%arg20 : memref<!tpu.dma_semaphore, #tpu.memory_space<semaphore_mem>>)
      %slice3A_523 = vector.extract_strided_slice %get3A_426 {offsets = [8], sizes = [1], strides = [1]} : vector<16xi32> to vector<1xi32>
      %squeeze3A_524 = vector.extract %slice3A_523[0] : i32 from vector<1xi32>
      %add3A_525 = arith.constant 8 : i32
      %add3A_526 = arith.addi %add3A_422, %add3A_525 : i32
      %dma_start3A_527 = arith.constant 0 : i32
      %dma_start3A_528 = tpu.memref_slice %arg15[%add3A_526, %dma_start3A_527] : memref<320x32xf32, #tpu.memory_space<vmem>> -> memref<1x32xf32, #tpu.memory_space<vmem>>
      %dma_start3A_529 = arith.constant 0 : i32
      %dma_start3A_530 = tpu.memref_slice %arg3[%squeeze3A_524, %dma_start3A_529] : memref<1000000x32xf32, #tpu.memory_space<hbm>> -> memref<1x32xf32, #tpu.memory_space<hbm>>
      %dma_start3A_531 = arith.constant 0 : i32
      %dma_start3A_532 = tpu.memref_slice %arg15[%add3A_526, %dma_start3A_531] : memref<320x32xf32, #tpu.memory_space<vmem>> -> memref<1x32xf32, #tpu.memory_space<vmem>>
      %dma_start3A_533 = arith.constant 0 : i32
      %dma_start3A_534 = tpu.memref_slice %arg3[%squeeze3A_524, %dma_start3A_533] : memref<1000000x32xf32, #tpu.memory_space<hbm>> -> memref<1x32xf32, #tpu.memory_space<hbm>>
      tpu.enqueue_dma source(%dma_start3A_534 : memref<1x32xf32, #tpu.memory_space<hbm>>) target(%dma_start3A_532 : memref<1x32xf32, #tpu.memory_space<vmem>>) target_semaphore(%arg20 : memref<!tpu.dma_semaphore, #tpu.memory_space<semaphore_mem>>)
      %slice3A_535 = vector.extract_strided_slice %get3A_426 {offsets = [9], sizes = [1], strides = [1]} : vector<16xi32> to vector<1xi32>
      %squeeze3A_536 = vector.extract %slice3A_535[0] : i32 from vector<1xi32>
      %add3A_537 = arith.constant 9 : i32
      %add3A_538 = arith.addi %add3A_422, %add3A_537 : i32
      %dma_start3A_539 = arith.constant 0 : i32
      %dma_start3A_540 = tpu.memref_slice %arg15[%add3A_538, %dma_start3A_539] : memref<320x32xf32, #tpu.memory_space<vmem>> -> memref<1x32xf32, #tpu.memory_space<vmem>>
      %dma_start3A_541 = arith.constant 0 : i32
      %dma_start3A_542 = tpu.memref_slice %arg3[%squeeze3A_536, %dma_start3A_541] : memref<1000000x32xf32, #tpu.memory_space<hbm>> -> memref<1x32xf32, #tpu.memory_space<hbm>>
      %dma_start3A_543 = arith.constant 0 : i32
      %dma_start3A_544 = tpu.memref_slice %arg15[%add3A_538, %dma_start3A_543] : memref<320x32xf32, #tpu.memory_space<vmem>> -> memref<1x32xf32, #tpu.memory_space<vmem>>
      %dma_start3A_545 = arith.constant 0 : i32
      %dma_start3A_546 = tpu.memref_slice %arg3[%squeeze3A_536, %dma_start3A_545] : memref<1000000x32xf32, #tpu.memory_space<hbm>> -> memref<1x32xf32, #tpu.memory_space<hbm>>
      tpu.enqueue_dma source(%dma_start3A_546 : memref<1x32xf32, #tpu.memory_space<hbm>>) target(%dma_start3A_544 : memref<1x32xf32, #tpu.memory_space<vmem>>) target_semaphore(%arg20 : memref<!tpu.dma_semaphore, #tpu.memory_space<semaphore_mem>>)
      %slice3A_547 = vector.extract_strided_slice %get3A_426 {offsets = [10], sizes = [1], strides = [1]} : vector<16xi32> to vector<1xi32>
      %squeeze3A_548 = vector.extract %slice3A_547[0] : i32 from vector<1xi32>
      %add3A_549 = arith.constant 10 : i32
      %add3A_550 = arith.addi %add3A_422, %add3A_549 : i32
      %dma_start3A_551 = arith.constant 0 : i32
      %dma_start3A_552 = tpu.memref_slice %arg15[%add3A_550, %dma_start3A_551] : memref<320x32xf32, #tpu.memory_space<vmem>> -> memref<1x32xf32, #tpu.memory_space<vmem>>
      %dma_start3A_553 = arith.constant 0 : i32
      %dma_start3A_554 = tpu.memref_slice %arg3[%squeeze3A_548, %dma_start3A_553] : memref<1000000x32xf32, #tpu.memory_space<hbm>> -> memref<1x32xf32, #tpu.memory_space<hbm>>
      %dma_start3A_555 = arith.constant 0 : i32
      %dma_start3A_556 = tpu.memref_slice %arg15[%add3A_550, %dma_start3A_555] : memref<320x32xf32, #tpu.memory_space<vmem>> -> memref<1x32xf32, #tpu.memory_space<vmem>>
      %dma_start3A_557 = arith.constant 0 : i32
      %dma_start3A_558 = tpu.memref_slice %arg3[%squeeze3A_548, %dma_start3A_557] : memref<1000000x32xf32, #tpu.memory_space<hbm>> -> memref<1x32xf32, #tpu.memory_space<hbm>>
      tpu.enqueue_dma source(%dma_start3A_558 : memref<1x32xf32, #tpu.memory_space<hbm>>) target(%dma_start3A_556 : memref<1x32xf32, #tpu.memory_space<vmem>>) target_semaphore(%arg20 : memref<!tpu.dma_semaphore, #tpu.memory_space<semaphore_mem>>)
      %slice3A_559 = vector.extract_strided_slice %get3A_426 {offsets = [11], sizes = [1], strides = [1]} : vector<16xi32> to vector<1xi32>
      %squeeze3A_560 = vector.extract %slice3A_559[0] : i32 from vector<1xi32>
      %add3A_561 = arith.constant 11 : i32
      %add3A_562 = arith.addi %add3A_422, %add3A_561 : i32
      %dma_start3A_563 = arith.constant 0 : i32
      %dma_start3A_564 = tpu.memref_slice %arg15[%add3A_562, %dma_start3A_563] : memref<320x32xf32, #tpu.memory_space<vmem>> -> memref<1x32xf32, #tpu.memory_space<vmem>>
      %dma_start3A_565 = arith.constant 0 : i32
      %dma_start3A_566 = tpu.memref_slice %arg3[%squeeze3A_560, %dma_start3A_565] : memref<1000000x32xf32, #tpu.memory_space<hbm>> -> memref<1x32xf32, #tpu.memory_space<hbm>>
      %dma_start3A_567 = arith.constant 0 : i32
      %dma_start3A_568 = tpu.memref_slice %arg15[%add3A_562, %dma_start3A_567] : memref<320x32xf32, #tpu.memory_space<vmem>> -> memref<1x32xf32, #tpu.memory_space<vmem>>
      %dma_start3A_569 = arith.constant 0 : i32
      %dma_start3A_570 = tpu.memref_slice %arg3[%squeeze3A_560, %dma_start3A_569] : memref<1000000x32xf32, #tpu.memory_space<hbm>> -> memref<1x32xf32, #tpu.memory_space<hbm>>
      tpu.enqueue_dma source(%dma_start3A_570 : memref<1x32xf32, #tpu.memory_space<hbm>>) target(%dma_start3A_568 : memref<1x32xf32, #tpu.memory_space<vmem>>) target_semaphore(%arg20 : memref<!tpu.dma_semaphore, #tpu.memory_space<semaphore_mem>>)
      %slice3A_571 = vector.extract_strided_slice %get3A_426 {offsets = [12], sizes = [1], strides = [1]} : vector<16xi32> to vector<1xi32>
      %squeeze3A_572 = vector.extract %slice3A_571[0] : i32 from vector<1xi32>
      %add3A_573 = arith.constant 12 : i32
      %add3A_574 = arith.addi %add3A_422, %add3A_573 : i32
      %dma_start3A_575 = arith.constant 0 : i32
      %dma_start3A_576 = tpu.memref_slice %arg15[%add3A_574, %dma_start3A_575] : memref<320x32xf32, #tpu.memory_space<vmem>> -> memref<1x32xf32, #tpu.memory_space<vmem>>
      %dma_start3A_577 = arith.constant 0 : i32
      %dma_start3A_578 = tpu.memref_slice %arg3[%squeeze3A_572, %dma_start3A_577] : memref<1000000x32xf32, #tpu.memory_space<hbm>> -> memref<1x32xf32, #tpu.memory_space<hbm>>
      %dma_start3A_579 = arith.constant 0 : i32
      %dma_start3A_580 = tpu.memref_slice %arg15[%add3A_574, %dma_start3A_579] : memref<320x32xf32, #tpu.memory_space<vmem>> -> memref<1x32xf32, #tpu.memory_space<vmem>>
      %dma_start3A_581 = arith.constant 0 : i32
      %dma_start3A_582 = tpu.memref_slice %arg3[%squeeze3A_572, %dma_start3A_581] : memref<1000000x32xf32, #tpu.memory_space<hbm>> -> memref<1x32xf32, #tpu.memory_space<hbm>>
      tpu.enqueue_dma source(%dma_start3A_582 : memref<1x32xf32, #tpu.memory_space<hbm>>) target(%dma_start3A_580 : memref<1x32xf32, #tpu.memory_space<vmem>>) target_semaphore(%arg20 : memref<!tpu.dma_semaphore, #tpu.memory_space<semaphore_mem>>)
      %slice3A_583 = vector.extract_strided_slice %get3A_426 {offsets = [13], sizes = [1], strides = [1]} : vector<16xi32> to vector<1xi32>
      %squeeze3A_584 = vector.extract %slice3A_583[0] : i32 from vector<1xi32>
      %add3A_585 = arith.constant 13 : i32
      %add3A_586 = arith.addi %add3A_422, %add3A_585 : i32
      %dma_start3A_587 = arith.constant 0 : i32
      %dma_start3A_588 = tpu.memref_slice %arg15[%add3A_586, %dma_start3A_587] : memref<320x32xf32, #tpu.memory_space<vmem>> -> memref<1x32xf32, #tpu.memory_space<vmem>>
      %dma_start3A_589 = arith.constant 0 : i32
      %dma_start3A_590 = tpu.memref_slice %arg3[%squeeze3A_584, %dma_start3A_589] : memref<1000000x32xf32, #tpu.memory_space<hbm>> -> memref<1x32xf32, #tpu.memory_space<hbm>>
      %dma_start3A_591 = arith.constant 0 : i32
      %dma_start3A_592 = tpu.memref_slice %arg15[%add3A_586, %dma_start3A_591] : memref<320x32xf32, #tpu.memory_space<vmem>> -> memref<1x32xf32, #tpu.memory_space<vmem>>
      %dma_start3A_593 = arith.constant 0 : i32
      %dma_start3A_594 = tpu.memref_slice %arg3[%squeeze3A_584, %dma_start3A_593] : memref<1000000x32xf32, #tpu.memory_space<hbm>> -> memref<1x32xf32, #tpu.memory_space<hbm>>
      tpu.enqueue_dma source(%dma_start3A_594 : memref<1x32xf32, #tpu.memory_space<hbm>>) target(%dma_start3A_592 : memref<1x32xf32, #tpu.memory_space<vmem>>) target_semaphore(%arg20 : memref<!tpu.dma_semaphore, #tpu.memory_space<semaphore_mem>>)
      %slice3A_595 = vector.extract_strided_slice %get3A_426 {offsets = [14], sizes = [1], strides = [1]} : vector<16xi32> to vector<1xi32>
      %squeeze3A_596 = vector.extract %slice3A_595[0] : i32 from vector<1xi32>
      %add3A_597 = arith.constant 14 : i32
      %add3A_598 = arith.addi %add3A_422, %add3A_597 : i32
      %dma_start3A_599 = arith.constant 0 : i32
      %dma_start3A_600 = tpu.memref_slice %arg15[%add3A_598, %dma_start3A_599] : memref<320x32xf32, #tpu.memory_space<vmem>> -> memref<1x32xf32, #tpu.memory_space<vmem>>
      %dma_start3A_601 = arith.constant 0 : i32
      %dma_start3A_602 = tpu.memref_slice %arg3[%squeeze3A_596, %dma_start3A_601] : memref<1000000x32xf32, #tpu.memory_space<hbm>> -> memref<1x32xf32, #tpu.memory_space<hbm>>
      %dma_start3A_603 = arith.constant 0 : i32
      %dma_start3A_604 = tpu.memref_slice %arg15[%add3A_598, %dma_start3A_603] : memref<320x32xf32, #tpu.memory_space<vmem>> -> memref<1x32xf32, #tpu.memory_space<vmem>>
      %dma_start3A_605 = arith.constant 0 : i32
      %dma_start3A_606 = tpu.memref_slice %arg3[%squeeze3A_596, %dma_start3A_605] : memref<1000000x32xf32, #tpu.memory_space<hbm>> -> memref<1x32xf32, #tpu.memory_space<hbm>>
      tpu.enqueue_dma source(%dma_start3A_606 : memref<1x32xf32, #tpu.memory_space<hbm>>) target(%dma_start3A_604 : memref<1x32xf32, #tpu.memory_space<vmem>>) target_semaphore(%arg20 : memref<!tpu.dma_semaphore, #tpu.memory_space<semaphore_mem>>)
      %slice3A_607 = vector.extract_strided_slice %get3A_426 {offsets = [15], sizes = [1], strides = [1]} : vector<16xi32> to vector<1xi32>
      %squeeze3A_608 = vector.extract %slice3A_607[0] : i32 from vector<1xi32>
      %add3A_609 = arith.constant 15 : i32
      %add3A_610 = arith.addi %add3A_422, %add3A_609 : i32
      %dma_start3A_611 = arith.constant 0 : i32
      %dma_start3A_612 = tpu.memref_slice %arg15[%add3A_610, %dma_start3A_611] : memref<320x32xf32, #tpu.memory_space<vmem>> -> memref<1x32xf32, #tpu.memory_space<vmem>>
      %dma_start3A_613 = arith.constant 0 : i32
      %dma_start3A_614 = tpu.memref_slice %arg3[%squeeze3A_608, %dma_start3A_613] : memref<1000000x32xf32, #tpu.memory_space<hbm>> -> memref<1x32xf32, #tpu.memory_space<hbm>>
      %dma_start3A_615 = arith.constant 0 : i32
      %dma_start3A_616 = tpu.memref_slice %arg15[%add3A_610, %dma_start3A_615] : memref<320x32xf32, #tpu.memory_space<vmem>> -> memref<1x32xf32, #tpu.memory_space<vmem>>
      %dma_start3A_617 = arith.constant 0 : i32
      %dma_start3A_618 = tpu.memref_slice %arg3[%squeeze3A_608, %dma_start3A_617] : memref<1000000x32xf32, #tpu.memory_space<hbm>> -> memref<1x32xf32, #tpu.memory_space<hbm>>
      tpu.enqueue_dma source(%dma_start3A_618 : memref<1x32xf32, #tpu.memory_space<hbm>>) target(%dma_start3A_616 : memref<1x32xf32, #tpu.memory_space<vmem>>) target_semaphore(%arg20 : memref<!tpu.dma_semaphore, #tpu.memory_space<semaphore_mem>>)
    }
    %scan3A_412 = arith.constant 20 : i32
    %scan3A_413 = arith.constant 0 : i32
    %scan3A_414 = arith.constant 32 : i32
    %scan3A_415 = arith.addi %scan3A_413, %scan3A_414 : i32
    %scan3A_416 = arith.constant 1 : i32
    scf.for %scan3A_418 = %scan3A_413 to %scan3A_415 step %scan3A_416  : i32 {
      %mul3A_419 = arith.constant 1 : i32
      %mul3A_420 = arith.muli %scan3A_418, %mul3A_419 : i32
      %add3A_421 = arith.constant 0 : i32
      %add3A_422 = arith.addi %add3A_421, %mul3A_420 : i32
      %jit3A = arith.constant 2 : i32
      %eq3A = arith.constant 0 : i32
      %eq3A_423 = arith.cmpi eq, %jit3A, %eq3A : i32
      %jit3A_424 = arith.constant 1 : i32
      %select_n3A = arith.select %eq3A_423, %jit3A_424, %jit3A : i32
      %rem3A = arith.remsi %add3A_422, %select_n3A : i32
      %ne3A = arith.constant 0 : i32
      %ne3A_425 = arith.cmpi ne, %rem3A, %ne3A : i32
      %lt3A = arith.constant 0 : i32
      %lt3A_426 = arith.cmpi slt, %rem3A, %lt3A : i32
      %lt3A_427 = arith.constant 0 : i32
      %lt3A_428 = arith.cmpi slt, %select_n3A, %lt3A_427 : i32
      %ne3A_429 = arith.xori %lt3A_426, %lt3A_428 : i1
      %and3A = arith.andi %ne3A_429, %ne3A_425 : i1
      %add3A_430 = arith.addi %rem3A, %select_n3A : i32
      %select_n3A_431 = arith.select %and3A, %add3A_430, %rem3A : i32
      %eq3A_432 = arith.constant 0 : i32
      %eq3A_433 = arith.cmpi eq, %select_n3A_431, %eq3A_432 : i32
      %convert_element_type3A = arith.extui %eq3A_433 : i1 to i32
      %cond3A = arith.constant 0 : i32
      %cond3A_434 = arith.cmpi ne, %convert_element_type3A, %cond3A : i32
      scf.if %cond3A_434 {
        %add3A_456 = arith.constant 1 : i32
        %add3A_457 = arith.addi %add3A_422, %add3A_456 : i32
        %lt3A_458 = arith.constant 32 : i32
        %lt3A_459 = arith.cmpi slt, %add3A_457, %lt3A_458 : i32
        %convert_element_type3A_460 = arith.extui %lt3A_459 : i1 to i32
        %cond3A_461 = arith.constant 0 : i32
        %cond3A_462 = arith.cmpi ne, %convert_element_type3A_460, %cond3A_461 : i32
        scf.if %cond3A_462 {
          %add3A_798 = arith.constant 1 : i32
          %add3A_799 = arith.addi %add3A_422, %add3A_798 : i32
          %mul3A_800 = arith.constant 16 : i32
          %mul3A_801 = arith.muli %add3A_799, %mul3A_800 : i32
          %get3A_802 = arith.index_cast %mul3A_801 : i32 to index
          %get3A_803 = tpu.vector_load %arg8[%get3A_802] {strides = array<i32>} : memref<512xi32, #tpu.memory_space<vmem>>, vector<16xi32>,
          %mul3A_804 = arith.constant 16 : i32
          %mul3A_805 = arith.muli %add3A_799, %mul3A_804 : i32
          %get3A_806 = arith.index_cast %mul3A_805 : i32 to index
          %get3A_807 = tpu.vector_load %arg9[%get3A_806] {strides = array<i32>} : memref<512xi32, #tpu.memory_space<vmem>>, vector<16xi32>,
          %slice3A_808 = vector.extract_strided_slice %get3A_803 {offsets = [0], sizes = [1], strides = [1]} : vector<16xi32> to vector<1xi32>
          %squeeze3A_809 = vector.extract %slice3A_808[0] : i32 from vector<1xi32>
          %dma_start3A_810 = arith.constant 0 : i32
          %dma_start3A_811 = arith.constant 0 : i32
          %dma_start3A_812 = tpu.memref_slice %arg12[%dma_start3A_810, %dma_start3A_811] : memref<16x32xf32, #tpu.memory_space<vmem>> -> memref<1x32xf32, #tpu.memory_space<vmem>>
          %dma_start3A_813 = arith.constant 0 : i32
          %dma_start3A_814 = tpu.memref_slice %arg2[%squeeze3A_809, %dma_start3A_813] : memref<1000000x32xf32, #tpu.memory_space<hbm>> -> memref<1x32xf32, #tpu.memory_space<hbm>>
          %dma_start3A_815 = arith.constant 0 : i32
          %dma_start3A_816 = arith.constant 0 : i32
          %dma_start3A_817 = tpu.memref_slice %arg12[%dma_start3A_815, %dma_start3A_816] : memref<16x32xf32, #tpu.memory_space<vmem>> -> memref<1x32xf32, #tpu.memory_space<vmem>>
          %dma_start3A_818 = arith.constant 0 : i32
          %dma_start3A_819 = tpu.memref_slice %arg2[%squeeze3A_809, %dma_start3A_818] : memref<1000000x32xf32, #tpu.memory_space<hbm>> -> memref<1x32xf32, #tpu.memory_space<hbm>>
          tpu.enqueue_dma source(%dma_start3A_819 : memref<1x32xf32, #tpu.memory_space<hbm>>) target(%dma_start3A_817 : memref<1x32xf32, #tpu.memory_space<vmem>>) target_semaphore(%arg21 : memref<!tpu.dma_semaphore, #tpu.memory_space<semaphore_mem>>)
          %slice3A_820 = vector.extract_strided_slice %get3A_807 {offsets = [0], sizes = [1], strides = [1]} : vector<16xi32> to vector<1xi32>
          %squeeze3A_821 = vector.extract %slice3A_820[0] : i32 from vector<1xi32>
          %dma_start3A_822 = arith.constant 0 : i32
          %dma_start3A_823 = arith.constant 0 : i32
          %dma_start3A_824 = tpu.memref_slice %arg14[%dma_start3A_822, %dma_start3A_823] : memref<16x32xf32, #tpu.memory_space<vmem>> -> memref<1x32xf32, #tpu.memory_space<vmem>>
          %dma_start3A_825 = arith.constant 0 : i32
          %dma_start3A_826 = tpu.memref_slice %arg3[%squeeze3A_821, %dma_start3A_825] : memref<1000000x32xf32, #tpu.memory_space<hbm>> -> memref<1x32xf32, #tpu.memory_space<hbm>>
          %dma_start3A_827 = arith.constant 0 : i32
          %dma_start3A_828 = arith.constant 0 : i32
          %dma_start3A_829 = tpu.memref_slice %arg14[%dma_start3A_827, %dma_start3A_828] : memref<16x32xf32, #tpu.memory_space<vmem>> -> memref<1x32xf32, #tpu.memory_space<vmem>>
          %dma_start3A_830 = arith.constant 0 : i32
          %dma_start3A_831 = tpu.memref_slice %arg3[%squeeze3A_821, %dma_start3A_830] : memref<1000000x32xf32, #tpu.memory_space<hbm>> -> memref<1x32xf32, #tpu.memory_space<hbm>>
          tpu.enqueue_dma source(%dma_start3A_831 : memref<1x32xf32, #tpu.memory_space<hbm>>) target(%dma_start3A_829 : memref<1x32xf32, #tpu.memory_space<vmem>>) target_semaphore(%arg21 : memref<!tpu.dma_semaphore, #tpu.memory_space<semaphore_mem>>)
          %slice3A_832 = vector.extract_strided_slice %get3A_803 {offsets = [1], sizes = [1], strides = [1]} : vector<16xi32> to vector<1xi32>
          %squeeze3A_833 = vector.extract %slice3A_832[0] : i32 from vector<1xi32>
          %dma_start3A_834 = arith.constant 1 : i32
          %dma_start3A_835 = arith.constant 0 : i32
          %dma_start3A_836 = tpu.memref_slice %arg12[%dma_start3A_834, %dma_start3A_835] : memref<16x32xf32, #tpu.memory_space<vmem>> -> memref<1x32xf32, #tpu.memory_space<vmem>>
          %dma_start3A_837 = arith.constant 0 : i32
          %dma_start3A_838 = tpu.memref_slice %arg2[%squeeze3A_833, %dma_start3A_837] : memref<1000000x32xf32, #tpu.memory_space<hbm>> -> memref<1x32xf32, #tpu.memory_space<hbm>>
          %dma_start3A_839 = arith.constant 1 : i32
          %dma_start3A_840 = arith.constant 0 : i32
          %dma_start3A_841 = tpu.memref_slice %arg12[%dma_start3A_839, %dma_start3A_840] : memref<16x32xf32, #tpu.memory_space<vmem>> -> memref<1x32xf32, #tpu.memory_space<vmem>>
          %dma_start3A_842 = arith.constant 0 : i32
          %dma_start3A_843 = tpu.memref_slice %arg2[%squeeze3A_833, %dma_start3A_842] : memref<1000000x32xf32, #tpu.memory_space<hbm>> -> memref<1x32xf32, #tpu.memory_space<hbm>>
          tpu.enqueue_dma source(%dma_start3A_843 : memref<1x32xf32, #tpu.memory_space<hbm>>) target(%dma_start3A_841 : memref<1x32xf32, #tpu.memory_space<vmem>>) target_semaphore(%arg21 : memref<!tpu.dma_semaphore, #tpu.memory_space<semaphore_mem>>)
          %slice3A_844 = vector.extract_strided_slice %get3A_807 {offsets = [1], sizes = [1], strides = [1]} : vector<16xi32> to vector<1xi32>
          %squeeze3A_845 = vector.extract %slice3A_844[0] : i32 from vector<1xi32>
          %dma_start3A_846 = arith.constant 1 : i32
          %dma_start3A_847 = arith.constant 0 : i32
          %dma_start3A_848 = tpu.memref_slice %arg14[%dma_start3A_846, %dma_start3A_847] : memref<16x32xf32, #tpu.memory_space<vmem>> -> memref<1x32xf32, #tpu.memory_space<vmem>>
          %dma_start3A_849 = arith.constant 0 : i32
          %dma_start3A_850 = tpu.memref_slice %arg3[%squeeze3A_845, %dma_start3A_849] : memref<1000000x32xf32, #tpu.memory_space<hbm>> -> memref<1x32xf32, #tpu.memory_space<hbm>>
          %dma_start3A_851 = arith.constant 1 : i32
          %dma_start3A_852 = arith.constant 0 : i32
          %dma_start3A_853 = tpu.memref_slice %arg14[%dma_start3A_851, %dma_start3A_852] : memref<16x32xf32, #tpu.memory_space<vmem>> -> memref<1x32xf32, #tpu.memory_space<vmem>>
          %dma_start3A_854 = arith.constant 0 : i32
          %dma_start3A_855 = tpu.memref_slice %arg3[%squeeze3A_845, %dma_start3A_854] : memref<1000000x32xf32, #tpu.memory_space<hbm>> -> memref<1x32xf32, #tpu.memory_space<hbm>>
          tpu.enqueue_dma source(%dma_start3A_855 : memref<1x32xf32, #tpu.memory_space<hbm>>) target(%dma_start3A_853 : memref<1x32xf32, #tpu.memory_space<vmem>>) target_semaphore(%arg21 : memref<!tpu.dma_semaphore, #tpu.memory_space<semaphore_mem>>)
          %slice3A_856 = vector.extract_strided_slice %get3A_803 {offsets = [2], sizes = [1], strides = [1]} : vector<16xi32> to vector<1xi32>
          %squeeze3A_857 = vector.extract %slice3A_856[0] : i32 from vector<1xi32>
          %dma_start3A_858 = arith.constant 2 : i32
          %dma_start3A_859 = arith.constant 0 : i32
          %dma_start3A_860 = tpu.memref_slice %arg12[%dma_start3A_858, %dma_start3A_859] : memref<16x32xf32, #tpu.memory_space<vmem>> -> memref<1x32xf32, #tpu.memory_space<vmem>>
          %dma_start3A_861 = arith.constant 0 : i32
          %dma_start3A_862 = tpu.memref_slice %arg2[%squeeze3A_857, %dma_start3A_861] : memref<1000000x32xf32, #tpu.memory_space<hbm>> -> memref<1x32xf32, #tpu.memory_space<hbm>>
          %dma_start3A_863 = arith.constant 2 : i32
          %dma_start3A_864 = arith.constant 0 : i32
          %dma_start3A_865 = tpu.memref_slice %arg12[%dma_start3A_863, %dma_start3A_864] : memref<16x32xf32, #tpu.memory_space<vmem>> -> memref<1x32xf32, #tpu.memory_space<vmem>>
          %dma_start3A_866 = arith.constant 0 : i32
          %dma_start3A_867 = tpu.memref_slice %arg2[%squeeze3A_857, %dma_start3A_866] : memref<1000000x32xf32, #tpu.memory_space<hbm>> -> memref<1x32xf32, #tpu.memory_space<hbm>>
          tpu.enqueue_dma source(%dma_start3A_867 : memref<1x32xf32, #tpu.memory_space<hbm>>) target(%dma_start3A_865 : memref<1x32xf32, #tpu.memory_space<vmem>>) target_semaphore(%arg21 : memref<!tpu.dma_semaphore, #tpu.memory_space<semaphore_mem>>)
          %slice3A_868 = vector.extract_strided_slice %get3A_807 {offsets = [2], sizes = [1], strides = [1]} : vector<16xi32> to vector<1xi32>
          %squeeze3A_869 = vector.extract %slice3A_868[0] : i32 from vector<1xi32>
          %dma_start3A_870 = arith.constant 2 : i32
          %dma_start3A_871 = arith.constant 0 : i32
          %dma_start3A_872 = tpu.memref_slice %arg14[%dma_start3A_870, %dma_start3A_871] : memref<16x32xf32, #tpu.memory_space<vmem>> -> memref<1x32xf32, #tpu.memory_space<vmem>>
          %dma_start3A_873 = arith.constant 0 : i32
          %dma_start3A_874 = tpu.memref_slice %arg3[%squeeze3A_869, %dma_start3A_873] : memref<1000000x32xf32, #tpu.memory_space<hbm>> -> memref<1x32xf32, #tpu.memory_space<hbm>>
          %dma_start3A_875 = arith.constant 2 : i32
          %dma_start3A_876 = arith.constant 0 : i32
          %dma_start3A_877 = tpu.memref_slice %arg14[%dma_start3A_875, %dma_start3A_876] : memref<16x32xf32, #tpu.memory_space<vmem>> -> memref<1x32xf32, #tpu.memory_space<vmem>>
          %dma_start3A_878 = arith.constant 0 : i32
          %dma_start3A_879 = tpu.memref_slice %arg3[%squeeze3A_869, %dma_start3A_878] : memref<1000000x32xf32, #tpu.memory_space<hbm>> -> memref<1x32xf32, #tpu.memory_space<hbm>>
          tpu.enqueue_dma source(%dma_start3A_879 : memref<1x32xf32, #tpu.memory_space<hbm>>) target(%dma_start3A_877 : memref<1x32xf32, #tpu.memory_space<vmem>>) target_semaphore(%arg21 : memref<!tpu.dma_semaphore, #tpu.memory_space<semaphore_mem>>)
          %slice3A_880 = vector.extract_strided_slice %get3A_803 {offsets = [3], sizes = [1], strides = [1]} : vector<16xi32> to vector<1xi32>
          %squeeze3A_881 = vector.extract %slice3A_880[0] : i32 from vector<1xi32>
          %dma_start3A_882 = arith.constant 3 : i32
          %dma_start3A_883 = arith.constant 0 : i32
          %dma_start3A_884 = tpu.memref_slice %arg12[%dma_start3A_882, %dma_start3A_883] : memref<16x32xf32, #tpu.memory_space<vmem>> -> memref<1x32xf32, #tpu.memory_space<vmem>>
          %dma_start3A_885 = arith.constant 0 : i32
          %dma_start3A_886 = tpu.memref_slice %arg2[%squeeze3A_881, %dma_start3A_885] : memref<1000000x32xf32, #tpu.memory_space<hbm>> -> memref<1x32xf32, #tpu.memory_space<hbm>>
          %dma_start3A_887 = arith.constant 3 : i32
          %dma_start3A_888 = arith.constant 0 : i32
          %dma_start3A_889 = tpu.memref_slice %arg12[%dma_start3A_887, %dma_start3A_888] : memref<16x32xf32, #tpu.memory_space<vmem>> -> memref<1x32xf32, #tpu.memory_space<vmem>>
          %dma_start3A_890 = arith.constant 0 : i32
          %dma_start3A_891 = tpu.memref_slice %arg2[%squeeze3A_881, %dma_start3A_890] : memref<1000000x32xf32, #tpu.memory_space<hbm>> -> memref<1x32xf32, #tpu.memory_space<hbm>>
          tpu.enqueue_dma source(%dma_start3A_891 : memref<1x32xf32, #tpu.memory_space<hbm>>) target(%dma_start3A_889 : memref<1x32xf32, #tpu.memory_space<vmem>>) target_semaphore(%arg21 : memref<!tpu.dma_semaphore, #tpu.memory_space<semaphore_mem>>)
          %slice3A_892 = vector.extract_strided_slice %get3A_807 {offsets = [3], sizes = [1], strides = [1]} : vector<16xi32> to vector<1xi32>
          %squeeze3A_893 = vector.extract %slice3A_892[0] : i32 from vector<1xi32>
          %dma_start3A_894 = arith.constant 3 : i32
          %dma_start3A_895 = arith.constant 0 : i32
          %dma_start3A_896 = tpu.memref_slice %arg14[%dma_start3A_894, %dma_start3A_895] : memref<16x32xf32, #tpu.memory_space<vmem>> -> memref<1x32xf32, #tpu.memory_space<vmem>>
          %dma_start3A_897 = arith.constant 0 : i32
          %dma_start3A_898 = tpu.memref_slice %arg3[%squeeze3A_893, %dma_start3A_897] : memref<1000000x32xf32, #tpu.memory_space<hbm>> -> memref<1x32xf32, #tpu.memory_space<hbm>>
          %dma_start3A_899 = arith.constant 3 : i32
          %dma_start3A_900 = arith.constant 0 : i32
          %dma_start3A_901 = tpu.memref_slice %arg14[%dma_start3A_899, %dma_start3A_900] : memref<16x32xf32, #tpu.memory_space<vmem>> -> memref<1x32xf32, #tpu.memory_space<vmem>>
          %dma_start3A_902 = arith.constant 0 : i32
          %dma_start3A_903 = tpu.memref_slice %arg3[%squeeze3A_893, %dma_start3A_902] : memref<1000000x32xf32, #tpu.memory_space<hbm>> -> memref<1x32xf32, #tpu.memory_space<hbm>>
          tpu.enqueue_dma source(%dma_start3A_903 : memref<1x32xf32, #tpu.memory_space<hbm>>) target(%dma_start3A_901 : memref<1x32xf32, #tpu.memory_space<vmem>>) target_semaphore(%arg21 : memref<!tpu.dma_semaphore, #tpu.memory_space<semaphore_mem>>)
          %slice3A_904 = vector.extract_strided_slice %get3A_803 {offsets = [4], sizes = [1], strides = [1]} : vector<16xi32> to vector<1xi32>
          %squeeze3A_905 = vector.extract %slice3A_904[0] : i32 from vector<1xi32>
          %dma_start3A_906 = arith.constant 4 : i32
          %dma_start3A_907 = arith.constant 0 : i32
          %dma_start3A_908 = tpu.memref_slice %arg12[%dma_start3A_906, %dma_start3A_907] : memref<16x32xf32, #tpu.memory_space<vmem>> -> memref<1x32xf32, #tpu.memory_space<vmem>>
          %dma_start3A_909 = arith.constant 0 : i32
          %dma_start3A_910 = tpu.memref_slice %arg2[%squeeze3A_905, %dma_start3A_909] : memref<1000000x32xf32, #tpu.memory_space<hbm>> -> memref<1x32xf32, #tpu.memory_space<hbm>>
          %dma_start3A_911 = arith.constant 4 : i32
          %dma_start3A_912 = arith.constant 0 : i32
          %dma_start3A_913 = tpu.memref_slice %arg12[%dma_start3A_911, %dma_start3A_912] : memref<16x32xf32, #tpu.memory_space<vmem>> -> memref<1x32xf32, #tpu.memory_space<vmem>>
          %dma_start3A_914 = arith.constant 0 : i32
          %dma_start3A_915 = tpu.memref_slice %arg2[%squeeze3A_905, %dma_start3A_914] : memref<1000000x32xf32, #tpu.memory_space<hbm>> -> memref<1x32xf32, #tpu.memory_space<hbm>>
          tpu.enqueue_dma source(%dma_start3A_915 : memref<1x32xf32, #tpu.memory_space<hbm>>) target(%dma_start3A_913 : memref<1x32xf32, #tpu.memory_space<vmem>>) target_semaphore(%arg21 : memref<!tpu.dma_semaphore, #tpu.memory_space<semaphore_mem>>)
          %slice3A_916 = vector.extract_strided_slice %get3A_807 {offsets = [4], sizes = [1], strides = [1]} : vector<16xi32> to vector<1xi32>
          %squeeze3A_917 = vector.extract %slice3A_916[0] : i32 from vector<1xi32>
          %dma_start3A_918 = arith.constant 4 : i32
          %dma_start3A_919 = arith.constant 0 : i32
          %dma_start3A_920 = tpu.memref_slice %arg14[%dma_start3A_918, %dma_start3A_919] : memref<16x32xf32, #tpu.memory_space<vmem>> -> memref<1x32xf32, #tpu.memory_space<vmem>>
          %dma_start3A_921 = arith.constant 0 : i32
          %dma_start3A_922 = tpu.memref_slice %arg3[%squeeze3A_917, %dma_start3A_921] : memref<1000000x32xf32, #tpu.memory_space<hbm>> -> memref<1x32xf32, #tpu.memory_space<hbm>>
          %dma_start3A_923 = arith.constant 4 : i32
          %dma_start3A_924 = arith.constant 0 : i32
          %dma_start3A_925 = tpu.memref_slice %arg14[%dma_start3A_923, %dma_start3A_924] : memref<16x32xf32, #tpu.memory_space<vmem>> -> memref<1x32xf32, #tpu.memory_space<vmem>>
          %dma_start3A_926 = arith.constant 0 : i32
          %dma_start3A_927 = tpu.memref_slice %arg3[%squeeze3A_917, %dma_start3A_926] : memref<1000000x32xf32, #tpu.memory_space<hbm>> -> memref<1x32xf32, #tpu.memory_space<hbm>>
          tpu.enqueue_dma source(%dma_start3A_927 : memref<1x32xf32, #tpu.memory_space<hbm>>) target(%dma_start3A_925 : memref<1x32xf32, #tpu.memory_space<vmem>>) target_semaphore(%arg21 : memref<!tpu.dma_semaphore, #tpu.memory_space<semaphore_mem>>)
          %slice3A_928 = vector.extract_strided_slice %get3A_803 {offsets = [5], sizes = [1], strides = [1]} : vector<16xi32> to vector<1xi32>
          %squeeze3A_929 = vector.extract %slice3A_928[0] : i32 from vector<1xi32>
          %dma_start3A_930 = arith.constant 5 : i32
          %dma_start3A_931 = arith.constant 0 : i32
          %dma_start3A_932 = tpu.memref_slice %arg12[%dma_start3A_930, %dma_start3A_931] : memref<16x32xf32, #tpu.memory_space<vmem>> -> memref<1x32xf32, #tpu.memory_space<vmem>>
          %dma_start3A_933 = arith.constant 0 : i32
          %dma_start3A_934 = tpu.memref_slice %arg2[%squeeze3A_929, %dma_start3A_933] : memref<1000000x32xf32, #tpu.memory_space<hbm>> -> memref<1x32xf32, #tpu.memory_space<hbm>>
          %dma_start3A_935 = arith.constant 5 : i32
          %dma_start3A_936 = arith.constant 0 : i32
          %dma_start3A_937 = tpu.memref_slice %arg12[%dma_start3A_935, %dma_start3A_936] : memref<16x32xf32, #tpu.memory_space<vmem>> -> memref<1x32xf32, #tpu.memory_space<vmem>>
          %dma_start3A_938 = arith.constant 0 : i32
          %dma_start3A_939 = tpu.memref_slice %arg2[%squeeze3A_929, %dma_start3A_938] : memref<1000000x32xf32, #tpu.memory_space<hbm>> -> memref<1x32xf32, #tpu.memory_space<hbm>>
          tpu.enqueue_dma source(%dma_start3A_939 : memref<1x32xf32, #tpu.memory_space<hbm>>) target(%dma_start3A_937 : memref<1x32xf32, #tpu.memory_space<vmem>>) target_semaphore(%arg21 : memref<!tpu.dma_semaphore, #tpu.memory_space<semaphore_mem>>)
          %slice3A_940 = vector.extract_strided_slice %get3A_807 {offsets = [5], sizes = [1], strides = [1]} : vector<16xi32> to vector<1xi32>
          %squeeze3A_941 = vector.extract %slice3A_940[0] : i32 from vector<1xi32>
          %dma_start3A_942 = arith.constant 5 : i32
          %dma_start3A_943 = arith.constant 0 : i32
          %dma_start3A_944 = tpu.memref_slice %arg14[%dma_start3A_942, %dma_start3A_943] : memref<16x32xf32, #tpu.memory_space<vmem>> -> memref<1x32xf32, #tpu.memory_space<vmem>>
          %dma_start3A_945 = arith.constant 0 : i32
          %dma_start3A_946 = tpu.memref_slice %arg3[%squeeze3A_941, %dma_start3A_945] : memref<1000000x32xf32, #tpu.memory_space<hbm>> -> memref<1x32xf32, #tpu.memory_space<hbm>>
          %dma_start3A_947 = arith.constant 5 : i32
          %dma_start3A_948 = arith.constant 0 : i32
          %dma_start3A_949 = tpu.memref_slice %arg14[%dma_start3A_947, %dma_start3A_948] : memref<16x32xf32, #tpu.memory_space<vmem>> -> memref<1x32xf32, #tpu.memory_space<vmem>>
          %dma_start3A_950 = arith.constant 0 : i32
          %dma_start3A_951 = tpu.memref_slice %arg3[%squeeze3A_941, %dma_start3A_950] : memref<1000000x32xf32, #tpu.memory_space<hbm>> -> memref<1x32xf32, #tpu.memory_space<hbm>>
          tpu.enqueue_dma source(%dma_start3A_951 : memref<1x32xf32, #tpu.memory_space<hbm>>) target(%dma_start3A_949 : memref<1x32xf32, #tpu.memory_space<vmem>>) target_semaphore(%arg21 : memref<!tpu.dma_semaphore, #tpu.memory_space<semaphore_mem>>)
          %slice3A_952 = vector.extract_strided_slice %get3A_803 {offsets = [6], sizes = [1], strides = [1]} : vector<16xi32> to vector<1xi32>
          %squeeze3A_953 = vector.extract %slice3A_952[0] : i32 from vector<1xi32>
          %dma_start3A_954 = arith.constant 6 : i32
          %dma_start3A_955 = arith.constant 0 : i32
          %dma_start3A_956 = tpu.memref_slice %arg12[%dma_start3A_954, %dma_start3A_955] : memref<16x32xf32, #tpu.memory_space<vmem>> -> memref<1x32xf32, #tpu.memory_space<vmem>>
          %dma_start3A_957 = arith.constant 0 : i32
          %dma_start3A_958 = tpu.memref_slice %arg2[%squeeze3A_953, %dma_start3A_957] : memref<1000000x32xf32, #tpu.memory_space<hbm>> -> memref<1x32xf32, #tpu.memory_space<hbm>>
          %dma_start3A_959 = arith.constant 6 : i32
          %dma_start3A_960 = arith.constant 0 : i32
          %dma_start3A_961 = tpu.memref_slice %arg12[%dma_start3A_959, %dma_start3A_960] : memref<16x32xf32, #tpu.memory_space<vmem>> -> memref<1x32xf32, #tpu.memory_space<vmem>>
          %dma_start3A_962 = arith.constant 0 : i32
          %dma_start3A_963 = tpu.memref_slice %arg2[%squeeze3A_953, %dma_start3A_962] : memref<1000000x32xf32, #tpu.memory_space<hbm>> -> memref<1x32xf32, #tpu.memory_space<hbm>>
          tpu.enqueue_dma source(%dma_start3A_963 : memref<1x32xf32, #tpu.memory_space<hbm>>) target(%dma_start3A_961 : memref<1x32xf32, #tpu.memory_space<vmem>>) target_semaphore(%arg21 : memref<!tpu.dma_semaphore, #tpu.memory_space<semaphore_mem>>)
          %slice3A_964 = vector.extract_strided_slice %get3A_807 {offsets = [6], sizes = [1], strides = [1]} : vector<16xi32> to vector<1xi32>
          %squeeze3A_965 = vector.extract %slice3A_964[0] : i32 from vector<1xi32>
          %dma_start3A_966 = arith.constant 6 : i32
          %dma_start3A_967 = arith.constant 0 : i32
          %dma_start3A_968 = tpu.memref_slice %arg14[%dma_start3A_966, %dma_start3A_967] : memref<16x32xf32, #tpu.memory_space<vmem>> -> memref<1x32xf32, #tpu.memory_space<vmem>>
          %dma_start3A_969 = arith.constant 0 : i32
          %dma_start3A_970 = tpu.memref_slice %arg3[%squeeze3A_965, %dma_start3A_969] : memref<1000000x32xf32, #tpu.memory_space<hbm>> -> memref<1x32xf32, #tpu.memory_space<hbm>>
          %dma_start3A_971 = arith.constant 6 : i32
          %dma_start3A_972 = arith.constant 0 : i32
          %dma_start3A_973 = tpu.memref_slice %arg14[%dma_start3A_971, %dma_start3A_972] : memref<16x32xf32, #tpu.memory_space<vmem>> -> memref<1x32xf32, #tpu.memory_space<vmem>>
          %dma_start3A_974 = arith.constant 0 : i32
          %dma_start3A_975 = tpu.memref_slice %arg3[%squeeze3A_965, %dma_start3A_974] : memref<1000000x32xf32, #tpu.memory_space<hbm>> -> memref<1x32xf32, #tpu.memory_space<hbm>>
          tpu.enqueue_dma source(%dma_start3A_975 : memref<1x32xf32, #tpu.memory_space<hbm>>) target(%dma_start3A_973 : memref<1x32xf32, #tpu.memory_space<vmem>>) target_semaphore(%arg21 : memref<!tpu.dma_semaphore, #tpu.memory_space<semaphore_mem>>)
          %slice3A_976 = vector.extract_strided_slice %get3A_803 {offsets = [7], sizes = [1], strides = [1]} : vector<16xi32> to vector<1xi32>
          %squeeze3A_977 = vector.extract %slice3A_976[0] : i32 from vector<1xi32>
          %dma_start3A_978 = arith.constant 7 : i32
          %dma_start3A_979 = arith.constant 0 : i32
          %dma_start3A_980 = tpu.memref_slice %arg12[%dma_start3A_978, %dma_start3A_979] : memref<16x32xf32, #tpu.memory_space<vmem>> -> memref<1x32xf32, #tpu.memory_space<vmem>>
          %dma_start3A_981 = arith.constant 0 : i32
          %dma_start3A_982 = tpu.memref_slice %arg2[%squeeze3A_977, %dma_start3A_981] : memref<1000000x32xf32, #tpu.memory_space<hbm>> -> memref<1x32xf32, #tpu.memory_space<hbm>>
          %dma_start3A_983 = arith.constant 7 : i32
          %dma_start3A_984 = arith.constant 0 : i32
          %dma_start3A_985 = tpu.memref_slice %arg12[%dma_start3A_983, %dma_start3A_984] : memref<16x32xf32, #tpu.memory_space<vmem>> -> memref<1x32xf32, #tpu.memory_space<vmem>>
          %dma_start3A_986 = arith.constant 0 : i32
          %dma_start3A_987 = tpu.memref_slice %arg2[%squeeze3A_977, %dma_start3A_986] : memref<1000000x32xf32, #tpu.memory_space<hbm>> -> memref<1x32xf32, #tpu.memory_space<hbm>>
          tpu.enqueue_dma source(%dma_start3A_987 : memref<1x32xf32, #tpu.memory_space<hbm>>) target(%dma_start3A_985 : memref<1x32xf32, #tpu.memory_space<vmem>>) target_semaphore(%arg21 : memref<!tpu.dma_semaphore, #tpu.memory_space<semaphore_mem>>)
          %slice3A_988 = vector.extract_strided_slice %get3A_807 {offsets = [7], sizes = [1], strides = [1]} : vector<16xi32> to vector<1xi32>
          %squeeze3A_989 = vector.extract %slice3A_988[0] : i32 from vector<1xi32>
          %dma_start3A_990 = arith.constant 7 : i32
          %dma_start3A_991 = arith.constant 0 : i32
          %dma_start3A_992 = tpu.memref_slice %arg14[%dma_start3A_990, %dma_start3A_991] : memref<16x32xf32, #tpu.memory_space<vmem>> -> memref<1x32xf32, #tpu.memory_space<vmem>>
          %dma_start3A_993 = arith.constant 0 : i32
          %dma_start3A_994 = tpu.memref_slice %arg3[%squeeze3A_989, %dma_start3A_993] : memref<1000000x32xf32, #tpu.memory_space<hbm>> -> memref<1x32xf32, #tpu.memory_space<hbm>>
          %dma_start3A_995 = arith.constant 7 : i32
          %dma_start3A_996 = arith.constant 0 : i32
          %dma_start3A_997 = tpu.memref_slice %arg14[%dma_start3A_995, %dma_start3A_996] : memref<16x32xf32, #tpu.memory_space<vmem>> -> memref<1x32xf32, #tpu.memory_space<vmem>>
          %dma_start3A_998 = arith.constant 0 : i32
          %dma_start3A_999 = tpu.memref_slice %arg3[%squeeze3A_989, %dma_start3A_998] : memref<1000000x32xf32, #tpu.memory_space<hbm>> -> memref<1x32xf32, #tpu.memory_space<hbm>>
          tpu.enqueue_dma source(%dma_start3A_999 : memref<1x32xf32, #tpu.memory_space<hbm>>) target(%dma_start3A_997 : memref<1x32xf32, #tpu.memory_space<vmem>>) target_semaphore(%arg21 : memref<!tpu.dma_semaphore, #tpu.memory_space<semaphore_mem>>)
          %slice3A_1000 = vector.extract_strided_slice %get3A_803 {offsets = [8], sizes = [1], strides = [1]} : vector<16xi32> to vector<1xi32>
          %squeeze3A_1001 = vector.extract %slice3A_1000[0] : i32 from vector<1xi32>
          %dma_start3A_1002 = arith.constant 8 : i32
          %dma_start3A_1003 = arith.constant 0 : i32
          %dma_start3A_1004 = tpu.memref_slice %arg12[%dma_start3A_1002, %dma_start3A_1003] : memref<16x32xf32, #tpu.memory_space<vmem>> -> memref<1x32xf32, #tpu.memory_space<vmem>>
          %dma_start3A_1005 = arith.constant 0 : i32
          %dma_start3A_1006 = tpu.memref_slice %arg2[%squeeze3A_1001, %dma_start3A_1005] : memref<1000000x32xf32, #tpu.memory_space<hbm>> -> memref<1x32xf32, #tpu.memory_space<hbm>>
          %dma_start3A_1007 = arith.constant 8 : i32
          %dma_start3A_1008 = arith.constant 0 : i32
          %dma_start3A_1009 = tpu.memref_slice %arg12[%dma_start3A_1007, %dma_start3A_1008] : memref<16x32xf32, #tpu.memory_space<vmem>> -> memref<1x32xf32, #tpu.memory_space<vmem>>
          %dma_start3A_1010 = arith.constant 0 : i32
          %dma_start3A_1011 = tpu.memref_slice %arg2[%squeeze3A_1001, %dma_start3A_1010] : memref<1000000x32xf32, #tpu.memory_space<hbm>> -> memref<1x32xf32, #tpu.memory_space<hbm>>
          tpu.enqueue_dma source(%dma_start3A_1011 : memref<1x32xf32, #tpu.memory_space<hbm>>) target(%dma_start3A_1009 : memref<1x32xf32, #tpu.memory_space<vmem>>) target_semaphore(%arg21 : memref<!tpu.dma_semaphore, #tpu.memory_space<semaphore_mem>>)
          %slice3A_1012 = vector.extract_strided_slice %get3A_807 {offsets = [8], sizes = [1], strides = [1]} : vector<16xi32> to vector<1xi32>
          %squeeze3A_1013 = vector.extract %slice3A_1012[0] : i32 from vector<1xi32>
          %dma_start3A_1014 = arith.constant 8 : i32
          %dma_start3A_1015 = arith.constant 0 : i32
          %dma_start3A_1016 = tpu.memref_slice %arg14[%dma_start3A_1014, %dma_start3A_1015] : memref<16x32xf32, #tpu.memory_space<vmem>> -> memref<1x32xf32, #tpu.memory_space<vmem>>
          %dma_start3A_1017 = arith.constant 0 : i32
          %dma_start3A_1018 = tpu.memref_slice %arg3[%squeeze3A_1013, %dma_start3A_1017] : memref<1000000x32xf32, #tpu.memory_space<hbm>> -> memref<1x32xf32, #tpu.memory_space<hbm>>
          %dma_start3A_1019 = arith.constant 8 : i32
          %dma_start3A_1020 = arith.constant 0 : i32
          %dma_start3A_1021 = tpu.memref_slice %arg14[%dma_start3A_1019, %dma_start3A_1020] : memref<16x32xf32, #tpu.memory_space<vmem>> -> memref<1x32xf32, #tpu.memory_space<vmem>>
          %dma_start3A_1022 = arith.constant 0 : i32
          %dma_start3A_1023 = tpu.memref_slice %arg3[%squeeze3A_1013, %dma_start3A_1022] : memref<1000000x32xf32, #tpu.memory_space<hbm>> -> memref<1x32xf32, #tpu.memory_space<hbm>>
          tpu.enqueue_dma source(%dma_start3A_1023 : memref<1x32xf32, #tpu.memory_space<hbm>>) target(%dma_start3A_1021 : memref<1x32xf32, #tpu.memory_space<vmem>>) target_semaphore(%arg21 : memref<!tpu.dma_semaphore, #tpu.memory_space<semaphore_mem>>)
          %slice3A_1024 = vector.extract_strided_slice %get3A_803 {offsets = [9], sizes = [1], strides = [1]} : vector<16xi32> to vector<1xi32>
          %squeeze3A_1025 = vector.extract %slice3A_1024[0] : i32 from vector<1xi32>
          %dma_start3A_1026 = arith.constant 9 : i32
          %dma_start3A_1027 = arith.constant 0 : i32
          %dma_start3A_1028 = tpu.memref_slice %arg12[%dma_start3A_1026, %dma_start3A_1027] : memref<16x32xf32, #tpu.memory_space<vmem>> -> memref<1x32xf32, #tpu.memory_space<vmem>>
          %dma_start3A_1029 = arith.constant 0 : i32
          %dma_start3A_1030 = tpu.memref_slice %arg2[%squeeze3A_1025, %dma_start3A_1029] : memref<1000000x32xf32, #tpu.memory_space<hbm>> -> memref<1x32xf32, #tpu.memory_space<hbm>>
          %dma_start3A_1031 = arith.constant 9 : i32
          %dma_start3A_1032 = arith.constant 0 : i32
          %dma_start3A_1033 = tpu.memref_slice %arg12[%dma_start3A_1031, %dma_start3A_1032] : memref<16x32xf32, #tpu.memory_space<vmem>> -> memref<1x32xf32, #tpu.memory_space<vmem>>
          %dma_start3A_1034 = arith.constant 0 : i32
          %dma_start3A_1035 = tpu.memref_slice %arg2[%squeeze3A_1025, %dma_start3A_1034] : memref<1000000x32xf32, #tpu.memory_space<hbm>> -> memref<1x32xf32, #tpu.memory_space<hbm>>
          tpu.enqueue_dma source(%dma_start3A_1035 : memref<1x32xf32, #tpu.memory_space<hbm>>) target(%dma_start3A_1033 : memref<1x32xf32, #tpu.memory_space<vmem>>) target_semaphore(%arg21 : memref<!tpu.dma_semaphore, #tpu.memory_space<semaphore_mem>>)
          %slice3A_1036 = vector.extract_strided_slice %get3A_807 {offsets = [9], sizes = [1], strides = [1]} : vector<16xi32> to vector<1xi32>
          %squeeze3A_1037 = vector.extract %slice3A_1036[0] : i32 from vector<1xi32>
          %dma_start3A_1038 = arith.constant 9 : i32
          %dma_start3A_1039 = arith.constant 0 : i32
          %dma_start3A_1040 = tpu.memref_slice %arg14[%dma_start3A_1038, %dma_start3A_1039] : memref<16x32xf32, #tpu.memory_space<vmem>> -> memref<1x32xf32, #tpu.memory_space<vmem>>
          %dma_start3A_1041 = arith.constant 0 : i32
          %dma_start3A_1042 = tpu.memref_slice %arg3[%squeeze3A_1037, %dma_start3A_1041] : memref<1000000x32xf32, #tpu.memory_space<hbm>> -> memref<1x32xf32, #tpu.memory_space<hbm>>
          %dma_start3A_1043 = arith.constant 9 : i32
          %dma_start3A_1044 = arith.constant 0 : i32
          %dma_start3A_1045 = tpu.memref_slice %arg14[%dma_start3A_1043, %dma_start3A_1044] : memref<16x32xf32, #tpu.memory_space<vmem>> -> memref<1x32xf32, #tpu.memory_space<vmem>>
          %dma_start3A_1046 = arith.constant 0 : i32
          %dma_start3A_1047 = tpu.memref_slice %arg3[%squeeze3A_1037, %dma_start3A_1046] : memref<1000000x32xf32, #tpu.memory_space<hbm>> -> memref<1x32xf32, #tpu.memory_space<hbm>>
          tpu.enqueue_dma source(%dma_start3A_1047 : memref<1x32xf32, #tpu.memory_space<hbm>>) target(%dma_start3A_1045 : memref<1x32xf32, #tpu.memory_space<vmem>>) target_semaphore(%arg21 : memref<!tpu.dma_semaphore, #tpu.memory_space<semaphore_mem>>)
          %slice3A_1048 = vector.extract_strided_slice %get3A_803 {offsets = [10], sizes = [1], strides = [1]} : vector<16xi32> to vector<1xi32>
          %squeeze3A_1049 = vector.extract %slice3A_1048[0] : i32 from vector<1xi32>
          %dma_start3A_1050 = arith.constant 10 : i32
          %dma_start3A_1051 = arith.constant 0 : i32
          %dma_start3A_1052 = tpu.memref_slice %arg12[%dma_start3A_1050, %dma_start3A_1051] : memref<16x32xf32, #tpu.memory_space<vmem>> -> memref<1x32xf32, #tpu.memory_space<vmem>>
          %dma_start3A_1053 = arith.constant 0 : i32
          %dma_start3A_1054 = tpu.memref_slice %arg2[%squeeze3A_1049, %dma_start3A_1053] : memref<1000000x32xf32, #tpu.memory_space<hbm>> -> memref<1x32xf32, #tpu.memory_space<hbm>>
          %dma_start3A_1055 = arith.constant 10 : i32
          %dma_start3A_1056 = arith.constant 0 : i32
          %dma_start3A_1057 = tpu.memref_slice %arg12[%dma_start3A_1055, %dma_start3A_1056] : memref<16x32xf32, #tpu.memory_space<vmem>> -> memref<1x32xf32, #tpu.memory_space<vmem>>
          %dma_start3A_1058 = arith.constant 0 : i32
          %dma_start3A_1059 = tpu.memref_slice %arg2[%squeeze3A_1049, %dma_start3A_1058] : memref<1000000x32xf32, #tpu.memory_space<hbm>> -> memref<1x32xf32, #tpu.memory_space<hbm>>
          tpu.enqueue_dma source(%dma_start3A_1059 : memref<1x32xf32, #tpu.memory_space<hbm>>) target(%dma_start3A_1057 : memref<1x32xf32, #tpu.memory_space<vmem>>) target_semaphore(%arg21 : memref<!tpu.dma_semaphore, #tpu.memory_space<semaphore_mem>>)
          %slice3A_1060 = vector.extract_strided_slice %get3A_807 {offsets = [10], sizes = [1], strides = [1]} : vector<16xi32> to vector<1xi32>
          %squeeze3A_1061 = vector.extract %slice3A_1060[0] : i32 from vector<1xi32>
          %dma_start3A_1062 = arith.constant 10 : i32
          %dma_start3A_1063 = arith.constant 0 : i32
          %dma_start3A_1064 = tpu.memref_slice %arg14[%dma_start3A_1062, %dma_start3A_1063] : memref<16x32xf32, #tpu.memory_space<vmem>> -> memref<1x32xf32, #tpu.memory_space<vmem>>
          %dma_start3A_1065 = arith.constant 0 : i32
          %dma_start3A_1066 = tpu.memref_slice %arg3[%squeeze3A_1061, %dma_start3A_1065] : memref<1000000x32xf32, #tpu.memory_space<hbm>> -> memref<1x32xf32, #tpu.memory_space<hbm>>
          %dma_start3A_1067 = arith.constant 10 : i32
          %dma_start3A_1068 = arith.constant 0 : i32
          %dma_start3A_1069 = tpu.memref_slice %arg14[%dma_start3A_1067, %dma_start3A_1068] : memref<16x32xf32, #tpu.memory_space<vmem>> -> memref<1x32xf32, #tpu.memory_space<vmem>>
          %dma_start3A_1070 = arith.constant 0 : i32
          %dma_start3A_1071 = tpu.memref_slice %arg3[%squeeze3A_1061, %dma_start3A_1070] : memref<1000000x32xf32, #tpu.memory_space<hbm>> -> memref<1x32xf32, #tpu.memory_space<hbm>>
          tpu.enqueue_dma source(%dma_start3A_1071 : memref<1x32xf32, #tpu.memory_space<hbm>>) target(%dma_start3A_1069 : memref<1x32xf32, #tpu.memory_space<vmem>>) target_semaphore(%arg21 : memref<!tpu.dma_semaphore, #tpu.memory_space<semaphore_mem>>)
          %slice3A_1072 = vector.extract_strided_slice %get3A_803 {offsets = [11], sizes = [1], strides = [1]} : vector<16xi32> to vector<1xi32>
          %squeeze3A_1073 = vector.extract %slice3A_1072[0] : i32 from vector<1xi32>
          %dma_start3A_1074 = arith.constant 11 : i32
          %dma_start3A_1075 = arith.constant 0 : i32
          %dma_start3A_1076 = tpu.memref_slice %arg12[%dma_start3A_1074, %dma_start3A_1075] : memref<16x32xf32, #tpu.memory_space<vmem>> -> memref<1x32xf32, #tpu.memory_space<vmem>>
          %dma_start3A_1077 = arith.constant 0 : i32
          %dma_start3A_1078 = tpu.memref_slice %arg2[%squeeze3A_1073, %dma_start3A_1077] : memref<1000000x32xf32, #tpu.memory_space<hbm>> -> memref<1x32xf32, #tpu.memory_space<hbm>>
          %dma_start3A_1079 = arith.constant 11 : i32
          %dma_start3A_1080 = arith.constant 0 : i32
          %dma_start3A_1081 = tpu.memref_slice %arg12[%dma_start3A_1079, %dma_start3A_1080] : memref<16x32xf32, #tpu.memory_space<vmem>> -> memref<1x32xf32, #tpu.memory_space<vmem>>
          %dma_start3A_1082 = arith.constant 0 : i32
          %dma_start3A_1083 = tpu.memref_slice %arg2[%squeeze3A_1073, %dma_start3A_1082] : memref<1000000x32xf32, #tpu.memory_space<hbm>> -> memref<1x32xf32, #tpu.memory_space<hbm>>
          tpu.enqueue_dma source(%dma_start3A_1083 : memref<1x32xf32, #tpu.memory_space<hbm>>) target(%dma_start3A_1081 : memref<1x32xf32, #tpu.memory_space<vmem>>) target_semaphore(%arg21 : memref<!tpu.dma_semaphore, #tpu.memory_space<semaphore_mem>>)
          %slice3A_1084 = vector.extract_strided_slice %get3A_807 {offsets = [11], sizes = [1], strides = [1]} : vector<16xi32> to vector<1xi32>
          %squeeze3A_1085 = vector.extract %slice3A_1084[0] : i32 from vector<1xi32>
          %dma_start3A_1086 = arith.constant 11 : i32
          %dma_start3A_1087 = arith.constant 0 : i32
          %dma_start3A_1088 = tpu.memref_slice %arg14[%dma_start3A_1086, %dma_start3A_1087] : memref<16x32xf32, #tpu.memory_space<vmem>> -> memref<1x32xf32, #tpu.memory_space<vmem>>
          %dma_start3A_1089 = arith.constant 0 : i32
          %dma_start3A_1090 = tpu.memref_slice %arg3[%squeeze3A_1085, %dma_start3A_1089] : memref<1000000x32xf32, #tpu.memory_space<hbm>> -> memref<1x32xf32, #tpu.memory_space<hbm>>
          %dma_start3A_1091 = arith.constant 11 : i32
          %dma_start3A_1092 = arith.constant 0 : i32
          %dma_start3A_1093 = tpu.memref_slice %arg14[%dma_start3A_1091, %dma_start3A_1092] : memref<16x32xf32, #tpu.memory_space<vmem>> -> memref<1x32xf32, #tpu.memory_space<vmem>>
          %dma_start3A_1094 = arith.constant 0 : i32
          %dma_start3A_1095 = tpu.memref_slice %arg3[%squeeze3A_1085, %dma_start3A_1094] : memref<1000000x32xf32, #tpu.memory_space<hbm>> -> memref<1x32xf32, #tpu.memory_space<hbm>>
          tpu.enqueue_dma source(%dma_start3A_1095 : memref<1x32xf32, #tpu.memory_space<hbm>>) target(%dma_start3A_1093 : memref<1x32xf32, #tpu.memory_space<vmem>>) target_semaphore(%arg21 : memref<!tpu.dma_semaphore, #tpu.memory_space<semaphore_mem>>)
          %slice3A_1096 = vector.extract_strided_slice %get3A_803 {offsets = [12], sizes = [1], strides = [1]} : vector<16xi32> to vector<1xi32>
          %squeeze3A_1097 = vector.extract %slice3A_1096[0] : i32 from vector<1xi32>
          %dma_start3A_1098 = arith.constant 12 : i32
          %dma_start3A_1099 = arith.constant 0 : i32
          %dma_start3A_1100 = tpu.memref_slice %arg12[%dma_start3A_1098, %dma_start3A_1099] : memref<16x32xf32, #tpu.memory_space<vmem>> -> memref<1x32xf32, #tpu.memory_space<vmem>>
          %dma_start3A_1101 = arith.constant 0 : i32
          %dma_start3A_1102 = tpu.memref_slice %arg2[%squeeze3A_1097, %dma_start3A_1101] : memref<1000000x32xf32, #tpu.memory_space<hbm>> -> memref<1x32xf32, #tpu.memory_space<hbm>>
          %dma_start3A_1103 = arith.constant 12 : i32
          %dma_start3A_1104 = arith.constant 0 : i32
          %dma_start3A_1105 = tpu.memref_slice %arg12[%dma_start3A_1103, %dma_start3A_1104] : memref<16x32xf32, #tpu.memory_space<vmem>> -> memref<1x32xf32, #tpu.memory_space<vmem>>
          %dma_start3A_1106 = arith.constant 0 : i32
          %dma_start3A_1107 = tpu.memref_slice %arg2[%squeeze3A_1097, %dma_start3A_1106] : memref<1000000x32xf32, #tpu.memory_space<hbm>> -> memref<1x32xf32, #tpu.memory_space<hbm>>
          tpu.enqueue_dma source(%dma_start3A_1107 : memref<1x32xf32, #tpu.memory_space<hbm>>) target(%dma_start3A_1105 : memref<1x32xf32, #tpu.memory_space<vmem>>) target_semaphore(%arg21 : memref<!tpu.dma_semaphore, #tpu.memory_space<semaphore_mem>>)
          %slice3A_1108 = vector.extract_strided_slice %get3A_807 {offsets = [12], sizes = [1], strides = [1]} : vector<16xi32> to vector<1xi32>
          %squeeze3A_1109 = vector.extract %slice3A_1108[0] : i32 from vector<1xi32>
          %dma_start3A_1110 = arith.constant 12 : i32
          %dma_start3A_1111 = arith.constant 0 : i32
          %dma_start3A_1112 = tpu.memref_slice %arg14[%dma_start3A_1110, %dma_start3A_1111] : memref<16x32xf32, #tpu.memory_space<vmem>> -> memref<1x32xf32, #tpu.memory_space<vmem>>
          %dma_start3A_1113 = arith.constant 0 : i32
          %dma_start3A_1114 = tpu.memref_slice %arg3[%squeeze3A_1109, %dma_start3A_1113] : memref<1000000x32xf32, #tpu.memory_space<hbm>> -> memref<1x32xf32, #tpu.memory_space<hbm>>
          %dma_start3A_1115 = arith.constant 12 : i32
          %dma_start3A_1116 = arith.constant 0 : i32
          %dma_start3A_1117 = tpu.memref_slice %arg14[%dma_start3A_1115, %dma_start3A_1116] : memref<16x32xf32, #tpu.memory_space<vmem>> -> memref<1x32xf32, #tpu.memory_space<vmem>>
          %dma_start3A_1118 = arith.constant 0 : i32
          %dma_start3A_1119 = tpu.memref_slice %arg3[%squeeze3A_1109, %dma_start3A_1118] : memref<1000000x32xf32, #tpu.memory_space<hbm>> -> memref<1x32xf32, #tpu.memory_space<hbm>>
          tpu.enqueue_dma source(%dma_start3A_1119 : memref<1x32xf32, #tpu.memory_space<hbm>>) target(%dma_start3A_1117 : memref<1x32xf32, #tpu.memory_space<vmem>>) target_semaphore(%arg21 : memref<!tpu.dma_semaphore, #tpu.memory_space<semaphore_mem>>)
          %slice3A_1120 = vector.extract_strided_slice %get3A_803 {offsets = [13], sizes = [1], strides = [1]} : vector<16xi32> to vector<1xi32>
          %squeeze3A_1121 = vector.extract %slice3A_1120[0] : i32 from vector<1xi32>
          %dma_start3A_1122 = arith.constant 13 : i32
          %dma_start3A_1123 = arith.constant 0 : i32
          %dma_start3A_1124 = tpu.memref_slice %arg12[%dma_start3A_1122, %dma_start3A_1123] : memref<16x32xf32, #tpu.memory_space<vmem>> -> memref<1x32xf32, #tpu.memory_space<vmem>>
          %dma_start3A_1125 = arith.constant 0 : i32
          %dma_start3A_1126 = tpu.memref_slice %arg2[%squeeze3A_1121, %dma_start3A_1125] : memref<1000000x32xf32, #tpu.memory_space<hbm>> -> memref<1x32xf32, #tpu.memory_space<hbm>>
          %dma_start3A_1127 = arith.constant 13 : i32
          %dma_start3A_1128 = arith.constant 0 : i32
          %dma_start3A_1129 = tpu.memref_slice %arg12[%dma_start3A_1127, %dma_start3A_1128] : memref<16x32xf32, #tpu.memory_space<vmem>> -> memref<1x32xf32, #tpu.memory_space<vmem>>
          %dma_start3A_1130 = arith.constant 0 : i32
          %dma_start3A_1131 = tpu.memref_slice %arg2[%squeeze3A_1121, %dma_start3A_1130] : memref<1000000x32xf32, #tpu.memory_space<hbm>> -> memref<1x32xf32, #tpu.memory_space<hbm>>
          tpu.enqueue_dma source(%dma_start3A_1131 : memref<1x32xf32, #tpu.memory_space<hbm>>) target(%dma_start3A_1129 : memref<1x32xf32, #tpu.memory_space<vmem>>) target_semaphore(%arg21 : memref<!tpu.dma_semaphore, #tpu.memory_space<semaphore_mem>>)
          %slice3A_1132 = vector.extract_strided_slice %get3A_807 {offsets = [13], sizes = [1], strides = [1]} : vector<16xi32> to vector<1xi32>
          %squeeze3A_1133 = vector.extract %slice3A_1132[0] : i32 from vector<1xi32>
          %dma_start3A_1134 = arith.constant 13 : i32
          %dma_start3A_1135 = arith.constant 0 : i32
          %dma_start3A_1136 = tpu.memref_slice %arg14[%dma_start3A_1134, %dma_start3A_1135] : memref<16x32xf32, #tpu.memory_space<vmem>> -> memref<1x32xf32, #tpu.memory_space<vmem>>
          %dma_start3A_1137 = arith.constant 0 : i32
          %dma_start3A_1138 = tpu.memref_slice %arg3[%squeeze3A_1133, %dma_start3A_1137] : memref<1000000x32xf32, #tpu.memory_space<hbm>> -> memref<1x32xf32, #tpu.memory_space<hbm>>
          %dma_start3A_1139 = arith.constant 13 : i32
          %dma_start3A_1140 = arith.constant 0 : i32
          %dma_start3A_1141 = tpu.memref_slice %arg14[%dma_start3A_1139, %dma_start3A_1140] : memref<16x32xf32, #tpu.memory_space<vmem>> -> memref<1x32xf32, #tpu.memory_space<vmem>>
          %dma_start3A_1142 = arith.constant 0 : i32
          %dma_start3A_1143 = tpu.memref_slice %arg3[%squeeze3A_1133, %dma_start3A_1142] : memref<1000000x32xf32, #tpu.memory_space<hbm>> -> memref<1x32xf32, #tpu.memory_space<hbm>>
          tpu.enqueue_dma source(%dma_start3A_1143 : memref<1x32xf32, #tpu.memory_space<hbm>>) target(%dma_start3A_1141 : memref<1x32xf32, #tpu.memory_space<vmem>>) target_semaphore(%arg21 : memref<!tpu.dma_semaphore, #tpu.memory_space<semaphore_mem>>)
          %slice3A_1144 = vector.extract_strided_slice %get3A_803 {offsets = [14], sizes = [1], strides = [1]} : vector<16xi32> to vector<1xi32>
          %squeeze3A_1145 = vector.extract %slice3A_1144[0] : i32 from vector<1xi32>
          %dma_start3A_1146 = arith.constant 14 : i32
          %dma_start3A_1147 = arith.constant 0 : i32
          %dma_start3A_1148 = tpu.memref_slice %arg12[%dma_start3A_1146, %dma_start3A_1147] : memref<16x32xf32, #tpu.memory_space<vmem>> -> memref<1x32xf32, #tpu.memory_space<vmem>>
          %dma_start3A_1149 = arith.constant 0 : i32
          %dma_start3A_1150 = tpu.memref_slice %arg2[%squeeze3A_1145, %dma_start3A_1149] : memref<1000000x32xf32, #tpu.memory_space<hbm>> -> memref<1x32xf32, #tpu.memory_space<hbm>>
          %dma_start3A_1151 = arith.constant 14 : i32
          %dma_start3A_1152 = arith.constant 0 : i32
          %dma_start3A_1153 = tpu.memref_slice %arg12[%dma_start3A_1151, %dma_start3A_1152] : memref<16x32xf32, #tpu.memory_space<vmem>> -> memref<1x32xf32, #tpu.memory_space<vmem>>
          %dma_start3A_1154 = arith.constant 0 : i32
          %dma_start3A_1155 = tpu.memref_slice %arg2[%squeeze3A_1145, %dma_start3A_1154] : memref<1000000x32xf32, #tpu.memory_space<hbm>> -> memref<1x32xf32, #tpu.memory_space<hbm>>
          tpu.enqueue_dma source(%dma_start3A_1155 : memref<1x32xf32, #tpu.memory_space<hbm>>) target(%dma_start3A_1153 : memref<1x32xf32, #tpu.memory_space<vmem>>) target_semaphore(%arg21 : memref<!tpu.dma_semaphore, #tpu.memory_space<semaphore_mem>>)
          %slice3A_1156 = vector.extract_strided_slice %get3A_807 {offsets = [14], sizes = [1], strides = [1]} : vector<16xi32> to vector<1xi32>
          %squeeze3A_1157 = vector.extract %slice3A_1156[0] : i32 from vector<1xi32>
          %dma_start3A_1158 = arith.constant 14 : i32
          %dma_start3A_1159 = arith.constant 0 : i32
          %dma_start3A_1160 = tpu.memref_slice %arg14[%dma_start3A_1158, %dma_start3A_1159] : memref<16x32xf32, #tpu.memory_space<vmem>> -> memref<1x32xf32, #tpu.memory_space<vmem>>
          %dma_start3A_1161 = arith.constant 0 : i32
          %dma_start3A_1162 = tpu.memref_slice %arg3[%squeeze3A_1157, %dma_start3A_1161] : memref<1000000x32xf32, #tpu.memory_space<hbm>> -> memref<1x32xf32, #tpu.memory_space<hbm>>
          %dma_start3A_1163 = arith.constant 14 : i32
          %dma_start3A_1164 = arith.constant 0 : i32
          %dma_start3A_1165 = tpu.memref_slice %arg14[%dma_start3A_1163, %dma_start3A_1164] : memref<16x32xf32, #tpu.memory_space<vmem>> -> memref<1x32xf32, #tpu.memory_space<vmem>>
          %dma_start3A_1166 = arith.constant 0 : i32
          %dma_start3A_1167 = tpu.memref_slice %arg3[%squeeze3A_1157, %dma_start3A_1166] : memref<1000000x32xf32, #tpu.memory_space<hbm>> -> memref<1x32xf32, #tpu.memory_space<hbm>>
          tpu.enqueue_dma source(%dma_start3A_1167 : memref<1x32xf32, #tpu.memory_space<hbm>>) target(%dma_start3A_1165 : memref<1x32xf32, #tpu.memory_space<vmem>>) target_semaphore(%arg21 : memref<!tpu.dma_semaphore, #tpu.memory_space<semaphore_mem>>)
          %slice3A_1168 = vector.extract_strided_slice %get3A_803 {offsets = [15], sizes = [1], strides = [1]} : vector<16xi32> to vector<1xi32>
          %squeeze3A_1169 = vector.extract %slice3A_1168[0] : i32 from vector<1xi32>
          %dma_start3A_1170 = arith.constant 15 : i32
          %dma_start3A_1171 = arith.constant 0 : i32
          %dma_start3A_1172 = tpu.memref_slice %arg12[%dma_start3A_1170, %dma_start3A_1171] : memref<16x32xf32, #tpu.memory_space<vmem>> -> memref<1x32xf32, #tpu.memory_space<vmem>>
          %dma_start3A_1173 = arith.constant 0 : i32
          %dma_start3A_1174 = tpu.memref_slice %arg2[%squeeze3A_1169, %dma_start3A_1173] : memref<1000000x32xf32, #tpu.memory_space<hbm>> -> memref<1x32xf32, #tpu.memory_space<hbm>>
          %dma_start3A_1175 = arith.constant 15 : i32
          %dma_start3A_1176 = arith.constant 0 : i32
          %dma_start3A_1177 = tpu.memref_slice %arg12[%dma_start3A_1175, %dma_start3A_1176] : memref<16x32xf32, #tpu.memory_space<vmem>> -> memref<1x32xf32, #tpu.memory_space<vmem>>
          %dma_start3A_1178 = arith.constant 0 : i32
          %dma_start3A_1179 = tpu.memref_slice %arg2[%squeeze3A_1169, %dma_start3A_1178] : memref<1000000x32xf32, #tpu.memory_space<hbm>> -> memref<1x32xf32, #tpu.memory_space<hbm>>
          tpu.enqueue_dma source(%dma_start3A_1179 : memref<1x32xf32, #tpu.memory_space<hbm>>) target(%dma_start3A_1177 : memref<1x32xf32, #tpu.memory_space<vmem>>) target_semaphore(%arg21 : memref<!tpu.dma_semaphore, #tpu.memory_space<semaphore_mem>>)
          %slice3A_1180 = vector.extract_strided_slice %get3A_807 {offsets = [15], sizes = [1], strides = [1]} : vector<16xi32> to vector<1xi32>
          %squeeze3A_1181 = vector.extract %slice3A_1180[0] : i32 from vector<1xi32>
          %dma_start3A_1182 = arith.constant 15 : i32
          %dma_start3A_1183 = arith.constant 0 : i32
          %dma_start3A_1184 = tpu.memref_slice %arg14[%dma_start3A_1182, %dma_start3A_1183] : memref<16x32xf32, #tpu.memory_space<vmem>> -> memref<1x32xf32, #tpu.memory_space<vmem>>
          %dma_start3A_1185 = arith.constant 0 : i32
          %dma_start3A_1186 = tpu.memref_slice %arg3[%squeeze3A_1181, %dma_start3A_1185] : memref<1000000x32xf32, #tpu.memory_space<hbm>> -> memref<1x32xf32, #tpu.memory_space<hbm>>
          %dma_start3A_1187 = arith.constant 15 : i32
          %dma_start3A_1188 = arith.constant 0 : i32
          %dma_start3A_1189 = tpu.memref_slice %arg14[%dma_start3A_1187, %dma_start3A_1188] : memref<16x32xf32, #tpu.memory_space<vmem>> -> memref<1x32xf32, #tpu.memory_space<vmem>>
          %dma_start3A_1190 = arith.constant 0 : i32
          %dma_start3A_1191 = tpu.memref_slice %arg3[%squeeze3A_1181, %dma_start3A_1190] : memref<1000000x32xf32, #tpu.memory_space<hbm>> -> memref<1x32xf32, #tpu.memory_space<hbm>>
          tpu.enqueue_dma source(%dma_start3A_1191 : memref<1x32xf32, #tpu.memory_space<hbm>>) target(%dma_start3A_1189 : memref<1x32xf32, #tpu.memory_space<vmem>>) target_semaphore(%arg21 : memref<!tpu.dma_semaphore, #tpu.memory_space<semaphore_mem>>)
          %mul3A_1192 = arith.constant 320 : i32
          %mul3A_1193 = arith.muli %add3A_799, %mul3A_1192 : i32
          %scan3A_1194 = arith.constant 0 : i32
          %scan3A_1195 = arith.constant 20 : i32
          %scan3A_1196 = arith.addi %scan3A_1194, %scan3A_1195 : i32
          %scan3A_1197 = arith.constant 1 : i32
          scf.for %scan3A_1199 = %scan3A_1194 to %scan3A_1196 step %scan3A_1197  : i32 {
            %mul3A_1200 = arith.constant 16 : i32
            %mul3A_1201 = arith.muli %scan3A_1199, %mul3A_1200 : i32
            %add3A_1202 = arith.constant 0 : i32
            %add3A_1203 = arith.addi %add3A_1202, %mul3A_1201 : i32
            %add3A_1204 = arith.addi %mul3A_1193, %add3A_1203 : i32
            %get3A_1205 = arith.index_cast %add3A_1204 : i32 to index
            %get3A_1206 = tpu.vector_load %arg10[%get3A_1205] {strides = array<i32>} : memref<10240xi32, #tpu.memory_space<vmem>>, vector<16xi32>,
            %slice3A_1207 = vector.extract_strided_slice %get3A_1206 {offsets = [0], sizes = [1], strides = [1]} : vector<16xi32> to vector<1xi32>
            %squeeze3A_1208 = vector.extract %slice3A_1207[0] : i32 from vector<1xi32>
            %add3A_1209 = arith.constant 0 : i32
            %add3A_1210 = arith.addi %add3A_1203, %add3A_1209 : i32
            %dma_start3A_1211 = arith.constant 0 : i32
            %dma_start3A_1212 = tpu.memref_slice %arg16[%add3A_1210, %dma_start3A_1211] : memref<320x32xf32, #tpu.memory_space<vmem>> -> memref<1x32xf32, #tpu.memory_space<vmem>>
            %dma_start3A_1213 = arith.constant 0 : i32
            %dma_start3A_1214 = tpu.memref_slice %arg3[%squeeze3A_1208, %dma_start3A_1213] : memref<1000000x32xf32, #tpu.memory_space<hbm>> -> memref<1x32xf32, #tpu.memory_space<hbm>>
            %dma_start3A_1215 = arith.constant 0 : i32
            %dma_start3A_1216 = tpu.memref_slice %arg16[%add3A_1210, %dma_start3A_1215] : memref<320x32xf32, #tpu.memory_space<vmem>> -> memref<1x32xf32, #tpu.memory_space<vmem>>
            %dma_start3A_1217 = arith.constant 0 : i32
            %dma_start3A_1218 = tpu.memref_slice %arg3[%squeeze3A_1208, %dma_start3A_1217] : memref<1000000x32xf32, #tpu.memory_space<hbm>> -> memref<1x32xf32, #tpu.memory_space<hbm>>
            tpu.enqueue_dma source(%dma_start3A_1218 : memref<1x32xf32, #tpu.memory_space<hbm>>) target(%dma_start3A_1216 : memref<1x32xf32, #tpu.memory_space<vmem>>) target_semaphore(%arg21 : memref<!tpu.dma_semaphore, #tpu.memory_space<semaphore_mem>>)
            %slice3A_1219 = vector.extract_strided_slice %get3A_1206 {offsets = [1], sizes = [1], strides = [1]} : vector<16xi32> to vector<1xi32>
            %squeeze3A_1220 = vector.extract %slice3A_1219[0] : i32 from vector<1xi32>
            %add3A_1221 = arith.constant 1 : i32
            %add3A_1222 = arith.addi %add3A_1203, %add3A_1221 : i32
            %dma_start3A_1223 = arith.constant 0 : i32
            %dma_start3A_1224 = tpu.memref_slice %arg16[%add3A_1222, %dma_start3A_1223] : memref<320x32xf32, #tpu.memory_space<vmem>> -> memref<1x32xf32, #tpu.memory_space<vmem>>
            %dma_start3A_1225 = arith.constant 0 : i32
            %dma_start3A_1226 = tpu.memref_slice %arg3[%squeeze3A_1220, %dma_start3A_1225] : memref<1000000x32xf32, #tpu.memory_space<hbm>> -> memref<1x32xf32, #tpu.memory_space<hbm>>
            %dma_start3A_1227 = arith.constant 0 : i32
            %dma_start3A_1228 = tpu.memref_slice %arg16[%add3A_1222, %dma_start3A_1227] : memref<320x32xf32, #tpu.memory_space<vmem>> -> memref<1x32xf32, #tpu.memory_space<vmem>>
            %dma_start3A_1229 = arith.constant 0 : i32
            %dma_start3A_1230 = tpu.memref_slice %arg3[%squeeze3A_1220, %dma_start3A_1229] : memref<1000000x32xf32, #tpu.memory_space<hbm>> -> memref<1x32xf32, #tpu.memory_space<hbm>>
            tpu.enqueue_dma source(%dma_start3A_1230 : memref<1x32xf32, #tpu.memory_space<hbm>>) target(%dma_start3A_1228 : memref<1x32xf32, #tpu.memory_space<vmem>>) target_semaphore(%arg21 : memref<!tpu.dma_semaphore, #tpu.memory_space<semaphore_mem>>)
            %slice3A_1231 = vector.extract_strided_slice %get3A_1206 {offsets = [2], sizes = [1], strides = [1]} : vector<16xi32> to vector<1xi32>
            %squeeze3A_1232 = vector.extract %slice3A_1231[0] : i32 from vector<1xi32>
            %add3A_1233 = arith.constant 2 : i32
            %add3A_1234 = arith.addi %add3A_1203, %add3A_1233 : i32
            %dma_start3A_1235 = arith.constant 0 : i32
            %dma_start3A_1236 = tpu.memref_slice %arg16[%add3A_1234, %dma_start3A_1235] : memref<320x32xf32, #tpu.memory_space<vmem>> -> memref<1x32xf32, #tpu.memory_space<vmem>>
            %dma_start3A_1237 = arith.constant 0 : i32
            %dma_start3A_1238 = tpu.memref_slice %arg3[%squeeze3A_1232, %dma_start3A_1237] : memref<1000000x32xf32, #tpu.memory_space<hbm>> -> memref<1x32xf32, #tpu.memory_space<hbm>>
            %dma_start3A_1239 = arith.constant 0 : i32
            %dma_start3A_1240 = tpu.memref_slice %arg16[%add3A_1234, %dma_start3A_1239] : memref<320x32xf32, #tpu.memory_space<vmem>> -> memref<1x32xf32, #tpu.memory_space<vmem>>
            %dma_start3A_1241 = arith.constant 0 : i32
            %dma_start3A_1242 = tpu.memref_slice %arg3[%squeeze3A_1232, %dma_start3A_1241] : memref<1000000x32xf32, #tpu.memory_space<hbm>> -> memref<1x32xf32, #tpu.memory_space<hbm>>
            tpu.enqueue_dma source(%dma_start3A_1242 : memref<1x32xf32, #tpu.memory_space<hbm>>) target(%dma_start3A_1240 : memref<1x32xf32, #tpu.memory_space<vmem>>) target_semaphore(%arg21 : memref<!tpu.dma_semaphore, #tpu.memory_space<semaphore_mem>>)
            %slice3A_1243 = vector.extract_strided_slice %get3A_1206 {offsets = [3], sizes = [1], strides = [1]} : vector<16xi32> to vector<1xi32>
            %squeeze3A_1244 = vector.extract %slice3A_1243[0] : i32 from vector<1xi32>
            %add3A_1245 = arith.constant 3 : i32
            %add3A_1246 = arith.addi %add3A_1203, %add3A_1245 : i32
            %dma_start3A_1247 = arith.constant 0 : i32
            %dma_start3A_1248 = tpu.memref_slice %arg16[%add3A_1246, %dma_start3A_1247] : memref<320x32xf32, #tpu.memory_space<vmem>> -> memref<1x32xf32, #tpu.memory_space<vmem>>
            %dma_start3A_1249 = arith.constant 0 : i32
            %dma_start3A_1250 = tpu.memref_slice %arg3[%squeeze3A_1244, %dma_start3A_1249] : memref<1000000x32xf32, #tpu.memory_space<hbm>> -> memref<1x32xf32, #tpu.memory_space<hbm>>
            %dma_start3A_1251 = arith.constant 0 : i32
            %dma_start3A_1252 = tpu.memref_slice %arg16[%add3A_1246, %dma_start3A_1251] : memref<320x32xf32, #tpu.memory_space<vmem>> -> memref<1x32xf32, #tpu.memory_space<vmem>>
            %dma_start3A_1253 = arith.constant 0 : i32
            %dma_start3A_1254 = tpu.memref_slice %arg3[%squeeze3A_1244, %dma_start3A_1253] : memref<1000000x32xf32, #tpu.memory_space<hbm>> -> memref<1x32xf32, #tpu.memory_space<hbm>>
            tpu.enqueue_dma source(%dma_start3A_1254 : memref<1x32xf32, #tpu.memory_space<hbm>>) target(%dma_start3A_1252 : memref<1x32xf32, #tpu.memory_space<vmem>>) target_semaphore(%arg21 : memref<!tpu.dma_semaphore, #tpu.memory_space<semaphore_mem>>)
            %slice3A_1255 = vector.extract_strided_slice %get3A_1206 {offsets = [4], sizes = [1], strides = [1]} : vector<16xi32> to vector<1xi32>
            %squeeze3A_1256 = vector.extract %slice3A_1255[0] : i32 from vector<1xi32>
            %add3A_1257 = arith.constant 4 : i32
            %add3A_1258 = arith.addi %add3A_1203, %add3A_1257 : i32
            %dma_start3A_1259 = arith.constant 0 : i32
            %dma_start3A_1260 = tpu.memref_slice %arg16[%add3A_1258, %dma_start3A_1259] : memref<320x32xf32, #tpu.memory_space<vmem>> -> memref<1x32xf32, #tpu.memory_space<vmem>>
            %dma_start3A_1261 = arith.constant 0 : i32
            %dma_start3A_1262 = tpu.memref_slice %arg3[%squeeze3A_1256, %dma_start3A_1261] : memref<1000000x32xf32, #tpu.memory_space<hbm>> -> memref<1x32xf32, #tpu.memory_space<hbm>>
            %dma_start3A_1263 = arith.constant 0 : i32
            %dma_start3A_1264 = tpu.memref_slice %arg16[%add3A_1258, %dma_start3A_1263] : memref<320x32xf32, #tpu.memory_space<vmem>> -> memref<1x32xf32, #tpu.memory_space<vmem>>
            %dma_start3A_1265 = arith.constant 0 : i32
            %dma_start3A_1266 = tpu.memref_slice %arg3[%squeeze3A_1256, %dma_start3A_1265] : memref<1000000x32xf32, #tpu.memory_space<hbm>> -> memref<1x32xf32, #tpu.memory_space<hbm>>
            tpu.enqueue_dma source(%dma_start3A_1266 : memref<1x32xf32, #tpu.memory_space<hbm>>) target(%dma_start3A_1264 : memref<1x32xf32, #tpu.memory_space<vmem>>) target_semaphore(%arg21 : memref<!tpu.dma_semaphore, #tpu.memory_space<semaphore_mem>>)
            %slice3A_1267 = vector.extract_strided_slice %get3A_1206 {offsets = [5], sizes = [1], strides = [1]} : vector<16xi32> to vector<1xi32>
            %squeeze3A_1268 = vector.extract %slice3A_1267[0] : i32 from vector<1xi32>
            %add3A_1269 = arith.constant 5 : i32
            %add3A_1270 = arith.addi %add3A_1203, %add3A_1269 : i32
            %dma_start3A_1271 = arith.constant 0 : i32
            %dma_start3A_1272 = tpu.memref_slice %arg16[%add3A_1270, %dma_start3A_1271] : memref<320x32xf32, #tpu.memory_space<vmem>> -> memref<1x32xf32, #tpu.memory_space<vmem>>
            %dma_start3A_1273 = arith.constant 0 : i32
            %dma_start3A_1274 = tpu.memref_slice %arg3[%squeeze3A_1268, %dma_start3A_1273] : memref<1000000x32xf32, #tpu.memory_space<hbm>> -> memref<1x32xf32, #tpu.memory_space<hbm>>
            %dma_start3A_1275 = arith.constant 0 : i32
            %dma_start3A_1276 = tpu.memref_slice %arg16[%add3A_1270, %dma_start3A_1275] : memref<320x32xf32, #tpu.memory_space<vmem>> -> memref<1x32xf32, #tpu.memory_space<vmem>>
            %dma_start3A_1277 = arith.constant 0 : i32
            %dma_start3A_1278 = tpu.memref_slice %arg3[%squeeze3A_1268, %dma_start3A_1277] : memref<1000000x32xf32, #tpu.memory_space<hbm>> -> memref<1x32xf32, #tpu.memory_space<hbm>>
            tpu.enqueue_dma source(%dma_start3A_1278 : memref<1x32xf32, #tpu.memory_space<hbm>>) target(%dma_start3A_1276 : memref<1x32xf32, #tpu.memory_space<vmem>>) target_semaphore(%arg21 : memref<!tpu.dma_semaphore, #tpu.memory_space<semaphore_mem>>)
            %slice3A_1279 = vector.extract_strided_slice %get3A_1206 {offsets = [6], sizes = [1], strides = [1]} : vector<16xi32> to vector<1xi32>
            %squeeze3A_1280 = vector.extract %slice3A_1279[0] : i32 from vector<1xi32>
            %add3A_1281 = arith.constant 6 : i32
            %add3A_1282 = arith.addi %add3A_1203, %add3A_1281 : i32
            %dma_start3A_1283 = arith.constant 0 : i32
            %dma_start3A_1284 = tpu.memref_slice %arg16[%add3A_1282, %dma_start3A_1283] : memref<320x32xf32, #tpu.memory_space<vmem>> -> memref<1x32xf32, #tpu.memory_space<vmem>>
            %dma_start3A_1285 = arith.constant 0 : i32
            %dma_start3A_1286 = tpu.memref_slice %arg3[%squeeze3A_1280, %dma_start3A_1285] : memref<1000000x32xf32, #tpu.memory_space<hbm>> -> memref<1x32xf32, #tpu.memory_space<hbm>>
            %dma_start3A_1287 = arith.constant 0 : i32
            %dma_start3A_1288 = tpu.memref_slice %arg16[%add3A_1282, %dma_start3A_1287] : memref<320x32xf32, #tpu.memory_space<vmem>> -> memref<1x32xf32, #tpu.memory_space<vmem>>
            %dma_start3A_1289 = arith.constant 0 : i32
            %dma_start3A_1290 = tpu.memref_slice %arg3[%squeeze3A_1280, %dma_start3A_1289] : memref<1000000x32xf32, #tpu.memory_space<hbm>> -> memref<1x32xf32, #tpu.memory_space<hbm>>
            tpu.enqueue_dma source(%dma_start3A_1290 : memref<1x32xf32, #tpu.memory_space<hbm>>) target(%dma_start3A_1288 : memref<1x32xf32, #tpu.memory_space<vmem>>) target_semaphore(%arg21 : memref<!tpu.dma_semaphore, #tpu.memory_space<semaphore_mem>>)
            %slice3A_1291 = vector.extract_strided_slice %get3A_1206 {offsets = [7], sizes = [1], strides = [1]} : vector<16xi32> to vector<1xi32>
            %squeeze3A_1292 = vector.extract %slice3A_1291[0] : i32 from vector<1xi32>
            %add3A_1293 = arith.constant 7 : i32
            %add3A_1294 = arith.addi %add3A_1203, %add3A_1293 : i32
            %dma_start3A_1295 = arith.constant 0 : i32
            %dma_start3A_1296 = tpu.memref_slice %arg16[%add3A_1294, %dma_start3A_1295] : memref<320x32xf32, #tpu.memory_space<vmem>> -> memref<1x32xf32, #tpu.memory_space<vmem>>
            %dma_start3A_1297 = arith.constant 0 : i32
            %dma_start3A_1298 = tpu.memref_slice %arg3[%squeeze3A_1292, %dma_start3A_1297] : memref<1000000x32xf32, #tpu.memory_space<hbm>> -> memref<1x32xf32, #tpu.memory_space<hbm>>
            %dma_start3A_1299 = arith.constant 0 : i32
            %dma_start3A_1300 = tpu.memref_slice %arg16[%add3A_1294, %dma_start3A_1299] : memref<320x32xf32, #tpu.memory_space<vmem>> -> memref<1x32xf32, #tpu.memory_space<vmem>>
            %dma_start3A_1301 = arith.constant 0 : i32
            %dma_start3A_1302 = tpu.memref_slice %arg3[%squeeze3A_1292, %dma_start3A_1301] : memref<1000000x32xf32, #tpu.memory_space<hbm>> -> memref<1x32xf32, #tpu.memory_space<hbm>>
            tpu.enqueue_dma source(%dma_start3A_1302 : memref<1x32xf32, #tpu.memory_space<hbm>>) target(%dma_start3A_1300 : memref<1x32xf32, #tpu.memory_space<vmem>>) target_semaphore(%arg21 : memref<!tpu.dma_semaphore, #tpu.memory_space<semaphore_mem>>)
            %slice3A_1303 = vector.extract_strided_slice %get3A_1206 {offsets = [8], sizes = [1], strides = [1]} : vector<16xi32> to vector<1xi32>
            %squeeze3A_1304 = vector.extract %slice3A_1303[0] : i32 from vector<1xi32>
            %add3A_1305 = arith.constant 8 : i32
            %add3A_1306 = arith.addi %add3A_1203, %add3A_1305 : i32
            %dma_start3A_1307 = arith.constant 0 : i32
            %dma_start3A_1308 = tpu.memref_slice %arg16[%add3A_1306, %dma_start3A_1307] : memref<320x32xf32, #tpu.memory_space<vmem>> -> memref<1x32xf32, #tpu.memory_space<vmem>>
            %dma_start3A_1309 = arith.constant 0 : i32
            %dma_start3A_1310 = tpu.memref_slice %arg3[%squeeze3A_1304, %dma_start3A_1309] : memref<1000000x32xf32, #tpu.memory_space<hbm>> -> memref<1x32xf32, #tpu.memory_space<hbm>>
            %dma_start3A_1311 = arith.constant 0 : i32
            %dma_start3A_1312 = tpu.memref_slice %arg16[%add3A_1306, %dma_start3A_1311] : memref<320x32xf32, #tpu.memory_space<vmem>> -> memref<1x32xf32, #tpu.memory_space<vmem>>
            %dma_start3A_1313 = arith.constant 0 : i32
            %dma_start3A_1314 = tpu.memref_slice %arg3[%squeeze3A_1304, %dma_start3A_1313] : memref<1000000x32xf32, #tpu.memory_space<hbm>> -> memref<1x32xf32, #tpu.memory_space<hbm>>
            tpu.enqueue_dma source(%dma_start3A_1314 : memref<1x32xf32, #tpu.memory_space<hbm>>) target(%dma_start3A_1312 : memref<1x32xf32, #tpu.memory_space<vmem>>) target_semaphore(%arg21 : memref<!tpu.dma_semaphore, #tpu.memory_space<semaphore_mem>>)
            %slice3A_1315 = vector.extract_strided_slice %get3A_1206 {offsets = [9], sizes = [1], strides = [1]} : vector<16xi32> to vector<1xi32>
            %squeeze3A_1316 = vector.extract %slice3A_1315[0] : i32 from vector<1xi32>
            %add3A_1317 = arith.constant 9 : i32
            %add3A_1318 = arith.addi %add3A_1203, %add3A_1317 : i32
            %dma_start3A_1319 = arith.constant 0 : i32
            %dma_start3A_1320 = tpu.memref_slice %arg16[%add3A_1318, %dma_start3A_1319] : memref<320x32xf32, #tpu.memory_space<vmem>> -> memref<1x32xf32, #tpu.memory_space<vmem>>
            %dma_start3A_1321 = arith.constant 0 : i32
            %dma_start3A_1322 = tpu.memref_slice %arg3[%squeeze3A_1316, %dma_start3A_1321] : memref<1000000x32xf32, #tpu.memory_space<hbm>> -> memref<1x32xf32, #tpu.memory_space<hbm>>
            %dma_start3A_1323 = arith.constant 0 : i32
            %dma_start3A_1324 = tpu.memref_slice %arg16[%add3A_1318, %dma_start3A_1323] : memref<320x32xf32, #tpu.memory_space<vmem>> -> memref<1x32xf32, #tpu.memory_space<vmem>>
            %dma_start3A_1325 = arith.constant 0 : i32
            %dma_start3A_1326 = tpu.memref_slice %arg3[%squeeze3A_1316, %dma_start3A_1325] : memref<1000000x32xf32, #tpu.memory_space<hbm>> -> memref<1x32xf32, #tpu.memory_space<hbm>>
            tpu.enqueue_dma source(%dma_start3A_1326 : memref<1x32xf32, #tpu.memory_space<hbm>>) target(%dma_start3A_1324 : memref<1x32xf32, #tpu.memory_space<vmem>>) target_semaphore(%arg21 : memref<!tpu.dma_semaphore, #tpu.memory_space<semaphore_mem>>)
            %slice3A_1327 = vector.extract_strided_slice %get3A_1206 {offsets = [10], sizes = [1], strides = [1]} : vector<16xi32> to vector<1xi32>
            %squeeze3A_1328 = vector.extract %slice3A_1327[0] : i32 from vector<1xi32>
            %add3A_1329 = arith.constant 10 : i32
            %add3A_1330 = arith.addi %add3A_1203, %add3A_1329 : i32
            %dma_start3A_1331 = arith.constant 0 : i32
            %dma_start3A_1332 = tpu.memref_slice %arg16[%add3A_1330, %dma_start3A_1331] : memref<320x32xf32, #tpu.memory_space<vmem>> -> memref<1x32xf32, #tpu.memory_space<vmem>>
            %dma_start3A_1333 = arith.constant 0 : i32
            %dma_start3A_1334 = tpu.memref_slice %arg3[%squeeze3A_1328, %dma_start3A_1333] : memref<1000000x32xf32, #tpu.memory_space<hbm>> -> memref<1x32xf32, #tpu.memory_space<hbm>>
            %dma_start3A_1335 = arith.constant 0 : i32
            %dma_start3A_1336 = tpu.memref_slice %arg16[%add3A_1330, %dma_start3A_1335] : memref<320x32xf32, #tpu.memory_space<vmem>> -> memref<1x32xf32, #tpu.memory_space<vmem>>
            %dma_start3A_1337 = arith.constant 0 : i32
            %dma_start3A_1338 = tpu.memref_slice %arg3[%squeeze3A_1328, %dma_start3A_1337] : memref<1000000x32xf32, #tpu.memory_space<hbm>> -> memref<1x32xf32, #tpu.memory_space<hbm>>
            tpu.enqueue_dma source(%dma_start3A_1338 : memref<1x32xf32, #tpu.memory_space<hbm>>) target(%dma_start3A_1336 : memref<1x32xf32, #tpu.memory_space<vmem>>) target_semaphore(%arg21 : memref<!tpu.dma_semaphore, #tpu.memory_space<semaphore_mem>>)
            %slice3A_1339 = vector.extract_strided_slice %get3A_1206 {offsets = [11], sizes = [1], strides = [1]} : vector<16xi32> to vector<1xi32>
            %squeeze3A_1340 = vector.extract %slice3A_1339[0] : i32 from vector<1xi32>
            %add3A_1341 = arith.constant 11 : i32
            %add3A_1342 = arith.addi %add3A_1203, %add3A_1341 : i32
            %dma_start3A_1343 = arith.constant 0 : i32
            %dma_start3A_1344 = tpu.memref_slice %arg16[%add3A_1342, %dma_start3A_1343] : memref<320x32xf32, #tpu.memory_space<vmem>> -> memref<1x32xf32, #tpu.memory_space<vmem>>
            %dma_start3A_1345 = arith.constant 0 : i32
            %dma_start3A_1346 = tpu.memref_slice %arg3[%squeeze3A_1340, %dma_start3A_1345] : memref<1000000x32xf32, #tpu.memory_space<hbm>> -> memref<1x32xf32, #tpu.memory_space<hbm>>
            %dma_start3A_1347 = arith.constant 0 : i32
            %dma_start3A_1348 = tpu.memref_slice %arg16[%add3A_1342, %dma_start3A_1347] : memref<320x32xf32, #tpu.memory_space<vmem>> -> memref<1x32xf32, #tpu.memory_space<vmem>>
            %dma_start3A_1349 = arith.constant 0 : i32
            %dma_start3A_1350 = tpu.memref_slice %arg3[%squeeze3A_1340, %dma_start3A_1349] : memref<1000000x32xf32, #tpu.memory_space<hbm>> -> memref<1x32xf32, #tpu.memory_space<hbm>>
            tpu.enqueue_dma source(%dma_start3A_1350 : memref<1x32xf32, #tpu.memory_space<hbm>>) target(%dma_start3A_1348 : memref<1x32xf32, #tpu.memory_space<vmem>>) target_semaphore(%arg21 : memref<!tpu.dma_semaphore, #tpu.memory_space<semaphore_mem>>)
            %slice3A_1351 = vector.extract_strided_slice %get3A_1206 {offsets = [12], sizes = [1], strides = [1]} : vector<16xi32> to vector<1xi32>
            %squeeze3A_1352 = vector.extract %slice3A_1351[0] : i32 from vector<1xi32>
            %add3A_1353 = arith.constant 12 : i32
            %add3A_1354 = arith.addi %add3A_1203, %add3A_1353 : i32
            %dma_start3A_1355 = arith.constant 0 : i32
            %dma_start3A_1356 = tpu.memref_slice %arg16[%add3A_1354, %dma_start3A_1355] : memref<320x32xf32, #tpu.memory_space<vmem>> -> memref<1x32xf32, #tpu.memory_space<vmem>>
            %dma_start3A_1357 = arith.constant 0 : i32
            %dma_start3A_1358 = tpu.memref_slice %arg3[%squeeze3A_1352, %dma_start3A_1357] : memref<1000000x32xf32, #tpu.memory_space<hbm>> -> memref<1x32xf32, #tpu.memory_space<hbm>>
            %dma_start3A_1359 = arith.constant 0 : i32
            %dma_start3A_1360 = tpu.memref_slice %arg16[%add3A_1354, %dma_start3A_1359] : memref<320x32xf32, #tpu.memory_space<vmem>> -> memref<1x32xf32, #tpu.memory_space<vmem>>
            %dma_start3A_1361 = arith.constant 0 : i32
            %dma_start3A_1362 = tpu.memref_slice %arg3[%squeeze3A_1352, %dma_start3A_1361] : memref<1000000x32xf32, #tpu.memory_space<hbm>> -> memref<1x32xf32, #tpu.memory_space<hbm>>
            tpu.enqueue_dma source(%dma_start3A_1362 : memref<1x32xf32, #tpu.memory_space<hbm>>) target(%dma_start3A_1360 : memref<1x32xf32, #tpu.memory_space<vmem>>) target_semaphore(%arg21 : memref<!tpu.dma_semaphore, #tpu.memory_space<semaphore_mem>>)
            %slice3A_1363 = vector.extract_strided_slice %get3A_1206 {offsets = [13], sizes = [1], strides = [1]} : vector<16xi32> to vector<1xi32>
            %squeeze3A_1364 = vector.extract %slice3A_1363[0] : i32 from vector<1xi32>
            %add3A_1365 = arith.constant 13 : i32
            %add3A_1366 = arith.addi %add3A_1203, %add3A_1365 : i32
            %dma_start3A_1367 = arith.constant 0 : i32
            %dma_start3A_1368 = tpu.memref_slice %arg16[%add3A_1366, %dma_start3A_1367] : memref<320x32xf32, #tpu.memory_space<vmem>> -> memref<1x32xf32, #tpu.memory_space<vmem>>
            %dma_start3A_1369 = arith.constant 0 : i32
            %dma_start3A_1370 = tpu.memref_slice %arg3[%squeeze3A_1364, %dma_start3A_1369] : memref<1000000x32xf32, #tpu.memory_space<hbm>> -> memref<1x32xf32, #tpu.memory_space<hbm>>
            %dma_start3A_1371 = arith.constant 0 : i32
            %dma_start3A_1372 = tpu.memref_slice %arg16[%add3A_1366, %dma_start3A_1371] : memref<320x32xf32, #tpu.memory_space<vmem>> -> memref<1x32xf32, #tpu.memory_space<vmem>>
            %dma_start3A_1373 = arith.constant 0 : i32
            %dma_start3A_1374 = tpu.memref_slice %arg3[%squeeze3A_1364, %dma_start3A_1373] : memref<1000000x32xf32, #tpu.memory_space<hbm>> -> memref<1x32xf32, #tpu.memory_space<hbm>>
            tpu.enqueue_dma source(%dma_start3A_1374 : memref<1x32xf32, #tpu.memory_space<hbm>>) target(%dma_start3A_1372 : memref<1x32xf32, #tpu.memory_space<vmem>>) target_semaphore(%arg21 : memref<!tpu.dma_semaphore, #tpu.memory_space<semaphore_mem>>)
            %slice3A_1375 = vector.extract_strided_slice %get3A_1206 {offsets = [14], sizes = [1], strides = [1]} : vector<16xi32> to vector<1xi32>
            %squeeze3A_1376 = vector.extract %slice3A_1375[0] : i32 from vector<1xi32>
            %add3A_1377 = arith.constant 14 : i32
            %add3A_1378 = arith.addi %add3A_1203, %add3A_1377 : i32
            %dma_start3A_1379 = arith.constant 0 : i32
            %dma_start3A_1380 = tpu.memref_slice %arg16[%add3A_1378, %dma_start3A_1379] : memref<320x32xf32, #tpu.memory_space<vmem>> -> memref<1x32xf32, #tpu.memory_space<vmem>>
            %dma_start3A_1381 = arith.constant 0 : i32
            %dma_start3A_1382 = tpu.memref_slice %arg3[%squeeze3A_1376, %dma_start3A_1381] : memref<1000000x32xf32, #tpu.memory_space<hbm>> -> memref<1x32xf32, #tpu.memory_space<hbm>>
            %dma_start3A_1383 = arith.constant 0 : i32
            %dma_start3A_1384 = tpu.memref_slice %arg16[%add3A_1378, %dma_start3A_1383] : memref<320x32xf32, #tpu.memory_space<vmem>> -> memref<1x32xf32, #tpu.memory_space<vmem>>
            %dma_start3A_1385 = arith.constant 0 : i32
            %dma_start3A_1386 = tpu.memref_slice %arg3[%squeeze3A_1376, %dma_start3A_1385] : memref<1000000x32xf32, #tpu.memory_space<hbm>> -> memref<1x32xf32, #tpu.memory_space<hbm>>
            tpu.enqueue_dma source(%dma_start3A_1386 : memref<1x32xf32, #tpu.memory_space<hbm>>) target(%dma_start3A_1384 : memref<1x32xf32, #tpu.memory_space<vmem>>) target_semaphore(%arg21 : memref<!tpu.dma_semaphore, #tpu.memory_space<semaphore_mem>>)
            %slice3A_1387 = vector.extract_strided_slice %get3A_1206 {offsets = [15], sizes = [1], strides = [1]} : vector<16xi32> to vector<1xi32>
            %squeeze3A_1388 = vector.extract %slice3A_1387[0] : i32 from vector<1xi32>
            %add3A_1389 = arith.constant 15 : i32
            %add3A_1390 = arith.addi %add3A_1203, %add3A_1389 : i32
            %dma_start3A_1391 = arith.constant 0 : i32
            %dma_start3A_1392 = tpu.memref_slice %arg16[%add3A_1390, %dma_start3A_1391] : memref<320x32xf32, #tpu.memory_space<vmem>> -> memref<1x32xf32, #tpu.memory_space<vmem>>
            %dma_start3A_1393 = arith.constant 0 : i32
            %dma_start3A_1394 = tpu.memref_slice %arg3[%squeeze3A_1388, %dma_start3A_1393] : memref<1000000x32xf32, #tpu.memory_space<hbm>> -> memref<1x32xf32, #tpu.memory_space<hbm>>
            %dma_start3A_1395 = arith.constant 0 : i32
            %dma_start3A_1396 = tpu.memref_slice %arg16[%add3A_1390, %dma_start3A_1395] : memref<320x32xf32, #tpu.memory_space<vmem>> -> memref<1x32xf32, #tpu.memory_space<vmem>>
            %dma_start3A_1397 = arith.constant 0 : i32
            %dma_start3A_1398 = tpu.memref_slice %arg3[%squeeze3A_1388, %dma_start3A_1397] : memref<1000000x32xf32, #tpu.memory_space<hbm>> -> memref<1x32xf32, #tpu.memory_space<hbm>>
            tpu.enqueue_dma source(%dma_start3A_1398 : memref<1x32xf32, #tpu.memory_space<hbm>>) target(%dma_start3A_1396 : memref<1x32xf32, #tpu.memory_space<vmem>>) target_semaphore(%arg21 : memref<!tpu.dma_semaphore, #tpu.memory_space<semaphore_mem>>)
          }
          %scan3A_1198 = arith.constant 20 : i32
        } else {
        }
        %scan3A_463 = arith.constant 0 : i32
        %scan3A_464 = arith.constant 352 : i32
        %scan3A_465 = arith.addi %scan3A_463, %scan3A_464 : i32
        %scan3A_466 = arith.constant 1 : i32
        scf.for %scan3A_798 = %scan3A_463 to %scan3A_465 step %scan3A_466  : i32 {
          %mul3A_799 = arith.constant 1 : i32
          %mul3A_800 = arith.muli %scan3A_798, %mul3A_799 : i32
          %add3A_801 = arith.constant 0 : i32
          %add3A_802 = arith.addi %add3A_801, %mul3A_800 : i32
          %dma_wait3A_803 = arith.constant 0 : i32
          %dma_wait3A_804 = arith.constant 0 : i32
          %dma_wait3A_805 = tpu.memref_slice %arg15[%dma_wait3A_803, %dma_wait3A_804] : memref<320x32xf32, #tpu.memory_space<vmem>> -> memref<1x32xf32, #tpu.memory_space<vmem>>
          %dma_wait3A_806 = arith.constant 0 : i32
          %dma_wait3A_807 = arith.constant 0 : i32
          %dma_wait3A_808 = tpu.memref_slice %arg3[%dma_wait3A_806, %dma_wait3A_807] : memref<1000000x32xf32, #tpu.memory_space<hbm>> -> memref<1x32xf32, #tpu.memory_space<hbm>>
          %dma_wait3A_809 = arith.constant 0 : i32
          %dma_wait3A_810 = arith.constant 0 : i32
          %dma_wait3A_811 = tpu.memref_slice %arg15[%dma_wait3A_809, %dma_wait3A_810] : memref<320x32xf32, #tpu.memory_space<vmem>> -> memref<1x32xf32, #tpu.memory_space<vmem>>
          %dma_wait3A_812 = arith.constant 0 : i32
          %dma_wait3A_813 = arith.constant 0 : i32
          %dma_wait3A_814 = tpu.memref_slice %arg3[%dma_wait3A_812, %dma_wait3A_813] : memref<1000000x32xf32, #tpu.memory_space<hbm>> -> memref<1x32xf32, #tpu.memory_space<hbm>>
          tpu.wait_dma2 semaphore(%arg20 : memref<!tpu.dma_semaphore, #tpu.memory_space<semaphore_mem>>) src(%dma_wait3A_814 : memref<1x32xf32, #tpu.memory_space<hbm>>) dst(%dma_wait3A_811 : memref<1x32xf32, #tpu.memory_space<vmem>>)
        }
        %scan3A_467 = arith.constant 352 : i32
        %mul3A_468 = arith.constant 16 : i32
        %mul3A_469 = arith.muli %add3A_422, %mul3A_468 : i32
        %broadcast_in_dim3A = arith.constant 0.000000e+00 : f32
        %broadcast_in_dim3A_470 = vector.broadcast %broadcast_in_dim3A : f32 to vector<16xf32>
        %broadcast_in_dim3A_471 = arith.constant 0 : i32
        %broadcast_in_dim3A_472 = vector.broadcast %broadcast_in_dim3A_471 : i32 to vector<16xi32>
        %gather3A = tpu.vector_load_idx %arg13[%iota3A, %broadcast_in_dim3A_472] : memref<16x32xf32, #tpu.memory_space<vmem>>[vector<16xi32>, vector<16xi32>], vector<16xf32>,
        %gather3A_473 = tpu.vector_load_idx %arg11[%iota3A, %broadcast_in_dim3A_472] : memref<16x32xf32, #tpu.memory_space<vmem>>[vector<16xi32>, vector<16xi32>], vector<16xf32>,
        %swap3A = arith.constant 0 : i32
        %swap3A_474 = arith.index_cast %swap3A : i32 to index
        %swap3A_475 = arith.constant 0 : index
        %swap3A_476 = tpu.vector_load %arg17[%swap3A_474, %swap3A_475] {strides = array<i32>} : memref<32x16xf32, #tpu.memory_space<vmem>>, vector<16xf32>,
        tpu.vector_store %arg17[%swap3A_474, %swap3A_475], %gather3A {strides = array<i32>} : memref<32x16xf32, #tpu.memory_space<vmem>>, vector<16xf32>,
        %mul3A_477 = arith.mulf %gather3A_473, %gather3A : vector<16xf32>
        %add3A_478 = arith.addf %broadcast_in_dim3A_470, %mul3A_477 : vector<16xf32>
        %broadcast_in_dim3A_479 = arith.constant 1 : i32
        %broadcast_in_dim3A_480 = vector.broadcast %broadcast_in_dim3A_479 : i32 to vector<16xi32>
        %gather3A_481 = tpu.vector_load_idx %arg13[%iota3A, %broadcast_in_dim3A_480] : memref<16x32xf32, #tpu.memory_space<vmem>>[vector<16xi32>, vector<16xi32>], vector<16xf32>,
        %gather3A_482 = tpu.vector_load_idx %arg11[%iota3A, %broadcast_in_dim3A_480] : memref<16x32xf32, #tpu.memory_space<vmem>>[vector<16xi32>, vector<16xi32>], vector<16xf32>,
        %swap3A_483 = arith.constant 1 : i32
        %swap3A_484 = arith.index_cast %swap3A_483 : i32 to index
        %swap3A_485 = arith.constant 0 : index
        %swap3A_486 = tpu.vector_load %arg17[%swap3A_484, %swap3A_485] {strides = array<i32>} : memref<32x16xf32, #tpu.memory_space<vmem>>, vector<16xf32>,
        tpu.vector_store %arg17[%swap3A_484, %swap3A_485], %gather3A_481 {strides = array<i32>} : memref<32x16xf32, #tpu.memory_space<vmem>>, vector<16xf32>,
        %mul3A_487 = arith.mulf %gather3A_482, %gather3A_481 : vector<16xf32>
        %add3A_488 = arith.addf %add3A_478, %mul3A_487 : vector<16xf32>
        %broadcast_in_dim3A_489 = arith.constant 2 : i32
        %broadcast_in_dim3A_490 = vector.broadcast %broadcast_in_dim3A_489 : i32 to vector<16xi32>
        %gather3A_491 = tpu.vector_load_idx %arg13[%iota3A, %broadcast_in_dim3A_490] : memref<16x32xf32, #tpu.memory_space<vmem>>[vector<16xi32>, vector<16xi32>], vector<16xf32>,
        %gather3A_492 = tpu.vector_load_idx %arg11[%iota3A, %broadcast_in_dim3A_490] : memref<16x32xf32, #tpu.memory_space<vmem>>[vector<16xi32>, vector<16xi32>], vector<16xf32>,
        %swap3A_493 = arith.constant 2 : i32
        %swap3A_494 = arith.index_cast %swap3A_493 : i32 to index
        %swap3A_495 = arith.constant 0 : index
        %swap3A_496 = tpu.vector_load %arg17[%swap3A_494, %swap3A_495] {strides = array<i32>} : memref<32x16xf32, #tpu.memory_space<vmem>>, vector<16xf32>,
        tpu.vector_store %arg17[%swap3A_494, %swap3A_495], %gather3A_491 {strides = array<i32>} : memref<32x16xf32, #tpu.memory_space<vmem>>, vector<16xf32>,
        %mul3A_497 = arith.mulf %gather3A_492, %gather3A_491 : vector<16xf32>
        %add3A_498 = arith.addf %add3A_488, %mul3A_497 : vector<16xf32>
        %broadcast_in_dim3A_499 = arith.constant 3 : i32
        %broadcast_in_dim3A_500 = vector.broadcast %broadcast_in_dim3A_499 : i32 to vector<16xi32>
        %gather3A_501 = tpu.vector_load_idx %arg13[%iota3A, %broadcast_in_dim3A_500] : memref<16x32xf32, #tpu.memory_space<vmem>>[vector<16xi32>, vector<16xi32>], vector<16xf32>,
        %gather3A_502 = tpu.vector_load_idx %arg11[%iota3A, %broadcast_in_dim3A_500] : memref<16x32xf32, #tpu.memory_space<vmem>>[vector<16xi32>, vector<16xi32>], vector<16xf32>,
        %swap3A_503 = arith.constant 3 : i32
        %swap3A_504 = arith.index_cast %swap3A_503 : i32 to index
        %swap3A_505 = arith.constant 0 : index
        %swap3A_506 = tpu.vector_load %arg17[%swap3A_504, %swap3A_505] {strides = array<i32>} : memref<32x16xf32, #tpu.memory_space<vmem>>, vector<16xf32>,
        tpu.vector_store %arg17[%swap3A_504, %swap3A_505], %gather3A_501 {strides = array<i32>} : memref<32x16xf32, #tpu.memory_space<vmem>>, vector<16xf32>,
        %mul3A_507 = arith.mulf %gather3A_502, %gather3A_501 : vector<16xf32>
        %add3A_508 = arith.addf %add3A_498, %mul3A_507 : vector<16xf32>
        %broadcast_in_dim3A_509 = arith.constant 4 : i32
        %broadcast_in_dim3A_510 = vector.broadcast %broadcast_in_dim3A_509 : i32 to vector<16xi32>
        %gather3A_511 = tpu.vector_load_idx %arg13[%iota3A, %broadcast_in_dim3A_510] : memref<16x32xf32, #tpu.memory_space<vmem>>[vector<16xi32>, vector<16xi32>], vector<16xf32>,
        %gather3A_512 = tpu.vector_load_idx %arg11[%iota3A, %broadcast_in_dim3A_510] : memref<16x32xf32, #tpu.memory_space<vmem>>[vector<16xi32>, vector<16xi32>], vector<16xf32>,
        %swap3A_513 = arith.constant 4 : i32
        %swap3A_514 = arith.index_cast %swap3A_513 : i32 to index
        %swap3A_515 = arith.constant 0 : index
        %swap3A_516 = tpu.vector_load %arg17[%swap3A_514, %swap3A_515] {strides = array<i32>} : memref<32x16xf32, #tpu.memory_space<vmem>>, vector<16xf32>,
        tpu.vector_store %arg17[%swap3A_514, %swap3A_515], %gather3A_511 {strides = array<i32>} : memref<32x16xf32, #tpu.memory_space<vmem>>, vector<16xf32>,
        %mul3A_517 = arith.mulf %gather3A_512, %gather3A_511 : vector<16xf32>
        %add3A_518 = arith.addf %add3A_508, %mul3A_517 : vector<16xf32>
        %broadcast_in_dim3A_519 = arith.constant 5 : i32
        %broadcast_in_dim3A_520 = vector.broadcast %broadcast_in_dim3A_519 : i32 to vector<16xi32>
        %gather3A_521 = tpu.vector_load_idx %arg13[%iota3A, %broadcast_in_dim3A_520] : memref<16x32xf32, #tpu.memory_space<vmem>>[vector<16xi32>, vector<16xi32>], vector<16xf32>,
        %gather3A_522 = tpu.vector_load_idx %arg11[%iota3A, %broadcast_in_dim3A_520] : memref<16x32xf32, #tpu.memory_space<vmem>>[vector<16xi32>, vector<16xi32>], vector<16xf32>,
        %swap3A_523 = arith.constant 5 : i32
        %swap3A_524 = arith.index_cast %swap3A_523 : i32 to index
        %swap3A_525 = arith.constant 0 : index
        %swap3A_526 = tpu.vector_load %arg17[%swap3A_524, %swap3A_525] {strides = array<i32>} : memref<32x16xf32, #tpu.memory_space<vmem>>, vector<16xf32>,
        tpu.vector_store %arg17[%swap3A_524, %swap3A_525], %gather3A_521 {strides = array<i32>} : memref<32x16xf32, #tpu.memory_space<vmem>>, vector<16xf32>,
        %mul3A_527 = arith.mulf %gather3A_522, %gather3A_521 : vector<16xf32>
        %add3A_528 = arith.addf %add3A_518, %mul3A_527 : vector<16xf32>
        %broadcast_in_dim3A_529 = arith.constant 6 : i32
        %broadcast_in_dim3A_530 = vector.broadcast %broadcast_in_dim3A_529 : i32 to vector<16xi32>
        %gather3A_531 = tpu.vector_load_idx %arg13[%iota3A, %broadcast_in_dim3A_530] : memref<16x32xf32, #tpu.memory_space<vmem>>[vector<16xi32>, vector<16xi32>], vector<16xf32>,
        %gather3A_532 = tpu.vector_load_idx %arg11[%iota3A, %broadcast_in_dim3A_530] : memref<16x32xf32, #tpu.memory_space<vmem>>[vector<16xi32>, vector<16xi32>], vector<16xf32>,
        %swap3A_533 = arith.constant 6 : i32
        %swap3A_534 = arith.index_cast %swap3A_533 : i32 to index
        %swap3A_535 = arith.constant 0 : index
        %swap3A_536 = tpu.vector_load %arg17[%swap3A_534, %swap3A_535] {strides = array<i32>} : memref<32x16xf32, #tpu.memory_space<vmem>>, vector<16xf32>,
        tpu.vector_store %arg17[%swap3A_534, %swap3A_535], %gather3A_531 {strides = array<i32>} : memref<32x16xf32, #tpu.memory_space<vmem>>, vector<16xf32>,
        %mul3A_537 = arith.mulf %gather3A_532, %gather3A_531 : vector<16xf32>
        %add3A_538 = arith.addf %add3A_528, %mul3A_537 : vector<16xf32>
        %broadcast_in_dim3A_539 = arith.constant 7 : i32
        %broadcast_in_dim3A_540 = vector.broadcast %broadcast_in_dim3A_539 : i32 to vector<16xi32>
        %gather3A_541 = tpu.vector_load_idx %arg13[%iota3A, %broadcast_in_dim3A_540] : memref<16x32xf32, #tpu.memory_space<vmem>>[vector<16xi32>, vector<16xi32>], vector<16xf32>,
        %gather3A_542 = tpu.vector_load_idx %arg11[%iota3A, %broadcast_in_dim3A_540] : memref<16x32xf32, #tpu.memory_space<vmem>>[vector<16xi32>, vector<16xi32>], vector<16xf32>,
        %swap3A_543 = arith.constant 7 : i32
        %swap3A_544 = arith.index_cast %swap3A_543 : i32 to index
        %swap3A_545 = arith.constant 0 : index
        %swap3A_546 = tpu.vector_load %arg17[%swap3A_544, %swap3A_545] {strides = array<i32>} : memref<32x16xf32, #tpu.memory_space<vmem>>, vector<16xf32>,
        tpu.vector_store %arg17[%swap3A_544, %swap3A_545], %gather3A_541 {strides = array<i32>} : memref<32x16xf32, #tpu.memory_space<vmem>>, vector<16xf32>,
        %mul3A_547 = arith.mulf %gather3A_542, %gather3A_541 : vector<16xf32>
        %add3A_548 = arith.addf %add3A_538, %mul3A_547 : vector<16xf32>
        %broadcast_in_dim3A_549 = arith.constant 8 : i32
        %broadcast_in_dim3A_550 = vector.broadcast %broadcast_in_dim3A_549 : i32 to vector<16xi32>
        %gather3A_551 = tpu.vector_load_idx %arg13[%iota3A, %broadcast_in_dim3A_550] : memref<16x32xf32, #tpu.memory_space<vmem>>[vector<16xi32>, vector<16xi32>], vector<16xf32>,
        %gather3A_552 = tpu.vector_load_idx %arg11[%iota3A, %broadcast_in_dim3A_550] : memref<16x32xf32, #tpu.memory_space<vmem>>[vector<16xi32>, vector<16xi32>], vector<16xf32>,
        %swap3A_553 = arith.constant 8 : i32
        %swap3A_554 = arith.index_cast %swap3A_553 : i32 to index
        %swap3A_555 = arith.constant 0 : index
        %swap3A_556 = tpu.vector_load %arg17[%swap3A_554, %swap3A_555] {strides = array<i32>} : memref<32x16xf32, #tpu.memory_space<vmem>>, vector<16xf32>,
        tpu.vector_store %arg17[%swap3A_554, %swap3A_555], %gather3A_551 {strides = array<i32>} : memref<32x16xf32, #tpu.memory_space<vmem>>, vector<16xf32>,
        %mul3A_557 = arith.mulf %gather3A_552, %gather3A_551 : vector<16xf32>
        %add3A_558 = arith.addf %add3A_548, %mul3A_557 : vector<16xf32>
        %broadcast_in_dim3A_559 = arith.constant 9 : i32
        %broadcast_in_dim3A_560 = vector.broadcast %broadcast_in_dim3A_559 : i32 to vector<16xi32>
        %gather3A_561 = tpu.vector_load_idx %arg13[%iota3A, %broadcast_in_dim3A_560] : memref<16x32xf32, #tpu.memory_space<vmem>>[vector<16xi32>, vector<16xi32>], vector<16xf32>,
        %gather3A_562 = tpu.vector_load_idx %arg11[%iota3A, %broadcast_in_dim3A_560] : memref<16x32xf32, #tpu.memory_space<vmem>>[vector<16xi32>, vector<16xi32>], vector<16xf32>,
        %swap3A_563 = arith.constant 9 : i32
        %swap3A_564 = arith.index_cast %swap3A_563 : i32 to index
        %swap3A_565 = arith.constant 0 : index
        %swap3A_566 = tpu.vector_load %arg17[%swap3A_564, %swap3A_565] {strides = array<i32>} : memref<32x16xf32, #tpu.memory_space<vmem>>, vector<16xf32>,
        tpu.vector_store %arg17[%swap3A_564, %swap3A_565], %gather3A_561 {strides = array<i32>} : memref<32x16xf32, #tpu.memory_space<vmem>>, vector<16xf32>,
        %mul3A_567 = arith.mulf %gather3A_562, %gather3A_561 : vector<16xf32>
        %add3A_568 = arith.addf %add3A_558, %mul3A_567 : vector<16xf32>
        %broadcast_in_dim3A_569 = arith.constant 10 : i32
        %broadcast_in_dim3A_570 = vector.broadcast %broadcast_in_dim3A_569 : i32 to vector<16xi32>
        %gather3A_571 = tpu.vector_load_idx %arg13[%iota3A, %broadcast_in_dim3A_570] : memref<16x32xf32, #tpu.memory_space<vmem>>[vector<16xi32>, vector<16xi32>], vector<16xf32>,
        %gather3A_572 = tpu.vector_load_idx %arg11[%iota3A, %broadcast_in_dim3A_570] : memref<16x32xf32, #tpu.memory_space<vmem>>[vector<16xi32>, vector<16xi32>], vector<16xf32>,
        %swap3A_573 = arith.constant 10 : i32
        %swap3A_574 = arith.index_cast %swap3A_573 : i32 to index
        %swap3A_575 = arith.constant 0 : index
        %swap3A_576 = tpu.vector_load %arg17[%swap3A_574, %swap3A_575] {strides = array<i32>} : memref<32x16xf32, #tpu.memory_space<vmem>>, vector<16xf32>,
        tpu.vector_store %arg17[%swap3A_574, %swap3A_575], %gather3A_571 {strides = array<i32>} : memref<32x16xf32, #tpu.memory_space<vmem>>, vector<16xf32>,
        %mul3A_577 = arith.mulf %gather3A_572, %gather3A_571 : vector<16xf32>
        %add3A_578 = arith.addf %add3A_568, %mul3A_577 : vector<16xf32>
        %broadcast_in_dim3A_579 = arith.constant 11 : i32
        %broadcast_in_dim3A_580 = vector.broadcast %broadcast_in_dim3A_579 : i32 to vector<16xi32>
        %gather3A_581 = tpu.vector_load_idx %arg13[%iota3A, %broadcast_in_dim3A_580] : memref<16x32xf32, #tpu.memory_space<vmem>>[vector<16xi32>, vector<16xi32>], vector<16xf32>,
        %gather3A_582 = tpu.vector_load_idx %arg11[%iota3A, %broadcast_in_dim3A_580] : memref<16x32xf32, #tpu.memory_space<vmem>>[vector<16xi32>, vector<16xi32>], vector<16xf32>,
        %swap3A_583 = arith.constant 11 : i32
        %swap3A_584 = arith.index_cast %swap3A_583 : i32 to index
        %swap3A_585 = arith.constant 0 : index
        %swap3A_586 = tpu.vector_load %arg17[%swap3A_584, %swap3A_585] {strides = array<i32>} : memref<32x16xf32, #tpu.memory_space<vmem>>, vector<16xf32>,
        tpu.vector_store %arg17[%swap3A_584, %swap3A_585], %gather3A_581 {strides = array<i32>} : memref<32x16xf32, #tpu.memory_space<vmem>>, vector<16xf32>,
        %mul3A_587 = arith.mulf %gather3A_582, %gather3A_581 : vector<16xf32>
        %add3A_588 = arith.addf %add3A_578, %mul3A_587 : vector<16xf32>
        %broadcast_in_dim3A_589 = arith.constant 12 : i32
        %broadcast_in_dim3A_590 = vector.broadcast %broadcast_in_dim3A_589 : i32 to vector<16xi32>
        %gather3A_591 = tpu.vector_load_idx %arg13[%iota3A, %broadcast_in_dim3A_590] : memref<16x32xf32, #tpu.memory_space<vmem>>[vector<16xi32>, vector<16xi32>], vector<16xf32>,
        %gather3A_592 = tpu.vector_load_idx %arg11[%iota3A, %broadcast_in_dim3A_590] : memref<16x32xf32, #tpu.memory_space<vmem>>[vector<16xi32>, vector<16xi32>], vector<16xf32>,
        %swap3A_593 = arith.constant 12 : i32
        %swap3A_594 = arith.index_cast %swap3A_593 : i32 to index
        %swap3A_595 = arith.constant 0 : index
        %swap3A_596 = tpu.vector_load %arg17[%swap3A_594, %swap3A_595] {strides = array<i32>} : memref<32x16xf32, #tpu.memory_space<vmem>>, vector<16xf32>,
        tpu.vector_store %arg17[%swap3A_594, %swap3A_595], %gather3A_591 {strides = array<i32>} : memref<32x16xf32, #tpu.memory_space<vmem>>, vector<16xf32>,
        %mul3A_597 = arith.mulf %gather3A_592, %gather3A_591 : vector<16xf32>
        %add3A_598 = arith.addf %add3A_588, %mul3A_597 : vector<16xf32>
        %broadcast_in_dim3A_599 = arith.constant 13 : i32
        %broadcast_in_dim3A_600 = vector.broadcast %broadcast_in_dim3A_599 : i32 to vector<16xi32>
        %gather3A_601 = tpu.vector_load_idx %arg13[%iota3A, %broadcast_in_dim3A_600] : memref<16x32xf32, #tpu.memory_space<vmem>>[vector<16xi32>, vector<16xi32>], vector<16xf32>,
        %gather3A_602 = tpu.vector_load_idx %arg11[%iota3A, %broadcast_in_dim3A_600] : memref<16x32xf32, #tpu.memory_space<vmem>>[vector<16xi32>, vector<16xi32>], vector<16xf32>,
        %swap3A_603 = arith.constant 13 : i32
        %swap3A_604 = arith.index_cast %swap3A_603 : i32 to index
        %swap3A_605 = arith.constant 0 : index
        %swap3A_606 = tpu.vector_load %arg17[%swap3A_604, %swap3A_605] {strides = array<i32>} : memref<32x16xf32, #tpu.memory_space<vmem>>, vector<16xf32>,
        tpu.vector_store %arg17[%swap3A_604, %swap3A_605], %gather3A_601 {strides = array<i32>} : memref<32x16xf32, #tpu.memory_space<vmem>>, vector<16xf32>,
        %mul3A_607 = arith.mulf %gather3A_602, %gather3A_601 : vector<16xf32>
        %add3A_608 = arith.addf %add3A_598, %mul3A_607 : vector<16xf32>
        %broadcast_in_dim3A_609 = arith.constant 14 : i32
        %broadcast_in_dim3A_610 = vector.broadcast %broadcast_in_dim3A_609 : i32 to vector<16xi32>
        %gather3A_611 = tpu.vector_load_idx %arg13[%iota3A, %broadcast_in_dim3A_610] : memref<16x32xf32, #tpu.memory_space<vmem>>[vector<16xi32>, vector<16xi32>], vector<16xf32>,
        %gather3A_612 = tpu.vector_load_idx %arg11[%iota3A, %broadcast_in_dim3A_610] : memref<16x32xf32, #tpu.memory_space<vmem>>[vector<16xi32>, vector<16xi32>], vector<16xf32>,
        %swap3A_613 = arith.constant 14 : i32
        %swap3A_614 = arith.index_cast %swap3A_613 : i32 to index
        %swap3A_615 = arith.constant 0 : index
        %swap3A_616 = tpu.vector_load %arg17[%swap3A_614, %swap3A_615] {strides = array<i32>} : memref<32x16xf32, #tpu.memory_space<vmem>>, vector<16xf32>,
        tpu.vector_store %arg17[%swap3A_614, %swap3A_615], %gather3A_611 {strides = array<i32>} : memref<32x16xf32, #tpu.memory_space<vmem>>, vector<16xf32>,
        %mul3A_617 = arith.mulf %gather3A_612, %gather3A_611 : vector<16xf32>
        %add3A_618 = arith.addf %add3A_608, %mul3A_617 : vector<16xf32>
        %broadcast_in_dim3A_619 = arith.constant 15 : i32
        %broadcast_in_dim3A_620 = vector.broadcast %broadcast_in_dim3A_619 : i32 to vector<16xi32>
        %gather3A_621 = tpu.vector_load_idx %arg13[%iota3A, %broadcast_in_dim3A_620] : memref<16x32xf32, #tpu.memory_space<vmem>>[vector<16xi32>, vector<16xi32>], vector<16xf32>,
        %gather3A_622 = tpu.vector_load_idx %arg11[%iota3A, %broadcast_in_dim3A_620] : memref<16x32xf32, #tpu.memory_space<vmem>>[vector<16xi32>, vector<16xi32>], vector<16xf32>,
        %swap3A_623 = arith.constant 15 : i32
        %swap3A_624 = arith.index_cast %swap3A_623 : i32 to index
        %swap3A_625 = arith.constant 0 : index
        %swap3A_626 = tpu.vector_load %arg17[%swap3A_624, %swap3A_625] {strides = array<i32>} : memref<32x16xf32, #tpu.memory_space<vmem>>, vector<16xf32>,
        tpu.vector_store %arg17[%swap3A_624, %swap3A_625], %gather3A_621 {strides = array<i32>} : memref<32x16xf32, #tpu.memory_space<vmem>>, vector<16xf32>,
        %mul3A_627 = arith.mulf %gather3A_622, %gather3A_621 : vector<16xf32>
        %add3A_628 = arith.addf %add3A_618, %mul3A_627 : vector<16xf32>
        %broadcast_in_dim3A_629 = arith.constant 16 : i32
        %broadcast_in_dim3A_630 = vector.broadcast %broadcast_in_dim3A_629 : i32 to vector<16xi32>
        %gather3A_631 = tpu.vector_load_idx %arg13[%iota3A, %broadcast_in_dim3A_630] : memref<16x32xf32, #tpu.memory_space<vmem>>[vector<16xi32>, vector<16xi32>], vector<16xf32>,
        %gather3A_632 = tpu.vector_load_idx %arg11[%iota3A, %broadcast_in_dim3A_630] : memref<16x32xf32, #tpu.memory_space<vmem>>[vector<16xi32>, vector<16xi32>], vector<16xf32>,
        %swap3A_633 = arith.constant 16 : i32
        %swap3A_634 = arith.index_cast %swap3A_633 : i32 to index
        %swap3A_635 = arith.constant 0 : index
        %swap3A_636 = tpu.vector_load %arg17[%swap3A_634, %swap3A_635] {strides = array<i32>} : memref<32x16xf32, #tpu.memory_space<vmem>>, vector<16xf32>,
        tpu.vector_store %arg17[%swap3A_634, %swap3A_635], %gather3A_631 {strides = array<i32>} : memref<32x16xf32, #tpu.memory_space<vmem>>, vector<16xf32>,
        %mul3A_637 = arith.mulf %gather3A_632, %gather3A_631 : vector<16xf32>
        %add3A_638 = arith.addf %add3A_628, %mul3A_637 : vector<16xf32>
        %broadcast_in_dim3A_639 = arith.constant 17 : i32
        %broadcast_in_dim3A_640 = vector.broadcast %broadcast_in_dim3A_639 : i32 to vector<16xi32>
        %gather3A_641 = tpu.vector_load_idx %arg13[%iota3A, %broadcast_in_dim3A_640] : memref<16x32xf32, #tpu.memory_space<vmem>>[vector<16xi32>, vector<16xi32>], vector<16xf32>,
        %gather3A_642 = tpu.vector_load_idx %arg11[%iota3A, %broadcast_in_dim3A_640] : memref<16x32xf32, #tpu.memory_space<vmem>>[vector<16xi32>, vector<16xi32>], vector<16xf32>,
        %swap3A_643 = arith.constant 17 : i32
        %swap3A_644 = arith.index_cast %swap3A_643 : i32 to index
        %swap3A_645 = arith.constant 0 : index
        %swap3A_646 = tpu.vector_load %arg17[%swap3A_644, %swap3A_645] {strides = array<i32>} : memref<32x16xf32, #tpu.memory_space<vmem>>, vector<16xf32>,
        tpu.vector_store %arg17[%swap3A_644, %swap3A_645], %gather3A_641 {strides = array<i32>} : memref<32x16xf32, #tpu.memory_space<vmem>>, vector<16xf32>,
        %mul3A_647 = arith.mulf %gather3A_642, %gather3A_641 : vector<16xf32>
        %add3A_648 = arith.addf %add3A_638, %mul3A_647 : vector<16xf32>
        %broadcast_in_dim3A_649 = arith.constant 18 : i32
        %broadcast_in_dim3A_650 = vector.broadcast %broadcast_in_dim3A_649 : i32 to vector<16xi32>
        %gather3A_651 = tpu.vector_load_idx %arg13[%iota3A, %broadcast_in_dim3A_650] : memref<16x32xf32, #tpu.memory_space<vmem>>[vector<16xi32>, vector<16xi32>], vector<16xf32>,
        %gather3A_652 = tpu.vector_load_idx %arg11[%iota3A, %broadcast_in_dim3A_650] : memref<16x32xf32, #tpu.memory_space<vmem>>[vector<16xi32>, vector<16xi32>], vector<16xf32>,
        %swap3A_653 = arith.constant 18 : i32
        %swap3A_654 = arith.index_cast %swap3A_653 : i32 to index
        %swap3A_655 = arith.constant 0 : index
        %swap3A_656 = tpu.vector_load %arg17[%swap3A_654, %swap3A_655] {strides = array<i32>} : memref<32x16xf32, #tpu.memory_space<vmem>>, vector<16xf32>,
        tpu.vector_store %arg17[%swap3A_654, %swap3A_655], %gather3A_651 {strides = array<i32>} : memref<32x16xf32, #tpu.memory_space<vmem>>, vector<16xf32>,
        %mul3A_657 = arith.mulf %gather3A_652, %gather3A_651 : vector<16xf32>
        %add3A_658 = arith.addf %add3A_648, %mul3A_657 : vector<16xf32>
        %broadcast_in_dim3A_659 = arith.constant 19 : i32
        %broadcast_in_dim3A_660 = vector.broadcast %broadcast_in_dim3A_659 : i32 to vector<16xi32>
        %gather3A_661 = tpu.vector_load_idx %arg13[%iota3A, %broadcast_in_dim3A_660] : memref<16x32xf32, #tpu.memory_space<vmem>>[vector<16xi32>, vector<16xi32>], vector<16xf32>,
        %gather3A_662 = tpu.vector_load_idx %arg11[%iota3A, %broadcast_in_dim3A_660] : memref<16x32xf32, #tpu.memory_space<vmem>>[vector<16xi32>, vector<16xi32>], vector<16xf32>,
        %swap3A_663 = arith.constant 19 : i32
        %swap3A_664 = arith.index_cast %swap3A_663 : i32 to index
        %swap3A_665 = arith.constant 0 : index
        %swap3A_666 = tpu.vector_load %arg17[%swap3A_664, %swap3A_665] {strides = array<i32>} : memref<32x16xf32, #tpu.memory_space<vmem>>, vector<16xf32>,
        tpu.vector_store %arg17[%swap3A_664, %swap3A_665], %gather3A_661 {strides = array<i32>} : memref<32x16xf32, #tpu.memory_space<vmem>>, vector<16xf32>,
        %mul3A_667 = arith.mulf %gather3A_662, %gather3A_661 : vector<16xf32>
        %add3A_668 = arith.addf %add3A_658, %mul3A_667 : vector<16xf32>
        %broadcast_in_dim3A_669 = arith.constant 20 : i32
        %broadcast_in_dim3A_670 = vector.broadcast %broadcast_in_dim3A_669 : i32 to vector<16xi32>
        %gather3A_671 = tpu.vector_load_idx %arg13[%iota3A, %broadcast_in_dim3A_670] : memref<16x32xf32, #tpu.memory_space<vmem>>[vector<16xi32>, vector<16xi32>], vector<16xf32>,
        %gather3A_672 = tpu.vector_load_idx %arg11[%iota3A, %broadcast_in_dim3A_670] : memref<16x32xf32, #tpu.memory_space<vmem>>[vector<16xi32>, vector<16xi32>], vector<16xf32>,
        %swap3A_673 = arith.constant 20 : i32
        %swap3A_674 = arith.index_cast %swap3A_673 : i32 to index
        %swap3A_675 = arith.constant 0 : index
        %swap3A_676 = tpu.vector_load %arg17[%swap3A_674, %swap3A_675] {strides = array<i32>} : memref<32x16xf32, #tpu.memory_space<vmem>>, vector<16xf32>,
        tpu.vector_store %arg17[%swap3A_674, %swap3A_675], %gather3A_671 {strides = array<i32>} : memref<32x16xf32, #tpu.memory_space<vmem>>, vector<16xf32>,
        %mul3A_677 = arith.mulf %gather3A_672, %gather3A_671 : vector<16xf32>
        %add3A_678 = arith.addf %add3A_668, %mul3A_677 : vector<16xf32>
        %broadcast_in_dim3A_679 = arith.constant 21 : i32
        %broadcast_in_dim3A_680 = vector.broadcast %broadcast_in_dim3A_679 : i32 to vector<16xi32>
        %gather3A_681 = tpu.vector_load_idx %arg13[%iota3A, %broadcast_in_dim3A_680] : memref<16x32xf32, #tpu.memory_space<vmem>>[vector<16xi32>, vector<16xi32>], vector<16xf32>,
        %gather3A_682 = tpu.vector_load_idx %arg11[%iota3A, %broadcast_in_dim3A_680] : memref<16x32xf32, #tpu.memory_space<vmem>>[vector<16xi32>, vector<16xi32>], vector<16xf32>,
        %swap3A_683 = arith.constant 21 : i32
        %swap3A_684 = arith.index_cast %swap3A_683 : i32 to index
        %swap3A_685 = arith.constant 0 : index
        %swap3A_686 = tpu.vector_load %arg17[%swap3A_684, %swap3A_685] {strides = array<i32>} : memref<32x16xf32, #tpu.memory_space<vmem>>, vector<16xf32>,
        tpu.vector_store %arg17[%swap3A_684, %swap3A_685], %gather3A_681 {strides = array<i32>} : memref<32x16xf32, #tpu.memory_space<vmem>>, vector<16xf32>,
        %mul3A_687 = arith.mulf %gather3A_682, %gather3A_681 : vector<16xf32>
        %add3A_688 = arith.addf %add3A_678, %mul3A_687 : vector<16xf32>
        %broadcast_in_dim3A_689 = arith.constant 22 : i32
        %broadcast_in_dim3A_690 = vector.broadcast %broadcast_in_dim3A_689 : i32 to vector<16xi32>
        %gather3A_691 = tpu.vector_load_idx %arg13[%iota3A, %broadcast_in_dim3A_690] : memref<16x32xf32, #tpu.memory_space<vmem>>[vector<16xi32>, vector<16xi32>], vector<16xf32>,
        %gather3A_692 = tpu.vector_load_idx %arg11[%iota3A, %broadcast_in_dim3A_690] : memref<16x32xf32, #tpu.memory_space<vmem>>[vector<16xi32>, vector<16xi32>], vector<16xf32>,
        %swap3A_693 = arith.constant 22 : i32
        %swap3A_694 = arith.index_cast %swap3A_693 : i32 to index
        %swap3A_695 = arith.constant 0 : index
        %swap3A_696 = tpu.vector_load %arg17[%swap3A_694, %swap3A_695] {strides = array<i32>} : memref<32x16xf32, #tpu.memory_space<vmem>>, vector<16xf32>,
        tpu.vector_store %arg17[%swap3A_694, %swap3A_695], %gather3A_691 {strides = array<i32>} : memref<32x16xf32, #tpu.memory_space<vmem>>, vector<16xf32>,
        %mul3A_697 = arith.mulf %gather3A_692, %gather3A_691 : vector<16xf32>
        %add3A_698 = arith.addf %add3A_688, %mul3A_697 : vector<16xf32>
        %broadcast_in_dim3A_699 = arith.constant 23 : i32
        %broadcast_in_dim3A_700 = vector.broadcast %broadcast_in_dim3A_699 : i32 to vector<16xi32>
        %gather3A_701 = tpu.vector_load_idx %arg13[%iota3A, %broadcast_in_dim3A_700] : memref<16x32xf32, #tpu.memory_space<vmem>>[vector<16xi32>, vector<16xi32>], vector<16xf32>,
        %gather3A_702 = tpu.vector_load_idx %arg11[%iota3A, %broadcast_in_dim3A_700] : memref<16x32xf32, #tpu.memory_space<vmem>>[vector<16xi32>, vector<16xi32>], vector<16xf32>,
        %swap3A_703 = arith.constant 23 : i32
        %swap3A_704 = arith.index_cast %swap3A_703 : i32 to index
        %swap3A_705 = arith.constant 0 : index
        %swap3A_706 = tpu.vector_load %arg17[%swap3A_704, %swap3A_705] {strides = array<i32>} : memref<32x16xf32, #tpu.memory_space<vmem>>, vector<16xf32>,
        tpu.vector_store %arg17[%swap3A_704, %swap3A_705], %gather3A_701 {strides = array<i32>} : memref<32x16xf32, #tpu.memory_space<vmem>>, vector<16xf32>,
        %mul3A_707 = arith.mulf %gather3A_702, %gather3A_701 : vector<16xf32>
        %add3A_708 = arith.addf %add3A_698, %mul3A_707 : vector<16xf32>
        %broadcast_in_dim3A_709 = arith.constant 24 : i32
        %broadcast_in_dim3A_710 = vector.broadcast %broadcast_in_dim3A_709 : i32 to vector<16xi32>
        %gather3A_711 = tpu.vector_load_idx %arg13[%iota3A, %broadcast_in_dim3A_710] : memref<16x32xf32, #tpu.memory_space<vmem>>[vector<16xi32>, vector<16xi32>], vector<16xf32>,
        %gather3A_712 = tpu.vector_load_idx %arg11[%iota3A, %broadcast_in_dim3A_710] : memref<16x32xf32, #tpu.memory_space<vmem>>[vector<16xi32>, vector<16xi32>], vector<16xf32>,
        %swap3A_713 = arith.constant 24 : i32
        %swap3A_714 = arith.index_cast %swap3A_713 : i32 to index
        %swap3A_715 = arith.constant 0 : index
        %swap3A_716 = tpu.vector_load %arg17[%swap3A_714, %swap3A_715] {strides = array<i32>} : memref<32x16xf32, #tpu.memory_space<vmem>>, vector<16xf32>,
        tpu.vector_store %arg17[%swap3A_714, %swap3A_715], %gather3A_711 {strides = array<i32>} : memref<32x16xf32, #tpu.memory_space<vmem>>, vector<16xf32>,
        %mul3A_717 = arith.mulf %gather3A_712, %gather3A_711 : vector<16xf32>
        %add3A_718 = arith.addf %add3A_708, %mul3A_717 : vector<16xf32>
        %broadcast_in_dim3A_719 = arith.constant 25 : i32
        %broadcast_in_dim3A_720 = vector.broadcast %broadcast_in_dim3A_719 : i32 to vector<16xi32>
        %gather3A_721 = tpu.vector_load_idx %arg13[%iota3A, %broadcast_in_dim3A_720] : memref<16x32xf32, #tpu.memory_space<vmem>>[vector<16xi32>, vector<16xi32>], vector<16xf32>,
        %gather3A_722 = tpu.vector_load_idx %arg11[%iota3A, %broadcast_in_dim3A_720] : memref<16x32xf32, #tpu.memory_space<vmem>>[vector<16xi32>, vector<16xi32>], vector<16xf32>,
        %swap3A_723 = arith.constant 25 : i32
        %swap3A_724 = arith.index_cast %swap3A_723 : i32 to index
        %swap3A_725 = arith.constant 0 : index
        %swap3A_726 = tpu.vector_load %arg17[%swap3A_724, %swap3A_725] {strides = array<i32>} : memref<32x16xf32, #tpu.memory_space<vmem>>, vector<16xf32>,
        tpu.vector_store %arg17[%swap3A_724, %swap3A_725], %gather3A_721 {strides = array<i32>} : memref<32x16xf32, #tpu.memory_space<vmem>>, vector<16xf32>,
        %mul3A_727 = arith.mulf %gather3A_722, %gather3A_721 : vector<16xf32>
        %add3A_728 = arith.addf %add3A_718, %mul3A_727 : vector<16xf32>
        %broadcast_in_dim3A_729 = arith.constant 26 : i32
        %broadcast_in_dim3A_730 = vector.broadcast %broadcast_in_dim3A_729 : i32 to vector<16xi32>
        %gather3A_731 = tpu.vector_load_idx %arg13[%iota3A, %broadcast_in_dim3A_730] : memref<16x32xf32, #tpu.memory_space<vmem>>[vector<16xi32>, vector<16xi32>], vector<16xf32>,
        %gather3A_732 = tpu.vector_load_idx %arg11[%iota3A, %broadcast_in_dim3A_730] : memref<16x32xf32, #tpu.memory_space<vmem>>[vector<16xi32>, vector<16xi32>], vector<16xf32>,
        %swap3A_733 = arith.constant 26 : i32
        %swap3A_734 = arith.index_cast %swap3A_733 : i32 to index
        %swap3A_735 = arith.constant 0 : index
        %swap3A_736 = tpu.vector_load %arg17[%swap3A_734, %swap3A_735] {strides = array<i32>} : memref<32x16xf32, #tpu.memory_space<vmem>>, vector<16xf32>,
        tpu.vector_store %arg17[%swap3A_734, %swap3A_735], %gather3A_731 {strides = array<i32>} : memref<32x16xf32, #tpu.memory_space<vmem>>, vector<16xf32>,
        %mul3A_737 = arith.mulf %gather3A_732, %gather3A_731 : vector<16xf32>
        %add3A_738 = arith.addf %add3A_728, %mul3A_737 : vector<16xf32>
        %broadcast_in_dim3A_739 = arith.constant 27 : i32
        %broadcast_in_dim3A_740 = vector.broadcast %broadcast_in_dim3A_739 : i32 to vector<16xi32>
        %gather3A_741 = tpu.vector_load_idx %arg13[%iota3A, %broadcast_in_dim3A_740] : memref<16x32xf32, #tpu.memory_space<vmem>>[vector<16xi32>, vector<16xi32>], vector<16xf32>,
        %gather3A_742 = tpu.vector_load_idx %arg11[%iota3A, %broadcast_in_dim3A_740] : memref<16x32xf32, #tpu.memory_space<vmem>>[vector<16xi32>, vector<16xi32>], vector<16xf32>,
        %swap3A_743 = arith.constant 27 : i32
        %swap3A_744 = arith.index_cast %swap3A_743 : i32 to index
        %swap3A_745 = arith.constant 0 : index
        %swap3A_746 = tpu.vector_load %arg17[%swap3A_744, %swap3A_745] {strides = array<i32>} : memref<32x16xf32, #tpu.memory_space<vmem>>, vector<16xf32>,
        tpu.vector_store %arg17[%swap3A_744, %swap3A_745], %gather3A_741 {strides = array<i32>} : memref<32x16xf32, #tpu.memory_space<vmem>>, vector<16xf32>,
        %mul3A_747 = arith.mulf %gather3A_742, %gather3A_741 : vector<16xf32>
        %add3A_748 = arith.addf %add3A_738, %mul3A_747 : vector<16xf32>
        %broadcast_in_dim3A_749 = arith.constant 28 : i32
        %broadcast_in_dim3A_750 = vector.broadcast %broadcast_in_dim3A_749 : i32 to vector<16xi32>
        %gather3A_751 = tpu.vector_load_idx %arg13[%iota3A, %broadcast_in_dim3A_750] : memref<16x32xf32, #tpu.memory_space<vmem>>[vector<16xi32>, vector<16xi32>], vector<16xf32>,
        %gather3A_752 = tpu.vector_load_idx %arg11[%iota3A, %broadcast_in_dim3A_750] : memref<16x32xf32, #tpu.memory_space<vmem>>[vector<16xi32>, vector<16xi32>], vector<16xf32>,
        %swap3A_753 = arith.constant 28 : i32
        %swap3A_754 = arith.index_cast %swap3A_753 : i32 to index
        %swap3A_755 = arith.constant 0 : index
        %swap3A_756 = tpu.vector_load %arg17[%swap3A_754, %swap3A_755] {strides = array<i32>} : memref<32x16xf32, #tpu.memory_space<vmem>>, vector<16xf32>,
        tpu.vector_store %arg17[%swap3A_754, %swap3A_755], %gather3A_751 {strides = array<i32>} : memref<32x16xf32, #tpu.memory_space<vmem>>, vector<16xf32>,
        %mul3A_757 = arith.mulf %gather3A_752, %gather3A_751 : vector<16xf32>
        %add3A_758 = arith.addf %add3A_748, %mul3A_757 : vector<16xf32>
        %broadcast_in_dim3A_759 = arith.constant 29 : i32
        %broadcast_in_dim3A_760 = vector.broadcast %broadcast_in_dim3A_759 : i32 to vector<16xi32>
        %gather3A_761 = tpu.vector_load_idx %arg13[%iota3A, %broadcast_in_dim3A_760] : memref<16x32xf32, #tpu.memory_space<vmem>>[vector<16xi32>, vector<16xi32>], vector<16xf32>,
        %gather3A_762 = tpu.vector_load_idx %arg11[%iota3A, %broadcast_in_dim3A_760] : memref<16x32xf32, #tpu.memory_space<vmem>>[vector<16xi32>, vector<16xi32>], vector<16xf32>,
        %swap3A_763 = arith.constant 29 : i32
        %swap3A_764 = arith.index_cast %swap3A_763 : i32 to index
        %swap3A_765 = arith.constant 0 : index
        %swap3A_766 = tpu.vector_load %arg17[%swap3A_764, %swap3A_765] {strides = array<i32>} : memref<32x16xf32, #tpu.memory_space<vmem>>, vector<16xf32>,
        tpu.vector_store %arg17[%swap3A_764, %swap3A_765], %gather3A_761 {strides = array<i32>} : memref<32x16xf32, #tpu.memory_space<vmem>>, vector<16xf32>,
        %mul3A_767 = arith.mulf %gather3A_762, %gather3A_761 : vector<16xf32>
        %add3A_768 = arith.addf %add3A_758, %mul3A_767 : vector<16xf32>
        %broadcast_in_dim3A_769 = arith.constant 30 : i32
        %broadcast_in_dim3A_770 = vector.broadcast %broadcast_in_dim3A_769 : i32 to vector<16xi32>
        %gather3A_771 = tpu.vector_load_idx %arg13[%iota3A, %broadcast_in_dim3A_770] : memref<16x32xf32, #tpu.memory_space<vmem>>[vector<16xi32>, vector<16xi32>], vector<16xf32>,
        %gather3A_772 = tpu.vector_load_idx %arg11[%iota3A, %broadcast_in_dim3A_770] : memref<16x32xf32, #tpu.memory_space<vmem>>[vector<16xi32>, vector<16xi32>], vector<16xf32>,
        %swap3A_773 = arith.constant 30 : i32
        %swap3A_774 = arith.index_cast %swap3A_773 : i32 to index
        %swap3A_775 = arith.constant 0 : index
        %swap3A_776 = tpu.vector_load %arg17[%swap3A_774, %swap3A_775] {strides = array<i32>} : memref<32x16xf32, #tpu.memory_space<vmem>>, vector<16xf32>,
        tpu.vector_store %arg17[%swap3A_774, %swap3A_775], %gather3A_771 {strides = array<i32>} : memref<32x16xf32, #tpu.memory_space<vmem>>, vector<16xf32>,
        %mul3A_777 = arith.mulf %gather3A_772, %gather3A_771 : vector<16xf32>
        %add3A_778 = arith.addf %add3A_768, %mul3A_777 : vector<16xf32>
        %broadcast_in_dim3A_779 = arith.constant 31 : i32
        %broadcast_in_dim3A_780 = vector.broadcast %broadcast_in_dim3A_779 : i32 to vector<16xi32>
        %gather3A_781 = tpu.vector_load_idx %arg13[%iota3A, %broadcast_in_dim3A_780] : memref<16x32xf32, #tpu.memory_space<vmem>>[vector<16xi32>, vector<16xi32>], vector<16xf32>,
        %gather3A_782 = tpu.vector_load_idx %arg11[%iota3A, %broadcast_in_dim3A_780] : memref<16x32xf32, #tpu.memory_space<vmem>>[vector<16xi32>, vector<16xi32>], vector<16xf32>,
        %swap3A_783 = arith.constant 31 : i32
        %swap3A_784 = arith.index_cast %swap3A_783 : i32 to index
        %swap3A_785 = arith.constant 0 : index
        %swap3A_786 = tpu.vector_load %arg17[%swap3A_784, %swap3A_785] {strides = array<i32>} : memref<32x16xf32, #tpu.memory_space<vmem>>, vector<16xf32>,
        tpu.vector_store %arg17[%swap3A_784, %swap3A_785], %gather3A_781 {strides = array<i32>} : memref<32x16xf32, #tpu.memory_space<vmem>>, vector<16xf32>,
        %mul3A_787 = arith.mulf %gather3A_782, %gather3A_781 : vector<16xf32>
        %add3A_788 = arith.addf %add3A_778, %mul3A_787 : vector<16xf32>
        %swap3A_789 = arith.constant 0 : i32
        %swap3A_790 = arith.index_cast %swap3A_789 : i32 to index
        %swap3A_791 = arith.index_cast %mul3A_469 : i32 to index
        %swap3A_792 = tpu.vector_load %arg18[%swap3A_790, %swap3A_791] {strides = array<i32>} : memref<21x512xf32, #tpu.memory_space<vmem>>, vector<16xf32>,
        tpu.vector_store %arg18[%swap3A_790, %swap3A_791], %add3A_788 {strides = array<i32>} : memref<21x512xf32, #tpu.memory_space<vmem>>, vector<16xf32>,
        %scan3A_793 = arith.constant 0 : i32
        %scan3A_794 = arith.constant 20 : i32
        %scan3A_795 = arith.addi %scan3A_793, %scan3A_794 : i32
        %scan3A_796 = arith.constant 1 : i32
        scf.for %scan3A_798 = %scan3A_793 to %scan3A_795 step %scan3A_796  : i32 {
          %mul3A_799 = arith.constant 1 : i32
          %mul3A_800 = arith.muli %scan3A_798, %mul3A_799 : i32
          %add3A_801 = arith.constant 0 : i32
          %add3A_802 = arith.addi %add3A_801, %mul3A_800 : i32
          %add3A_803 = vector.broadcast %add3A_802 : i32 to vector<16xi32>
          %add3A_804 = arith.addi %mul3A_5, %add3A_803 : vector<16xi32>
          %broadcast_in_dim3A_805 = arith.constant 0.000000e+00 : f32
          %broadcast_in_dim3A_806 = vector.broadcast %broadcast_in_dim3A_805 : f32 to vector<16xf32>
          %broadcast_in_dim3A_807 = arith.constant 0 : i32
          %broadcast_in_dim3A_808 = vector.broadcast %broadcast_in_dim3A_807 : i32 to vector<16xi32>
          %gather3A_809 = tpu.vector_load_idx %arg15[%add3A_804, %broadcast_in_dim3A_808] : memref<320x32xf32, #tpu.memory_space<vmem>>[vector<16xi32>, vector<16xi32>], vector<16xf32>,
          %get3A_810 = arith.constant 0 : i32
          %get3A_811 = arith.index_cast %get3A_810 : i32 to index
          %get3A_812 = arith.constant 0 : index
          %get3A_813 = tpu.vector_load %arg17[%get3A_811, %get3A_812] {strides = array<i32>} : memref<32x16xf32, #tpu.memory_space<vmem>>, vector<16xf32>,
          %mul3A_814 = arith.mulf %gather3A_809, %get3A_813 : vector<16xf32>
          %add3A_815 = arith.addf %broadcast_in_dim3A_806, %mul3A_814 : vector<16xf32>
          %broadcast_in_dim3A_816 = arith.constant 1 : i32
          %broadcast_in_dim3A_817 = vector.broadcast %broadcast_in_dim3A_816 : i32 to vector<16xi32>
          %gather3A_818 = tpu.vector_load_idx %arg15[%add3A_804, %broadcast_in_dim3A_817] : memref<320x32xf32, #tpu.memory_space<vmem>>[vector<16xi32>, vector<16xi32>], vector<16xf32>,
          %get3A_819 = arith.constant 1 : i32
          %get3A_820 = arith.index_cast %get3A_819 : i32 to index
          %get3A_821 = arith.constant 0 : index
          %get3A_822 = tpu.vector_load %arg17[%get3A_820, %get3A_821] {strides = array<i32>} : memref<32x16xf32, #tpu.memory_space<vmem>>, vector<16xf32>,
          %mul3A_823 = arith.mulf %gather3A_818, %get3A_822 : vector<16xf32>
          %add3A_824 = arith.addf %add3A_815, %mul3A_823 : vector<16xf32>
          %broadcast_in_dim3A_825 = arith.constant 2 : i32
          %broadcast_in_dim3A_826 = vector.broadcast %broadcast_in_dim3A_825 : i32 to vector<16xi32>
          %gather3A_827 = tpu.vector_load_idx %arg15[%add3A_804, %broadcast_in_dim3A_826] : memref<320x32xf32, #tpu.memory_space<vmem>>[vector<16xi32>, vector<16xi32>], vector<16xf32>,
          %get3A_828 = arith.constant 2 : i32
          %get3A_829 = arith.index_cast %get3A_828 : i32 to index
          %get3A_830 = arith.constant 0 : index
          %get3A_831 = tpu.vector_load %arg17[%get3A_829, %get3A_830] {strides = array<i32>} : memref<32x16xf32, #tpu.memory_space<vmem>>, vector<16xf32>,
          %mul3A_832 = arith.mulf %gather3A_827, %get3A_831 : vector<16xf32>
          %add3A_833 = arith.addf %add3A_824, %mul3A_832 : vector<16xf32>
          %broadcast_in_dim3A_834 = arith.constant 3 : i32
          %broadcast_in_dim3A_835 = vector.broadcast %broadcast_in_dim3A_834 : i32 to vector<16xi32>
          %gather3A_836 = tpu.vector_load_idx %arg15[%add3A_804, %broadcast_in_dim3A_835] : memref<320x32xf32, #tpu.memory_space<vmem>>[vector<16xi32>, vector<16xi32>], vector<16xf32>,
          %get3A_837 = arith.constant 3 : i32
          %get3A_838 = arith.index_cast %get3A_837 : i32 to index
          %get3A_839 = arith.constant 0 : index
          %get3A_840 = tpu.vector_load %arg17[%get3A_838, %get3A_839] {strides = array<i32>} : memref<32x16xf32, #tpu.memory_space<vmem>>, vector<16xf32>,
          %mul3A_841 = arith.mulf %gather3A_836, %get3A_840 : vector<16xf32>
          %add3A_842 = arith.addf %add3A_833, %mul3A_841 : vector<16xf32>
          %broadcast_in_dim3A_843 = arith.constant 4 : i32
          %broadcast_in_dim3A_844 = vector.broadcast %broadcast_in_dim3A_843 : i32 to vector<16xi32>
          %gather3A_845 = tpu.vector_load_idx %arg15[%add3A_804, %broadcast_in_dim3A_844] : memref<320x32xf32, #tpu.memory_space<vmem>>[vector<16xi32>, vector<16xi32>], vector<16xf32>,
          %get3A_846 = arith.constant 4 : i32
          %get3A_847 = arith.index_cast %get3A_846 : i32 to index
          %get3A_848 = arith.constant 0 : index
          %get3A_849 = tpu.vector_load %arg17[%get3A_847, %get3A_848] {strides = array<i32>} : memref<32x16xf32, #tpu.memory_space<vmem>>, vector<16xf32>,
          %mul3A_850 = arith.mulf %gather3A_845, %get3A_849 : vector<16xf32>
          %add3A_851 = arith.addf %add3A_842, %mul3A_850 : vector<16xf32>
          %broadcast_in_dim3A_852 = arith.constant 5 : i32
          %broadcast_in_dim3A_853 = vector.broadcast %broadcast_in_dim3A_852 : i32 to vector<16xi32>
          %gather3A_854 = tpu.vector_load_idx %arg15[%add3A_804, %broadcast_in_dim3A_853] : memref<320x32xf32, #tpu.memory_space<vmem>>[vector<16xi32>, vector<16xi32>], vector<16xf32>,
          %get3A_855 = arith.constant 5 : i32
          %get3A_856 = arith.index_cast %get3A_855 : i32 to index
          %get3A_857 = arith.constant 0 : index
          %get3A_858 = tpu.vector_load %arg17[%get3A_856, %get3A_857] {strides = array<i32>} : memref<32x16xf32, #tpu.memory_space<vmem>>, vector<16xf32>,
          %mul3A_859 = arith.mulf %gather3A_854, %get3A_858 : vector<16xf32>
          %add3A_860 = arith.addf %add3A_851, %mul3A_859 : vector<16xf32>
          %broadcast_in_dim3A_861 = arith.constant 6 : i32
          %broadcast_in_dim3A_862 = vector.broadcast %broadcast_in_dim3A_861 : i32 to vector<16xi32>
          %gather3A_863 = tpu.vector_load_idx %arg15[%add3A_804, %broadcast_in_dim3A_862] : memref<320x32xf32, #tpu.memory_space<vmem>>[vector<16xi32>, vector<16xi32>], vector<16xf32>,
          %get3A_864 = arith.constant 6 : i32
          %get3A_865 = arith.index_cast %get3A_864 : i32 to index
          %get3A_866 = arith.constant 0 : index
          %get3A_867 = tpu.vector_load %arg17[%get3A_865, %get3A_866] {strides = array<i32>} : memref<32x16xf32, #tpu.memory_space<vmem>>, vector<16xf32>,
          %mul3A_868 = arith.mulf %gather3A_863, %get3A_867 : vector<16xf32>
          %add3A_869 = arith.addf %add3A_860, %mul3A_868 : vector<16xf32>
          %broadcast_in_dim3A_870 = arith.constant 7 : i32
          %broadcast_in_dim3A_871 = vector.broadcast %broadcast_in_dim3A_870 : i32 to vector<16xi32>
          %gather3A_872 = tpu.vector_load_idx %arg15[%add3A_804, %broadcast_in_dim3A_871] : memref<320x32xf32, #tpu.memory_space<vmem>>[vector<16xi32>, vector<16xi32>], vector<16xf32>,
          %get3A_873 = arith.constant 7 : i32
          %get3A_874 = arith.index_cast %get3A_873 : i32 to index
          %get3A_875 = arith.constant 0 : index
          %get3A_876 = tpu.vector_load %arg17[%get3A_874, %get3A_875] {strides = array<i32>} : memref<32x16xf32, #tpu.memory_space<vmem>>, vector<16xf32>,
          %mul3A_877 = arith.mulf %gather3A_872, %get3A_876 : vector<16xf32>
          %add3A_878 = arith.addf %add3A_869, %mul3A_877 : vector<16xf32>
          %broadcast_in_dim3A_879 = arith.constant 8 : i32
          %broadcast_in_dim3A_880 = vector.broadcast %broadcast_in_dim3A_879 : i32 to vector<16xi32>
          %gather3A_881 = tpu.vector_load_idx %arg15[%add3A_804, %broadcast_in_dim3A_880] : memref<320x32xf32, #tpu.memory_space<vmem>>[vector<16xi32>, vector<16xi32>], vector<16xf32>,
          %get3A_882 = arith.constant 8 : i32
          %get3A_883 = arith.index_cast %get3A_882 : i32 to index
          %get3A_884 = arith.constant 0 : index
          %get3A_885 = tpu.vector_load %arg17[%get3A_883, %get3A_884] {strides = array<i32>} : memref<32x16xf32, #tpu.memory_space<vmem>>, vector<16xf32>,
          %mul3A_886 = arith.mulf %gather3A_881, %get3A_885 : vector<16xf32>
          %add3A_887 = arith.addf %add3A_878, %mul3A_886 : vector<16xf32>
          %broadcast_in_dim3A_888 = arith.constant 9 : i32
          %broadcast_in_dim3A_889 = vector.broadcast %broadcast_in_dim3A_888 : i32 to vector<16xi32>
          %gather3A_890 = tpu.vector_load_idx %arg15[%add3A_804, %broadcast_in_dim3A_889] : memref<320x32xf32, #tpu.memory_space<vmem>>[vector<16xi32>, vector<16xi32>], vector<16xf32>,
          %get3A_891 = arith.constant 9 : i32
          %get3A_892 = arith.index_cast %get3A_891 : i32 to index
          %get3A_893 = arith.constant 0 : index
          %get3A_894 = tpu.vector_load %arg17[%get3A_892, %get3A_893] {strides = array<i32>} : memref<32x16xf32, #tpu.memory_space<vmem>>, vector<16xf32>,
          %mul3A_895 = arith.mulf %gather3A_890, %get3A_894 : vector<16xf32>
          %add3A_896 = arith.addf %add3A_887, %mul3A_895 : vector<16xf32>
          %broadcast_in_dim3A_897 = arith.constant 10 : i32
          %broadcast_in_dim3A_898 = vector.broadcast %broadcast_in_dim3A_897 : i32 to vector<16xi32>
          %gather3A_899 = tpu.vector_load_idx %arg15[%add3A_804, %broadcast_in_dim3A_898] : memref<320x32xf32, #tpu.memory_space<vmem>>[vector<16xi32>, vector<16xi32>], vector<16xf32>,
          %get3A_900 = arith.constant 10 : i32
          %get3A_901 = arith.index_cast %get3A_900 : i32 to index
          %get3A_902 = arith.constant 0 : index
          %get3A_903 = tpu.vector_load %arg17[%get3A_901, %get3A_902] {strides = array<i32>} : memref<32x16xf32, #tpu.memory_space<vmem>>, vector<16xf32>,
          %mul3A_904 = arith.mulf %gather3A_899, %get3A_903 : vector<16xf32>
          %add3A_905 = arith.addf %add3A_896, %mul3A_904 : vector<16xf32>
          %broadcast_in_dim3A_906 = arith.constant 11 : i32
          %broadcast_in_dim3A_907 = vector.broadcast %broadcast_in_dim3A_906 : i32 to vector<16xi32>
          %gather3A_908 = tpu.vector_load_idx %arg15[%add3A_804, %broadcast_in_dim3A_907] : memref<320x32xf32, #tpu.memory_space<vmem>>[vector<16xi32>, vector<16xi32>], vector<16xf32>,
          %get3A_909 = arith.constant 11 : i32
          %get3A_910 = arith.index_cast %get3A_909 : i32 to index
          %get3A_911 = arith.constant 0 : index
          %get3A_912 = tpu.vector_load %arg17[%get3A_910, %get3A_911] {strides = array<i32>} : memref<32x16xf32, #tpu.memory_space<vmem>>, vector<16xf32>,
          %mul3A_913 = arith.mulf %gather3A_908, %get3A_912 : vector<16xf32>
          %add3A_914 = arith.addf %add3A_905, %mul3A_913 : vector<16xf32>
          %broadcast_in_dim3A_915 = arith.constant 12 : i32
          %broadcast_in_dim3A_916 = vector.broadcast %broadcast_in_dim3A_915 : i32 to vector<16xi32>
          %gather3A_917 = tpu.vector_load_idx %arg15[%add3A_804, %broadcast_in_dim3A_916] : memref<320x32xf32, #tpu.memory_space<vmem>>[vector<16xi32>, vector<16xi32>], vector<16xf32>,
          %get3A_918 = arith.constant 12 : i32
          %get3A_919 = arith.index_cast %get3A_918 : i32 to index
          %get3A_920 = arith.constant 0 : index
          %get3A_921 = tpu.vector_load %arg17[%get3A_919, %get3A_920] {strides = array<i32>} : memref<32x16xf32, #tpu.memory_space<vmem>>, vector<16xf32>,
          %mul3A_922 = arith.mulf %gather3A_917, %get3A_921 : vector<16xf32>
          %add3A_923 = arith.addf %add3A_914, %mul3A_922 : vector<16xf32>
          %broadcast_in_dim3A_924 = arith.constant 13 : i32
          %broadcast_in_dim3A_925 = vector.broadcast %broadcast_in_dim3A_924 : i32 to vector<16xi32>
          %gather3A_926 = tpu.vector_load_idx %arg15[%add3A_804, %broadcast_in_dim3A_925] : memref<320x32xf32, #tpu.memory_space<vmem>>[vector<16xi32>, vector<16xi32>], vector<16xf32>,
          %get3A_927 = arith.constant 13 : i32
          %get3A_928 = arith.index_cast %get3A_927 : i32 to index
          %get3A_929 = arith.constant 0 : index
          %get3A_930 = tpu.vector_load %arg17[%get3A_928, %get3A_929] {strides = array<i32>} : memref<32x16xf32, #tpu.memory_space<vmem>>, vector<16xf32>,
          %mul3A_931 = arith.mulf %gather3A_926, %get3A_930 : vector<16xf32>
          %add3A_932 = arith.addf %add3A_923, %mul3A_931 : vector<16xf32>
          %broadcast_in_dim3A_933 = arith.constant 14 : i32
          %broadcast_in_dim3A_934 = vector.broadcast %broadcast_in_dim3A_933 : i32 to vector<16xi32>
          %gather3A_935 = tpu.vector_load_idx %arg15[%add3A_804, %broadcast_in_dim3A_934] : memref<320x32xf32, #tpu.memory_space<vmem>>[vector<16xi32>, vector<16xi32>], vector<16xf32>,
          %get3A_936 = arith.constant 14 : i32
          %get3A_937 = arith.index_cast %get3A_936 : i32 to index
          %get3A_938 = arith.constant 0 : index
          %get3A_939 = tpu.vector_load %arg17[%get3A_937, %get3A_938] {strides = array<i32>} : memref<32x16xf32, #tpu.memory_space<vmem>>, vector<16xf32>,
          %mul3A_940 = arith.mulf %gather3A_935, %get3A_939 : vector<16xf32>
          %add3A_941 = arith.addf %add3A_932, %mul3A_940 : vector<16xf32>
          %broadcast_in_dim3A_942 = arith.constant 15 : i32
          %broadcast_in_dim3A_943 = vector.broadcast %broadcast_in_dim3A_942 : i32 to vector<16xi32>
          %gather3A_944 = tpu.vector_load_idx %arg15[%add3A_804, %broadcast_in_dim3A_943] : memref<320x32xf32, #tpu.memory_space<vmem>>[vector<16xi32>, vector<16xi32>], vector<16xf32>,
          %get3A_945 = arith.constant 15 : i32
          %get3A_946 = arith.index_cast %get3A_945 : i32 to index
          %get3A_947 = arith.constant 0 : index
          %get3A_948 = tpu.vector_load %arg17[%get3A_946, %get3A_947] {strides = array<i32>} : memref<32x16xf32, #tpu.memory_space<vmem>>, vector<16xf32>,
          %mul3A_949 = arith.mulf %gather3A_944, %get3A_948 : vector<16xf32>
          %add3A_950 = arith.addf %add3A_941, %mul3A_949 : vector<16xf32>
          %broadcast_in_dim3A_951 = arith.constant 16 : i32
          %broadcast_in_dim3A_952 = vector.broadcast %broadcast_in_dim3A_951 : i32 to vector<16xi32>
          %gather3A_953 = tpu.vector_load_idx %arg15[%add3A_804, %broadcast_in_dim3A_952] : memref<320x32xf32, #tpu.memory_space<vmem>>[vector<16xi32>, vector<16xi32>], vector<16xf32>,
          %get3A_954 = arith.constant 16 : i32
          %get3A_955 = arith.index_cast %get3A_954 : i32 to index
          %get3A_956 = arith.constant 0 : index
          %get3A_957 = tpu.vector_load %arg17[%get3A_955, %get3A_956] {strides = array<i32>} : memref<32x16xf32, #tpu.memory_space<vmem>>, vector<16xf32>,
          %mul3A_958 = arith.mulf %gather3A_953, %get3A_957 : vector<16xf32>
          %add3A_959 = arith.addf %add3A_950, %mul3A_958 : vector<16xf32>
          %broadcast_in_dim3A_960 = arith.constant 17 : i32
          %broadcast_in_dim3A_961 = vector.broadcast %broadcast_in_dim3A_960 : i32 to vector<16xi32>
          %gather3A_962 = tpu.vector_load_idx %arg15[%add3A_804, %broadcast_in_dim3A_961] : memref<320x32xf32, #tpu.memory_space<vmem>>[vector<16xi32>, vector<16xi32>], vector<16xf32>,
          %get3A_963 = arith.constant 17 : i32
          %get3A_964 = arith.index_cast %get3A_963 : i32 to index
          %get3A_965 = arith.constant 0 : index
          %get3A_966 = tpu.vector_load %arg17[%get3A_964, %get3A_965] {strides = array<i32>} : memref<32x16xf32, #tpu.memory_space<vmem>>, vector<16xf32>,
          %mul3A_967 = arith.mulf %gather3A_962, %get3A_966 : vector<16xf32>
          %add3A_968 = arith.addf %add3A_959, %mul3A_967 : vector<16xf32>
          %broadcast_in_dim3A_969 = arith.constant 18 : i32
          %broadcast_in_dim3A_970 = vector.broadcast %broadcast_in_dim3A_969 : i32 to vector<16xi32>
          %gather3A_971 = tpu.vector_load_idx %arg15[%add3A_804, %broadcast_in_dim3A_970] : memref<320x32xf32, #tpu.memory_space<vmem>>[vector<16xi32>, vector<16xi32>], vector<16xf32>,
          %get3A_972 = arith.constant 18 : i32
          %get3A_973 = arith.index_cast %get3A_972 : i32 to index
          %get3A_974 = arith.constant 0 : index
          %get3A_975 = tpu.vector_load %arg17[%get3A_973, %get3A_974] {strides = array<i32>} : memref<32x16xf32, #tpu.memory_space<vmem>>, vector<16xf32>,
          %mul3A_976 = arith.mulf %gather3A_971, %get3A_975 : vector<16xf32>
          %add3A_977 = arith.addf %add3A_968, %mul3A_976 : vector<16xf32>
          %broadcast_in_dim3A_978 = arith.constant 19 : i32
          %broadcast_in_dim3A_979 = vector.broadcast %broadcast_in_dim3A_978 : i32 to vector<16xi32>
          %gather3A_980 = tpu.vector_load_idx %arg15[%add3A_804, %broadcast_in_dim3A_979] : memref<320x32xf32, #tpu.memory_space<vmem>>[vector<16xi32>, vector<16xi32>], vector<16xf32>,
          %get3A_981 = arith.constant 19 : i32
          %get3A_982 = arith.index_cast %get3A_981 : i32 to index
          %get3A_983 = arith.constant 0 : index
          %get3A_984 = tpu.vector_load %arg17[%get3A_982, %get3A_983] {strides = array<i32>} : memref<32x16xf32, #tpu.memory_space<vmem>>, vector<16xf32>,
          %mul3A_985 = arith.mulf %gather3A_980, %get3A_984 : vector<16xf32>
          %add3A_986 = arith.addf %add3A_977, %mul3A_985 : vector<16xf32>
          %broadcast_in_dim3A_987 = arith.constant 20 : i32
          %broadcast_in_dim3A_988 = vector.broadcast %broadcast_in_dim3A_987 : i32 to vector<16xi32>
          %gather3A_989 = tpu.vector_load_idx %arg15[%add3A_804, %broadcast_in_dim3A_988] : memref<320x32xf32, #tpu.memory_space<vmem>>[vector<16xi32>, vector<16xi32>], vector<16xf32>,
          %get3A_990 = arith.constant 20 : i32
          %get3A_991 = arith.index_cast %get3A_990 : i32 to index
          %get3A_992 = arith.constant 0 : index
          %get3A_993 = tpu.vector_load %arg17[%get3A_991, %get3A_992] {strides = array<i32>} : memref<32x16xf32, #tpu.memory_space<vmem>>, vector<16xf32>,
          %mul3A_994 = arith.mulf %gather3A_989, %get3A_993 : vector<16xf32>
          %add3A_995 = arith.addf %add3A_986, %mul3A_994 : vector<16xf32>
          %broadcast_in_dim3A_996 = arith.constant 21 : i32
          %broadcast_in_dim3A_997 = vector.broadcast %broadcast_in_dim3A_996 : i32 to vector<16xi32>
          %gather3A_998 = tpu.vector_load_idx %arg15[%add3A_804, %broadcast_in_dim3A_997] : memref<320x32xf32, #tpu.memory_space<vmem>>[vector<16xi32>, vector<16xi32>], vector<16xf32>,
          %get3A_999 = arith.constant 21 : i32
          %get3A_1000 = arith.index_cast %get3A_999 : i32 to index
          %get3A_1001 = arith.constant 0 : index
          %get3A_1002 = tpu.vector_load %arg17[%get3A_1000, %get3A_1001] {strides = array<i32>} : memref<32x16xf32, #tpu.memory_space<vmem>>, vector<16xf32>,
          %mul3A_1003 = arith.mulf %gather3A_998, %get3A_1002 : vector<16xf32>
          %add3A_1004 = arith.addf %add3A_995, %mul3A_1003 : vector<16xf32>
          %broadcast_in_dim3A_1005 = arith.constant 22 : i32
          %broadcast_in_dim3A_1006 = vector.broadcast %broadcast_in_dim3A_1005 : i32 to vector<16xi32>
          %gather3A_1007 = tpu.vector_load_idx %arg15[%add3A_804, %broadcast_in_dim3A_1006] : memref<320x32xf32, #tpu.memory_space<vmem>>[vector<16xi32>, vector<16xi32>], vector<16xf32>,
          %get3A_1008 = arith.constant 22 : i32
          %get3A_1009 = arith.index_cast %get3A_1008 : i32 to index
          %get3A_1010 = arith.constant 0 : index
          %get3A_1011 = tpu.vector_load %arg17[%get3A_1009, %get3A_1010] {strides = array<i32>} : memref<32x16xf32, #tpu.memory_space<vmem>>, vector<16xf32>,
          %mul3A_1012 = arith.mulf %gather3A_1007, %get3A_1011 : vector<16xf32>
          %add3A_1013 = arith.addf %add3A_1004, %mul3A_1012 : vector<16xf32>
          %broadcast_in_dim3A_1014 = arith.constant 23 : i32
          %broadcast_in_dim3A_1015 = vector.broadcast %broadcast_in_dim3A_1014 : i32 to vector<16xi32>
          %gather3A_1016 = tpu.vector_load_idx %arg15[%add3A_804, %broadcast_in_dim3A_1015] : memref<320x32xf32, #tpu.memory_space<vmem>>[vector<16xi32>, vector<16xi32>], vector<16xf32>,
          %get3A_1017 = arith.constant 23 : i32
          %get3A_1018 = arith.index_cast %get3A_1017 : i32 to index
          %get3A_1019 = arith.constant 0 : index
          %get3A_1020 = tpu.vector_load %arg17[%get3A_1018, %get3A_1019] {strides = array<i32>} : memref<32x16xf32, #tpu.memory_space<vmem>>, vector<16xf32>,
          %mul3A_1021 = arith.mulf %gather3A_1016, %get3A_1020 : vector<16xf32>
          %add3A_1022 = arith.addf %add3A_1013, %mul3A_1021 : vector<16xf32>
          %broadcast_in_dim3A_1023 = arith.constant 24 : i32
          %broadcast_in_dim3A_1024 = vector.broadcast %broadcast_in_dim3A_1023 : i32 to vector<16xi32>
          %gather3A_1025 = tpu.vector_load_idx %arg15[%add3A_804, %broadcast_in_dim3A_1024] : memref<320x32xf32, #tpu.memory_space<vmem>>[vector<16xi32>, vector<16xi32>], vector<16xf32>,
          %get3A_1026 = arith.constant 24 : i32
          %get3A_1027 = arith.index_cast %get3A_1026 : i32 to index
          %get3A_1028 = arith.constant 0 : index
          %get3A_1029 = tpu.vector_load %arg17[%get3A_1027, %get3A_1028] {strides = array<i32>} : memref<32x16xf32, #tpu.memory_space<vmem>>, vector<16xf32>,
          %mul3A_1030 = arith.mulf %gather3A_1025, %get3A_1029 : vector<16xf32>
          %add3A_1031 = arith.addf %add3A_1022, %mul3A_1030 : vector<16xf32>
          %broadcast_in_dim3A_1032 = arith.constant 25 : i32
          %broadcast_in_dim3A_1033 = vector.broadcast %broadcast_in_dim3A_1032 : i32 to vector<16xi32>
          %gather3A_1034 = tpu.vector_load_idx %arg15[%add3A_804, %broadcast_in_dim3A_1033] : memref<320x32xf32, #tpu.memory_space<vmem>>[vector<16xi32>, vector<16xi32>], vector<16xf32>,
          %get3A_1035 = arith.constant 25 : i32
          %get3A_1036 = arith.index_cast %get3A_1035 : i32 to index
          %get3A_1037 = arith.constant 0 : index
          %get3A_1038 = tpu.vector_load %arg17[%get3A_1036, %get3A_1037] {strides = array<i32>} : memref<32x16xf32, #tpu.memory_space<vmem>>, vector<16xf32>,
          %mul3A_1039 = arith.mulf %gather3A_1034, %get3A_1038 : vector<16xf32>
          %add3A_1040 = arith.addf %add3A_1031, %mul3A_1039 : vector<16xf32>
          %broadcast_in_dim3A_1041 = arith.constant 26 : i32
          %broadcast_in_dim3A_1042 = vector.broadcast %broadcast_in_dim3A_1041 : i32 to vector<16xi32>
          %gather3A_1043 = tpu.vector_load_idx %arg15[%add3A_804, %broadcast_in_dim3A_1042] : memref<320x32xf32, #tpu.memory_space<vmem>>[vector<16xi32>, vector<16xi32>], vector<16xf32>,
          %get3A_1044 = arith.constant 26 : i32
          %get3A_1045 = arith.index_cast %get3A_1044 : i32 to index
          %get3A_1046 = arith.constant 0 : index
          %get3A_1047 = tpu.vector_load %arg17[%get3A_1045, %get3A_1046] {strides = array<i32>} : memref<32x16xf32, #tpu.memory_space<vmem>>, vector<16xf32>,
          %mul3A_1048 = arith.mulf %gather3A_1043, %get3A_1047 : vector<16xf32>
          %add3A_1049 = arith.addf %add3A_1040, %mul3A_1048 : vector<16xf32>
          %broadcast_in_dim3A_1050 = arith.constant 27 : i32
          %broadcast_in_dim3A_1051 = vector.broadcast %broadcast_in_dim3A_1050 : i32 to vector<16xi32>
          %gather3A_1052 = tpu.vector_load_idx %arg15[%add3A_804, %broadcast_in_dim3A_1051] : memref<320x32xf32, #tpu.memory_space<vmem>>[vector<16xi32>, vector<16xi32>], vector<16xf32>,
          %get3A_1053 = arith.constant 27 : i32
          %get3A_1054 = arith.index_cast %get3A_1053 : i32 to index
          %get3A_1055 = arith.constant 0 : index
          %get3A_1056 = tpu.vector_load %arg17[%get3A_1054, %get3A_1055] {strides = array<i32>} : memref<32x16xf32, #tpu.memory_space<vmem>>, vector<16xf32>,
          %mul3A_1057 = arith.mulf %gather3A_1052, %get3A_1056 : vector<16xf32>
          %add3A_1058 = arith.addf %add3A_1049, %mul3A_1057 : vector<16xf32>
          %broadcast_in_dim3A_1059 = arith.constant 28 : i32
          %broadcast_in_dim3A_1060 = vector.broadcast %broadcast_in_dim3A_1059 : i32 to vector<16xi32>
          %gather3A_1061 = tpu.vector_load_idx %arg15[%add3A_804, %broadcast_in_dim3A_1060] : memref<320x32xf32, #tpu.memory_space<vmem>>[vector<16xi32>, vector<16xi32>], vector<16xf32>,
          %get3A_1062 = arith.constant 28 : i32
          %get3A_1063 = arith.index_cast %get3A_1062 : i32 to index
          %get3A_1064 = arith.constant 0 : index
          %get3A_1065 = tpu.vector_load %arg17[%get3A_1063, %get3A_1064] {strides = array<i32>} : memref<32x16xf32, #tpu.memory_space<vmem>>, vector<16xf32>,
          %mul3A_1066 = arith.mulf %gather3A_1061, %get3A_1065 : vector<16xf32>
          %add3A_1067 = arith.addf %add3A_1058, %mul3A_1066 : vector<16xf32>
          %broadcast_in_dim3A_1068 = arith.constant 29 : i32
          %broadcast_in_dim3A_1069 = vector.broadcast %broadcast_in_dim3A_1068 : i32 to vector<16xi32>
          %gather3A_1070 = tpu.vector_load_idx %arg15[%add3A_804, %broadcast_in_dim3A_1069] : memref<320x32xf32, #tpu.memory_space<vmem>>[vector<16xi32>, vector<16xi32>], vector<16xf32>,
          %get3A_1071 = arith.constant 29 : i32
          %get3A_1072 = arith.index_cast %get3A_1071 : i32 to index
          %get3A_1073 = arith.constant 0 : index
          %get3A_1074 = tpu.vector_load %arg17[%get3A_1072, %get3A_1073] {strides = array<i32>} : memref<32x16xf32, #tpu.memory_space<vmem>>, vector<16xf32>,
          %mul3A_1075 = arith.mulf %gather3A_1070, %get3A_1074 : vector<16xf32>
          %add3A_1076 = arith.addf %add3A_1067, %mul3A_1075 : vector<16xf32>
          %broadcast_in_dim3A_1077 = arith.constant 30 : i32
          %broadcast_in_dim3A_1078 = vector.broadcast %broadcast_in_dim3A_1077 : i32 to vector<16xi32>
          %gather3A_1079 = tpu.vector_load_idx %arg15[%add3A_804, %broadcast_in_dim3A_1078] : memref<320x32xf32, #tpu.memory_space<vmem>>[vector<16xi32>, vector<16xi32>], vector<16xf32>,
          %get3A_1080 = arith.constant 30 : i32
          %get3A_1081 = arith.index_cast %get3A_1080 : i32 to index
          %get3A_1082 = arith.constant 0 : index
          %get3A_1083 = tpu.vector_load %arg17[%get3A_1081, %get3A_1082] {strides = array<i32>} : memref<32x16xf32, #tpu.memory_space<vmem>>, vector<16xf32>,
          %mul3A_1084 = arith.mulf %gather3A_1079, %get3A_1083 : vector<16xf32>
          %add3A_1085 = arith.addf %add3A_1076, %mul3A_1084 : vector<16xf32>
          %broadcast_in_dim3A_1086 = arith.constant 31 : i32
          %broadcast_in_dim3A_1087 = vector.broadcast %broadcast_in_dim3A_1086 : i32 to vector<16xi32>
          %gather3A_1088 = tpu.vector_load_idx %arg15[%add3A_804, %broadcast_in_dim3A_1087] : memref<320x32xf32, #tpu.memory_space<vmem>>[vector<16xi32>, vector<16xi32>], vector<16xf32>,
          %get3A_1089 = arith.constant 31 : i32
          %get3A_1090 = arith.index_cast %get3A_1089 : i32 to index
          %get3A_1091 = arith.constant 0 : index
          %get3A_1092 = tpu.vector_load %arg17[%get3A_1090, %get3A_1091] {strides = array<i32>} : memref<32x16xf32, #tpu.memory_space<vmem>>, vector<16xf32>,
          %mul3A_1093 = arith.mulf %gather3A_1088, %get3A_1092 : vector<16xf32>
          %add3A_1094 = arith.addf %add3A_1085, %mul3A_1093 : vector<16xf32>
          %add3A_1095 = arith.constant 1 : i32
          %add3A_1096 = arith.addi %add3A_802, %add3A_1095 : i32
          %swap3A_1097 = arith.index_cast %add3A_1096 : i32 to index
          %swap3A_1098 = arith.index_cast %mul3A_469 : i32 to index
          %swap3A_1099 = tpu.vector_load %arg18[%swap3A_1097, %swap3A_1098] {strides = array<i32>} : memref<21x512xf32, #tpu.memory_space<vmem>>, vector<16xf32>,
          tpu.vector_store %arg18[%swap3A_1097, %swap3A_1098], %add3A_1094 {strides = array<i32>} : memref<21x512xf32, #tpu.memory_space<vmem>>, vector<16xf32>,
        }
        %scan3A_797 = arith.constant 20 : i32
      } else {
      }
      %jit3A_435 = arith.constant 2 : i32
      %eq3A_436 = arith.constant 0 : i32
      %eq3A_437 = arith.cmpi eq, %jit3A_435, %eq3A_436 : i32
      %jit3A_438 = arith.constant 1 : i32
      %select_n3A_439 = arith.select %eq3A_437, %jit3A_438, %jit3A_435 : i32
      %rem3A_440 = arith.remsi %add3A_422, %select_n3A_439 : i32
      %ne3A_441 = arith.constant 0 : i32
      %ne3A_442 = arith.cmpi ne, %rem3A_440, %ne3A_441 : i32
      %lt3A_443 = arith.constant 0 : i32
      %lt3A_444 = arith.cmpi slt, %rem3A_440, %lt3A_443 : i32
      %lt3A_445 = arith.constant 0 : i32
      %lt3A_446 = arith.cmpi slt, %select_n3A_439, %lt3A_445 : i32
      %ne3A_447 = arith.xori %lt3A_444, %lt3A_446 : i1
      %and3A_448 = arith.andi %ne3A_447, %ne3A_442 : i1
      %add3A_449 = arith.addi %rem3A_440, %select_n3A_439 : i32
      %select_n3A_450 = arith.select %and3A_448, %add3A_449, %rem3A_440 : i32
      %eq3A_451 = arith.constant 1 : i32
      %eq3A_452 = arith.cmpi eq, %select_n3A_450, %eq3A_451 : i32
      %convert_element_type3A_453 = arith.extui %eq3A_452 : i1 to i32
      %cond3A_454 = arith.constant 0 : i32
      %cond3A_455 = arith.cmpi ne, %convert_element_type3A_453, %cond3A_454 : i32
      scf.if %cond3A_455 {
        %add3A_456 = arith.constant 1 : i32
        %add3A_457 = arith.addi %add3A_422, %add3A_456 : i32
        %lt3A_458 = arith.constant 32 : i32
        %lt3A_459 = arith.cmpi slt, %add3A_457, %lt3A_458 : i32
        %convert_element_type3A_460 = arith.extui %lt3A_459 : i1 to i32
        %cond3A_461 = arith.constant 0 : i32
        %cond3A_462 = arith.cmpi ne, %convert_element_type3A_460, %cond3A_461 : i32
        scf.if %cond3A_462 {
          %add3A_798 = arith.constant 1 : i32
          %add3A_799 = arith.addi %add3A_422, %add3A_798 : i32
          %mul3A_800 = arith.constant 16 : i32
          %mul3A_801 = arith.muli %add3A_799, %mul3A_800 : i32
          %get3A_802 = arith.index_cast %mul3A_801 : i32 to index
          %get3A_803 = tpu.vector_load %arg8[%get3A_802] {strides = array<i32>} : memref<512xi32, #tpu.memory_space<vmem>>, vector<16xi32>,
          %mul3A_804 = arith.constant 16 : i32
          %mul3A_805 = arith.muli %add3A_799, %mul3A_804 : i32
          %get3A_806 = arith.index_cast %mul3A_805 : i32 to index
          %get3A_807 = tpu.vector_load %arg9[%get3A_806] {strides = array<i32>} : memref<512xi32, #tpu.memory_space<vmem>>, vector<16xi32>,
          %slice3A_808 = vector.extract_strided_slice %get3A_803 {offsets = [0], sizes = [1], strides = [1]} : vector<16xi32> to vector<1xi32>
          %squeeze3A_809 = vector.extract %slice3A_808[0] : i32 from vector<1xi32>
          %dma_start3A_810 = arith.constant 0 : i32
          %dma_start3A_811 = arith.constant 0 : i32
          %dma_start3A_812 = tpu.memref_slice %arg11[%dma_start3A_810, %dma_start3A_811] : memref<16x32xf32, #tpu.memory_space<vmem>> -> memref<1x32xf32, #tpu.memory_space<vmem>>
          %dma_start3A_813 = arith.constant 0 : i32
          %dma_start3A_814 = tpu.memref_slice %arg2[%squeeze3A_809, %dma_start3A_813] : memref<1000000x32xf32, #tpu.memory_space<hbm>> -> memref<1x32xf32, #tpu.memory_space<hbm>>
          %dma_start3A_815 = arith.constant 0 : i32
          %dma_start3A_816 = arith.constant 0 : i32
          %dma_start3A_817 = tpu.memref_slice %arg11[%dma_start3A_815, %dma_start3A_816] : memref<16x32xf32, #tpu.memory_space<vmem>> -> memref<1x32xf32, #tpu.memory_space<vmem>>
          %dma_start3A_818 = arith.constant 0 : i32
          %dma_start3A_819 = tpu.memref_slice %arg2[%squeeze3A_809, %dma_start3A_818] : memref<1000000x32xf32, #tpu.memory_space<hbm>> -> memref<1x32xf32, #tpu.memory_space<hbm>>
          tpu.enqueue_dma source(%dma_start3A_819 : memref<1x32xf32, #tpu.memory_space<hbm>>) target(%dma_start3A_817 : memref<1x32xf32, #tpu.memory_space<vmem>>) target_semaphore(%arg20 : memref<!tpu.dma_semaphore, #tpu.memory_space<semaphore_mem>>)
          %slice3A_820 = vector.extract_strided_slice %get3A_807 {offsets = [0], sizes = [1], strides = [1]} : vector<16xi32> to vector<1xi32>
          %squeeze3A_821 = vector.extract %slice3A_820[0] : i32 from vector<1xi32>
          %dma_start3A_822 = arith.constant 0 : i32
          %dma_start3A_823 = arith.constant 0 : i32
          %dma_start3A_824 = tpu.memref_slice %arg13[%dma_start3A_822, %dma_start3A_823] : memref<16x32xf32, #tpu.memory_space<vmem>> -> memref<1x32xf32, #tpu.memory_space<vmem>>
          %dma_start3A_825 = arith.constant 0 : i32
          %dma_start3A_826 = tpu.memref_slice %arg3[%squeeze3A_821, %dma_start3A_825] : memref<1000000x32xf32, #tpu.memory_space<hbm>> -> memref<1x32xf32, #tpu.memory_space<hbm>>
          %dma_start3A_827 = arith.constant 0 : i32
          %dma_start3A_828 = arith.constant 0 : i32
          %dma_start3A_829 = tpu.memref_slice %arg13[%dma_start3A_827, %dma_start3A_828] : memref<16x32xf32, #tpu.memory_space<vmem>> -> memref<1x32xf32, #tpu.memory_space<vmem>>
          %dma_start3A_830 = arith.constant 0 : i32
          %dma_start3A_831 = tpu.memref_slice %arg3[%squeeze3A_821, %dma_start3A_830] : memref<1000000x32xf32, #tpu.memory_space<hbm>> -> memref<1x32xf32, #tpu.memory_space<hbm>>
          tpu.enqueue_dma source(%dma_start3A_831 : memref<1x32xf32, #tpu.memory_space<hbm>>) target(%dma_start3A_829 : memref<1x32xf32, #tpu.memory_space<vmem>>) target_semaphore(%arg20 : memref<!tpu.dma_semaphore, #tpu.memory_space<semaphore_mem>>)
          %slice3A_832 = vector.extract_strided_slice %get3A_803 {offsets = [1], sizes = [1], strides = [1]} : vector<16xi32> to vector<1xi32>
          %squeeze3A_833 = vector.extract %slice3A_832[0] : i32 from vector<1xi32>
          %dma_start3A_834 = arith.constant 1 : i32
          %dma_start3A_835 = arith.constant 0 : i32
          %dma_start3A_836 = tpu.memref_slice %arg11[%dma_start3A_834, %dma_start3A_835] : memref<16x32xf32, #tpu.memory_space<vmem>> -> memref<1x32xf32, #tpu.memory_space<vmem>>
          %dma_start3A_837 = arith.constant 0 : i32
          %dma_start3A_838 = tpu.memref_slice %arg2[%squeeze3A_833, %dma_start3A_837] : memref<1000000x32xf32, #tpu.memory_space<hbm>> -> memref<1x32xf32, #tpu.memory_space<hbm>>
          %dma_start3A_839 = arith.constant 1 : i32
          %dma_start3A_840 = arith.constant 0 : i32
          %dma_start3A_841 = tpu.memref_slice %arg11[%dma_start3A_839, %dma_start3A_840] : memref<16x32xf32, #tpu.memory_space<vmem>> -> memref<1x32xf32, #tpu.memory_space<vmem>>
          %dma_start3A_842 = arith.constant 0 : i32
          %dma_start3A_843 = tpu.memref_slice %arg2[%squeeze3A_833, %dma_start3A_842] : memref<1000000x32xf32, #tpu.memory_space<hbm>> -> memref<1x32xf32, #tpu.memory_space<hbm>>
          tpu.enqueue_dma source(%dma_start3A_843 : memref<1x32xf32, #tpu.memory_space<hbm>>) target(%dma_start3A_841 : memref<1x32xf32, #tpu.memory_space<vmem>>) target_semaphore(%arg20 : memref<!tpu.dma_semaphore, #tpu.memory_space<semaphore_mem>>)
          %slice3A_844 = vector.extract_strided_slice %get3A_807 {offsets = [1], sizes = [1], strides = [1]} : vector<16xi32> to vector<1xi32>
          %squeeze3A_845 = vector.extract %slice3A_844[0] : i32 from vector<1xi32>
          %dma_start3A_846 = arith.constant 1 : i32
          %dma_start3A_847 = arith.constant 0 : i32
          %dma_start3A_848 = tpu.memref_slice %arg13[%dma_start3A_846, %dma_start3A_847] : memref<16x32xf32, #tpu.memory_space<vmem>> -> memref<1x32xf32, #tpu.memory_space<vmem>>
          %dma_start3A_849 = arith.constant 0 : i32
          %dma_start3A_850 = tpu.memref_slice %arg3[%squeeze3A_845, %dma_start3A_849] : memref<1000000x32xf32, #tpu.memory_space<hbm>> -> memref<1x32xf32, #tpu.memory_space<hbm>>
          %dma_start3A_851 = arith.constant 1 : i32
          %dma_start3A_852 = arith.constant 0 : i32
          %dma_start3A_853 = tpu.memref_slice %arg13[%dma_start3A_851, %dma_start3A_852] : memref<16x32xf32, #tpu.memory_space<vmem>> -> memref<1x32xf32, #tpu.memory_space<vmem>>
          %dma_start3A_854 = arith.constant 0 : i32
          %dma_start3A_855 = tpu.memref_slice %arg3[%squeeze3A_845, %dma_start3A_854] : memref<1000000x32xf32, #tpu.memory_space<hbm>> -> memref<1x32xf32, #tpu.memory_space<hbm>>
          tpu.enqueue_dma source(%dma_start3A_855 : memref<1x32xf32, #tpu.memory_space<hbm>>) target(%dma_start3A_853 : memref<1x32xf32, #tpu.memory_space<vmem>>) target_semaphore(%arg20 : memref<!tpu.dma_semaphore, #tpu.memory_space<semaphore_mem>>)
          %slice3A_856 = vector.extract_strided_slice %get3A_803 {offsets = [2], sizes = [1], strides = [1]} : vector<16xi32> to vector<1xi32>
          %squeeze3A_857 = vector.extract %slice3A_856[0] : i32 from vector<1xi32>
          %dma_start3A_858 = arith.constant 2 : i32
          %dma_start3A_859 = arith.constant 0 : i32
          %dma_start3A_860 = tpu.memref_slice %arg11[%dma_start3A_858, %dma_start3A_859] : memref<16x32xf32, #tpu.memory_space<vmem>> -> memref<1x32xf32, #tpu.memory_space<vmem>>
          %dma_start3A_861 = arith.constant 0 : i32
          %dma_start3A_862 = tpu.memref_slice %arg2[%squeeze3A_857, %dma_start3A_861] : memref<1000000x32xf32, #tpu.memory_space<hbm>> -> memref<1x32xf32, #tpu.memory_space<hbm>>
          %dma_start3A_863 = arith.constant 2 : i32
          %dma_start3A_864 = arith.constant 0 : i32
          %dma_start3A_865 = tpu.memref_slice %arg11[%dma_start3A_863, %dma_start3A_864] : memref<16x32xf32, #tpu.memory_space<vmem>> -> memref<1x32xf32, #tpu.memory_space<vmem>>
          %dma_start3A_866 = arith.constant 0 : i32
          %dma_start3A_867 = tpu.memref_slice %arg2[%squeeze3A_857, %dma_start3A_866] : memref<1000000x32xf32, #tpu.memory_space<hbm>> -> memref<1x32xf32, #tpu.memory_space<hbm>>
          tpu.enqueue_dma source(%dma_start3A_867 : memref<1x32xf32, #tpu.memory_space<hbm>>) target(%dma_start3A_865 : memref<1x32xf32, #tpu.memory_space<vmem>>) target_semaphore(%arg20 : memref<!tpu.dma_semaphore, #tpu.memory_space<semaphore_mem>>)
          %slice3A_868 = vector.extract_strided_slice %get3A_807 {offsets = [2], sizes = [1], strides = [1]} : vector<16xi32> to vector<1xi32>
          %squeeze3A_869 = vector.extract %slice3A_868[0] : i32 from vector<1xi32>
          %dma_start3A_870 = arith.constant 2 : i32
          %dma_start3A_871 = arith.constant 0 : i32
          %dma_start3A_872 = tpu.memref_slice %arg13[%dma_start3A_870, %dma_start3A_871] : memref<16x32xf32, #tpu.memory_space<vmem>> -> memref<1x32xf32, #tpu.memory_space<vmem>>
          %dma_start3A_873 = arith.constant 0 : i32
          %dma_start3A_874 = tpu.memref_slice %arg3[%squeeze3A_869, %dma_start3A_873] : memref<1000000x32xf32, #tpu.memory_space<hbm>> -> memref<1x32xf32, #tpu.memory_space<hbm>>
          %dma_start3A_875 = arith.constant 2 : i32
          %dma_start3A_876 = arith.constant 0 : i32
          %dma_start3A_877 = tpu.memref_slice %arg13[%dma_start3A_875, %dma_start3A_876] : memref<16x32xf32, #tpu.memory_space<vmem>> -> memref<1x32xf32, #tpu.memory_space<vmem>>
          %dma_start3A_878 = arith.constant 0 : i32
          %dma_start3A_879 = tpu.memref_slice %arg3[%squeeze3A_869, %dma_start3A_878] : memref<1000000x32xf32, #tpu.memory_space<hbm>> -> memref<1x32xf32, #tpu.memory_space<hbm>>
          tpu.enqueue_dma source(%dma_start3A_879 : memref<1x32xf32, #tpu.memory_space<hbm>>) target(%dma_start3A_877 : memref<1x32xf32, #tpu.memory_space<vmem>>) target_semaphore(%arg20 : memref<!tpu.dma_semaphore, #tpu.memory_space<semaphore_mem>>)
          %slice3A_880 = vector.extract_strided_slice %get3A_803 {offsets = [3], sizes = [1], strides = [1]} : vector<16xi32> to vector<1xi32>
          %squeeze3A_881 = vector.extract %slice3A_880[0] : i32 from vector<1xi32>
          %dma_start3A_882 = arith.constant 3 : i32
          %dma_start3A_883 = arith.constant 0 : i32
          %dma_start3A_884 = tpu.memref_slice %arg11[%dma_start3A_882, %dma_start3A_883] : memref<16x32xf32, #tpu.memory_space<vmem>> -> memref<1x32xf32, #tpu.memory_space<vmem>>
          %dma_start3A_885 = arith.constant 0 : i32
          %dma_start3A_886 = tpu.memref_slice %arg2[%squeeze3A_881, %dma_start3A_885] : memref<1000000x32xf32, #tpu.memory_space<hbm>> -> memref<1x32xf32, #tpu.memory_space<hbm>>
          %dma_start3A_887 = arith.constant 3 : i32
          %dma_start3A_888 = arith.constant 0 : i32
          %dma_start3A_889 = tpu.memref_slice %arg11[%dma_start3A_887, %dma_start3A_888] : memref<16x32xf32, #tpu.memory_space<vmem>> -> memref<1x32xf32, #tpu.memory_space<vmem>>
          %dma_start3A_890 = arith.constant 0 : i32
          %dma_start3A_891 = tpu.memref_slice %arg2[%squeeze3A_881, %dma_start3A_890] : memref<1000000x32xf32, #tpu.memory_space<hbm>> -> memref<1x32xf32, #tpu.memory_space<hbm>>
          tpu.enqueue_dma source(%dma_start3A_891 : memref<1x32xf32, #tpu.memory_space<hbm>>) target(%dma_start3A_889 : memref<1x32xf32, #tpu.memory_space<vmem>>) target_semaphore(%arg20 : memref<!tpu.dma_semaphore, #tpu.memory_space<semaphore_mem>>)
          %slice3A_892 = vector.extract_strided_slice %get3A_807 {offsets = [3], sizes = [1], strides = [1]} : vector<16xi32> to vector<1xi32>
          %squeeze3A_893 = vector.extract %slice3A_892[0] : i32 from vector<1xi32>
          %dma_start3A_894 = arith.constant 3 : i32
          %dma_start3A_895 = arith.constant 0 : i32
          %dma_start3A_896 = tpu.memref_slice %arg13[%dma_start3A_894, %dma_start3A_895] : memref<16x32xf32, #tpu.memory_space<vmem>> -> memref<1x32xf32, #tpu.memory_space<vmem>>
          %dma_start3A_897 = arith.constant 0 : i32
          %dma_start3A_898 = tpu.memref_slice %arg3[%squeeze3A_893, %dma_start3A_897] : memref<1000000x32xf32, #tpu.memory_space<hbm>> -> memref<1x32xf32, #tpu.memory_space<hbm>>
          %dma_start3A_899 = arith.constant 3 : i32
          %dma_start3A_900 = arith.constant 0 : i32
          %dma_start3A_901 = tpu.memref_slice %arg13[%dma_start3A_899, %dma_start3A_900] : memref<16x32xf32, #tpu.memory_space<vmem>> -> memref<1x32xf32, #tpu.memory_space<vmem>>
          %dma_start3A_902 = arith.constant 0 : i32
          %dma_start3A_903 = tpu.memref_slice %arg3[%squeeze3A_893, %dma_start3A_902] : memref<1000000x32xf32, #tpu.memory_space<hbm>> -> memref<1x32xf32, #tpu.memory_space<hbm>>
          tpu.enqueue_dma source(%dma_start3A_903 : memref<1x32xf32, #tpu.memory_space<hbm>>) target(%dma_start3A_901 : memref<1x32xf32, #tpu.memory_space<vmem>>) target_semaphore(%arg20 : memref<!tpu.dma_semaphore, #tpu.memory_space<semaphore_mem>>)
          %slice3A_904 = vector.extract_strided_slice %get3A_803 {offsets = [4], sizes = [1], strides = [1]} : vector<16xi32> to vector<1xi32>
          %squeeze3A_905 = vector.extract %slice3A_904[0] : i32 from vector<1xi32>
          %dma_start3A_906 = arith.constant 4 : i32
          %dma_start3A_907 = arith.constant 0 : i32
          %dma_start3A_908 = tpu.memref_slice %arg11[%dma_start3A_906, %dma_start3A_907] : memref<16x32xf32, #tpu.memory_space<vmem>> -> memref<1x32xf32, #tpu.memory_space<vmem>>
          %dma_start3A_909 = arith.constant 0 : i32
          %dma_start3A_910 = tpu.memref_slice %arg2[%squeeze3A_905, %dma_start3A_909] : memref<1000000x32xf32, #tpu.memory_space<hbm>> -> memref<1x32xf32, #tpu.memory_space<hbm>>
          %dma_start3A_911 = arith.constant 4 : i32
          %dma_start3A_912 = arith.constant 0 : i32
          %dma_start3A_913 = tpu.memref_slice %arg11[%dma_start3A_911, %dma_start3A_912] : memref<16x32xf32, #tpu.memory_space<vmem>> -> memref<1x32xf32, #tpu.memory_space<vmem>>
          %dma_start3A_914 = arith.constant 0 : i32
          %dma_start3A_915 = tpu.memref_slice %arg2[%squeeze3A_905, %dma_start3A_914] : memref<1000000x32xf32, #tpu.memory_space<hbm>> -> memref<1x32xf32, #tpu.memory_space<hbm>>
          tpu.enqueue_dma source(%dma_start3A_915 : memref<1x32xf32, #tpu.memory_space<hbm>>) target(%dma_start3A_913 : memref<1x32xf32, #tpu.memory_space<vmem>>) target_semaphore(%arg20 : memref<!tpu.dma_semaphore, #tpu.memory_space<semaphore_mem>>)
          %slice3A_916 = vector.extract_strided_slice %get3A_807 {offsets = [4], sizes = [1], strides = [1]} : vector<16xi32> to vector<1xi32>
          %squeeze3A_917 = vector.extract %slice3A_916[0] : i32 from vector<1xi32>
          %dma_start3A_918 = arith.constant 4 : i32
          %dma_start3A_919 = arith.constant 0 : i32
          %dma_start3A_920 = tpu.memref_slice %arg13[%dma_start3A_918, %dma_start3A_919] : memref<16x32xf32, #tpu.memory_space<vmem>> -> memref<1x32xf32, #tpu.memory_space<vmem>>
          %dma_start3A_921 = arith.constant 0 : i32
          %dma_start3A_922 = tpu.memref_slice %arg3[%squeeze3A_917, %dma_start3A_921] : memref<1000000x32xf32, #tpu.memory_space<hbm>> -> memref<1x32xf32, #tpu.memory_space<hbm>>
          %dma_start3A_923 = arith.constant 4 : i32
          %dma_start3A_924 = arith.constant 0 : i32
          %dma_start3A_925 = tpu.memref_slice %arg13[%dma_start3A_923, %dma_start3A_924] : memref<16x32xf32, #tpu.memory_space<vmem>> -> memref<1x32xf32, #tpu.memory_space<vmem>>
          %dma_start3A_926 = arith.constant 0 : i32
          %dma_start3A_927 = tpu.memref_slice %arg3[%squeeze3A_917, %dma_start3A_926] : memref<1000000x32xf32, #tpu.memory_space<hbm>> -> memref<1x32xf32, #tpu.memory_space<hbm>>
          tpu.enqueue_dma source(%dma_start3A_927 : memref<1x32xf32, #tpu.memory_space<hbm>>) target(%dma_start3A_925 : memref<1x32xf32, #tpu.memory_space<vmem>>) target_semaphore(%arg20 : memref<!tpu.dma_semaphore, #tpu.memory_space<semaphore_mem>>)
          %slice3A_928 = vector.extract_strided_slice %get3A_803 {offsets = [5], sizes = [1], strides = [1]} : vector<16xi32> to vector<1xi32>
          %squeeze3A_929 = vector.extract %slice3A_928[0] : i32 from vector<1xi32>
          %dma_start3A_930 = arith.constant 5 : i32
          %dma_start3A_931 = arith.constant 0 : i32
          %dma_start3A_932 = tpu.memref_slice %arg11[%dma_start3A_930, %dma_start3A_931] : memref<16x32xf32, #tpu.memory_space<vmem>> -> memref<1x32xf32, #tpu.memory_space<vmem>>
          %dma_start3A_933 = arith.constant 0 : i32
          %dma_start3A_934 = tpu.memref_slice %arg2[%squeeze3A_929, %dma_start3A_933] : memref<1000000x32xf32, #tpu.memory_space<hbm>> -> memref<1x32xf32, #tpu.memory_space<hbm>>
          %dma_start3A_935 = arith.constant 5 : i32
          %dma_start3A_936 = arith.constant 0 : i32
          %dma_start3A_937 = tpu.memref_slice %arg11[%dma_start3A_935, %dma_start3A_936] : memref<16x32xf32, #tpu.memory_space<vmem>> -> memref<1x32xf32, #tpu.memory_space<vmem>>
          %dma_start3A_938 = arith.constant 0 : i32
          %dma_start3A_939 = tpu.memref_slice %arg2[%squeeze3A_929, %dma_start3A_938] : memref<1000000x32xf32, #tpu.memory_space<hbm>> -> memref<1x32xf32, #tpu.memory_space<hbm>>
          tpu.enqueue_dma source(%dma_start3A_939 : memref<1x32xf32, #tpu.memory_space<hbm>>) target(%dma_start3A_937 : memref<1x32xf32, #tpu.memory_space<vmem>>) target_semaphore(%arg20 : memref<!tpu.dma_semaphore, #tpu.memory_space<semaphore_mem>>)
          %slice3A_940 = vector.extract_strided_slice %get3A_807 {offsets = [5], sizes = [1], strides = [1]} : vector<16xi32> to vector<1xi32>
          %squeeze3A_941 = vector.extract %slice3A_940[0] : i32 from vector<1xi32>
          %dma_start3A_942 = arith.constant 5 : i32
          %dma_start3A_943 = arith.constant 0 : i32
          %dma_start3A_944 = tpu.memref_slice %arg13[%dma_start3A_942, %dma_start3A_943] : memref<16x32xf32, #tpu.memory_space<vmem>> -> memref<1x32xf32, #tpu.memory_space<vmem>>
          %dma_start3A_945 = arith.constant 0 : i32
          %dma_start3A_946 = tpu.memref_slice %arg3[%squeeze3A_941, %dma_start3A_945] : memref<1000000x32xf32, #tpu.memory_space<hbm>> -> memref<1x32xf32, #tpu.memory_space<hbm>>
          %dma_start3A_947 = arith.constant 5 : i32
          %dma_start3A_948 = arith.constant 0 : i32
          %dma_start3A_949 = tpu.memref_slice %arg13[%dma_start3A_947, %dma_start3A_948] : memref<16x32xf32, #tpu.memory_space<vmem>> -> memref<1x32xf32, #tpu.memory_space<vmem>>
          %dma_start3A_950 = arith.constant 0 : i32
          %dma_start3A_951 = tpu.memref_slice %arg3[%squeeze3A_941, %dma_start3A_950] : memref<1000000x32xf32, #tpu.memory_space<hbm>> -> memref<1x32xf32, #tpu.memory_space<hbm>>
          tpu.enqueue_dma source(%dma_start3A_951 : memref<1x32xf32, #tpu.memory_space<hbm>>) target(%dma_start3A_949 : memref<1x32xf32, #tpu.memory_space<vmem>>) target_semaphore(%arg20 : memref<!tpu.dma_semaphore, #tpu.memory_space<semaphore_mem>>)
          %slice3A_952 = vector.extract_strided_slice %get3A_803 {offsets = [6], sizes = [1], strides = [1]} : vector<16xi32> to vector<1xi32>
          %squeeze3A_953 = vector.extract %slice3A_952[0] : i32 from vector<1xi32>
          %dma_start3A_954 = arith.constant 6 : i32
          %dma_start3A_955 = arith.constant 0 : i32
          %dma_start3A_956 = tpu.memref_slice %arg11[%dma_start3A_954, %dma_start3A_955] : memref<16x32xf32, #tpu.memory_space<vmem>> -> memref<1x32xf32, #tpu.memory_space<vmem>>
          %dma_start3A_957 = arith.constant 0 : i32
          %dma_start3A_958 = tpu.memref_slice %arg2[%squeeze3A_953, %dma_start3A_957] : memref<1000000x32xf32, #tpu.memory_space<hbm>> -> memref<1x32xf32, #tpu.memory_space<hbm>>
          %dma_start3A_959 = arith.constant 6 : i32
          %dma_start3A_960 = arith.constant 0 : i32
          %dma_start3A_961 = tpu.memref_slice %arg11[%dma_start3A_959, %dma_start3A_960] : memref<16x32xf32, #tpu.memory_space<vmem>> -> memref<1x32xf32, #tpu.memory_space<vmem>>
          %dma_start3A_962 = arith.constant 0 : i32
          %dma_start3A_963 = tpu.memref_slice %arg2[%squeeze3A_953, %dma_start3A_962] : memref<1000000x32xf32, #tpu.memory_space<hbm>> -> memref<1x32xf32, #tpu.memory_space<hbm>>
          tpu.enqueue_dma source(%dma_start3A_963 : memref<1x32xf32, #tpu.memory_space<hbm>>) target(%dma_start3A_961 : memref<1x32xf32, #tpu.memory_space<vmem>>) target_semaphore(%arg20 : memref<!tpu.dma_semaphore, #tpu.memory_space<semaphore_mem>>)
          %slice3A_964 = vector.extract_strided_slice %get3A_807 {offsets = [6], sizes = [1], strides = [1]} : vector<16xi32> to vector<1xi32>
          %squeeze3A_965 = vector.extract %slice3A_964[0] : i32 from vector<1xi32>
          %dma_start3A_966 = arith.constant 6 : i32
          %dma_start3A_967 = arith.constant 0 : i32
          %dma_start3A_968 = tpu.memref_slice %arg13[%dma_start3A_966, %dma_start3A_967] : memref<16x32xf32, #tpu.memory_space<vmem>> -> memref<1x32xf32, #tpu.memory_space<vmem>>
          %dma_start3A_969 = arith.constant 0 : i32
          %dma_start3A_970 = tpu.memref_slice %arg3[%squeeze3A_965, %dma_start3A_969] : memref<1000000x32xf32, #tpu.memory_space<hbm>> -> memref<1x32xf32, #tpu.memory_space<hbm>>
          %dma_start3A_971 = arith.constant 6 : i32
          %dma_start3A_972 = arith.constant 0 : i32
          %dma_start3A_973 = tpu.memref_slice %arg13[%dma_start3A_971, %dma_start3A_972] : memref<16x32xf32, #tpu.memory_space<vmem>> -> memref<1x32xf32, #tpu.memory_space<vmem>>
          %dma_start3A_974 = arith.constant 0 : i32
          %dma_start3A_975 = tpu.memref_slice %arg3[%squeeze3A_965, %dma_start3A_974] : memref<1000000x32xf32, #tpu.memory_space<hbm>> -> memref<1x32xf32, #tpu.memory_space<hbm>>
          tpu.enqueue_dma source(%dma_start3A_975 : memref<1x32xf32, #tpu.memory_space<hbm>>) target(%dma_start3A_973 : memref<1x32xf32, #tpu.memory_space<vmem>>) target_semaphore(%arg20 : memref<!tpu.dma_semaphore, #tpu.memory_space<semaphore_mem>>)
          %slice3A_976 = vector.extract_strided_slice %get3A_803 {offsets = [7], sizes = [1], strides = [1]} : vector<16xi32> to vector<1xi32>
          %squeeze3A_977 = vector.extract %slice3A_976[0] : i32 from vector<1xi32>
          %dma_start3A_978 = arith.constant 7 : i32
          %dma_start3A_979 = arith.constant 0 : i32
          %dma_start3A_980 = tpu.memref_slice %arg11[%dma_start3A_978, %dma_start3A_979] : memref<16x32xf32, #tpu.memory_space<vmem>> -> memref<1x32xf32, #tpu.memory_space<vmem>>
          %dma_start3A_981 = arith.constant 0 : i32
          %dma_start3A_982 = tpu.memref_slice %arg2[%squeeze3A_977, %dma_start3A_981] : memref<1000000x32xf32, #tpu.memory_space<hbm>> -> memref<1x32xf32, #tpu.memory_space<hbm>>
          %dma_start3A_983 = arith.constant 7 : i32
          %dma_start3A_984 = arith.constant 0 : i32
          %dma_start3A_985 = tpu.memref_slice %arg11[%dma_start3A_983, %dma_start3A_984] : memref<16x32xf32, #tpu.memory_space<vmem>> -> memref<1x32xf32, #tpu.memory_space<vmem>>
          %dma_start3A_986 = arith.constant 0 : i32
          %dma_start3A_987 = tpu.memref_slice %arg2[%squeeze3A_977, %dma_start3A_986] : memref<1000000x32xf32, #tpu.memory_space<hbm>> -> memref<1x32xf32, #tpu.memory_space<hbm>>
          tpu.enqueue_dma source(%dma_start3A_987 : memref<1x32xf32, #tpu.memory_space<hbm>>) target(%dma_start3A_985 : memref<1x32xf32, #tpu.memory_space<vmem>>) target_semaphore(%arg20 : memref<!tpu.dma_semaphore, #tpu.memory_space<semaphore_mem>>)
          %slice3A_988 = vector.extract_strided_slice %get3A_807 {offsets = [7], sizes = [1], strides = [1]} : vector<16xi32> to vector<1xi32>
          %squeeze3A_989 = vector.extract %slice3A_988[0] : i32 from vector<1xi32>
          %dma_start3A_990 = arith.constant 7 : i32
          %dma_start3A_991 = arith.constant 0 : i32
          %dma_start3A_992 = tpu.memref_slice %arg13[%dma_start3A_990, %dma_start3A_991] : memref<16x32xf32, #tpu.memory_space<vmem>> -> memref<1x32xf32, #tpu.memory_space<vmem>>
          %dma_start3A_993 = arith.constant 0 : i32
          %dma_start3A_994 = tpu.memref_slice %arg3[%squeeze3A_989, %dma_start3A_993] : memref<1000000x32xf32, #tpu.memory_space<hbm>> -> memref<1x32xf32, #tpu.memory_space<hbm>>
          %dma_start3A_995 = arith.constant 7 : i32
          %dma_start3A_996 = arith.constant 0 : i32
          %dma_start3A_997 = tpu.memref_slice %arg13[%dma_start3A_995, %dma_start3A_996] : memref<16x32xf32, #tpu.memory_space<vmem>> -> memref<1x32xf32, #tpu.memory_space<vmem>>
          %dma_start3A_998 = arith.constant 0 : i32
          %dma_start3A_999 = tpu.memref_slice %arg3[%squeeze3A_989, %dma_start3A_998] : memref<1000000x32xf32, #tpu.memory_space<hbm>> -> memref<1x32xf32, #tpu.memory_space<hbm>>
          tpu.enqueue_dma source(%dma_start3A_999 : memref<1x32xf32, #tpu.memory_space<hbm>>) target(%dma_start3A_997 : memref<1x32xf32, #tpu.memory_space<vmem>>) target_semaphore(%arg20 : memref<!tpu.dma_semaphore, #tpu.memory_space<semaphore_mem>>)
          %slice3A_1000 = vector.extract_strided_slice %get3A_803 {offsets = [8], sizes = [1], strides = [1]} : vector<16xi32> to vector<1xi32>
          %squeeze3A_1001 = vector.extract %slice3A_1000[0] : i32 from vector<1xi32>
          %dma_start3A_1002 = arith.constant 8 : i32
          %dma_start3A_1003 = arith.constant 0 : i32
          %dma_start3A_1004 = tpu.memref_slice %arg11[%dma_start3A_1002, %dma_start3A_1003] : memref<16x32xf32, #tpu.memory_space<vmem>> -> memref<1x32xf32, #tpu.memory_space<vmem>>
          %dma_start3A_1005 = arith.constant 0 : i32
          %dma_start3A_1006 = tpu.memref_slice %arg2[%squeeze3A_1001, %dma_start3A_1005] : memref<1000000x32xf32, #tpu.memory_space<hbm>> -> memref<1x32xf32, #tpu.memory_space<hbm>>
          %dma_start3A_1007 = arith.constant 8 : i32
          %dma_start3A_1008 = arith.constant 0 : i32
          %dma_start3A_1009 = tpu.memref_slice %arg11[%dma_start3A_1007, %dma_start3A_1008] : memref<16x32xf32, #tpu.memory_space<vmem>> -> memref<1x32xf32, #tpu.memory_space<vmem>>
          %dma_start3A_1010 = arith.constant 0 : i32
          %dma_start3A_1011 = tpu.memref_slice %arg2[%squeeze3A_1001, %dma_start3A_1010] : memref<1000000x32xf32, #tpu.memory_space<hbm>> -> memref<1x32xf32, #tpu.memory_space<hbm>>
          tpu.enqueue_dma source(%dma_start3A_1011 : memref<1x32xf32, #tpu.memory_space<hbm>>) target(%dma_start3A_1009 : memref<1x32xf32, #tpu.memory_space<vmem>>) target_semaphore(%arg20 : memref<!tpu.dma_semaphore, #tpu.memory_space<semaphore_mem>>)
          %slice3A_1012 = vector.extract_strided_slice %get3A_807 {offsets = [8], sizes = [1], strides = [1]} : vector<16xi32> to vector<1xi32>
          %squeeze3A_1013 = vector.extract %slice3A_1012[0] : i32 from vector<1xi32>
          %dma_start3A_1014 = arith.constant 8 : i32
          %dma_start3A_1015 = arith.constant 0 : i32
          %dma_start3A_1016 = tpu.memref_slice %arg13[%dma_start3A_1014, %dma_start3A_1015] : memref<16x32xf32, #tpu.memory_space<vmem>> -> memref<1x32xf32, #tpu.memory_space<vmem>>
          %dma_start3A_1017 = arith.constant 0 : i32
          %dma_start3A_1018 = tpu.memref_slice %arg3[%squeeze3A_1013, %dma_start3A_1017] : memref<1000000x32xf32, #tpu.memory_space<hbm>> -> memref<1x32xf32, #tpu.memory_space<hbm>>
          %dma_start3A_1019 = arith.constant 8 : i32
          %dma_start3A_1020 = arith.constant 0 : i32
          %dma_start3A_1021 = tpu.memref_slice %arg13[%dma_start3A_1019, %dma_start3A_1020] : memref<16x32xf32, #tpu.memory_space<vmem>> -> memref<1x32xf32, #tpu.memory_space<vmem>>
          %dma_start3A_1022 = arith.constant 0 : i32
          %dma_start3A_1023 = tpu.memref_slice %arg3[%squeeze3A_1013, %dma_start3A_1022] : memref<1000000x32xf32, #tpu.memory_space<hbm>> -> memref<1x32xf32, #tpu.memory_space<hbm>>
          tpu.enqueue_dma source(%dma_start3A_1023 : memref<1x32xf32, #tpu.memory_space<hbm>>) target(%dma_start3A_1021 : memref<1x32xf32, #tpu.memory_space<vmem>>) target_semaphore(%arg20 : memref<!tpu.dma_semaphore, #tpu.memory_space<semaphore_mem>>)
          %slice3A_1024 = vector.extract_strided_slice %get3A_803 {offsets = [9], sizes = [1], strides = [1]} : vector<16xi32> to vector<1xi32>
          %squeeze3A_1025 = vector.extract %slice3A_1024[0] : i32 from vector<1xi32>
          %dma_start3A_1026 = arith.constant 9 : i32
          %dma_start3A_1027 = arith.constant 0 : i32
          %dma_start3A_1028 = tpu.memref_slice %arg11[%dma_start3A_1026, %dma_start3A_1027] : memref<16x32xf32, #tpu.memory_space<vmem>> -> memref<1x32xf32, #tpu.memory_space<vmem>>
          %dma_start3A_1029 = arith.constant 0 : i32
          %dma_start3A_1030 = tpu.memref_slice %arg2[%squeeze3A_1025, %dma_start3A_1029] : memref<1000000x32xf32, #tpu.memory_space<hbm>> -> memref<1x32xf32, #tpu.memory_space<hbm>>
          %dma_start3A_1031 = arith.constant 9 : i32
          %dma_start3A_1032 = arith.constant 0 : i32
          %dma_start3A_1033 = tpu.memref_slice %arg11[%dma_start3A_1031, %dma_start3A_1032] : memref<16x32xf32, #tpu.memory_space<vmem>> -> memref<1x32xf32, #tpu.memory_space<vmem>>
          %dma_start3A_1034 = arith.constant 0 : i32
          %dma_start3A_1035 = tpu.memref_slice %arg2[%squeeze3A_1025, %dma_start3A_1034] : memref<1000000x32xf32, #tpu.memory_space<hbm>> -> memref<1x32xf32, #tpu.memory_space<hbm>>
          tpu.enqueue_dma source(%dma_start3A_1035 : memref<1x32xf32, #tpu.memory_space<hbm>>) target(%dma_start3A_1033 : memref<1x32xf32, #tpu.memory_space<vmem>>) target_semaphore(%arg20 : memref<!tpu.dma_semaphore, #tpu.memory_space<semaphore_mem>>)
          %slice3A_1036 = vector.extract_strided_slice %get3A_807 {offsets = [9], sizes = [1], strides = [1]} : vector<16xi32> to vector<1xi32>
          %squeeze3A_1037 = vector.extract %slice3A_1036[0] : i32 from vector<1xi32>
          %dma_start3A_1038 = arith.constant 9 : i32
          %dma_start3A_1039 = arith.constant 0 : i32
          %dma_start3A_1040 = tpu.memref_slice %arg13[%dma_start3A_1038, %dma_start3A_1039] : memref<16x32xf32, #tpu.memory_space<vmem>> -> memref<1x32xf32, #tpu.memory_space<vmem>>
          %dma_start3A_1041 = arith.constant 0 : i32
          %dma_start3A_1042 = tpu.memref_slice %arg3[%squeeze3A_1037, %dma_start3A_1041] : memref<1000000x32xf32, #tpu.memory_space<hbm>> -> memref<1x32xf32, #tpu.memory_space<hbm>>
          %dma_start3A_1043 = arith.constant 9 : i32
          %dma_start3A_1044 = arith.constant 0 : i32
          %dma_start3A_1045 = tpu.memref_slice %arg13[%dma_start3A_1043, %dma_start3A_1044] : memref<16x32xf32, #tpu.memory_space<vmem>> -> memref<1x32xf32, #tpu.memory_space<vmem>>
          %dma_start3A_1046 = arith.constant 0 : i32
          %dma_start3A_1047 = tpu.memref_slice %arg3[%squeeze3A_1037, %dma_start3A_1046] : memref<1000000x32xf32, #tpu.memory_space<hbm>> -> memref<1x32xf32, #tpu.memory_space<hbm>>
          tpu.enqueue_dma source(%dma_start3A_1047 : memref<1x32xf32, #tpu.memory_space<hbm>>) target(%dma_start3A_1045 : memref<1x32xf32, #tpu.memory_space<vmem>>) target_semaphore(%arg20 : memref<!tpu.dma_semaphore, #tpu.memory_space<semaphore_mem>>)
          %slice3A_1048 = vector.extract_strided_slice %get3A_803 {offsets = [10], sizes = [1], strides = [1]} : vector<16xi32> to vector<1xi32>
          %squeeze3A_1049 = vector.extract %slice3A_1048[0] : i32 from vector<1xi32>
          %dma_start3A_1050 = arith.constant 10 : i32
          %dma_start3A_1051 = arith.constant 0 : i32
          %dma_start3A_1052 = tpu.memref_slice %arg11[%dma_start3A_1050, %dma_start3A_1051] : memref<16x32xf32, #tpu.memory_space<vmem>> -> memref<1x32xf32, #tpu.memory_space<vmem>>
          %dma_start3A_1053 = arith.constant 0 : i32
          %dma_start3A_1054 = tpu.memref_slice %arg2[%squeeze3A_1049, %dma_start3A_1053] : memref<1000000x32xf32, #tpu.memory_space<hbm>> -> memref<1x32xf32, #tpu.memory_space<hbm>>
          %dma_start3A_1055 = arith.constant 10 : i32
          %dma_start3A_1056 = arith.constant 0 : i32
          %dma_start3A_1057 = tpu.memref_slice %arg11[%dma_start3A_1055, %dma_start3A_1056] : memref<16x32xf32, #tpu.memory_space<vmem>> -> memref<1x32xf32, #tpu.memory_space<vmem>>
          %dma_start3A_1058 = arith.constant 0 : i32
          %dma_start3A_1059 = tpu.memref_slice %arg2[%squeeze3A_1049, %dma_start3A_1058] : memref<1000000x32xf32, #tpu.memory_space<hbm>> -> memref<1x32xf32, #tpu.memory_space<hbm>>
          tpu.enqueue_dma source(%dma_start3A_1059 : memref<1x32xf32, #tpu.memory_space<hbm>>) target(%dma_start3A_1057 : memref<1x32xf32, #tpu.memory_space<vmem>>) target_semaphore(%arg20 : memref<!tpu.dma_semaphore, #tpu.memory_space<semaphore_mem>>)
          %slice3A_1060 = vector.extract_strided_slice %get3A_807 {offsets = [10], sizes = [1], strides = [1]} : vector<16xi32> to vector<1xi32>
          %squeeze3A_1061 = vector.extract %slice3A_1060[0] : i32 from vector<1xi32>
          %dma_start3A_1062 = arith.constant 10 : i32
          %dma_start3A_1063 = arith.constant 0 : i32
          %dma_start3A_1064 = tpu.memref_slice %arg13[%dma_start3A_1062, %dma_start3A_1063] : memref<16x32xf32, #tpu.memory_space<vmem>> -> memref<1x32xf32, #tpu.memory_space<vmem>>
          %dma_start3A_1065 = arith.constant 0 : i32
          %dma_start3A_1066 = tpu.memref_slice %arg3[%squeeze3A_1061, %dma_start3A_1065] : memref<1000000x32xf32, #tpu.memory_space<hbm>> -> memref<1x32xf32, #tpu.memory_space<hbm>>
          %dma_start3A_1067 = arith.constant 10 : i32
          %dma_start3A_1068 = arith.constant 0 : i32
          %dma_start3A_1069 = tpu.memref_slice %arg13[%dma_start3A_1067, %dma_start3A_1068] : memref<16x32xf32, #tpu.memory_space<vmem>> -> memref<1x32xf32, #tpu.memory_space<vmem>>
          %dma_start3A_1070 = arith.constant 0 : i32
          %dma_start3A_1071 = tpu.memref_slice %arg3[%squeeze3A_1061, %dma_start3A_1070] : memref<1000000x32xf32, #tpu.memory_space<hbm>> -> memref<1x32xf32, #tpu.memory_space<hbm>>
          tpu.enqueue_dma source(%dma_start3A_1071 : memref<1x32xf32, #tpu.memory_space<hbm>>) target(%dma_start3A_1069 : memref<1x32xf32, #tpu.memory_space<vmem>>) target_semaphore(%arg20 : memref<!tpu.dma_semaphore, #tpu.memory_space<semaphore_mem>>)
          %slice3A_1072 = vector.extract_strided_slice %get3A_803 {offsets = [11], sizes = [1], strides = [1]} : vector<16xi32> to vector<1xi32>
          %squeeze3A_1073 = vector.extract %slice3A_1072[0] : i32 from vector<1xi32>
          %dma_start3A_1074 = arith.constant 11 : i32
          %dma_start3A_1075 = arith.constant 0 : i32
          %dma_start3A_1076 = tpu.memref_slice %arg11[%dma_start3A_1074, %dma_start3A_1075] : memref<16x32xf32, #tpu.memory_space<vmem>> -> memref<1x32xf32, #tpu.memory_space<vmem>>
          %dma_start3A_1077 = arith.constant 0 : i32
          %dma_start3A_1078 = tpu.memref_slice %arg2[%squeeze3A_1073, %dma_start3A_1077] : memref<1000000x32xf32, #tpu.memory_space<hbm>> -> memref<1x32xf32, #tpu.memory_space<hbm>>
          %dma_start3A_1079 = arith.constant 11 : i32
          %dma_start3A_1080 = arith.constant 0 : i32
          %dma_start3A_1081 = tpu.memref_slice %arg11[%dma_start3A_1079, %dma_start3A_1080] : memref<16x32xf32, #tpu.memory_space<vmem>> -> memref<1x32xf32, #tpu.memory_space<vmem>>
          %dma_start3A_1082 = arith.constant 0 : i32
          %dma_start3A_1083 = tpu.memref_slice %arg2[%squeeze3A_1073, %dma_start3A_1082] : memref<1000000x32xf32, #tpu.memory_space<hbm>> -> memref<1x32xf32, #tpu.memory_space<hbm>>
          tpu.enqueue_dma source(%dma_start3A_1083 : memref<1x32xf32, #tpu.memory_space<hbm>>) target(%dma_start3A_1081 : memref<1x32xf32, #tpu.memory_space<vmem>>) target_semaphore(%arg20 : memref<!tpu.dma_semaphore, #tpu.memory_space<semaphore_mem>>)
          %slice3A_1084 = vector.extract_strided_slice %get3A_807 {offsets = [11], sizes = [1], strides = [1]} : vector<16xi32> to vector<1xi32>
          %squeeze3A_1085 = vector.extract %slice3A_1084[0] : i32 from vector<1xi32>
          %dma_start3A_1086 = arith.constant 11 : i32
          %dma_start3A_1087 = arith.constant 0 : i32
          %dma_start3A_1088 = tpu.memref_slice %arg13[%dma_start3A_1086, %dma_start3A_1087] : memref<16x32xf32, #tpu.memory_space<vmem>> -> memref<1x32xf32, #tpu.memory_space<vmem>>
          %dma_start3A_1089 = arith.constant 0 : i32
          %dma_start3A_1090 = tpu.memref_slice %arg3[%squeeze3A_1085, %dma_start3A_1089] : memref<1000000x32xf32, #tpu.memory_space<hbm>> -> memref<1x32xf32, #tpu.memory_space<hbm>>
          %dma_start3A_1091 = arith.constant 11 : i32
          %dma_start3A_1092 = arith.constant 0 : i32
          %dma_start3A_1093 = tpu.memref_slice %arg13[%dma_start3A_1091, %dma_start3A_1092] : memref<16x32xf32, #tpu.memory_space<vmem>> -> memref<1x32xf32, #tpu.memory_space<vmem>>
          %dma_start3A_1094 = arith.constant 0 : i32
          %dma_start3A_1095 = tpu.memref_slice %arg3[%squeeze3A_1085, %dma_start3A_1094] : memref<1000000x32xf32, #tpu.memory_space<hbm>> -> memref<1x32xf32, #tpu.memory_space<hbm>>
          tpu.enqueue_dma source(%dma_start3A_1095 : memref<1x32xf32, #tpu.memory_space<hbm>>) target(%dma_start3A_1093 : memref<1x32xf32, #tpu.memory_space<vmem>>) target_semaphore(%arg20 : memref<!tpu.dma_semaphore, #tpu.memory_space<semaphore_mem>>)
          %slice3A_1096 = vector.extract_strided_slice %get3A_803 {offsets = [12], sizes = [1], strides = [1]} : vector<16xi32> to vector<1xi32>
          %squeeze3A_1097 = vector.extract %slice3A_1096[0] : i32 from vector<1xi32>
          %dma_start3A_1098 = arith.constant 12 : i32
          %dma_start3A_1099 = arith.constant 0 : i32
          %dma_start3A_1100 = tpu.memref_slice %arg11[%dma_start3A_1098, %dma_start3A_1099] : memref<16x32xf32, #tpu.memory_space<vmem>> -> memref<1x32xf32, #tpu.memory_space<vmem>>
          %dma_start3A_1101 = arith.constant 0 : i32
          %dma_start3A_1102 = tpu.memref_slice %arg2[%squeeze3A_1097, %dma_start3A_1101] : memref<1000000x32xf32, #tpu.memory_space<hbm>> -> memref<1x32xf32, #tpu.memory_space<hbm>>
          %dma_start3A_1103 = arith.constant 12 : i32
          %dma_start3A_1104 = arith.constant 0 : i32
          %dma_start3A_1105 = tpu.memref_slice %arg11[%dma_start3A_1103, %dma_start3A_1104] : memref<16x32xf32, #tpu.memory_space<vmem>> -> memref<1x32xf32, #tpu.memory_space<vmem>>
          %dma_start3A_1106 = arith.constant 0 : i32
          %dma_start3A_1107 = tpu.memref_slice %arg2[%squeeze3A_1097, %dma_start3A_1106] : memref<1000000x32xf32, #tpu.memory_space<hbm>> -> memref<1x32xf32, #tpu.memory_space<hbm>>
          tpu.enqueue_dma source(%dma_start3A_1107 : memref<1x32xf32, #tpu.memory_space<hbm>>) target(%dma_start3A_1105 : memref<1x32xf32, #tpu.memory_space<vmem>>) target_semaphore(%arg20 : memref<!tpu.dma_semaphore, #tpu.memory_space<semaphore_mem>>)
          %slice3A_1108 = vector.extract_strided_slice %get3A_807 {offsets = [12], sizes = [1], strides = [1]} : vector<16xi32> to vector<1xi32>
          %squeeze3A_1109 = vector.extract %slice3A_1108[0] : i32 from vector<1xi32>
          %dma_start3A_1110 = arith.constant 12 : i32
          %dma_start3A_1111 = arith.constant 0 : i32
          %dma_start3A_1112 = tpu.memref_slice %arg13[%dma_start3A_1110, %dma_start3A_1111] : memref<16x32xf32, #tpu.memory_space<vmem>> -> memref<1x32xf32, #tpu.memory_space<vmem>>
          %dma_start3A_1113 = arith.constant 0 : i32
          %dma_start3A_1114 = tpu.memref_slice %arg3[%squeeze3A_1109, %dma_start3A_1113] : memref<1000000x32xf32, #tpu.memory_space<hbm>> -> memref<1x32xf32, #tpu.memory_space<hbm>>
          %dma_start3A_1115 = arith.constant 12 : i32
          %dma_start3A_1116 = arith.constant 0 : i32
          %dma_start3A_1117 = tpu.memref_slice %arg13[%dma_start3A_1115, %dma_start3A_1116] : memref<16x32xf32, #tpu.memory_space<vmem>> -> memref<1x32xf32, #tpu.memory_space<vmem>>
          %dma_start3A_1118 = arith.constant 0 : i32
          %dma_start3A_1119 = tpu.memref_slice %arg3[%squeeze3A_1109, %dma_start3A_1118] : memref<1000000x32xf32, #tpu.memory_space<hbm>> -> memref<1x32xf32, #tpu.memory_space<hbm>>
          tpu.enqueue_dma source(%dma_start3A_1119 : memref<1x32xf32, #tpu.memory_space<hbm>>) target(%dma_start3A_1117 : memref<1x32xf32, #tpu.memory_space<vmem>>) target_semaphore(%arg20 : memref<!tpu.dma_semaphore, #tpu.memory_space<semaphore_mem>>)
          %slice3A_1120 = vector.extract_strided_slice %get3A_803 {offsets = [13], sizes = [1], strides = [1]} : vector<16xi32> to vector<1xi32>
          %squeeze3A_1121 = vector.extract %slice3A_1120[0] : i32 from vector<1xi32>
          %dma_start3A_1122 = arith.constant 13 : i32
          %dma_start3A_1123 = arith.constant 0 : i32
          %dma_start3A_1124 = tpu.memref_slice %arg11[%dma_start3A_1122, %dma_start3A_1123] : memref<16x32xf32, #tpu.memory_space<vmem>> -> memref<1x32xf32, #tpu.memory_space<vmem>>
          %dma_start3A_1125 = arith.constant 0 : i32
          %dma_start3A_1126 = tpu.memref_slice %arg2[%squeeze3A_1121, %dma_start3A_1125] : memref<1000000x32xf32, #tpu.memory_space<hbm>> -> memref<1x32xf32, #tpu.memory_space<hbm>>
          %dma_start3A_1127 = arith.constant 13 : i32
          %dma_start3A_1128 = arith.constant 0 : i32
          %dma_start3A_1129 = tpu.memref_slice %arg11[%dma_start3A_1127, %dma_start3A_1128] : memref<16x32xf32, #tpu.memory_space<vmem>> -> memref<1x32xf32, #tpu.memory_space<vmem>>
          %dma_start3A_1130 = arith.constant 0 : i32
          %dma_start3A_1131 = tpu.memref_slice %arg2[%squeeze3A_1121, %dma_start3A_1130] : memref<1000000x32xf32, #tpu.memory_space<hbm>> -> memref<1x32xf32, #tpu.memory_space<hbm>>
          tpu.enqueue_dma source(%dma_start3A_1131 : memref<1x32xf32, #tpu.memory_space<hbm>>) target(%dma_start3A_1129 : memref<1x32xf32, #tpu.memory_space<vmem>>) target_semaphore(%arg20 : memref<!tpu.dma_semaphore, #tpu.memory_space<semaphore_mem>>)
          %slice3A_1132 = vector.extract_strided_slice %get3A_807 {offsets = [13], sizes = [1], strides = [1]} : vector<16xi32> to vector<1xi32>
          %squeeze3A_1133 = vector.extract %slice3A_1132[0] : i32 from vector<1xi32>
          %dma_start3A_1134 = arith.constant 13 : i32
          %dma_start3A_1135 = arith.constant 0 : i32
          %dma_start3A_1136 = tpu.memref_slice %arg13[%dma_start3A_1134, %dma_start3A_1135] : memref<16x32xf32, #tpu.memory_space<vmem>> -> memref<1x32xf32, #tpu.memory_space<vmem>>
          %dma_start3A_1137 = arith.constant 0 : i32
          %dma_start3A_1138 = tpu.memref_slice %arg3[%squeeze3A_1133, %dma_start3A_1137] : memref<1000000x32xf32, #tpu.memory_space<hbm>> -> memref<1x32xf32, #tpu.memory_space<hbm>>
          %dma_start3A_1139 = arith.constant 13 : i32
          %dma_start3A_1140 = arith.constant 0 : i32
          %dma_start3A_1141 = tpu.memref_slice %arg13[%dma_start3A_1139, %dma_start3A_1140] : memref<16x32xf32, #tpu.memory_space<vmem>> -> memref<1x32xf32, #tpu.memory_space<vmem>>
          %dma_start3A_1142 = arith.constant 0 : i32
          %dma_start3A_1143 = tpu.memref_slice %arg3[%squeeze3A_1133, %dma_start3A_1142] : memref<1000000x32xf32, #tpu.memory_space<hbm>> -> memref<1x32xf32, #tpu.memory_space<hbm>>
          tpu.enqueue_dma source(%dma_start3A_1143 : memref<1x32xf32, #tpu.memory_space<hbm>>) target(%dma_start3A_1141 : memref<1x32xf32, #tpu.memory_space<vmem>>) target_semaphore(%arg20 : memref<!tpu.dma_semaphore, #tpu.memory_space<semaphore_mem>>)
          %slice3A_1144 = vector.extract_strided_slice %get3A_803 {offsets = [14], sizes = [1], strides = [1]} : vector<16xi32> to vector<1xi32>
          %squeeze3A_1145 = vector.extract %slice3A_1144[0] : i32 from vector<1xi32>
          %dma_start3A_1146 = arith.constant 14 : i32
          %dma_start3A_1147 = arith.constant 0 : i32
          %dma_start3A_1148 = tpu.memref_slice %arg11[%dma_start3A_1146, %dma_start3A_1147] : memref<16x32xf32, #tpu.memory_space<vmem>> -> memref<1x32xf32, #tpu.memory_space<vmem>>
          %dma_start3A_1149 = arith.constant 0 : i32
          %dma_start3A_1150 = tpu.memref_slice %arg2[%squeeze3A_1145, %dma_start3A_1149] : memref<1000000x32xf32, #tpu.memory_space<hbm>> -> memref<1x32xf32, #tpu.memory_space<hbm>>
          %dma_start3A_1151 = arith.constant 14 : i32
          %dma_start3A_1152 = arith.constant 0 : i32
          %dma_start3A_1153 = tpu.memref_slice %arg11[%dma_start3A_1151, %dma_start3A_1152] : memref<16x32xf32, #tpu.memory_space<vmem>> -> memref<1x32xf32, #tpu.memory_space<vmem>>
          %dma_start3A_1154 = arith.constant 0 : i32
          %dma_start3A_1155 = tpu.memref_slice %arg2[%squeeze3A_1145, %dma_start3A_1154] : memref<1000000x32xf32, #tpu.memory_space<hbm>> -> memref<1x32xf32, #tpu.memory_space<hbm>>
          tpu.enqueue_dma source(%dma_start3A_1155 : memref<1x32xf32, #tpu.memory_space<hbm>>) target(%dma_start3A_1153 : memref<1x32xf32, #tpu.memory_space<vmem>>) target_semaphore(%arg20 : memref<!tpu.dma_semaphore, #tpu.memory_space<semaphore_mem>>)
          %slice3A_1156 = vector.extract_strided_slice %get3A_807 {offsets = [14], sizes = [1], strides = [1]} : vector<16xi32> to vector<1xi32>
          %squeeze3A_1157 = vector.extract %slice3A_1156[0] : i32 from vector<1xi32>
          %dma_start3A_1158 = arith.constant 14 : i32
          %dma_start3A_1159 = arith.constant 0 : i32
          %dma_start3A_1160 = tpu.memref_slice %arg13[%dma_start3A_1158, %dma_start3A_1159] : memref<16x32xf32, #tpu.memory_space<vmem>> -> memref<1x32xf32, #tpu.memory_space<vmem>>
          %dma_start3A_1161 = arith.constant 0 : i32
          %dma_start3A_1162 = tpu.memref_slice %arg3[%squeeze3A_1157, %dma_start3A_1161] : memref<1000000x32xf32, #tpu.memory_space<hbm>> -> memref<1x32xf32, #tpu.memory_space<hbm>>
          %dma_start3A_1163 = arith.constant 14 : i32
          %dma_start3A_1164 = arith.constant 0 : i32
          %dma_start3A_1165 = tpu.memref_slice %arg13[%dma_start3A_1163, %dma_start3A_1164] : memref<16x32xf32, #tpu.memory_space<vmem>> -> memref<1x32xf32, #tpu.memory_space<vmem>>
          %dma_start3A_1166 = arith.constant 0 : i32
          %dma_start3A_1167 = tpu.memref_slice %arg3[%squeeze3A_1157, %dma_start3A_1166] : memref<1000000x32xf32, #tpu.memory_space<hbm>> -> memref<1x32xf32, #tpu.memory_space<hbm>>
          tpu.enqueue_dma source(%dma_start3A_1167 : memref<1x32xf32, #tpu.memory_space<hbm>>) target(%dma_start3A_1165 : memref<1x32xf32, #tpu.memory_space<vmem>>) target_semaphore(%arg20 : memref<!tpu.dma_semaphore, #tpu.memory_space<semaphore_mem>>)
          %slice3A_1168 = vector.extract_strided_slice %get3A_803 {offsets = [15], sizes = [1], strides = [1]} : vector<16xi32> to vector<1xi32>
          %squeeze3A_1169 = vector.extract %slice3A_1168[0] : i32 from vector<1xi32>
          %dma_start3A_1170 = arith.constant 15 : i32
          %dma_start3A_1171 = arith.constant 0 : i32
          %dma_start3A_1172 = tpu.memref_slice %arg11[%dma_start3A_1170, %dma_start3A_1171] : memref<16x32xf32, #tpu.memory_space<vmem>> -> memref<1x32xf32, #tpu.memory_space<vmem>>
          %dma_start3A_1173 = arith.constant 0 : i32
          %dma_start3A_1174 = tpu.memref_slice %arg2[%squeeze3A_1169, %dma_start3A_1173] : memref<1000000x32xf32, #tpu.memory_space<hbm>> -> memref<1x32xf32, #tpu.memory_space<hbm>>
          %dma_start3A_1175 = arith.constant 15 : i32
          %dma_start3A_1176 = arith.constant 0 : i32
          %dma_start3A_1177 = tpu.memref_slice %arg11[%dma_start3A_1175, %dma_start3A_1176] : memref<16x32xf32, #tpu.memory_space<vmem>> -> memref<1x32xf32, #tpu.memory_space<vmem>>
          %dma_start3A_1178 = arith.constant 0 : i32
          %dma_start3A_1179 = tpu.memref_slice %arg2[%squeeze3A_1169, %dma_start3A_1178] : memref<1000000x32xf32, #tpu.memory_space<hbm>> -> memref<1x32xf32, #tpu.memory_space<hbm>>
          tpu.enqueue_dma source(%dma_start3A_1179 : memref<1x32xf32, #tpu.memory_space<hbm>>) target(%dma_start3A_1177 : memref<1x32xf32, #tpu.memory_space<vmem>>) target_semaphore(%arg20 : memref<!tpu.dma_semaphore, #tpu.memory_space<semaphore_mem>>)
          %slice3A_1180 = vector.extract_strided_slice %get3A_807 {offsets = [15], sizes = [1], strides = [1]} : vector<16xi32> to vector<1xi32>
          %squeeze3A_1181 = vector.extract %slice3A_1180[0] : i32 from vector<1xi32>
          %dma_start3A_1182 = arith.constant 15 : i32
          %dma_start3A_1183 = arith.constant 0 : i32
          %dma_start3A_1184 = tpu.memref_slice %arg13[%dma_start3A_1182, %dma_start3A_1183] : memref<16x32xf32, #tpu.memory_space<vmem>> -> memref<1x32xf32, #tpu.memory_space<vmem>>
          %dma_start3A_1185 = arith.constant 0 : i32
          %dma_start3A_1186 = tpu.memref_slice %arg3[%squeeze3A_1181, %dma_start3A_1185] : memref<1000000x32xf32, #tpu.memory_space<hbm>> -> memref<1x32xf32, #tpu.memory_space<hbm>>
          %dma_start3A_1187 = arith.constant 15 : i32
          %dma_start3A_1188 = arith.constant 0 : i32
          %dma_start3A_1189 = tpu.memref_slice %arg13[%dma_start3A_1187, %dma_start3A_1188] : memref<16x32xf32, #tpu.memory_space<vmem>> -> memref<1x32xf32, #tpu.memory_space<vmem>>
          %dma_start3A_1190 = arith.constant 0 : i32
          %dma_start3A_1191 = tpu.memref_slice %arg3[%squeeze3A_1181, %dma_start3A_1190] : memref<1000000x32xf32, #tpu.memory_space<hbm>> -> memref<1x32xf32, #tpu.memory_space<hbm>>
          tpu.enqueue_dma source(%dma_start3A_1191 : memref<1x32xf32, #tpu.memory_space<hbm>>) target(%dma_start3A_1189 : memref<1x32xf32, #tpu.memory_space<vmem>>) target_semaphore(%arg20 : memref<!tpu.dma_semaphore, #tpu.memory_space<semaphore_mem>>)
          %mul3A_1192 = arith.constant 320 : i32
          %mul3A_1193 = arith.muli %add3A_799, %mul3A_1192 : i32
          %scan3A_1194 = arith.constant 0 : i32
          %scan3A_1195 = arith.constant 20 : i32
          %scan3A_1196 = arith.addi %scan3A_1194, %scan3A_1195 : i32
          %scan3A_1197 = arith.constant 1 : i32
          scf.for %scan3A_1199 = %scan3A_1194 to %scan3A_1196 step %scan3A_1197  : i32 {
            %mul3A_1200 = arith.constant 16 : i32
            %mul3A_1201 = arith.muli %scan3A_1199, %mul3A_1200 : i32
            %add3A_1202 = arith.constant 0 : i32
            %add3A_1203 = arith.addi %add3A_1202, %mul3A_1201 : i32
            %add3A_1204 = arith.addi %mul3A_1193, %add3A_1203 : i32
            %get3A_1205 = arith.index_cast %add3A_1204 : i32 to index
            %get3A_1206 = tpu.vector_load %arg10[%get3A_1205] {strides = array<i32>} : memref<10240xi32, #tpu.memory_space<vmem>>, vector<16xi32>,
            %slice3A_1207 = vector.extract_strided_slice %get3A_1206 {offsets = [0], sizes = [1], strides = [1]} : vector<16xi32> to vector<1xi32>
            %squeeze3A_1208 = vector.extract %slice3A_1207[0] : i32 from vector<1xi32>
            %add3A_1209 = arith.constant 0 : i32
            %add3A_1210 = arith.addi %add3A_1203, %add3A_1209 : i32
            %dma_start3A_1211 = arith.constant 0 : i32
            %dma_start3A_1212 = tpu.memref_slice %arg15[%add3A_1210, %dma_start3A_1211] : memref<320x32xf32, #tpu.memory_space<vmem>> -> memref<1x32xf32, #tpu.memory_space<vmem>>
            %dma_start3A_1213 = arith.constant 0 : i32
            %dma_start3A_1214 = tpu.memref_slice %arg3[%squeeze3A_1208, %dma_start3A_1213] : memref<1000000x32xf32, #tpu.memory_space<hbm>> -> memref<1x32xf32, #tpu.memory_space<hbm>>
            %dma_start3A_1215 = arith.constant 0 : i32
            %dma_start3A_1216 = tpu.memref_slice %arg15[%add3A_1210, %dma_start3A_1215] : memref<320x32xf32, #tpu.memory_space<vmem>> -> memref<1x32xf32, #tpu.memory_space<vmem>>
            %dma_start3A_1217 = arith.constant 0 : i32
            %dma_start3A_1218 = tpu.memref_slice %arg3[%squeeze3A_1208, %dma_start3A_1217] : memref<1000000x32xf32, #tpu.memory_space<hbm>> -> memref<1x32xf32, #tpu.memory_space<hbm>>
            tpu.enqueue_dma source(%dma_start3A_1218 : memref<1x32xf32, #tpu.memory_space<hbm>>) target(%dma_start3A_1216 : memref<1x32xf32, #tpu.memory_space<vmem>>) target_semaphore(%arg20 : memref<!tpu.dma_semaphore, #tpu.memory_space<semaphore_mem>>)
            %slice3A_1219 = vector.extract_strided_slice %get3A_1206 {offsets = [1], sizes = [1], strides = [1]} : vector<16xi32> to vector<1xi32>
            %squeeze3A_1220 = vector.extract %slice3A_1219[0] : i32 from vector<1xi32>
            %add3A_1221 = arith.constant 1 : i32
            %add3A_1222 = arith.addi %add3A_1203, %add3A_1221 : i32
            %dma_start3A_1223 = arith.constant 0 : i32
            %dma_start3A_1224 = tpu.memref_slice %arg15[%add3A_1222, %dma_start3A_1223] : memref<320x32xf32, #tpu.memory_space<vmem>> -> memref<1x32xf32, #tpu.memory_space<vmem>>
            %dma_start3A_1225 = arith.constant 0 : i32
            %dma_start3A_1226 = tpu.memref_slice %arg3[%squeeze3A_1220, %dma_start3A_1225] : memref<1000000x32xf32, #tpu.memory_space<hbm>> -> memref<1x32xf32, #tpu.memory_space<hbm>>
            %dma_start3A_1227 = arith.constant 0 : i32
            %dma_start3A_1228 = tpu.memref_slice %arg15[%add3A_1222, %dma_start3A_1227] : memref<320x32xf32, #tpu.memory_space<vmem>> -> memref<1x32xf32, #tpu.memory_space<vmem>>
            %dma_start3A_1229 = arith.constant 0 : i32
            %dma_start3A_1230 = tpu.memref_slice %arg3[%squeeze3A_1220, %dma_start3A_1229] : memref<1000000x32xf32, #tpu.memory_space<hbm>> -> memref<1x32xf32, #tpu.memory_space<hbm>>
            tpu.enqueue_dma source(%dma_start3A_1230 : memref<1x32xf32, #tpu.memory_space<hbm>>) target(%dma_start3A_1228 : memref<1x32xf32, #tpu.memory_space<vmem>>) target_semaphore(%arg20 : memref<!tpu.dma_semaphore, #tpu.memory_space<semaphore_mem>>)
            %slice3A_1231 = vector.extract_strided_slice %get3A_1206 {offsets = [2], sizes = [1], strides = [1]} : vector<16xi32> to vector<1xi32>
            %squeeze3A_1232 = vector.extract %slice3A_1231[0] : i32 from vector<1xi32>
            %add3A_1233 = arith.constant 2 : i32
            %add3A_1234 = arith.addi %add3A_1203, %add3A_1233 : i32
            %dma_start3A_1235 = arith.constant 0 : i32
            %dma_start3A_1236 = tpu.memref_slice %arg15[%add3A_1234, %dma_start3A_1235] : memref<320x32xf32, #tpu.memory_space<vmem>> -> memref<1x32xf32, #tpu.memory_space<vmem>>
            %dma_start3A_1237 = arith.constant 0 : i32
            %dma_start3A_1238 = tpu.memref_slice %arg3[%squeeze3A_1232, %dma_start3A_1237] : memref<1000000x32xf32, #tpu.memory_space<hbm>> -> memref<1x32xf32, #tpu.memory_space<hbm>>
            %dma_start3A_1239 = arith.constant 0 : i32
            %dma_start3A_1240 = tpu.memref_slice %arg15[%add3A_1234, %dma_start3A_1239] : memref<320x32xf32, #tpu.memory_space<vmem>> -> memref<1x32xf32, #tpu.memory_space<vmem>>
            %dma_start3A_1241 = arith.constant 0 : i32
            %dma_start3A_1242 = tpu.memref_slice %arg3[%squeeze3A_1232, %dma_start3A_1241] : memref<1000000x32xf32, #tpu.memory_space<hbm>> -> memref<1x32xf32, #tpu.memory_space<hbm>>
            tpu.enqueue_dma source(%dma_start3A_1242 : memref<1x32xf32, #tpu.memory_space<hbm>>) target(%dma_start3A_1240 : memref<1x32xf32, #tpu.memory_space<vmem>>) target_semaphore(%arg20 : memref<!tpu.dma_semaphore, #tpu.memory_space<semaphore_mem>>)
            %slice3A_1243 = vector.extract_strided_slice %get3A_1206 {offsets = [3], sizes = [1], strides = [1]} : vector<16xi32> to vector<1xi32>
            %squeeze3A_1244 = vector.extract %slice3A_1243[0] : i32 from vector<1xi32>
            %add3A_1245 = arith.constant 3 : i32
            %add3A_1246 = arith.addi %add3A_1203, %add3A_1245 : i32
            %dma_start3A_1247 = arith.constant 0 : i32
            %dma_start3A_1248 = tpu.memref_slice %arg15[%add3A_1246, %dma_start3A_1247] : memref<320x32xf32, #tpu.memory_space<vmem>> -> memref<1x32xf32, #tpu.memory_space<vmem>>
            %dma_start3A_1249 = arith.constant 0 : i32
            %dma_start3A_1250 = tpu.memref_slice %arg3[%squeeze3A_1244, %dma_start3A_1249] : memref<1000000x32xf32, #tpu.memory_space<hbm>> -> memref<1x32xf32, #tpu.memory_space<hbm>>
            %dma_start3A_1251 = arith.constant 0 : i32
            %dma_start3A_1252 = tpu.memref_slice %arg15[%add3A_1246, %dma_start3A_1251] : memref<320x32xf32, #tpu.memory_space<vmem>> -> memref<1x32xf32, #tpu.memory_space<vmem>>
            %dma_start3A_1253 = arith.constant 0 : i32
            %dma_start3A_1254 = tpu.memref_slice %arg3[%squeeze3A_1244, %dma_start3A_1253] : memref<1000000x32xf32, #tpu.memory_space<hbm>> -> memref<1x32xf32, #tpu.memory_space<hbm>>
            tpu.enqueue_dma source(%dma_start3A_1254 : memref<1x32xf32, #tpu.memory_space<hbm>>) target(%dma_start3A_1252 : memref<1x32xf32, #tpu.memory_space<vmem>>) target_semaphore(%arg20 : memref<!tpu.dma_semaphore, #tpu.memory_space<semaphore_mem>>)
            %slice3A_1255 = vector.extract_strided_slice %get3A_1206 {offsets = [4], sizes = [1], strides = [1]} : vector<16xi32> to vector<1xi32>
            %squeeze3A_1256 = vector.extract %slice3A_1255[0] : i32 from vector<1xi32>
            %add3A_1257 = arith.constant 4 : i32
            %add3A_1258 = arith.addi %add3A_1203, %add3A_1257 : i32
            %dma_start3A_1259 = arith.constant 0 : i32
            %dma_start3A_1260 = tpu.memref_slice %arg15[%add3A_1258, %dma_start3A_1259] : memref<320x32xf32, #tpu.memory_space<vmem>> -> memref<1x32xf32, #tpu.memory_space<vmem>>
            %dma_start3A_1261 = arith.constant 0 : i32
            %dma_start3A_1262 = tpu.memref_slice %arg3[%squeeze3A_1256, %dma_start3A_1261] : memref<1000000x32xf32, #tpu.memory_space<hbm>> -> memref<1x32xf32, #tpu.memory_space<hbm>>
            %dma_start3A_1263 = arith.constant 0 : i32
            %dma_start3A_1264 = tpu.memref_slice %arg15[%add3A_1258, %dma_start3A_1263] : memref<320x32xf32, #tpu.memory_space<vmem>> -> memref<1x32xf32, #tpu.memory_space<vmem>>
            %dma_start3A_1265 = arith.constant 0 : i32
            %dma_start3A_1266 = tpu.memref_slice %arg3[%squeeze3A_1256, %dma_start3A_1265] : memref<1000000x32xf32, #tpu.memory_space<hbm>> -> memref<1x32xf32, #tpu.memory_space<hbm>>
            tpu.enqueue_dma source(%dma_start3A_1266 : memref<1x32xf32, #tpu.memory_space<hbm>>) target(%dma_start3A_1264 : memref<1x32xf32, #tpu.memory_space<vmem>>) target_semaphore(%arg20 : memref<!tpu.dma_semaphore, #tpu.memory_space<semaphore_mem>>)
            %slice3A_1267 = vector.extract_strided_slice %get3A_1206 {offsets = [5], sizes = [1], strides = [1]} : vector<16xi32> to vector<1xi32>
            %squeeze3A_1268 = vector.extract %slice3A_1267[0] : i32 from vector<1xi32>
            %add3A_1269 = arith.constant 5 : i32
            %add3A_1270 = arith.addi %add3A_1203, %add3A_1269 : i32
            %dma_start3A_1271 = arith.constant 0 : i32
            %dma_start3A_1272 = tpu.memref_slice %arg15[%add3A_1270, %dma_start3A_1271] : memref<320x32xf32, #tpu.memory_space<vmem>> -> memref<1x32xf32, #tpu.memory_space<vmem>>
            %dma_start3A_1273 = arith.constant 0 : i32
            %dma_start3A_1274 = tpu.memref_slice %arg3[%squeeze3A_1268, %dma_start3A_1273] : memref<1000000x32xf32, #tpu.memory_space<hbm>> -> memref<1x32xf32, #tpu.memory_space<hbm>>
            %dma_start3A_1275 = arith.constant 0 : i32
            %dma_start3A_1276 = tpu.memref_slice %arg15[%add3A_1270, %dma_start3A_1275] : memref<320x32xf32, #tpu.memory_space<vmem>> -> memref<1x32xf32, #tpu.memory_space<vmem>>
            %dma_start3A_1277 = arith.constant 0 : i32
            %dma_start3A_1278 = tpu.memref_slice %arg3[%squeeze3A_1268, %dma_start3A_1277] : memref<1000000x32xf32, #tpu.memory_space<hbm>> -> memref<1x32xf32, #tpu.memory_space<hbm>>
            tpu.enqueue_dma source(%dma_start3A_1278 : memref<1x32xf32, #tpu.memory_space<hbm>>) target(%dma_start3A_1276 : memref<1x32xf32, #tpu.memory_space<vmem>>) target_semaphore(%arg20 : memref<!tpu.dma_semaphore, #tpu.memory_space<semaphore_mem>>)
            %slice3A_1279 = vector.extract_strided_slice %get3A_1206 {offsets = [6], sizes = [1], strides = [1]} : vector<16xi32> to vector<1xi32>
            %squeeze3A_1280 = vector.extract %slice3A_1279[0] : i32 from vector<1xi32>
            %add3A_1281 = arith.constant 6 : i32
            %add3A_1282 = arith.addi %add3A_1203, %add3A_1281 : i32
            %dma_start3A_1283 = arith.constant 0 : i32
            %dma_start3A_1284 = tpu.memref_slice %arg15[%add3A_1282, %dma_start3A_1283] : memref<320x32xf32, #tpu.memory_space<vmem>> -> memref<1x32xf32, #tpu.memory_space<vmem>>
            %dma_start3A_1285 = arith.constant 0 : i32
            %dma_start3A_1286 = tpu.memref_slice %arg3[%squeeze3A_1280, %dma_start3A_1285] : memref<1000000x32xf32, #tpu.memory_space<hbm>> -> memref<1x32xf32, #tpu.memory_space<hbm>>
            %dma_start3A_1287 = arith.constant 0 : i32
            %dma_start3A_1288 = tpu.memref_slice %arg15[%add3A_1282, %dma_start3A_1287] : memref<320x32xf32, #tpu.memory_space<vmem>> -> memref<1x32xf32, #tpu.memory_space<vmem>>
            %dma_start3A_1289 = arith.constant 0 : i32
            %dma_start3A_1290 = tpu.memref_slice %arg3[%squeeze3A_1280, %dma_start3A_1289] : memref<1000000x32xf32, #tpu.memory_space<hbm>> -> memref<1x32xf32, #tpu.memory_space<hbm>>
            tpu.enqueue_dma source(%dma_start3A_1290 : memref<1x32xf32, #tpu.memory_space<hbm>>) target(%dma_start3A_1288 : memref<1x32xf32, #tpu.memory_space<vmem>>) target_semaphore(%arg20 : memref<!tpu.dma_semaphore, #tpu.memory_space<semaphore_mem>>)
            %slice3A_1291 = vector.extract_strided_slice %get3A_1206 {offsets = [7], sizes = [1], strides = [1]} : vector<16xi32> to vector<1xi32>
            %squeeze3A_1292 = vector.extract %slice3A_1291[0] : i32 from vector<1xi32>
            %add3A_1293 = arith.constant 7 : i32
            %add3A_1294 = arith.addi %add3A_1203, %add3A_1293 : i32
            %dma_start3A_1295 = arith.constant 0 : i32
            %dma_start3A_1296 = tpu.memref_slice %arg15[%add3A_1294, %dma_start3A_1295] : memref<320x32xf32, #tpu.memory_space<vmem>> -> memref<1x32xf32, #tpu.memory_space<vmem>>
            %dma_start3A_1297 = arith.constant 0 : i32
            %dma_start3A_1298 = tpu.memref_slice %arg3[%squeeze3A_1292, %dma_start3A_1297] : memref<1000000x32xf32, #tpu.memory_space<hbm>> -> memref<1x32xf32, #tpu.memory_space<hbm>>
            %dma_start3A_1299 = arith.constant 0 : i32
            %dma_start3A_1300 = tpu.memref_slice %arg15[%add3A_1294, %dma_start3A_1299] : memref<320x32xf32, #tpu.memory_space<vmem>> -> memref<1x32xf32, #tpu.memory_space<vmem>>
            %dma_start3A_1301 = arith.constant 0 : i32
            %dma_start3A_1302 = tpu.memref_slice %arg3[%squeeze3A_1292, %dma_start3A_1301] : memref<1000000x32xf32, #tpu.memory_space<hbm>> -> memref<1x32xf32, #tpu.memory_space<hbm>>
            tpu.enqueue_dma source(%dma_start3A_1302 : memref<1x32xf32, #tpu.memory_space<hbm>>) target(%dma_start3A_1300 : memref<1x32xf32, #tpu.memory_space<vmem>>) target_semaphore(%arg20 : memref<!tpu.dma_semaphore, #tpu.memory_space<semaphore_mem>>)
            %slice3A_1303 = vector.extract_strided_slice %get3A_1206 {offsets = [8], sizes = [1], strides = [1]} : vector<16xi32> to vector<1xi32>
            %squeeze3A_1304 = vector.extract %slice3A_1303[0] : i32 from vector<1xi32>
            %add3A_1305 = arith.constant 8 : i32
            %add3A_1306 = arith.addi %add3A_1203, %add3A_1305 : i32
            %dma_start3A_1307 = arith.constant 0 : i32
            %dma_start3A_1308 = tpu.memref_slice %arg15[%add3A_1306, %dma_start3A_1307] : memref<320x32xf32, #tpu.memory_space<vmem>> -> memref<1x32xf32, #tpu.memory_space<vmem>>
            %dma_start3A_1309 = arith.constant 0 : i32
            %dma_start3A_1310 = tpu.memref_slice %arg3[%squeeze3A_1304, %dma_start3A_1309] : memref<1000000x32xf32, #tpu.memory_space<hbm>> -> memref<1x32xf32, #tpu.memory_space<hbm>>
            %dma_start3A_1311 = arith.constant 0 : i32
            %dma_start3A_1312 = tpu.memref_slice %arg15[%add3A_1306, %dma_start3A_1311] : memref<320x32xf32, #tpu.memory_space<vmem>> -> memref<1x32xf32, #tpu.memory_space<vmem>>
            %dma_start3A_1313 = arith.constant 0 : i32
            %dma_start3A_1314 = tpu.memref_slice %arg3[%squeeze3A_1304, %dma_start3A_1313] : memref<1000000x32xf32, #tpu.memory_space<hbm>> -> memref<1x32xf32, #tpu.memory_space<hbm>>
            tpu.enqueue_dma source(%dma_start3A_1314 : memref<1x32xf32, #tpu.memory_space<hbm>>) target(%dma_start3A_1312 : memref<1x32xf32, #tpu.memory_space<vmem>>) target_semaphore(%arg20 : memref<!tpu.dma_semaphore, #tpu.memory_space<semaphore_mem>>)
            %slice3A_1315 = vector.extract_strided_slice %get3A_1206 {offsets = [9], sizes = [1], strides = [1]} : vector<16xi32> to vector<1xi32>
            %squeeze3A_1316 = vector.extract %slice3A_1315[0] : i32 from vector<1xi32>
            %add3A_1317 = arith.constant 9 : i32
            %add3A_1318 = arith.addi %add3A_1203, %add3A_1317 : i32
            %dma_start3A_1319 = arith.constant 0 : i32
            %dma_start3A_1320 = tpu.memref_slice %arg15[%add3A_1318, %dma_start3A_1319] : memref<320x32xf32, #tpu.memory_space<vmem>> -> memref<1x32xf32, #tpu.memory_space<vmem>>
            %dma_start3A_1321 = arith.constant 0 : i32
            %dma_start3A_1322 = tpu.memref_slice %arg3[%squeeze3A_1316, %dma_start3A_1321] : memref<1000000x32xf32, #tpu.memory_space<hbm>> -> memref<1x32xf32, #tpu.memory_space<hbm>>
            %dma_start3A_1323 = arith.constant 0 : i32
            %dma_start3A_1324 = tpu.memref_slice %arg15[%add3A_1318, %dma_start3A_1323] : memref<320x32xf32, #tpu.memory_space<vmem>> -> memref<1x32xf32, #tpu.memory_space<vmem>>
            %dma_start3A_1325 = arith.constant 0 : i32
            %dma_start3A_1326 = tpu.memref_slice %arg3[%squeeze3A_1316, %dma_start3A_1325] : memref<1000000x32xf32, #tpu.memory_space<hbm>> -> memref<1x32xf32, #tpu.memory_space<hbm>>
            tpu.enqueue_dma source(%dma_start3A_1326 : memref<1x32xf32, #tpu.memory_space<hbm>>) target(%dma_start3A_1324 : memref<1x32xf32, #tpu.memory_space<vmem>>) target_semaphore(%arg20 : memref<!tpu.dma_semaphore, #tpu.memory_space<semaphore_mem>>)
            %slice3A_1327 = vector.extract_strided_slice %get3A_1206 {offsets = [10], sizes = [1], strides = [1]} : vector<16xi32> to vector<1xi32>
            %squeeze3A_1328 = vector.extract %slice3A_1327[0] : i32 from vector<1xi32>
            %add3A_1329 = arith.constant 10 : i32
            %add3A_1330 = arith.addi %add3A_1203, %add3A_1329 : i32
            %dma_start3A_1331 = arith.constant 0 : i32
            %dma_start3A_1332 = tpu.memref_slice %arg15[%add3A_1330, %dma_start3A_1331] : memref<320x32xf32, #tpu.memory_space<vmem>> -> memref<1x32xf32, #tpu.memory_space<vmem>>
            %dma_start3A_1333 = arith.constant 0 : i32
            %dma_start3A_1334 = tpu.memref_slice %arg3[%squeeze3A_1328, %dma_start3A_1333] : memref<1000000x32xf32, #tpu.memory_space<hbm>> -> memref<1x32xf32, #tpu.memory_space<hbm>>
            %dma_start3A_1335 = arith.constant 0 : i32
            %dma_start3A_1336 = tpu.memref_slice %arg15[%add3A_1330, %dma_start3A_1335] : memref<320x32xf32, #tpu.memory_space<vmem>> -> memref<1x32xf32, #tpu.memory_space<vmem>>
            %dma_start3A_1337 = arith.constant 0 : i32
            %dma_start3A_1338 = tpu.memref_slice %arg3[%squeeze3A_1328, %dma_start3A_1337] : memref<1000000x32xf32, #tpu.memory_space<hbm>> -> memref<1x32xf32, #tpu.memory_space<hbm>>
            tpu.enqueue_dma source(%dma_start3A_1338 : memref<1x32xf32, #tpu.memory_space<hbm>>) target(%dma_start3A_1336 : memref<1x32xf32, #tpu.memory_space<vmem>>) target_semaphore(%arg20 : memref<!tpu.dma_semaphore, #tpu.memory_space<semaphore_mem>>)
            %slice3A_1339 = vector.extract_strided_slice %get3A_1206 {offsets = [11], sizes = [1], strides = [1]} : vector<16xi32> to vector<1xi32>
            %squeeze3A_1340 = vector.extract %slice3A_1339[0] : i32 from vector<1xi32>
            %add3A_1341 = arith.constant 11 : i32
            %add3A_1342 = arith.addi %add3A_1203, %add3A_1341 : i32
            %dma_start3A_1343 = arith.constant 0 : i32
            %dma_start3A_1344 = tpu.memref_slice %arg15[%add3A_1342, %dma_start3A_1343] : memref<320x32xf32, #tpu.memory_space<vmem>> -> memref<1x32xf32, #tpu.memory_space<vmem>>
            %dma_start3A_1345 = arith.constant 0 : i32
            %dma_start3A_1346 = tpu.memref_slice %arg3[%squeeze3A_1340, %dma_start3A_1345] : memref<1000000x32xf32, #tpu.memory_space<hbm>> -> memref<1x32xf32, #tpu.memory_space<hbm>>
            %dma_start3A_1347 = arith.constant 0 : i32
            %dma_start3A_1348 = tpu.memref_slice %arg15[%add3A_1342, %dma_start3A_1347] : memref<320x32xf32, #tpu.memory_space<vmem>> -> memref<1x32xf32, #tpu.memory_space<vmem>>
            %dma_start3A_1349 = arith.constant 0 : i32
            %dma_start3A_1350 = tpu.memref_slice %arg3[%squeeze3A_1340, %dma_start3A_1349] : memref<1000000x32xf32, #tpu.memory_space<hbm>> -> memref<1x32xf32, #tpu.memory_space<hbm>>
            tpu.enqueue_dma source(%dma_start3A_1350 : memref<1x32xf32, #tpu.memory_space<hbm>>) target(%dma_start3A_1348 : memref<1x32xf32, #tpu.memory_space<vmem>>) target_semaphore(%arg20 : memref<!tpu.dma_semaphore, #tpu.memory_space<semaphore_mem>>)
            %slice3A_1351 = vector.extract_strided_slice %get3A_1206 {offsets = [12], sizes = [1], strides = [1]} : vector<16xi32> to vector<1xi32>
            %squeeze3A_1352 = vector.extract %slice3A_1351[0] : i32 from vector<1xi32>
            %add3A_1353 = arith.constant 12 : i32
            %add3A_1354 = arith.addi %add3A_1203, %add3A_1353 : i32
            %dma_start3A_1355 = arith.constant 0 : i32
            %dma_start3A_1356 = tpu.memref_slice %arg15[%add3A_1354, %dma_start3A_1355] : memref<320x32xf32, #tpu.memory_space<vmem>> -> memref<1x32xf32, #tpu.memory_space<vmem>>
            %dma_start3A_1357 = arith.constant 0 : i32
            %dma_start3A_1358 = tpu.memref_slice %arg3[%squeeze3A_1352, %dma_start3A_1357] : memref<1000000x32xf32, #tpu.memory_space<hbm>> -> memref<1x32xf32, #tpu.memory_space<hbm>>
            %dma_start3A_1359 = arith.constant 0 : i32
            %dma_start3A_1360 = tpu.memref_slice %arg15[%add3A_1354, %dma_start3A_1359] : memref<320x32xf32, #tpu.memory_space<vmem>> -> memref<1x32xf32, #tpu.memory_space<vmem>>
            %dma_start3A_1361 = arith.constant 0 : i32
            %dma_start3A_1362 = tpu.memref_slice %arg3[%squeeze3A_1352, %dma_start3A_1361] : memref<1000000x32xf32, #tpu.memory_space<hbm>> -> memref<1x32xf32, #tpu.memory_space<hbm>>
            tpu.enqueue_dma source(%dma_start3A_1362 : memref<1x32xf32, #tpu.memory_space<hbm>>) target(%dma_start3A_1360 : memref<1x32xf32, #tpu.memory_space<vmem>>) target_semaphore(%arg20 : memref<!tpu.dma_semaphore, #tpu.memory_space<semaphore_mem>>)
            %slice3A_1363 = vector.extract_strided_slice %get3A_1206 {offsets = [13], sizes = [1], strides = [1]} : vector<16xi32> to vector<1xi32>
            %squeeze3A_1364 = vector.extract %slice3A_1363[0] : i32 from vector<1xi32>
            %add3A_1365 = arith.constant 13 : i32
            %add3A_1366 = arith.addi %add3A_1203, %add3A_1365 : i32
            %dma_start3A_1367 = arith.constant 0 : i32
            %dma_start3A_1368 = tpu.memref_slice %arg15[%add3A_1366, %dma_start3A_1367] : memref<320x32xf32, #tpu.memory_space<vmem>> -> memref<1x32xf32, #tpu.memory_space<vmem>>
            %dma_start3A_1369 = arith.constant 0 : i32
            %dma_start3A_1370 = tpu.memref_slice %arg3[%squeeze3A_1364, %dma_start3A_1369] : memref<1000000x32xf32, #tpu.memory_space<hbm>> -> memref<1x32xf32, #tpu.memory_space<hbm>>
            %dma_start3A_1371 = arith.constant 0 : i32
            %dma_start3A_1372 = tpu.memref_slice %arg15[%add3A_1366, %dma_start3A_1371] : memref<320x32xf32, #tpu.memory_space<vmem>> -> memref<1x32xf32, #tpu.memory_space<vmem>>
            %dma_start3A_1373 = arith.constant 0 : i32
            %dma_start3A_1374 = tpu.memref_slice %arg3[%squeeze3A_1364, %dma_start3A_1373] : memref<1000000x32xf32, #tpu.memory_space<hbm>> -> memref<1x32xf32, #tpu.memory_space<hbm>>
            tpu.enqueue_dma source(%dma_start3A_1374 : memref<1x32xf32, #tpu.memory_space<hbm>>) target(%dma_start3A_1372 : memref<1x32xf32, #tpu.memory_space<vmem>>) target_semaphore(%arg20 : memref<!tpu.dma_semaphore, #tpu.memory_space<semaphore_mem>>)
            %slice3A_1375 = vector.extract_strided_slice %get3A_1206 {offsets = [14], sizes = [1], strides = [1]} : vector<16xi32> to vector<1xi32>
            %squeeze3A_1376 = vector.extract %slice3A_1375[0] : i32 from vector<1xi32>
            %add3A_1377 = arith.constant 14 : i32
            %add3A_1378 = arith.addi %add3A_1203, %add3A_1377 : i32
            %dma_start3A_1379 = arith.constant 0 : i32
            %dma_start3A_1380 = tpu.memref_slice %arg15[%add3A_1378, %dma_start3A_1379] : memref<320x32xf32, #tpu.memory_space<vmem>> -> memref<1x32xf32, #tpu.memory_space<vmem>>
            %dma_start3A_1381 = arith.constant 0 : i32
            %dma_start3A_1382 = tpu.memref_slice %arg3[%squeeze3A_1376, %dma_start3A_1381] : memref<1000000x32xf32, #tpu.memory_space<hbm>> -> memref<1x32xf32, #tpu.memory_space<hbm>>
            %dma_start3A_1383 = arith.constant 0 : i32
            %dma_start3A_1384 = tpu.memref_slice %arg15[%add3A_1378, %dma_start3A_1383] : memref<320x32xf32, #tpu.memory_space<vmem>> -> memref<1x32xf32, #tpu.memory_space<vmem>>
            %dma_start3A_1385 = arith.constant 0 : i32
            %dma_start3A_1386 = tpu.memref_slice %arg3[%squeeze3A_1376, %dma_start3A_1385] : memref<1000000x32xf32, #tpu.memory_space<hbm>> -> memref<1x32xf32, #tpu.memory_space<hbm>>
            tpu.enqueue_dma source(%dma_start3A_1386 : memref<1x32xf32, #tpu.memory_space<hbm>>) target(%dma_start3A_1384 : memref<1x32xf32, #tpu.memory_space<vmem>>) target_semaphore(%arg20 : memref<!tpu.dma_semaphore, #tpu.memory_space<semaphore_mem>>)
            %slice3A_1387 = vector.extract_strided_slice %get3A_1206 {offsets = [15], sizes = [1], strides = [1]} : vector<16xi32> to vector<1xi32>
            %squeeze3A_1388 = vector.extract %slice3A_1387[0] : i32 from vector<1xi32>
            %add3A_1389 = arith.constant 15 : i32
            %add3A_1390 = arith.addi %add3A_1203, %add3A_1389 : i32
            %dma_start3A_1391 = arith.constant 0 : i32
            %dma_start3A_1392 = tpu.memref_slice %arg15[%add3A_1390, %dma_start3A_1391] : memref<320x32xf32, #tpu.memory_space<vmem>> -> memref<1x32xf32, #tpu.memory_space<vmem>>
            %dma_start3A_1393 = arith.constant 0 : i32
            %dma_start3A_1394 = tpu.memref_slice %arg3[%squeeze3A_1388, %dma_start3A_1393] : memref<1000000x32xf32, #tpu.memory_space<hbm>> -> memref<1x32xf32, #tpu.memory_space<hbm>>
            %dma_start3A_1395 = arith.constant 0 : i32
            %dma_start3A_1396 = tpu.memref_slice %arg15[%add3A_1390, %dma_start3A_1395] : memref<320x32xf32, #tpu.memory_space<vmem>> -> memref<1x32xf32, #tpu.memory_space<vmem>>
            %dma_start3A_1397 = arith.constant 0 : i32
            %dma_start3A_1398 = tpu.memref_slice %arg3[%squeeze3A_1388, %dma_start3A_1397] : memref<1000000x32xf32, #tpu.memory_space<hbm>> -> memref<1x32xf32, #tpu.memory_space<hbm>>
            tpu.enqueue_dma source(%dma_start3A_1398 : memref<1x32xf32, #tpu.memory_space<hbm>>) target(%dma_start3A_1396 : memref<1x32xf32, #tpu.memory_space<vmem>>) target_semaphore(%arg20 : memref<!tpu.dma_semaphore, #tpu.memory_space<semaphore_mem>>)
          }
          %scan3A_1198 = arith.constant 20 : i32
        } else {
        }
        %scan3A_463 = arith.constant 0 : i32
        %scan3A_464 = arith.constant 352 : i32
        %scan3A_465 = arith.addi %scan3A_463, %scan3A_464 : i32
        %scan3A_466 = arith.constant 1 : i32
        scf.for %scan3A_798 = %scan3A_463 to %scan3A_465 step %scan3A_466  : i32 {
          %mul3A_799 = arith.constant 1 : i32
          %mul3A_800 = arith.muli %scan3A_798, %mul3A_799 : i32
          %add3A_801 = arith.constant 0 : i32
          %add3A_802 = arith.addi %add3A_801, %mul3A_800 : i32
          %dma_wait3A_803 = arith.constant 0 : i32
          %dma_wait3A_804 = arith.constant 0 : i32
          %dma_wait3A_805 = tpu.memref_slice %arg16[%dma_wait3A_803, %dma_wait3A_804] : memref<320x32xf32, #tpu.memory_space<vmem>> -> memref<1x32xf32, #tpu.memory_space<vmem>>
          %dma_wait3A_806 = arith.constant 0 : i32
          %dma_wait3A_807 = arith.constant 0 : i32
          %dma_wait3A_808 = tpu.memref_slice %arg3[%dma_wait3A_806, %dma_wait3A_807] : memref<1000000x32xf32, #tpu.memory_space<hbm>> -> memref<1x32xf32, #tpu.memory_space<hbm>>
          %dma_wait3A_809 = arith.constant 0 : i32
          %dma_wait3A_810 = arith.constant 0 : i32
          %dma_wait3A_811 = tpu.memref_slice %arg16[%dma_wait3A_809, %dma_wait3A_810] : memref<320x32xf32, #tpu.memory_space<vmem>> -> memref<1x32xf32, #tpu.memory_space<vmem>>
          %dma_wait3A_812 = arith.constant 0 : i32
          %dma_wait3A_813 = arith.constant 0 : i32
          %dma_wait3A_814 = tpu.memref_slice %arg3[%dma_wait3A_812, %dma_wait3A_813] : memref<1000000x32xf32, #tpu.memory_space<hbm>> -> memref<1x32xf32, #tpu.memory_space<hbm>>
          tpu.wait_dma2 semaphore(%arg21 : memref<!tpu.dma_semaphore, #tpu.memory_space<semaphore_mem>>) src(%dma_wait3A_814 : memref<1x32xf32, #tpu.memory_space<hbm>>) dst(%dma_wait3A_811 : memref<1x32xf32, #tpu.memory_space<vmem>>)
        }
        %scan3A_467 = arith.constant 352 : i32
        %mul3A_468 = arith.constant 16 : i32
        %mul3A_469 = arith.muli %add3A_422, %mul3A_468 : i32
        %broadcast_in_dim3A = arith.constant 0.000000e+00 : f32
        %broadcast_in_dim3A_470 = vector.broadcast %broadcast_in_dim3A : f32 to vector<16xf32>
        %broadcast_in_dim3A_471 = arith.constant 0 : i32
        %broadcast_in_dim3A_472 = vector.broadcast %broadcast_in_dim3A_471 : i32 to vector<16xi32>
        %gather3A = tpu.vector_load_idx %arg14[%iota3A, %broadcast_in_dim3A_472] : memref<16x32xf32, #tpu.memory_space<vmem>>[vector<16xi32>, vector<16xi32>], vector<16xf32>,
        %gather3A_473 = tpu.vector_load_idx %arg12[%iota3A, %broadcast_in_dim3A_472] : memref<16x32xf32, #tpu.memory_space<vmem>>[vector<16xi32>, vector<16xi32>], vector<16xf32>,
        %swap3A = arith.constant 0 : i32
        %swap3A_474 = arith.index_cast %swap3A : i32 to index
        %swap3A_475 = arith.constant 0 : index
        %swap3A_476 = tpu.vector_load %arg17[%swap3A_474, %swap3A_475] {strides = array<i32>} : memref<32x16xf32, #tpu.memory_space<vmem>>, vector<16xf32>,
        tpu.vector_store %arg17[%swap3A_474, %swap3A_475], %gather3A {strides = array<i32>} : memref<32x16xf32, #tpu.memory_space<vmem>>, vector<16xf32>,
        %mul3A_477 = arith.mulf %gather3A_473, %gather3A : vector<16xf32>
        %add3A_478 = arith.addf %broadcast_in_dim3A_470, %mul3A_477 : vector<16xf32>
        %broadcast_in_dim3A_479 = arith.constant 1 : i32
        %broadcast_in_dim3A_480 = vector.broadcast %broadcast_in_dim3A_479 : i32 to vector<16xi32>
        %gather3A_481 = tpu.vector_load_idx %arg14[%iota3A, %broadcast_in_dim3A_480] : memref<16x32xf32, #tpu.memory_space<vmem>>[vector<16xi32>, vector<16xi32>], vector<16xf32>,
        %gather3A_482 = tpu.vector_load_idx %arg12[%iota3A, %broadcast_in_dim3A_480] : memref<16x32xf32, #tpu.memory_space<vmem>>[vector<16xi32>, vector<16xi32>], vector<16xf32>,
        %swap3A_483 = arith.constant 1 : i32
        %swap3A_484 = arith.index_cast %swap3A_483 : i32 to index
        %swap3A_485 = arith.constant 0 : index
        %swap3A_486 = tpu.vector_load %arg17[%swap3A_484, %swap3A_485] {strides = array<i32>} : memref<32x16xf32, #tpu.memory_space<vmem>>, vector<16xf32>,
        tpu.vector_store %arg17[%swap3A_484, %swap3A_485], %gather3A_481 {strides = array<i32>} : memref<32x16xf32, #tpu.memory_space<vmem>>, vector<16xf32>,
        %mul3A_487 = arith.mulf %gather3A_482, %gather3A_481 : vector<16xf32>
        %add3A_488 = arith.addf %add3A_478, %mul3A_487 : vector<16xf32>
        %broadcast_in_dim3A_489 = arith.constant 2 : i32
        %broadcast_in_dim3A_490 = vector.broadcast %broadcast_in_dim3A_489 : i32 to vector<16xi32>
        %gather3A_491 = tpu.vector_load_idx %arg14[%iota3A, %broadcast_in_dim3A_490] : memref<16x32xf32, #tpu.memory_space<vmem>>[vector<16xi32>, vector<16xi32>], vector<16xf32>,
        %gather3A_492 = tpu.vector_load_idx %arg12[%iota3A, %broadcast_in_dim3A_490] : memref<16x32xf32, #tpu.memory_space<vmem>>[vector<16xi32>, vector<16xi32>], vector<16xf32>,
        %swap3A_493 = arith.constant 2 : i32
        %swap3A_494 = arith.index_cast %swap3A_493 : i32 to index
        %swap3A_495 = arith.constant 0 : index
        %swap3A_496 = tpu.vector_load %arg17[%swap3A_494, %swap3A_495] {strides = array<i32>} : memref<32x16xf32, #tpu.memory_space<vmem>>, vector<16xf32>,
        tpu.vector_store %arg17[%swap3A_494, %swap3A_495], %gather3A_491 {strides = array<i32>} : memref<32x16xf32, #tpu.memory_space<vmem>>, vector<16xf32>,
        %mul3A_497 = arith.mulf %gather3A_492, %gather3A_491 : vector<16xf32>
        %add3A_498 = arith.addf %add3A_488, %mul3A_497 : vector<16xf32>
        %broadcast_in_dim3A_499 = arith.constant 3 : i32
        %broadcast_in_dim3A_500 = vector.broadcast %broadcast_in_dim3A_499 : i32 to vector<16xi32>
        %gather3A_501 = tpu.vector_load_idx %arg14[%iota3A, %broadcast_in_dim3A_500] : memref<16x32xf32, #tpu.memory_space<vmem>>[vector<16xi32>, vector<16xi32>], vector<16xf32>,
        %gather3A_502 = tpu.vector_load_idx %arg12[%iota3A, %broadcast_in_dim3A_500] : memref<16x32xf32, #tpu.memory_space<vmem>>[vector<16xi32>, vector<16xi32>], vector<16xf32>,
        %swap3A_503 = arith.constant 3 : i32
        %swap3A_504 = arith.index_cast %swap3A_503 : i32 to index
        %swap3A_505 = arith.constant 0 : index
        %swap3A_506 = tpu.vector_load %arg17[%swap3A_504, %swap3A_505] {strides = array<i32>} : memref<32x16xf32, #tpu.memory_space<vmem>>, vector<16xf32>,
        tpu.vector_store %arg17[%swap3A_504, %swap3A_505], %gather3A_501 {strides = array<i32>} : memref<32x16xf32, #tpu.memory_space<vmem>>, vector<16xf32>,
        %mul3A_507 = arith.mulf %gather3A_502, %gather3A_501 : vector<16xf32>
        %add3A_508 = arith.addf %add3A_498, %mul3A_507 : vector<16xf32>
        %broadcast_in_dim3A_509 = arith.constant 4 : i32
        %broadcast_in_dim3A_510 = vector.broadcast %broadcast_in_dim3A_509 : i32 to vector<16xi32>
        %gather3A_511 = tpu.vector_load_idx %arg14[%iota3A, %broadcast_in_dim3A_510] : memref<16x32xf32, #tpu.memory_space<vmem>>[vector<16xi32>, vector<16xi32>], vector<16xf32>,
        %gather3A_512 = tpu.vector_load_idx %arg12[%iota3A, %broadcast_in_dim3A_510] : memref<16x32xf32, #tpu.memory_space<vmem>>[vector<16xi32>, vector<16xi32>], vector<16xf32>,
        %swap3A_513 = arith.constant 4 : i32
        %swap3A_514 = arith.index_cast %swap3A_513 : i32 to index
        %swap3A_515 = arith.constant 0 : index
        %swap3A_516 = tpu.vector_load %arg17[%swap3A_514, %swap3A_515] {strides = array<i32>} : memref<32x16xf32, #tpu.memory_space<vmem>>, vector<16xf32>,
        tpu.vector_store %arg17[%swap3A_514, %swap3A_515], %gather3A_511 {strides = array<i32>} : memref<32x16xf32, #tpu.memory_space<vmem>>, vector<16xf32>,
        %mul3A_517 = arith.mulf %gather3A_512, %gather3A_511 : vector<16xf32>
        %add3A_518 = arith.addf %add3A_508, %mul3A_517 : vector<16xf32>
        %broadcast_in_dim3A_519 = arith.constant 5 : i32
        %broadcast_in_dim3A_520 = vector.broadcast %broadcast_in_dim3A_519 : i32 to vector<16xi32>
        %gather3A_521 = tpu.vector_load_idx %arg14[%iota3A, %broadcast_in_dim3A_520] : memref<16x32xf32, #tpu.memory_space<vmem>>[vector<16xi32>, vector<16xi32>], vector<16xf32>,
        %gather3A_522 = tpu.vector_load_idx %arg12[%iota3A, %broadcast_in_dim3A_520] : memref<16x32xf32, #tpu.memory_space<vmem>>[vector<16xi32>, vector<16xi32>], vector<16xf32>,
        %swap3A_523 = arith.constant 5 : i32
        %swap3A_524 = arith.index_cast %swap3A_523 : i32 to index
        %swap3A_525 = arith.constant 0 : index
        %swap3A_526 = tpu.vector_load %arg17[%swap3A_524, %swap3A_525] {strides = array<i32>} : memref<32x16xf32, #tpu.memory_space<vmem>>, vector<16xf32>,
        tpu.vector_store %arg17[%swap3A_524, %swap3A_525], %gather3A_521 {strides = array<i32>} : memref<32x16xf32, #tpu.memory_space<vmem>>, vector<16xf32>,
        %mul3A_527 = arith.mulf %gather3A_522, %gather3A_521 : vector<16xf32>
        %add3A_528 = arith.addf %add3A_518, %mul3A_527 : vector<16xf32>
        %broadcast_in_dim3A_529 = arith.constant 6 : i32
        %broadcast_in_dim3A_530 = vector.broadcast %broadcast_in_dim3A_529 : i32 to vector<16xi32>
        %gather3A_531 = tpu.vector_load_idx %arg14[%iota3A, %broadcast_in_dim3A_530] : memref<16x32xf32, #tpu.memory_space<vmem>>[vector<16xi32>, vector<16xi32>], vector<16xf32>,
        %gather3A_532 = tpu.vector_load_idx %arg12[%iota3A, %broadcast_in_dim3A_530] : memref<16x32xf32, #tpu.memory_space<vmem>>[vector<16xi32>, vector<16xi32>], vector<16xf32>,
        %swap3A_533 = arith.constant 6 : i32
        %swap3A_534 = arith.index_cast %swap3A_533 : i32 to index
        %swap3A_535 = arith.constant 0 : index
        %swap3A_536 = tpu.vector_load %arg17[%swap3A_534, %swap3A_535] {strides = array<i32>} : memref<32x16xf32, #tpu.memory_space<vmem>>, vector<16xf32>,
        tpu.vector_store %arg17[%swap3A_534, %swap3A_535], %gather3A_531 {strides = array<i32>} : memref<32x16xf32, #tpu.memory_space<vmem>>, vector<16xf32>,
        %mul3A_537 = arith.mulf %gather3A_532, %gather3A_531 : vector<16xf32>
        %add3A_538 = arith.addf %add3A_528, %mul3A_537 : vector<16xf32>
        %broadcast_in_dim3A_539 = arith.constant 7 : i32
        %broadcast_in_dim3A_540 = vector.broadcast %broadcast_in_dim3A_539 : i32 to vector<16xi32>
        %gather3A_541 = tpu.vector_load_idx %arg14[%iota3A, %broadcast_in_dim3A_540] : memref<16x32xf32, #tpu.memory_space<vmem>>[vector<16xi32>, vector<16xi32>], vector<16xf32>,
        %gather3A_542 = tpu.vector_load_idx %arg12[%iota3A, %broadcast_in_dim3A_540] : memref<16x32xf32, #tpu.memory_space<vmem>>[vector<16xi32>, vector<16xi32>], vector<16xf32>,
        %swap3A_543 = arith.constant 7 : i32
        %swap3A_544 = arith.index_cast %swap3A_543 : i32 to index
        %swap3A_545 = arith.constant 0 : index
        %swap3A_546 = tpu.vector_load %arg17[%swap3A_544, %swap3A_545] {strides = array<i32>} : memref<32x16xf32, #tpu.memory_space<vmem>>, vector<16xf32>,
        tpu.vector_store %arg17[%swap3A_544, %swap3A_545], %gather3A_541 {strides = array<i32>} : memref<32x16xf32, #tpu.memory_space<vmem>>, vector<16xf32>,
        %mul3A_547 = arith.mulf %gather3A_542, %gather3A_541 : vector<16xf32>
        %add3A_548 = arith.addf %add3A_538, %mul3A_547 : vector<16xf32>
        %broadcast_in_dim3A_549 = arith.constant 8 : i32
        %broadcast_in_dim3A_550 = vector.broadcast %broadcast_in_dim3A_549 : i32 to vector<16xi32>
        %gather3A_551 = tpu.vector_load_idx %arg14[%iota3A, %broadcast_in_dim3A_550] : memref<16x32xf32, #tpu.memory_space<vmem>>[vector<16xi32>, vector<16xi32>], vector<16xf32>,
        %gather3A_552 = tpu.vector_load_idx %arg12[%iota3A, %broadcast_in_dim3A_550] : memref<16x32xf32, #tpu.memory_space<vmem>>[vector<16xi32>, vector<16xi32>], vector<16xf32>,
        %swap3A_553 = arith.constant 8 : i32
        %swap3A_554 = arith.index_cast %swap3A_553 : i32 to index
        %swap3A_555 = arith.constant 0 : index
        %swap3A_556 = tpu.vector_load %arg17[%swap3A_554, %swap3A_555] {strides = array<i32>} : memref<32x16xf32, #tpu.memory_space<vmem>>, vector<16xf32>,
        tpu.vector_store %arg17[%swap3A_554, %swap3A_555], %gather3A_551 {strides = array<i32>} : memref<32x16xf32, #tpu.memory_space<vmem>>, vector<16xf32>,
        %mul3A_557 = arith.mulf %gather3A_552, %gather3A_551 : vector<16xf32>
        %add3A_558 = arith.addf %add3A_548, %mul3A_557 : vector<16xf32>
        %broadcast_in_dim3A_559 = arith.constant 9 : i32
        %broadcast_in_dim3A_560 = vector.broadcast %broadcast_in_dim3A_559 : i32 to vector<16xi32>
        %gather3A_561 = tpu.vector_load_idx %arg14[%iota3A, %broadcast_in_dim3A_560] : memref<16x32xf32, #tpu.memory_space<vmem>>[vector<16xi32>, vector<16xi32>], vector<16xf32>,
        %gather3A_562 = tpu.vector_load_idx %arg12[%iota3A, %broadcast_in_dim3A_560] : memref<16x32xf32, #tpu.memory_space<vmem>>[vector<16xi32>, vector<16xi32>], vector<16xf32>,
        %swap3A_563 = arith.constant 9 : i32
        %swap3A_564 = arith.index_cast %swap3A_563 : i32 to index
        %swap3A_565 = arith.constant 0 : index
        %swap3A_566 = tpu.vector_load %arg17[%swap3A_564, %swap3A_565] {strides = array<i32>} : memref<32x16xf32, #tpu.memory_space<vmem>>, vector<16xf32>,
        tpu.vector_store %arg17[%swap3A_564, %swap3A_565], %gather3A_561 {strides = array<i32>} : memref<32x16xf32, #tpu.memory_space<vmem>>, vector<16xf32>,
        %mul3A_567 = arith.mulf %gather3A_562, %gather3A_561 : vector<16xf32>
        %add3A_568 = arith.addf %add3A_558, %mul3A_567 : vector<16xf32>
        %broadcast_in_dim3A_569 = arith.constant 10 : i32
        %broadcast_in_dim3A_570 = vector.broadcast %broadcast_in_dim3A_569 : i32 to vector<16xi32>
        %gather3A_571 = tpu.vector_load_idx %arg14[%iota3A, %broadcast_in_dim3A_570] : memref<16x32xf32, #tpu.memory_space<vmem>>[vector<16xi32>, vector<16xi32>], vector<16xf32>,
        %gather3A_572 = tpu.vector_load_idx %arg12[%iota3A, %broadcast_in_dim3A_570] : memref<16x32xf32, #tpu.memory_space<vmem>>[vector<16xi32>, vector<16xi32>], vector<16xf32>,
        %swap3A_573 = arith.constant 10 : i32
        %swap3A_574 = arith.index_cast %swap3A_573 : i32 to index
        %swap3A_575 = arith.constant 0 : index
        %swap3A_576 = tpu.vector_load %arg17[%swap3A_574, %swap3A_575] {strides = array<i32>} : memref<32x16xf32, #tpu.memory_space<vmem>>, vector<16xf32>,
        tpu.vector_store %arg17[%swap3A_574, %swap3A_575], %gather3A_571 {strides = array<i32>} : memref<32x16xf32, #tpu.memory_space<vmem>>, vector<16xf32>,
        %mul3A_577 = arith.mulf %gather3A_572, %gather3A_571 : vector<16xf32>
        %add3A_578 = arith.addf %add3A_568, %mul3A_577 : vector<16xf32>
        %broadcast_in_dim3A_579 = arith.constant 11 : i32
        %broadcast_in_dim3A_580 = vector.broadcast %broadcast_in_dim3A_579 : i32 to vector<16xi32>
        %gather3A_581 = tpu.vector_load_idx %arg14[%iota3A, %broadcast_in_dim3A_580] : memref<16x32xf32, #tpu.memory_space<vmem>>[vector<16xi32>, vector<16xi32>], vector<16xf32>,
        %gather3A_582 = tpu.vector_load_idx %arg12[%iota3A, %broadcast_in_dim3A_580] : memref<16x32xf32, #tpu.memory_space<vmem>>[vector<16xi32>, vector<16xi32>], vector<16xf32>,
        %swap3A_583 = arith.constant 11 : i32
        %swap3A_584 = arith.index_cast %swap3A_583 : i32 to index
        %swap3A_585 = arith.constant 0 : index
        %swap3A_586 = tpu.vector_load %arg17[%swap3A_584, %swap3A_585] {strides = array<i32>} : memref<32x16xf32, #tpu.memory_space<vmem>>, vector<16xf32>,
        tpu.vector_store %arg17[%swap3A_584, %swap3A_585], %gather3A_581 {strides = array<i32>} : memref<32x16xf32, #tpu.memory_space<vmem>>, vector<16xf32>,
        %mul3A_587 = arith.mulf %gather3A_582, %gather3A_581 : vector<16xf32>
        %add3A_588 = arith.addf %add3A_578, %mul3A_587 : vector<16xf32>
        %broadcast_in_dim3A_589 = arith.constant 12 : i32
        %broadcast_in_dim3A_590 = vector.broadcast %broadcast_in_dim3A_589 : i32 to vector<16xi32>
        %gather3A_591 = tpu.vector_load_idx %arg14[%iota3A, %broadcast_in_dim3A_590] : memref<16x32xf32, #tpu.memory_space<vmem>>[vector<16xi32>, vector<16xi32>], vector<16xf32>,
        %gather3A_592 = tpu.vector_load_idx %arg12[%iota3A, %broadcast_in_dim3A_590] : memref<16x32xf32, #tpu.memory_space<vmem>>[vector<16xi32>, vector<16xi32>], vector<16xf32>,
        %swap3A_593 = arith.constant 12 : i32
        %swap3A_594 = arith.index_cast %swap3A_593 : i32 to index
        %swap3A_595 = arith.constant 0 : index
        %swap3A_596 = tpu.vector_load %arg17[%swap3A_594, %swap3A_595] {strides = array<i32>} : memref<32x16xf32, #tpu.memory_space<vmem>>, vector<16xf32>,
        tpu.vector_store %arg17[%swap3A_594, %swap3A_595], %gather3A_591 {strides = array<i32>} : memref<32x16xf32, #tpu.memory_space<vmem>>, vector<16xf32>,
        %mul3A_597 = arith.mulf %gather3A_592, %gather3A_591 : vector<16xf32>
        %add3A_598 = arith.addf %add3A_588, %mul3A_597 : vector<16xf32>
        %broadcast_in_dim3A_599 = arith.constant 13 : i32
        %broadcast_in_dim3A_600 = vector.broadcast %broadcast_in_dim3A_599 : i32 to vector<16xi32>
        %gather3A_601 = tpu.vector_load_idx %arg14[%iota3A, %broadcast_in_dim3A_600] : memref<16x32xf32, #tpu.memory_space<vmem>>[vector<16xi32>, vector<16xi32>], vector<16xf32>,
        %gather3A_602 = tpu.vector_load_idx %arg12[%iota3A, %broadcast_in_dim3A_600] : memref<16x32xf32, #tpu.memory_space<vmem>>[vector<16xi32>, vector<16xi32>], vector<16xf32>,
        %swap3A_603 = arith.constant 13 : i32
        %swap3A_604 = arith.index_cast %swap3A_603 : i32 to index
        %swap3A_605 = arith.constant 0 : index
        %swap3A_606 = tpu.vector_load %arg17[%swap3A_604, %swap3A_605] {strides = array<i32>} : memref<32x16xf32, #tpu.memory_space<vmem>>, vector<16xf32>,
        tpu.vector_store %arg17[%swap3A_604, %swap3A_605], %gather3A_601 {strides = array<i32>} : memref<32x16xf32, #tpu.memory_space<vmem>>, vector<16xf32>,
        %mul3A_607 = arith.mulf %gather3A_602, %gather3A_601 : vector<16xf32>
        %add3A_608 = arith.addf %add3A_598, %mul3A_607 : vector<16xf32>
        %broadcast_in_dim3A_609 = arith.constant 14 : i32
        %broadcast_in_dim3A_610 = vector.broadcast %broadcast_in_dim3A_609 : i32 to vector<16xi32>
        %gather3A_611 = tpu.vector_load_idx %arg14[%iota3A, %broadcast_in_dim3A_610] : memref<16x32xf32, #tpu.memory_space<vmem>>[vector<16xi32>, vector<16xi32>], vector<16xf32>,
        %gather3A_612 = tpu.vector_load_idx %arg12[%iota3A, %broadcast_in_dim3A_610] : memref<16x32xf32, #tpu.memory_space<vmem>>[vector<16xi32>, vector<16xi32>], vector<16xf32>,
        %swap3A_613 = arith.constant 14 : i32
        %swap3A_614 = arith.index_cast %swap3A_613 : i32 to index
        %swap3A_615 = arith.constant 0 : index
        %swap3A_616 = tpu.vector_load %arg17[%swap3A_614, %swap3A_615] {strides = array<i32>} : memref<32x16xf32, #tpu.memory_space<vmem>>, vector<16xf32>,
        tpu.vector_store %arg17[%swap3A_614, %swap3A_615], %gather3A_611 {strides = array<i32>} : memref<32x16xf32, #tpu.memory_space<vmem>>, vector<16xf32>,
        %mul3A_617 = arith.mulf %gather3A_612, %gather3A_611 : vector<16xf32>
        %add3A_618 = arith.addf %add3A_608, %mul3A_617 : vector<16xf32>
        %broadcast_in_dim3A_619 = arith.constant 15 : i32
        %broadcast_in_dim3A_620 = vector.broadcast %broadcast_in_dim3A_619 : i32 to vector<16xi32>
        %gather3A_621 = tpu.vector_load_idx %arg14[%iota3A, %broadcast_in_dim3A_620] : memref<16x32xf32, #tpu.memory_space<vmem>>[vector<16xi32>, vector<16xi32>], vector<16xf32>,
        %gather3A_622 = tpu.vector_load_idx %arg12[%iota3A, %broadcast_in_dim3A_620] : memref<16x32xf32, #tpu.memory_space<vmem>>[vector<16xi32>, vector<16xi32>], vector<16xf32>,
        %swap3A_623 = arith.constant 15 : i32
        %swap3A_624 = arith.index_cast %swap3A_623 : i32 to index
        %swap3A_625 = arith.constant 0 : index
        %swap3A_626 = tpu.vector_load %arg17[%swap3A_624, %swap3A_625] {strides = array<i32>} : memref<32x16xf32, #tpu.memory_space<vmem>>, vector<16xf32>,
        tpu.vector_store %arg17[%swap3A_624, %swap3A_625], %gather3A_621 {strides = array<i32>} : memref<32x16xf32, #tpu.memory_space<vmem>>, vector<16xf32>,
        %mul3A_627 = arith.mulf %gather3A_622, %gather3A_621 : vector<16xf32>
        %add3A_628 = arith.addf %add3A_618, %mul3A_627 : vector<16xf32>
        %broadcast_in_dim3A_629 = arith.constant 16 : i32
        %broadcast_in_dim3A_630 = vector.broadcast %broadcast_in_dim3A_629 : i32 to vector<16xi32>
        %gather3A_631 = tpu.vector_load_idx %arg14[%iota3A, %broadcast_in_dim3A_630] : memref<16x32xf32, #tpu.memory_space<vmem>>[vector<16xi32>, vector<16xi32>], vector<16xf32>,
        %gather3A_632 = tpu.vector_load_idx %arg12[%iota3A, %broadcast_in_dim3A_630] : memref<16x32xf32, #tpu.memory_space<vmem>>[vector<16xi32>, vector<16xi32>], vector<16xf32>,
        %swap3A_633 = arith.constant 16 : i32
        %swap3A_634 = arith.index_cast %swap3A_633 : i32 to index
        %swap3A_635 = arith.constant 0 : index
        %swap3A_636 = tpu.vector_load %arg17[%swap3A_634, %swap3A_635] {strides = array<i32>} : memref<32x16xf32, #tpu.memory_space<vmem>>, vector<16xf32>,
        tpu.vector_store %arg17[%swap3A_634, %swap3A_635], %gather3A_631 {strides = array<i32>} : memref<32x16xf32, #tpu.memory_space<vmem>>, vector<16xf32>,
        %mul3A_637 = arith.mulf %gather3A_632, %gather3A_631 : vector<16xf32>
        %add3A_638 = arith.addf %add3A_628, %mul3A_637 : vector<16xf32>
        %broadcast_in_dim3A_639 = arith.constant 17 : i32
        %broadcast_in_dim3A_640 = vector.broadcast %broadcast_in_dim3A_639 : i32 to vector<16xi32>
        %gather3A_641 = tpu.vector_load_idx %arg14[%iota3A, %broadcast_in_dim3A_640] : memref<16x32xf32, #tpu.memory_space<vmem>>[vector<16xi32>, vector<16xi32>], vector<16xf32>,
        %gather3A_642 = tpu.vector_load_idx %arg12[%iota3A, %broadcast_in_dim3A_640] : memref<16x32xf32, #tpu.memory_space<vmem>>[vector<16xi32>, vector<16xi32>], vector<16xf32>,
        %swap3A_643 = arith.constant 17 : i32
        %swap3A_644 = arith.index_cast %swap3A_643 : i32 to index
        %swap3A_645 = arith.constant 0 : index
        %swap3A_646 = tpu.vector_load %arg17[%swap3A_644, %swap3A_645] {strides = array<i32>} : memref<32x16xf32, #tpu.memory_space<vmem>>, vector<16xf32>,
        tpu.vector_store %arg17[%swap3A_644, %swap3A_645], %gather3A_641 {strides = array<i32>} : memref<32x16xf32, #tpu.memory_space<vmem>>, vector<16xf32>,
        %mul3A_647 = arith.mulf %gather3A_642, %gather3A_641 : vector<16xf32>
        %add3A_648 = arith.addf %add3A_638, %mul3A_647 : vector<16xf32>
        %broadcast_in_dim3A_649 = arith.constant 18 : i32
        %broadcast_in_dim3A_650 = vector.broadcast %broadcast_in_dim3A_649 : i32 to vector<16xi32>
        %gather3A_651 = tpu.vector_load_idx %arg14[%iota3A, %broadcast_in_dim3A_650] : memref<16x32xf32, #tpu.memory_space<vmem>>[vector<16xi32>, vector<16xi32>], vector<16xf32>,
        %gather3A_652 = tpu.vector_load_idx %arg12[%iota3A, %broadcast_in_dim3A_650] : memref<16x32xf32, #tpu.memory_space<vmem>>[vector<16xi32>, vector<16xi32>], vector<16xf32>,
        %swap3A_653 = arith.constant 18 : i32
        %swap3A_654 = arith.index_cast %swap3A_653 : i32 to index
        %swap3A_655 = arith.constant 0 : index
        %swap3A_656 = tpu.vector_load %arg17[%swap3A_654, %swap3A_655] {strides = array<i32>} : memref<32x16xf32, #tpu.memory_space<vmem>>, vector<16xf32>,
        tpu.vector_store %arg17[%swap3A_654, %swap3A_655], %gather3A_651 {strides = array<i32>} : memref<32x16xf32, #tpu.memory_space<vmem>>, vector<16xf32>,
        %mul3A_657 = arith.mulf %gather3A_652, %gather3A_651 : vector<16xf32>
        %add3A_658 = arith.addf %add3A_648, %mul3A_657 : vector<16xf32>
        %broadcast_in_dim3A_659 = arith.constant 19 : i32
        %broadcast_in_dim3A_660 = vector.broadcast %broadcast_in_dim3A_659 : i32 to vector<16xi32>
        %gather3A_661 = tpu.vector_load_idx %arg14[%iota3A, %broadcast_in_dim3A_660] : memref<16x32xf32, #tpu.memory_space<vmem>>[vector<16xi32>, vector<16xi32>], vector<16xf32>,
        %gather3A_662 = tpu.vector_load_idx %arg12[%iota3A, %broadcast_in_dim3A_660] : memref<16x32xf32, #tpu.memory_space<vmem>>[vector<16xi32>, vector<16xi32>], vector<16xf32>,
        %swap3A_663 = arith.constant 19 : i32
        %swap3A_664 = arith.index_cast %swap3A_663 : i32 to index
        %swap3A_665 = arith.constant 0 : index
        %swap3A_666 = tpu.vector_load %arg17[%swap3A_664, %swap3A_665] {strides = array<i32>} : memref<32x16xf32, #tpu.memory_space<vmem>>, vector<16xf32>,
        tpu.vector_store %arg17[%swap3A_664, %swap3A_665], %gather3A_661 {strides = array<i32>} : memref<32x16xf32, #tpu.memory_space<vmem>>, vector<16xf32>,
        %mul3A_667 = arith.mulf %gather3A_662, %gather3A_661 : vector<16xf32>
        %add3A_668 = arith.addf %add3A_658, %mul3A_667 : vector<16xf32>
        %broadcast_in_dim3A_669 = arith.constant 20 : i32
        %broadcast_in_dim3A_670 = vector.broadcast %broadcast_in_dim3A_669 : i32 to vector<16xi32>
        %gather3A_671 = tpu.vector_load_idx %arg14[%iota3A, %broadcast_in_dim3A_670] : memref<16x32xf32, #tpu.memory_space<vmem>>[vector<16xi32>, vector<16xi32>], vector<16xf32>,
        %gather3A_672 = tpu.vector_load_idx %arg12[%iota3A, %broadcast_in_dim3A_670] : memref<16x32xf32, #tpu.memory_space<vmem>>[vector<16xi32>, vector<16xi32>], vector<16xf32>,
        %swap3A_673 = arith.constant 20 : i32
        %swap3A_674 = arith.index_cast %swap3A_673 : i32 to index
        %swap3A_675 = arith.constant 0 : index
        %swap3A_676 = tpu.vector_load %arg17[%swap3A_674, %swap3A_675] {strides = array<i32>} : memref<32x16xf32, #tpu.memory_space<vmem>>, vector<16xf32>,
        tpu.vector_store %arg17[%swap3A_674, %swap3A_675], %gather3A_671 {strides = array<i32>} : memref<32x16xf32, #tpu.memory_space<vmem>>, vector<16xf32>,
        %mul3A_677 = arith.mulf %gather3A_672, %gather3A_671 : vector<16xf32>
        %add3A_678 = arith.addf %add3A_668, %mul3A_677 : vector<16xf32>
        %broadcast_in_dim3A_679 = arith.constant 21 : i32
        %broadcast_in_dim3A_680 = vector.broadcast %broadcast_in_dim3A_679 : i32 to vector<16xi32>
        %gather3A_681 = tpu.vector_load_idx %arg14[%iota3A, %broadcast_in_dim3A_680] : memref<16x32xf32, #tpu.memory_space<vmem>>[vector<16xi32>, vector<16xi32>], vector<16xf32>,
        %gather3A_682 = tpu.vector_load_idx %arg12[%iota3A, %broadcast_in_dim3A_680] : memref<16x32xf32, #tpu.memory_space<vmem>>[vector<16xi32>, vector<16xi32>], vector<16xf32>,
        %swap3A_683 = arith.constant 21 : i32
        %swap3A_684 = arith.index_cast %swap3A_683 : i32 to index
        %swap3A_685 = arith.constant 0 : index
        %swap3A_686 = tpu.vector_load %arg17[%swap3A_684, %swap3A_685] {strides = array<i32>} : memref<32x16xf32, #tpu.memory_space<vmem>>, vector<16xf32>,
        tpu.vector_store %arg17[%swap3A_684, %swap3A_685], %gather3A_681 {strides = array<i32>} : memref<32x16xf32, #tpu.memory_space<vmem>>, vector<16xf32>,
        %mul3A_687 = arith.mulf %gather3A_682, %gather3A_681 : vector<16xf32>
        %add3A_688 = arith.addf %add3A_678, %mul3A_687 : vector<16xf32>
        %broadcast_in_dim3A_689 = arith.constant 22 : i32
        %broadcast_in_dim3A_690 = vector.broadcast %broadcast_in_dim3A_689 : i32 to vector<16xi32>
        %gather3A_691 = tpu.vector_load_idx %arg14[%iota3A, %broadcast_in_dim3A_690] : memref<16x32xf32, #tpu.memory_space<vmem>>[vector<16xi32>, vector<16xi32>], vector<16xf32>,
        %gather3A_692 = tpu.vector_load_idx %arg12[%iota3A, %broadcast_in_dim3A_690] : memref<16x32xf32, #tpu.memory_space<vmem>>[vector<16xi32>, vector<16xi32>], vector<16xf32>,
        %swap3A_693 = arith.constant 22 : i32
        %swap3A_694 = arith.index_cast %swap3A_693 : i32 to index
        %swap3A_695 = arith.constant 0 : index
        %swap3A_696 = tpu.vector_load %arg17[%swap3A_694, %swap3A_695] {strides = array<i32>} : memref<32x16xf32, #tpu.memory_space<vmem>>, vector<16xf32>,
        tpu.vector_store %arg17[%swap3A_694, %swap3A_695], %gather3A_691 {strides = array<i32>} : memref<32x16xf32, #tpu.memory_space<vmem>>, vector<16xf32>,
        %mul3A_697 = arith.mulf %gather3A_692, %gather3A_691 : vector<16xf32>
        %add3A_698 = arith.addf %add3A_688, %mul3A_697 : vector<16xf32>
        %broadcast_in_dim3A_699 = arith.constant 23 : i32
        %broadcast_in_dim3A_700 = vector.broadcast %broadcast_in_dim3A_699 : i32 to vector<16xi32>
        %gather3A_701 = tpu.vector_load_idx %arg14[%iota3A, %broadcast_in_dim3A_700] : memref<16x32xf32, #tpu.memory_space<vmem>>[vector<16xi32>, vector<16xi32>], vector<16xf32>,
        %gather3A_702 = tpu.vector_load_idx %arg12[%iota3A, %broadcast_in_dim3A_700] : memref<16x32xf32, #tpu.memory_space<vmem>>[vector<16xi32>, vector<16xi32>], vector<16xf32>,
        %swap3A_703 = arith.constant 23 : i32
        %swap3A_704 = arith.index_cast %swap3A_703 : i32 to index
        %swap3A_705 = arith.constant 0 : index
        %swap3A_706 = tpu.vector_load %arg17[%swap3A_704, %swap3A_705] {strides = array<i32>} : memref<32x16xf32, #tpu.memory_space<vmem>>, vector<16xf32>,
        tpu.vector_store %arg17[%swap3A_704, %swap3A_705], %gather3A_701 {strides = array<i32>} : memref<32x16xf32, #tpu.memory_space<vmem>>, vector<16xf32>,
        %mul3A_707 = arith.mulf %gather3A_702, %gather3A_701 : vector<16xf32>
        %add3A_708 = arith.addf %add3A_698, %mul3A_707 : vector<16xf32>
        %broadcast_in_dim3A_709 = arith.constant 24 : i32
        %broadcast_in_dim3A_710 = vector.broadcast %broadcast_in_dim3A_709 : i32 to vector<16xi32>
        %gather3A_711 = tpu.vector_load_idx %arg14[%iota3A, %broadcast_in_dim3A_710] : memref<16x32xf32, #tpu.memory_space<vmem>>[vector<16xi32>, vector<16xi32>], vector<16xf32>,
        %gather3A_712 = tpu.vector_load_idx %arg12[%iota3A, %broadcast_in_dim3A_710] : memref<16x32xf32, #tpu.memory_space<vmem>>[vector<16xi32>, vector<16xi32>], vector<16xf32>,
        %swap3A_713 = arith.constant 24 : i32
        %swap3A_714 = arith.index_cast %swap3A_713 : i32 to index
        %swap3A_715 = arith.constant 0 : index
        %swap3A_716 = tpu.vector_load %arg17[%swap3A_714, %swap3A_715] {strides = array<i32>} : memref<32x16xf32, #tpu.memory_space<vmem>>, vector<16xf32>,
        tpu.vector_store %arg17[%swap3A_714, %swap3A_715], %gather3A_711 {strides = array<i32>} : memref<32x16xf32, #tpu.memory_space<vmem>>, vector<16xf32>,
        %mul3A_717 = arith.mulf %gather3A_712, %gather3A_711 : vector<16xf32>
        %add3A_718 = arith.addf %add3A_708, %mul3A_717 : vector<16xf32>
        %broadcast_in_dim3A_719 = arith.constant 25 : i32
        %broadcast_in_dim3A_720 = vector.broadcast %broadcast_in_dim3A_719 : i32 to vector<16xi32>
        %gather3A_721 = tpu.vector_load_idx %arg14[%iota3A, %broadcast_in_dim3A_720] : memref<16x32xf32, #tpu.memory_space<vmem>>[vector<16xi32>, vector<16xi32>], vector<16xf32>,
        %gather3A_722 = tpu.vector_load_idx %arg12[%iota3A, %broadcast_in_dim3A_720] : memref<16x32xf32, #tpu.memory_space<vmem>>[vector<16xi32>, vector<16xi32>], vector<16xf32>,
        %swap3A_723 = arith.constant 25 : i32
        %swap3A_724 = arith.index_cast %swap3A_723 : i32 to index
        %swap3A_725 = arith.constant 0 : index
        %swap3A_726 = tpu.vector_load %arg17[%swap3A_724, %swap3A_725] {strides = array<i32>} : memref<32x16xf32, #tpu.memory_space<vmem>>, vector<16xf32>,
        tpu.vector_store %arg17[%swap3A_724, %swap3A_725], %gather3A_721 {strides = array<i32>} : memref<32x16xf32, #tpu.memory_space<vmem>>, vector<16xf32>,
        %mul3A_727 = arith.mulf %gather3A_722, %gather3A_721 : vector<16xf32>
        %add3A_728 = arith.addf %add3A_718, %mul3A_727 : vector<16xf32>
        %broadcast_in_dim3A_729 = arith.constant 26 : i32
        %broadcast_in_dim3A_730 = vector.broadcast %broadcast_in_dim3A_729 : i32 to vector<16xi32>
        %gather3A_731 = tpu.vector_load_idx %arg14[%iota3A, %broadcast_in_dim3A_730] : memref<16x32xf32, #tpu.memory_space<vmem>>[vector<16xi32>, vector<16xi32>], vector<16xf32>,
        %gather3A_732 = tpu.vector_load_idx %arg12[%iota3A, %broadcast_in_dim3A_730] : memref<16x32xf32, #tpu.memory_space<vmem>>[vector<16xi32>, vector<16xi32>], vector<16xf32>,
        %swap3A_733 = arith.constant 26 : i32
        %swap3A_734 = arith.index_cast %swap3A_733 : i32 to index
        %swap3A_735 = arith.constant 0 : index
        %swap3A_736 = tpu.vector_load %arg17[%swap3A_734, %swap3A_735] {strides = array<i32>} : memref<32x16xf32, #tpu.memory_space<vmem>>, vector<16xf32>,
        tpu.vector_store %arg17[%swap3A_734, %swap3A_735], %gather3A_731 {strides = array<i32>} : memref<32x16xf32, #tpu.memory_space<vmem>>, vector<16xf32>,
        %mul3A_737 = arith.mulf %gather3A_732, %gather3A_731 : vector<16xf32>
        %add3A_738 = arith.addf %add3A_728, %mul3A_737 : vector<16xf32>
        %broadcast_in_dim3A_739 = arith.constant 27 : i32
        %broadcast_in_dim3A_740 = vector.broadcast %broadcast_in_dim3A_739 : i32 to vector<16xi32>
        %gather3A_741 = tpu.vector_load_idx %arg14[%iota3A, %broadcast_in_dim3A_740] : memref<16x32xf32, #tpu.memory_space<vmem>>[vector<16xi32>, vector<16xi32>], vector<16xf32>,
        %gather3A_742 = tpu.vector_load_idx %arg12[%iota3A, %broadcast_in_dim3A_740] : memref<16x32xf32, #tpu.memory_space<vmem>>[vector<16xi32>, vector<16xi32>], vector<16xf32>,
        %swap3A_743 = arith.constant 27 : i32
        %swap3A_744 = arith.index_cast %swap3A_743 : i32 to index
        %swap3A_745 = arith.constant 0 : index
        %swap3A_746 = tpu.vector_load %arg17[%swap3A_744, %swap3A_745] {strides = array<i32>} : memref<32x16xf32, #tpu.memory_space<vmem>>, vector<16xf32>,
        tpu.vector_store %arg17[%swap3A_744, %swap3A_745], %gather3A_741 {strides = array<i32>} : memref<32x16xf32, #tpu.memory_space<vmem>>, vector<16xf32>,
        %mul3A_747 = arith.mulf %gather3A_742, %gather3A_741 : vector<16xf32>
        %add3A_748 = arith.addf %add3A_738, %mul3A_747 : vector<16xf32>
        %broadcast_in_dim3A_749 = arith.constant 28 : i32
        %broadcast_in_dim3A_750 = vector.broadcast %broadcast_in_dim3A_749 : i32 to vector<16xi32>
        %gather3A_751 = tpu.vector_load_idx %arg14[%iota3A, %broadcast_in_dim3A_750] : memref<16x32xf32, #tpu.memory_space<vmem>>[vector<16xi32>, vector<16xi32>], vector<16xf32>,
        %gather3A_752 = tpu.vector_load_idx %arg12[%iota3A, %broadcast_in_dim3A_750] : memref<16x32xf32, #tpu.memory_space<vmem>>[vector<16xi32>, vector<16xi32>], vector<16xf32>,
        %swap3A_753 = arith.constant 28 : i32
        %swap3A_754 = arith.index_cast %swap3A_753 : i32 to index
        %swap3A_755 = arith.constant 0 : index
        %swap3A_756 = tpu.vector_load %arg17[%swap3A_754, %swap3A_755] {strides = array<i32>} : memref<32x16xf32, #tpu.memory_space<vmem>>, vector<16xf32>,
        tpu.vector_store %arg17[%swap3A_754, %swap3A_755], %gather3A_751 {strides = array<i32>} : memref<32x16xf32, #tpu.memory_space<vmem>>, vector<16xf32>,
        %mul3A_757 = arith.mulf %gather3A_752, %gather3A_751 : vector<16xf32>
        %add3A_758 = arith.addf %add3A_748, %mul3A_757 : vector<16xf32>
        %broadcast_in_dim3A_759 = arith.constant 29 : i32
        %broadcast_in_dim3A_760 = vector.broadcast %broadcast_in_dim3A_759 : i32 to vector<16xi32>
        %gather3A_761 = tpu.vector_load_idx %arg14[%iota3A, %broadcast_in_dim3A_760] : memref<16x32xf32, #tpu.memory_space<vmem>>[vector<16xi32>, vector<16xi32>], vector<16xf32>,
        %gather3A_762 = tpu.vector_load_idx %arg12[%iota3A, %broadcast_in_dim3A_760] : memref<16x32xf32, #tpu.memory_space<vmem>>[vector<16xi32>, vector<16xi32>], vector<16xf32>,
        %swap3A_763 = arith.constant 29 : i32
        %swap3A_764 = arith.index_cast %swap3A_763 : i32 to index
        %swap3A_765 = arith.constant 0 : index
        %swap3A_766 = tpu.vector_load %arg17[%swap3A_764, %swap3A_765] {strides = array<i32>} : memref<32x16xf32, #tpu.memory_space<vmem>>, vector<16xf32>,
        tpu.vector_store %arg17[%swap3A_764, %swap3A_765], %gather3A_761 {strides = array<i32>} : memref<32x16xf32, #tpu.memory_space<vmem>>, vector<16xf32>,
        %mul3A_767 = arith.mulf %gather3A_762, %gather3A_761 : vector<16xf32>
        %add3A_768 = arith.addf %add3A_758, %mul3A_767 : vector<16xf32>
        %broadcast_in_dim3A_769 = arith.constant 30 : i32
        %broadcast_in_dim3A_770 = vector.broadcast %broadcast_in_dim3A_769 : i32 to vector<16xi32>
        %gather3A_771 = tpu.vector_load_idx %arg14[%iota3A, %broadcast_in_dim3A_770] : memref<16x32xf32, #tpu.memory_space<vmem>>[vector<16xi32>, vector<16xi32>], vector<16xf32>,
        %gather3A_772 = tpu.vector_load_idx %arg12[%iota3A, %broadcast_in_dim3A_770] : memref<16x32xf32, #tpu.memory_space<vmem>>[vector<16xi32>, vector<16xi32>], vector<16xf32>,
        %swap3A_773 = arith.constant 30 : i32
        %swap3A_774 = arith.index_cast %swap3A_773 : i32 to index
        %swap3A_775 = arith.constant 0 : index
        %swap3A_776 = tpu.vector_load %arg17[%swap3A_774, %swap3A_775] {strides = array<i32>} : memref<32x16xf32, #tpu.memory_space<vmem>>, vector<16xf32>,
        tpu.vector_store %arg17[%swap3A_774, %swap3A_775], %gather3A_771 {strides = array<i32>} : memref<32x16xf32, #tpu.memory_space<vmem>>, vector<16xf32>,
        %mul3A_777 = arith.mulf %gather3A_772, %gather3A_771 : vector<16xf32>
        %add3A_778 = arith.addf %add3A_768, %mul3A_777 : vector<16xf32>
        %broadcast_in_dim3A_779 = arith.constant 31 : i32
        %broadcast_in_dim3A_780 = vector.broadcast %broadcast_in_dim3A_779 : i32 to vector<16xi32>
        %gather3A_781 = tpu.vector_load_idx %arg14[%iota3A, %broadcast_in_dim3A_780] : memref<16x32xf32, #tpu.memory_space<vmem>>[vector<16xi32>, vector<16xi32>], vector<16xf32>,
        %gather3A_782 = tpu.vector_load_idx %arg12[%iota3A, %broadcast_in_dim3A_780] : memref<16x32xf32, #tpu.memory_space<vmem>>[vector<16xi32>, vector<16xi32>], vector<16xf32>,
        %swap3A_783 = arith.constant 31 : i32
        %swap3A_784 = arith.index_cast %swap3A_783 : i32 to index
        %swap3A_785 = arith.constant 0 : index
        %swap3A_786 = tpu.vector_load %arg17[%swap3A_784, %swap3A_785] {strides = array<i32>} : memref<32x16xf32, #tpu.memory_space<vmem>>, vector<16xf32>,
        tpu.vector_store %arg17[%swap3A_784, %swap3A_785], %gather3A_781 {strides = array<i32>} : memref<32x16xf32, #tpu.memory_space<vmem>>, vector<16xf32>,
        %mul3A_787 = arith.mulf %gather3A_782, %gather3A_781 : vector<16xf32>
        %add3A_788 = arith.addf %add3A_778, %mul3A_787 : vector<16xf32>
        %swap3A_789 = arith.constant 0 : i32
        %swap3A_790 = arith.index_cast %swap3A_789 : i32 to index
        %swap3A_791 = arith.index_cast %mul3A_469 : i32 to index
        %swap3A_792 = tpu.vector_load %arg18[%swap3A_790, %swap3A_791] {strides = array<i32>} : memref<21x512xf32, #tpu.memory_space<vmem>>, vector<16xf32>,
        tpu.vector_store %arg18[%swap3A_790, %swap3A_791], %add3A_788 {strides = array<i32>} : memref<21x512xf32, #tpu.memory_space<vmem>>, vector<16xf32>,
        %scan3A_793 = arith.constant 0 : i32
        %scan3A_794 = arith.constant 20 : i32
        %scan3A_795 = arith.addi %scan3A_793, %scan3A_794 : i32
        %scan3A_796 = arith.constant 1 : i32
        scf.for %scan3A_798 = %scan3A_793 to %scan3A_795 step %scan3A_796  : i32 {
          %mul3A_799 = arith.constant 1 : i32
          %mul3A_800 = arith.muli %scan3A_798, %mul3A_799 : i32
          %add3A_801 = arith.constant 0 : i32
          %add3A_802 = arith.addi %add3A_801, %mul3A_800 : i32
          %add3A_803 = vector.broadcast %add3A_802 : i32 to vector<16xi32>
          %add3A_804 = arith.addi %mul3A_5, %add3A_803 : vector<16xi32>
          %broadcast_in_dim3A_805 = arith.constant 0.000000e+00 : f32
          %broadcast_in_dim3A_806 = vector.broadcast %broadcast_in_dim3A_805 : f32 to vector<16xf32>
          %broadcast_in_dim3A_807 = arith.constant 0 : i32
          %broadcast_in_dim3A_808 = vector.broadcast %broadcast_in_dim3A_807 : i32 to vector<16xi32>
          %gather3A_809 = tpu.vector_load_idx %arg16[%add3A_804, %broadcast_in_dim3A_808] : memref<320x32xf32, #tpu.memory_space<vmem>>[vector<16xi32>, vector<16xi32>], vector<16xf32>,
          %get3A_810 = arith.constant 0 : i32
          %get3A_811 = arith.index_cast %get3A_810 : i32 to index
          %get3A_812 = arith.constant 0 : index
          %get3A_813 = tpu.vector_load %arg17[%get3A_811, %get3A_812] {strides = array<i32>} : memref<32x16xf32, #tpu.memory_space<vmem>>, vector<16xf32>,
          %mul3A_814 = arith.mulf %gather3A_809, %get3A_813 : vector<16xf32>
          %add3A_815 = arith.addf %broadcast_in_dim3A_806, %mul3A_814 : vector<16xf32>
          %broadcast_in_dim3A_816 = arith.constant 1 : i32
          %broadcast_in_dim3A_817 = vector.broadcast %broadcast_in_dim3A_816 : i32 to vector<16xi32>
          %gather3A_818 = tpu.vector_load_idx %arg16[%add3A_804, %broadcast_in_dim3A_817] : memref<320x32xf32, #tpu.memory_space<vmem>>[vector<16xi32>, vector<16xi32>], vector<16xf32>,
          %get3A_819 = arith.constant 1 : i32
          %get3A_820 = arith.index_cast %get3A_819 : i32 to index
          %get3A_821 = arith.constant 0 : index
          %get3A_822 = tpu.vector_load %arg17[%get3A_820, %get3A_821] {strides = array<i32>} : memref<32x16xf32, #tpu.memory_space<vmem>>, vector<16xf32>,
          %mul3A_823 = arith.mulf %gather3A_818, %get3A_822 : vector<16xf32>
          %add3A_824 = arith.addf %add3A_815, %mul3A_823 : vector<16xf32>
          %broadcast_in_dim3A_825 = arith.constant 2 : i32
          %broadcast_in_dim3A_826 = vector.broadcast %broadcast_in_dim3A_825 : i32 to vector<16xi32>
          %gather3A_827 = tpu.vector_load_idx %arg16[%add3A_804, %broadcast_in_dim3A_826] : memref<320x32xf32, #tpu.memory_space<vmem>>[vector<16xi32>, vector<16xi32>], vector<16xf32>,
          %get3A_828 = arith.constant 2 : i32
          %get3A_829 = arith.index_cast %get3A_828 : i32 to index
          %get3A_830 = arith.constant 0 : index
          %get3A_831 = tpu.vector_load %arg17[%get3A_829, %get3A_830] {strides = array<i32>} : memref<32x16xf32, #tpu.memory_space<vmem>>, vector<16xf32>,
          %mul3A_832 = arith.mulf %gather3A_827, %get3A_831 : vector<16xf32>
          %add3A_833 = arith.addf %add3A_824, %mul3A_832 : vector<16xf32>
          %broadcast_in_dim3A_834 = arith.constant 3 : i32
          %broadcast_in_dim3A_835 = vector.broadcast %broadcast_in_dim3A_834 : i32 to vector<16xi32>
          %gather3A_836 = tpu.vector_load_idx %arg16[%add3A_804, %broadcast_in_dim3A_835] : memref<320x32xf32, #tpu.memory_space<vmem>>[vector<16xi32>, vector<16xi32>], vector<16xf32>,
          %get3A_837 = arith.constant 3 : i32
          %get3A_838 = arith.index_cast %get3A_837 : i32 to index
          %get3A_839 = arith.constant 0 : index
          %get3A_840 = tpu.vector_load %arg17[%get3A_838, %get3A_839] {strides = array<i32>} : memref<32x16xf32, #tpu.memory_space<vmem>>, vector<16xf32>,
          %mul3A_841 = arith.mulf %gather3A_836, %get3A_840 : vector<16xf32>
          %add3A_842 = arith.addf %add3A_833, %mul3A_841 : vector<16xf32>
          %broadcast_in_dim3A_843 = arith.constant 4 : i32
          %broadcast_in_dim3A_844 = vector.broadcast %broadcast_in_dim3A_843 : i32 to vector<16xi32>
          %gather3A_845 = tpu.vector_load_idx %arg16[%add3A_804, %broadcast_in_dim3A_844] : memref<320x32xf32, #tpu.memory_space<vmem>>[vector<16xi32>, vector<16xi32>], vector<16xf32>,
          %get3A_846 = arith.constant 4 : i32
          %get3A_847 = arith.index_cast %get3A_846 : i32 to index
          %get3A_848 = arith.constant 0 : index
          %get3A_849 = tpu.vector_load %arg17[%get3A_847, %get3A_848] {strides = array<i32>} : memref<32x16xf32, #tpu.memory_space<vmem>>, vector<16xf32>,
          %mul3A_850 = arith.mulf %gather3A_845, %get3A_849 : vector<16xf32>
          %add3A_851 = arith.addf %add3A_842, %mul3A_850 : vector<16xf32>
          %broadcast_in_dim3A_852 = arith.constant 5 : i32
          %broadcast_in_dim3A_853 = vector.broadcast %broadcast_in_dim3A_852 : i32 to vector<16xi32>
          %gather3A_854 = tpu.vector_load_idx %arg16[%add3A_804, %broadcast_in_dim3A_853] : memref<320x32xf32, #tpu.memory_space<vmem>>[vector<16xi32>, vector<16xi32>], vector<16xf32>,
          %get3A_855 = arith.constant 5 : i32
          %get3A_856 = arith.index_cast %get3A_855 : i32 to index
          %get3A_857 = arith.constant 0 : index
          %get3A_858 = tpu.vector_load %arg17[%get3A_856, %get3A_857] {strides = array<i32>} : memref<32x16xf32, #tpu.memory_space<vmem>>, vector<16xf32>,
          %mul3A_859 = arith.mulf %gather3A_854, %get3A_858 : vector<16xf32>
          %add3A_860 = arith.addf %add3A_851, %mul3A_859 : vector<16xf32>
          %broadcast_in_dim3A_861 = arith.constant 6 : i32
          %broadcast_in_dim3A_862 = vector.broadcast %broadcast_in_dim3A_861 : i32 to vector<16xi32>
          %gather3A_863 = tpu.vector_load_idx %arg16[%add3A_804, %broadcast_in_dim3A_862] : memref<320x32xf32, #tpu.memory_space<vmem>>[vector<16xi32>, vector<16xi32>], vector<16xf32>,
          %get3A_864 = arith.constant 6 : i32
          %get3A_865 = arith.index_cast %get3A_864 : i32 to index
          %get3A_866 = arith.constant 0 : index
          %get3A_867 = tpu.vector_load %arg17[%get3A_865, %get3A_866] {strides = array<i32>} : memref<32x16xf32, #tpu.memory_space<vmem>>, vector<16xf32>,
          %mul3A_868 = arith.mulf %gather3A_863, %get3A_867 : vector<16xf32>
          %add3A_869 = arith.addf %add3A_860, %mul3A_868 : vector<16xf32>
          %broadcast_in_dim3A_870 = arith.constant 7 : i32
          %broadcast_in_dim3A_871 = vector.broadcast %broadcast_in_dim3A_870 : i32 to vector<16xi32>
          %gather3A_872 = tpu.vector_load_idx %arg16[%add3A_804, %broadcast_in_dim3A_871] : memref<320x32xf32, #tpu.memory_space<vmem>>[vector<16xi32>, vector<16xi32>], vector<16xf32>,
          %get3A_873 = arith.constant 7 : i32
          %get3A_874 = arith.index_cast %get3A_873 : i32 to index
          %get3A_875 = arith.constant 0 : index
          %get3A_876 = tpu.vector_load %arg17[%get3A_874, %get3A_875] {strides = array<i32>} : memref<32x16xf32, #tpu.memory_space<vmem>>, vector<16xf32>,
          %mul3A_877 = arith.mulf %gather3A_872, %get3A_876 : vector<16xf32>
          %add3A_878 = arith.addf %add3A_869, %mul3A_877 : vector<16xf32>
          %broadcast_in_dim3A_879 = arith.constant 8 : i32
          %broadcast_in_dim3A_880 = vector.broadcast %broadcast_in_dim3A_879 : i32 to vector<16xi32>
          %gather3A_881 = tpu.vector_load_idx %arg16[%add3A_804, %broadcast_in_dim3A_880] : memref<320x32xf32, #tpu.memory_space<vmem>>[vector<16xi32>, vector<16xi32>], vector<16xf32>,
          %get3A_882 = arith.constant 8 : i32
          %get3A_883 = arith.index_cast %get3A_882 : i32 to index
          %get3A_884 = arith.constant 0 : index
          %get3A_885 = tpu.vector_load %arg17[%get3A_883, %get3A_884] {strides = array<i32>} : memref<32x16xf32, #tpu.memory_space<vmem>>, vector<16xf32>,
          %mul3A_886 = arith.mulf %gather3A_881, %get3A_885 : vector<16xf32>
          %add3A_887 = arith.addf %add3A_878, %mul3A_886 : vector<16xf32>
          %broadcast_in_dim3A_888 = arith.constant 9 : i32
          %broadcast_in_dim3A_889 = vector.broadcast %broadcast_in_dim3A_888 : i32 to vector<16xi32>
          %gather3A_890 = tpu.vector_load_idx %arg16[%add3A_804, %broadcast_in_dim3A_889] : memref<320x32xf32, #tpu.memory_space<vmem>>[vector<16xi32>, vector<16xi32>], vector<16xf32>,
          %get3A_891 = arith.constant 9 : i32
          %get3A_892 = arith.index_cast %get3A_891 : i32 to index
          %get3A_893 = arith.constant 0 : index
          %get3A_894 = tpu.vector_load %arg17[%get3A_892, %get3A_893] {strides = array<i32>} : memref<32x16xf32, #tpu.memory_space<vmem>>, vector<16xf32>,
          %mul3A_895 = arith.mulf %gather3A_890, %get3A_894 : vector<16xf32>
          %add3A_896 = arith.addf %add3A_887, %mul3A_895 : vector<16xf32>
          %broadcast_in_dim3A_897 = arith.constant 10 : i32
          %broadcast_in_dim3A_898 = vector.broadcast %broadcast_in_dim3A_897 : i32 to vector<16xi32>
          %gather3A_899 = tpu.vector_load_idx %arg16[%add3A_804, %broadcast_in_dim3A_898] : memref<320x32xf32, #tpu.memory_space<vmem>>[vector<16xi32>, vector<16xi32>], vector<16xf32>,
          %get3A_900 = arith.constant 10 : i32
          %get3A_901 = arith.index_cast %get3A_900 : i32 to index
          %get3A_902 = arith.constant 0 : index
          %get3A_903 = tpu.vector_load %arg17[%get3A_901, %get3A_902] {strides = array<i32>} : memref<32x16xf32, #tpu.memory_space<vmem>>, vector<16xf32>,
          %mul3A_904 = arith.mulf %gather3A_899, %get3A_903 : vector<16xf32>
          %add3A_905 = arith.addf %add3A_896, %mul3A_904 : vector<16xf32>
          %broadcast_in_dim3A_906 = arith.constant 11 : i32
          %broadcast_in_dim3A_907 = vector.broadcast %broadcast_in_dim3A_906 : i32 to vector<16xi32>
          %gather3A_908 = tpu.vector_load_idx %arg16[%add3A_804, %broadcast_in_dim3A_907] : memref<320x32xf32, #tpu.memory_space<vmem>>[vector<16xi32>, vector<16xi32>], vector<16xf32>,
          %get3A_909 = arith.constant 11 : i32
          %get3A_910 = arith.index_cast %get3A_909 : i32 to index
          %get3A_911 = arith.constant 0 : index
          %get3A_912 = tpu.vector_load %arg17[%get3A_910, %get3A_911] {strides = array<i32>} : memref<32x16xf32, #tpu.memory_space<vmem>>, vector<16xf32>,
          %mul3A_913 = arith.mulf %gather3A_908, %get3A_912 : vector<16xf32>
          %add3A_914 = arith.addf %add3A_905, %mul3A_913 : vector<16xf32>
          %broadcast_in_dim3A_915 = arith.constant 12 : i32
          %broadcast_in_dim3A_916 = vector.broadcast %broadcast_in_dim3A_915 : i32 to vector<16xi32>
          %gather3A_917 = tpu.vector_load_idx %arg16[%add3A_804, %broadcast_in_dim3A_916] : memref<320x32xf32, #tpu.memory_space<vmem>>[vector<16xi32>, vector<16xi32>], vector<16xf32>,
          %get3A_918 = arith.constant 12 : i32
          %get3A_919 = arith.index_cast %get3A_918 : i32 to index
          %get3A_920 = arith.constant 0 : index
          %get3A_921 = tpu.vector_load %arg17[%get3A_919, %get3A_920] {strides = array<i32>} : memref<32x16xf32, #tpu.memory_space<vmem>>, vector<16xf32>,
          %mul3A_922 = arith.mulf %gather3A_917, %get3A_921 : vector<16xf32>
          %add3A_923 = arith.addf %add3A_914, %mul3A_922 : vector<16xf32>
          %broadcast_in_dim3A_924 = arith.constant 13 : i32
          %broadcast_in_dim3A_925 = vector.broadcast %broadcast_in_dim3A_924 : i32 to vector<16xi32>
          %gather3A_926 = tpu.vector_load_idx %arg16[%add3A_804, %broadcast_in_dim3A_925] : memref<320x32xf32, #tpu.memory_space<vmem>>[vector<16xi32>, vector<16xi32>], vector<16xf32>,
          %get3A_927 = arith.constant 13 : i32
          %get3A_928 = arith.index_cast %get3A_927 : i32 to index
          %get3A_929 = arith.constant 0 : index
          %get3A_930 = tpu.vector_load %arg17[%get3A_928, %get3A_929] {strides = array<i32>} : memref<32x16xf32, #tpu.memory_space<vmem>>, vector<16xf32>,
          %mul3A_931 = arith.mulf %gather3A_926, %get3A_930 : vector<16xf32>
          %add3A_932 = arith.addf %add3A_923, %mul3A_931 : vector<16xf32>
          %broadcast_in_dim3A_933 = arith.constant 14 : i32
          %broadcast_in_dim3A_934 = vector.broadcast %broadcast_in_dim3A_933 : i32 to vector<16xi32>
          %gather3A_935 = tpu.vector_load_idx %arg16[%add3A_804, %broadcast_in_dim3A_934] : memref<320x32xf32, #tpu.memory_space<vmem>>[vector<16xi32>, vector<16xi32>], vector<16xf32>,
          %get3A_936 = arith.constant 14 : i32
          %get3A_937 = arith.index_cast %get3A_936 : i32 to index
          %get3A_938 = arith.constant 0 : index
          %get3A_939 = tpu.vector_load %arg17[%get3A_937, %get3A_938] {strides = array<i32>} : memref<32x16xf32, #tpu.memory_space<vmem>>, vector<16xf32>,
          %mul3A_940 = arith.mulf %gather3A_935, %get3A_939 : vector<16xf32>
          %add3A_941 = arith.addf %add3A_932, %mul3A_940 : vector<16xf32>
          %broadcast_in_dim3A_942 = arith.constant 15 : i32
          %broadcast_in_dim3A_943 = vector.broadcast %broadcast_in_dim3A_942 : i32 to vector<16xi32>
          %gather3A_944 = tpu.vector_load_idx %arg16[%add3A_804, %broadcast_in_dim3A_943] : memref<320x32xf32, #tpu.memory_space<vmem>>[vector<16xi32>, vector<16xi32>], vector<16xf32>,
          %get3A_945 = arith.constant 15 : i32
          %get3A_946 = arith.index_cast %get3A_945 : i32 to index
          %get3A_947 = arith.constant 0 : index
          %get3A_948 = tpu.vector_load %arg17[%get3A_946, %get3A_947] {strides = array<i32>} : memref<32x16xf32, #tpu.memory_space<vmem>>, vector<16xf32>,
          %mul3A_949 = arith.mulf %gather3A_944, %get3A_948 : vector<16xf32>
          %add3A_950 = arith.addf %add3A_941, %mul3A_949 : vector<16xf32>
          %broadcast_in_dim3A_951 = arith.constant 16 : i32
          %broadcast_in_dim3A_952 = vector.broadcast %broadcast_in_dim3A_951 : i32 to vector<16xi32>
          %gather3A_953 = tpu.vector_load_idx %arg16[%add3A_804, %broadcast_in_dim3A_952] : memref<320x32xf32, #tpu.memory_space<vmem>>[vector<16xi32>, vector<16xi32>], vector<16xf32>,
          %get3A_954 = arith.constant 16 : i32
          %get3A_955 = arith.index_cast %get3A_954 : i32 to index
          %get3A_956 = arith.constant 0 : index
          %get3A_957 = tpu.vector_load %arg17[%get3A_955, %get3A_956] {strides = array<i32>} : memref<32x16xf32, #tpu.memory_space<vmem>>, vector<16xf32>,
          %mul3A_958 = arith.mulf %gather3A_953, %get3A_957 : vector<16xf32>
          %add3A_959 = arith.addf %add3A_950, %mul3A_958 : vector<16xf32>
          %broadcast_in_dim3A_960 = arith.constant 17 : i32
          %broadcast_in_dim3A_961 = vector.broadcast %broadcast_in_dim3A_960 : i32 to vector<16xi32>
          %gather3A_962 = tpu.vector_load_idx %arg16[%add3A_804, %broadcast_in_dim3A_961] : memref<320x32xf32, #tpu.memory_space<vmem>>[vector<16xi32>, vector<16xi32>], vector<16xf32>,
          %get3A_963 = arith.constant 17 : i32
          %get3A_964 = arith.index_cast %get3A_963 : i32 to index
          %get3A_965 = arith.constant 0 : index
          %get3A_966 = tpu.vector_load %arg17[%get3A_964, %get3A_965] {strides = array<i32>} : memref<32x16xf32, #tpu.memory_space<vmem>>, vector<16xf32>,
          %mul3A_967 = arith.mulf %gather3A_962, %get3A_966 : vector<16xf32>
          %add3A_968 = arith.addf %add3A_959, %mul3A_967 : vector<16xf32>
          %broadcast_in_dim3A_969 = arith.constant 18 : i32
          %broadcast_in_dim3A_970 = vector.broadcast %broadcast_in_dim3A_969 : i32 to vector<16xi32>
          %gather3A_971 = tpu.vector_load_idx %arg16[%add3A_804, %broadcast_in_dim3A_970] : memref<320x32xf32, #tpu.memory_space<vmem>>[vector<16xi32>, vector<16xi32>], vector<16xf32>,
          %get3A_972 = arith.constant 18 : i32
          %get3A_973 = arith.index_cast %get3A_972 : i32 to index
          %get3A_974 = arith.constant 0 : index
          %get3A_975 = tpu.vector_load %arg17[%get3A_973, %get3A_974] {strides = array<i32>} : memref<32x16xf32, #tpu.memory_space<vmem>>, vector<16xf32>,
          %mul3A_976 = arith.mulf %gather3A_971, %get3A_975 : vector<16xf32>
          %add3A_977 = arith.addf %add3A_968, %mul3A_976 : vector<16xf32>
          %broadcast_in_dim3A_978 = arith.constant 19 : i32
          %broadcast_in_dim3A_979 = vector.broadcast %broadcast_in_dim3A_978 : i32 to vector<16xi32>
          %gather3A_980 = tpu.vector_load_idx %arg16[%add3A_804, %broadcast_in_dim3A_979] : memref<320x32xf32, #tpu.memory_space<vmem>>[vector<16xi32>, vector<16xi32>], vector<16xf32>,
          %get3A_981 = arith.constant 19 : i32
          %get3A_982 = arith.index_cast %get3A_981 : i32 to index
          %get3A_983 = arith.constant 0 : index
          %get3A_984 = tpu.vector_load %arg17[%get3A_982, %get3A_983] {strides = array<i32>} : memref<32x16xf32, #tpu.memory_space<vmem>>, vector<16xf32>,
          %mul3A_985 = arith.mulf %gather3A_980, %get3A_984 : vector<16xf32>
          %add3A_986 = arith.addf %add3A_977, %mul3A_985 : vector<16xf32>
          %broadcast_in_dim3A_987 = arith.constant 20 : i32
          %broadcast_in_dim3A_988 = vector.broadcast %broadcast_in_dim3A_987 : i32 to vector<16xi32>
          %gather3A_989 = tpu.vector_load_idx %arg16[%add3A_804, %broadcast_in_dim3A_988] : memref<320x32xf32, #tpu.memory_space<vmem>>[vector<16xi32>, vector<16xi32>], vector<16xf32>,
          %get3A_990 = arith.constant 20 : i32
          %get3A_991 = arith.index_cast %get3A_990 : i32 to index
          %get3A_992 = arith.constant 0 : index
          %get3A_993 = tpu.vector_load %arg17[%get3A_991, %get3A_992] {strides = array<i32>} : memref<32x16xf32, #tpu.memory_space<vmem>>, vector<16xf32>,
          %mul3A_994 = arith.mulf %gather3A_989, %get3A_993 : vector<16xf32>
          %add3A_995 = arith.addf %add3A_986, %mul3A_994 : vector<16xf32>
          %broadcast_in_dim3A_996 = arith.constant 21 : i32
          %broadcast_in_dim3A_997 = vector.broadcast %broadcast_in_dim3A_996 : i32 to vector<16xi32>
          %gather3A_998 = tpu.vector_load_idx %arg16[%add3A_804, %broadcast_in_dim3A_997] : memref<320x32xf32, #tpu.memory_space<vmem>>[vector<16xi32>, vector<16xi32>], vector<16xf32>,
          %get3A_999 = arith.constant 21 : i32
          %get3A_1000 = arith.index_cast %get3A_999 : i32 to index
          %get3A_1001 = arith.constant 0 : index
          %get3A_1002 = tpu.vector_load %arg17[%get3A_1000, %get3A_1001] {strides = array<i32>} : memref<32x16xf32, #tpu.memory_space<vmem>>, vector<16xf32>,
          %mul3A_1003 = arith.mulf %gather3A_998, %get3A_1002 : vector<16xf32>
          %add3A_1004 = arith.addf %add3A_995, %mul3A_1003 : vector<16xf32>
          %broadcast_in_dim3A_1005 = arith.constant 22 : i32
          %broadcast_in_dim3A_1006 = vector.broadcast %broadcast_in_dim3A_1005 : i32 to vector<16xi32>
          %gather3A_1007 = tpu.vector_load_idx %arg16[%add3A_804, %broadcast_in_dim3A_1006] : memref<320x32xf32, #tpu.memory_space<vmem>>[vector<16xi32>, vector<16xi32>], vector<16xf32>,
          %get3A_1008 = arith.constant 22 : i32
          %get3A_1009 = arith.index_cast %get3A_1008 : i32 to index
          %get3A_1010 = arith.constant 0 : index
          %get3A_1011 = tpu.vector_load %arg17[%get3A_1009, %get3A_1010] {strides = array<i32>} : memref<32x16xf32, #tpu.memory_space<vmem>>, vector<16xf32>,
          %mul3A_1012 = arith.mulf %gather3A_1007, %get3A_1011 : vector<16xf32>
          %add3A_1013 = arith.addf %add3A_1004, %mul3A_1012 : vector<16xf32>
          %broadcast_in_dim3A_1014 = arith.constant 23 : i32
          %broadcast_in_dim3A_1015 = vector.broadcast %broadcast_in_dim3A_1014 : i32 to vector<16xi32>
          %gather3A_1016 = tpu.vector_load_idx %arg16[%add3A_804, %broadcast_in_dim3A_1015] : memref<320x32xf32, #tpu.memory_space<vmem>>[vector<16xi32>, vector<16xi32>], vector<16xf32>,
          %get3A_1017 = arith.constant 23 : i32
          %get3A_1018 = arith.index_cast %get3A_1017 : i32 to index
          %get3A_1019 = arith.constant 0 : index
          %get3A_1020 = tpu.vector_load %arg17[%get3A_1018, %get3A_1019] {strides = array<i32>} : memref<32x16xf32, #tpu.memory_space<vmem>>, vector<16xf32>,
          %mul3A_1021 = arith.mulf %gather3A_1016, %get3A_1020 : vector<16xf32>
          %add3A_1022 = arith.addf %add3A_1013, %mul3A_1021 : vector<16xf32>
          %broadcast_in_dim3A_1023 = arith.constant 24 : i32
          %broadcast_in_dim3A_1024 = vector.broadcast %broadcast_in_dim3A_1023 : i32 to vector<16xi32>
          %gather3A_1025 = tpu.vector_load_idx %arg16[%add3A_804, %broadcast_in_dim3A_1024] : memref<320x32xf32, #tpu.memory_space<vmem>>[vector<16xi32>, vector<16xi32>], vector<16xf32>,
          %get3A_1026 = arith.constant 24 : i32
          %get3A_1027 = arith.index_cast %get3A_1026 : i32 to index
          %get3A_1028 = arith.constant 0 : index
          %get3A_1029 = tpu.vector_load %arg17[%get3A_1027, %get3A_1028] {strides = array<i32>} : memref<32x16xf32, #tpu.memory_space<vmem>>, vector<16xf32>,
          %mul3A_1030 = arith.mulf %gather3A_1025, %get3A_1029 : vector<16xf32>
          %add3A_1031 = arith.addf %add3A_1022, %mul3A_1030 : vector<16xf32>
          %broadcast_in_dim3A_1032 = arith.constant 25 : i32
          %broadcast_in_dim3A_1033 = vector.broadcast %broadcast_in_dim3A_1032 : i32 to vector<16xi32>
          %gather3A_1034 = tpu.vector_load_idx %arg16[%add3A_804, %broadcast_in_dim3A_1033] : memref<320x32xf32, #tpu.memory_space<vmem>>[vector<16xi32>, vector<16xi32>], vector<16xf32>,
          %get3A_1035 = arith.constant 25 : i32
          %get3A_1036 = arith.index_cast %get3A_1035 : i32 to index
          %get3A_1037 = arith.constant 0 : index
          %get3A_1038 = tpu.vector_load %arg17[%get3A_1036, %get3A_1037] {strides = array<i32>} : memref<32x16xf32, #tpu.memory_space<vmem>>, vector<16xf32>,
          %mul3A_1039 = arith.mulf %gather3A_1034, %get3A_1038 : vector<16xf32>
          %add3A_1040 = arith.addf %add3A_1031, %mul3A_1039 : vector<16xf32>
          %broadcast_in_dim3A_1041 = arith.constant 26 : i32
          %broadcast_in_dim3A_1042 = vector.broadcast %broadcast_in_dim3A_1041 : i32 to vector<16xi32>
          %gather3A_1043 = tpu.vector_load_idx %arg16[%add3A_804, %broadcast_in_dim3A_1042] : memref<320x32xf32, #tpu.memory_space<vmem>>[vector<16xi32>, vector<16xi32>], vector<16xf32>,
          %get3A_1044 = arith.constant 26 : i32
          %get3A_1045 = arith.index_cast %get3A_1044 : i32 to index
          %get3A_1046 = arith.constant 0 : index
          %get3A_1047 = tpu.vector_load %arg17[%get3A_1045, %get3A_1046] {strides = array<i32>} : memref<32x16xf32, #tpu.memory_space<vmem>>, vector<16xf32>,
          %mul3A_1048 = arith.mulf %gather3A_1043, %get3A_1047 : vector<16xf32>
          %add3A_1049 = arith.addf %add3A_1040, %mul3A_1048 : vector<16xf32>
          %broadcast_in_dim3A_1050 = arith.constant 27 : i32
          %broadcast_in_dim3A_1051 = vector.broadcast %broadcast_in_dim3A_1050 : i32 to vector<16xi32>
          %gather3A_1052 = tpu.vector_load_idx %arg16[%add3A_804, %broadcast_in_dim3A_1051] : memref<320x32xf32, #tpu.memory_space<vmem>>[vector<16xi32>, vector<16xi32>], vector<16xf32>,
          %get3A_1053 = arith.constant 27 : i32
          %get3A_1054 = arith.index_cast %get3A_1053 : i32 to index
          %get3A_1055 = arith.constant 0 : index
          %get3A_1056 = tpu.vector_load %arg17[%get3A_1054, %get3A_1055] {strides = array<i32>} : memref<32x16xf32, #tpu.memory_space<vmem>>, vector<16xf32>,
          %mul3A_1057 = arith.mulf %gather3A_1052, %get3A_1056 : vector<16xf32>
          %add3A_1058 = arith.addf %add3A_1049, %mul3A_1057 : vector<16xf32>
          %broadcast_in_dim3A_1059 = arith.constant 28 : i32
          %broadcast_in_dim3A_1060 = vector.broadcast %broadcast_in_dim3A_1059 : i32 to vector<16xi32>
          %gather3A_1061 = tpu.vector_load_idx %arg16[%add3A_804, %broadcast_in_dim3A_1060] : memref<320x32xf32, #tpu.memory_space<vmem>>[vector<16xi32>, vector<16xi32>], vector<16xf32>,
          %get3A_1062 = arith.constant 28 : i32
          %get3A_1063 = arith.index_cast %get3A_1062 : i32 to index
          %get3A_1064 = arith.constant 0 : index
          %get3A_1065 = tpu.vector_load %arg17[%get3A_1063, %get3A_1064] {strides = array<i32>} : memref<32x16xf32, #tpu.memory_space<vmem>>, vector<16xf32>,
          %mul3A_1066 = arith.mulf %gather3A_1061, %get3A_1065 : vector<16xf32>
          %add3A_1067 = arith.addf %add3A_1058, %mul3A_1066 : vector<16xf32>
          %broadcast_in_dim3A_1068 = arith.constant 29 : i32
          %broadcast_in_dim3A_1069 = vector.broadcast %broadcast_in_dim3A_1068 : i32 to vector<16xi32>
          %gather3A_1070 = tpu.vector_load_idx %arg16[%add3A_804, %broadcast_in_dim3A_1069] : memref<320x32xf32, #tpu.memory_space<vmem>>[vector<16xi32>, vector<16xi32>], vector<16xf32>,
          %get3A_1071 = arith.constant 29 : i32
          %get3A_1072 = arith.index_cast %get3A_1071 : i32 to index
          %get3A_1073 = arith.constant 0 : index
          %get3A_1074 = tpu.vector_load %arg17[%get3A_1072, %get3A_1073] {strides = array<i32>} : memref<32x16xf32, #tpu.memory_space<vmem>>, vector<16xf32>,
          %mul3A_1075 = arith.mulf %gather3A_1070, %get3A_1074 : vector<16xf32>
          %add3A_1076 = arith.addf %add3A_1067, %mul3A_1075 : vector<16xf32>
          %broadcast_in_dim3A_1077 = arith.constant 30 : i32
          %broadcast_in_dim3A_1078 = vector.broadcast %broadcast_in_dim3A_1077 : i32 to vector<16xi32>
          %gather3A_1079 = tpu.vector_load_idx %arg16[%add3A_804, %broadcast_in_dim3A_1078] : memref<320x32xf32, #tpu.memory_space<vmem>>[vector<16xi32>, vector<16xi32>], vector<16xf32>,
          %get3A_1080 = arith.constant 30 : i32
          %get3A_1081 = arith.index_cast %get3A_1080 : i32 to index
          %get3A_1082 = arith.constant 0 : index
          %get3A_1083 = tpu.vector_load %arg17[%get3A_1081, %get3A_1082] {strides = array<i32>} : memref<32x16xf32, #tpu.memory_space<vmem>>, vector<16xf32>,
          %mul3A_1084 = arith.mulf %gather3A_1079, %get3A_1083 : vector<16xf32>
          %add3A_1085 = arith.addf %add3A_1076, %mul3A_1084 : vector<16xf32>
          %broadcast_in_dim3A_1086 = arith.constant 31 : i32
          %broadcast_in_dim3A_1087 = vector.broadcast %broadcast_in_dim3A_1086 : i32 to vector<16xi32>
          %gather3A_1088 = tpu.vector_load_idx %arg16[%add3A_804, %broadcast_in_dim3A_1087] : memref<320x32xf32, #tpu.memory_space<vmem>>[vector<16xi32>, vector<16xi32>], vector<16xf32>,
          %get3A_1089 = arith.constant 31 : i32
          %get3A_1090 = arith.index_cast %get3A_1089 : i32 to index
          %get3A_1091 = arith.constant 0 : index
          %get3A_1092 = tpu.vector_load %arg17[%get3A_1090, %get3A_1091] {strides = array<i32>} : memref<32x16xf32, #tpu.memory_space<vmem>>, vector<16xf32>,
          %mul3A_1093 = arith.mulf %gather3A_1088, %get3A_1092 : vector<16xf32>
          %add3A_1094 = arith.addf %add3A_1085, %mul3A_1093 : vector<16xf32>
          %add3A_1095 = arith.constant 1 : i32
          %add3A_1096 = arith.addi %add3A_802, %add3A_1095 : i32
          %swap3A_1097 = arith.index_cast %add3A_1096 : i32 to index
          %swap3A_1098 = arith.index_cast %mul3A_469 : i32 to index
          %swap3A_1099 = tpu.vector_load %arg18[%swap3A_1097, %swap3A_1098] {strides = array<i32>} : memref<21x512xf32, #tpu.memory_space<vmem>>, vector<16xf32>,
          tpu.vector_store %arg18[%swap3A_1097, %swap3A_1098], %add3A_1094 {strides = array<i32>} : memref<21x512xf32, #tpu.memory_space<vmem>>, vector<16xf32>,
        }
        %scan3A_797 = arith.constant 20 : i32
      } else {
      }
    }
    %scan3A_417 = arith.constant 32 : i32
    "tpu.region"() ({
      %run_scoped3A = tpu.sem_alloc : memref<!tpu.dma_semaphore, #tpu.memory_space<semaphore_mem>>
      %dma_start3A_418 = arith.constant 0 : i32
      %dma_start3A_419 = tpu.memref_slice %arg7[%dma_start3A_418, %mul3A_2] : memref<21x16384xf32, #tpu.memory_space<hbm>> -> memref<21x512xf32, #tpu.memory_space<hbm>>
      %dma_start3A_420 = arith.constant 0 : i32
      %dma_start3A_421 = tpu.memref_slice %arg7[%dma_start3A_420, %mul3A_2] : memref<21x16384xf32, #tpu.memory_space<hbm>> -> memref<21x512xf32, #tpu.memory_space<hbm>>
      tpu.enqueue_dma source(%arg18 : memref<21x512xf32, #tpu.memory_space<vmem>>) target(%dma_start3A_421 : memref<21x512xf32, #tpu.memory_space<hbm>>) target_semaphore(%run_scoped3A : memref<!tpu.dma_semaphore, #tpu.memory_space<semaphore_mem>>)
      %dma_wait3A_422 = arith.constant 0 : i32
      %dma_wait3A_423 = tpu.memref_slice %arg7[%dma_wait3A_422, %mul3A_2] : memref<21x16384xf32, #tpu.memory_space<hbm>> -> memref<21x512xf32, #tpu.memory_space<hbm>>
      %dma_wait3A_424 = arith.constant 0 : i32
      %dma_wait3A_425 = tpu.memref_slice %arg7[%dma_wait3A_424, %mul3A_2] : memref<21x16384xf32, #tpu.memory_space<hbm>> -> memref<21x512xf32, #tpu.memory_space<hbm>>
      tpu.wait_dma2 semaphore(%run_scoped3A : memref<!tpu.dma_semaphore, #tpu.memory_space<semaphore_mem>>) src(%arg18 : memref<21x512xf32, #tpu.memory_space<vmem>>) dst(%dma_wait3A_425 : memref<21x512xf32, #tpu.memory_space<hbm>>)
      tpu.yield
    }) : () -> ()
    return
  }
}

module attributes {stable_mosaic.version = 14 : i64} {
  func.func @body(%arg0: i32, %arg1: memref<21x2048xf32, #tpu.memory_space<vmem>>, %arg2: memref<1x1xf32, #tpu.memory_space<smem>>) attributes {dimension_semantics = [#tpu.dimension_semantics<arbitrary>], iteration_bounds = array<i64: 8>, scalar_prefetch = 0 : i64, scratch_operands = 0 : i64, tpu.core_type = #tpu.core_type<tc>, window_params = [{transform_indices = @transform_0, window_bounds = array<i64: 21, 2048>}, {transform_indices = @transform_1, window_bounds = array<i64: 1, 1>}]} {
    %get3A = arith.constant 0 : index
    %get3A_0 = arith.constant 0 : index
    %get3A_1 = vector.load %arg1[%get3A, %get3A_0] : memref<21x2048xf32, #tpu.memory_space<vmem>>, vector<21x2048xf32>
    %slice3A = vector.extract_strided_slice %get3A_1 {offsets = [0, 0], sizes = [1, 2048], strides = [1, 1]} : vector<21x2048xf32> to vector<1x2048xf32>
    %squeeze3A = vector.shape_cast %slice3A : vector<1x2048xf32> to vector<2048xf32>
    %logistic3A = arith.negf %squeeze3A : vector<2048xf32>
    %logistic3A_2 = math.exp %logistic3A : vector<2048xf32>
    %logistic3A_3 = arith.constant 1.000000e+00 : f32
    %logistic3A_4 = vector.broadcast %logistic3A_3 : f32 to vector<2048xf32>
    %logistic3A_5 = arith.addf %logistic3A_4, %logistic3A_2 : vector<2048xf32>
    %logistic3A_6 = arith.divf %logistic3A_4, %logistic3A_5 : vector<2048xf32>
    %slice3A_7 = vector.extract_strided_slice %get3A_1 {offsets = [1, 0], sizes = [20, 2048], strides = [1, 1]} : vector<21x2048xf32> to vector<20x2048xf32>
    %neg3A = arith.constant 0.000000e+00 : f32
    %neg3A_8 = vector.broadcast %neg3A : f32 to vector<20x2048xf32>
    %neg3A_9 = arith.subf %neg3A_8, %slice3A_7 : vector<20x2048xf32>
    %neg3A_10 = arith.constant 0.000000e+00 : f32
    %neg3A_11 = vector.broadcast %neg3A_10 : f32 to vector<20x2048xf32>
    %neg3A_12 = arith.subf %neg3A_11, %neg3A_9 : vector<20x2048xf32>
    %custom_jvp_call3A = arith.constant 0.000000e+00 : f32
    %max3A = vector.broadcast %custom_jvp_call3A : f32 to vector<20x2048xf32>
    %max3A_13 = arith.maximumf %neg3A_12, %max3A : vector<20x2048xf32>
    %sub3A = vector.broadcast %custom_jvp_call3A : f32 to vector<20x2048xf32>
    %sub3A_14 = arith.subf %neg3A_12, %sub3A : vector<20x2048xf32>
    %ne3A = arith.cmpf one, %sub3A_14, %sub3A_14 : vector<20x2048xf32>
    %add3A = vector.broadcast %custom_jvp_call3A : f32 to vector<20x2048xf32>
    %add3A_15 = arith.addf %neg3A_12, %add3A : vector<20x2048xf32>
    %abs3A = math.absf %sub3A_14 : vector<20x2048xf32>
    %neg3A_16 = arith.constant 0.000000e+00 : f32
    %neg3A_17 = vector.broadcast %neg3A_16 : f32 to vector<20x2048xf32>
    %neg3A_18 = arith.subf %neg3A_17, %abs3A : vector<20x2048xf32>
    %exp3A = math.exp %neg3A_18 : vector<20x2048xf32>
    %log1p3A = math.log1p %exp3A : vector<20x2048xf32>
    %add3A_19 = arith.addf %max3A_13, %log1p3A : vector<20x2048xf32>
    %select_n3A = arith.select %ne3A, %add3A_15, %add3A_19 : vector<20x2048xi1>, vector<20x2048xf32>
    %neg3A_20 = arith.constant 0.000000e+00 : f32
    %neg3A_21 = vector.broadcast %neg3A_20 : f32 to vector<20x2048xf32>
    %neg3A_22 = arith.subf %neg3A_21, %select_n3A : vector<20x2048xf32>
    %reduce_sum3A = vector.shape_cast %neg3A_22 : vector<20x2048xf32> to vector<1x20x2048xf32>
    %reduce_sum3A_23 = arith.constant dense<0.000000e+00> : vector<1xf32>
    %reduce_sum3A_24 = vector.multi_reduction <add>, %reduce_sum3A, %reduce_sum3A_23 [1, 2] : vector<1x20x2048xf32> to vector<1xf32>
    %reduce_sum3A_25 = vector.shape_cast %reduce_sum3A_24 : vector<1xf32> to vector<1x1x1xf32>
    %reduce_sum3A_26 = vector.extract %reduce_sum3A_25[0, 0, 0] : f32 from vector<1x1x1xf32>
    %reduce_sum3A_27 = vector.shape_cast %logistic3A_6 : vector<2048xf32> to vector<1x2048xf32>
    %reduce_sum3A_28 = arith.constant dense<0.000000e+00> : vector<1xf32>
    %reduce_sum3A_29 = vector.multi_reduction <add>, %reduce_sum3A_27, %reduce_sum3A_28 [1] : vector<1x2048xf32> to vector<1xf32>
    %reduce_sum3A_30 = vector.shape_cast %reduce_sum3A_29 : vector<1xf32> to vector<1x1xf32>
    %reduce_sum3A_31 = vector.extract %reduce_sum3A_30[0, 0] : f32 from vector<1x1xf32>
    %add3A_32 = arith.addf %reduce_sum3A_26, %reduce_sum3A_31 : f32
    %eq3A = arith.constant 0 : i32
    %eq3A_33 = arith.cmpi eq, %arg0, %eq3A : i32
    %convert_element_type3A = arith.extui %eq3A_33 : i1 to i32
    %cond3A = arith.constant 0 : i32
    %cond3A_34 = arith.cmpi ne, %convert_element_type3A, %cond3A : i32
    scf.if %cond3A_34 {
      %swap3A_41 = arith.constant 0.000000e+00 : f32
      %swap3A_42 = arith.constant 0 : index
      %swap3A_43 = arith.constant 0 : index
      %swap3A_44 = memref.load %arg2[%swap3A_42, %swap3A_43] : memref<1x1xf32, #tpu.memory_space<smem>>
      memref.store %swap3A_41, %arg2[%swap3A_42, %swap3A_43] : memref<1x1xf32, #tpu.memory_space<smem>>
    } else {
    }
    %get3A_35 = arith.constant 0 : index
    %get3A_36 = arith.constant 0 : index
    %get3A_37 = memref.load %arg2[%get3A_35, %get3A_36] : memref<1x1xf32, #tpu.memory_space<smem>>
    %add3A_38 = arith.addf %get3A_37, %add3A_32 : f32
    %swap3A = arith.constant 0 : index
    %swap3A_39 = arith.constant 0 : index
    %swap3A_40 = memref.load %arg2[%swap3A, %swap3A_39] : memref<1x1xf32, #tpu.memory_space<smem>>
    memref.store %add3A_38, %arg2[%swap3A, %swap3A_39] : memref<1x1xf32, #tpu.memory_space<smem>>
    return
  }
  func.func @transform_0(%arg0: i32) -> (i32, i32) {
    %c0_i32 = arith.constant 0 : i32
    %c0_i32_0 = arith.constant 0 : i32
    return %c0_i32, %arg0 : i32, i32
  }
  func.func @transform_1(%arg0: i32) -> (i32, i32) {
    %c0_i32 = arith.constant 0 : i32
    %c0_i32_0 = arith.constant 0 : i32
    %c0_i32_1 = arith.constant 0 : i32
    return %c0_i32, %c0_i32_0 : i32, i32
  }
}

</mosaic_0001>

<sc_bundles>
// kernel: kernel.4.cloned.1.call-start
scs
__scs_entry_jumppad:
0x0: {  	(pc) =	sbr.rel $0x88, $3  }
0x1: {  	(tag) =	ssettag $0x0;
	lr =	simm.s32 $0x1  }
0x2: {  	[smem:$0x3F9C] =	sst lr;
	_ =	strace $0xD0000000  }
0x3: {  	_ = 	snop  }
0x4: {  	_ = 	snop  }
0x5: {  	_ = 	snop  }
0x6: {  	_ = 	snop  }
0x7: {  	_ = 	snop  }
__scs_overlays_trampoline_lowered:
0x8: {  	[smem:$0x3FAB] =	sst s0  }
0x9: {  	[smem:$0x3FAC] =	sst s1  }
0xa: {  	[smem:$0x3FAD] =	sst s2  }
0xb: {  	[smem:$0x3FAE] =	sst s3  }
0xc: {  	[smem:$0x3FAF] =	sst s4  }
0xd: {  	[smem:$0x3FB0] =	sst s5  }
0xe: {  	[smem:$0x3FB1] =	sst s6  }
0xf: {  	[smem:$0x3FB2] =	sst s7  }
0x10: {  	[smem:$0x3FB3] =	sst s8  }
0x11: {  	[smem:$0x3FB4] =	sst s9;
	s0 =	simm.s32 @!p0 $0x0  }
0x12: {  	s1 =	sld [smem:$0x3F9A];
	s0 =	simm.s32 @p0 $0x1  }
0x13: {  	[smem:$0x3FB5] =	sst s0;
	s0 =	simm.s32 @!p1 $0x0  }
0x14: {  	s2 =	sld [smem:$0x3F99];
	s0 =	simm.s32 @p1 $0x1  }
0x15: {  	[smem:$0x3FB6] =	sst s0;
	s0 =	simm.s32 @!p2 $0x0  }
0x16: {  	s3 =	sld [smem:$0x3FDB];
	s0 =	simm.s32 @p2 $0x1  }
0x17: {  	s4 =	simm.s32 $0x1BF5;
	[smem:$0x3FB8] =	sst s0  }
0x18: {  	s0 =	sld [smem:$0x3F9B];
	_ =	swait.ge [sflag:s4], $0x0  }
0x19: {  	s7 =	sld [smem:$0x3F9C]  }
0x1a: {  	s8 =	sadd.s32 $0xFFFFE003, lr  }
0x1b: {  	s9 =	sadd.s32 $0xFFFFFEF7, lr;
	s5 =	simm.s32 $0xFFFFFFFF;
	p2 =	slt.u32 s8, $0xFFFFF086  }
0x1c: {  	p1 =	slt.u32 s9, $0xF7A;
	s5 =	simm.s32 @!p2 $0x0  }
0x1d: {  	s5 =	simm.s32 @p1 $0x1;
	p0 =	seq.s32 s7, s2  }
0x1e: {  	s7 =	smul.u32 @!p0 $0xF7A, s2;
	p2 =	seq.s32 @!p0 s5, $0x0  }
0x1f: {  	s9 =	smul.u32 $0xF7A, s1;
	s8 =	simm.s32 @!p0 $0x1BF5;
	p2 =	por !p2, p0  }
0x20: {  	[sflag:s8] =	ssyncset.s32 @!p0 $0xFFFFF086;
	s6 =	sadd.s32 @!p0 s3, s7;
	s7 =	simm.s32 @!p0 $0x108  }
0x21: {  	s3 =	sadd.s32 s3, s9;
	s6 =	sadd.s32 @!p0 $0x88, s6;
	s7 =	simm.s32 @p2 $0x1082  }
0x22: {  	[simem:s7], [sflag:s8] =	dma.local @!p0 [hbm:s6], $0xF7A  }
0x23: {  	s9 =	sor.u32 $0xD0000000, s2;
	s6 =	simm.s32 $0x108;
	_ =	swait.ge @!p0 [sflag:s8], $0x0  }
0x24: {  	s3 =	sadd.s32 $0x88, s3;
	s6 =	simm.s32 @!p1 $0x1082;
	[sflag:s4] =	ssyncset.s32 $0xFFFFF086  }
0x25: {  	[simem:s6], [sflag:s4] =	dma.local [hbm:s3], $0xF7A  }
0x26: {  	[smem:$0x3F9C] =	sst s1;
	(tag) =	ssettag s2;
	_ =	strace s9  }
0x27: {  	s1 =	sld [smem:$0x3FAC]  }
0x28: {  	s2 =	sld [smem:$0x3FAD]  }
0x29: {  	s4 =	sld [smem:$0x3FAF]  }
0x2a: {  	p0 =	seq.s32 s5, $0x0;
	s5 =	sld [smem:$0x3FB0]  }
0x2b: {  	s6 =	sld [smem:$0x3FB1]  }
0x2c: {  	s7 =	sld [smem:$0x3FB2]  }
0x2d: {  	s3 =	simm.s32 $0x108;
	s8 =	sld [smem:$0x3FB3]  }
0x2e: {  	s3 =	simm.s32 @!p0 $0x1082;
	s9 =	sld [smem:$0x3FB4]  }
0x2f: {  	lr =	sadd.s32 s0, s3;
	s0 =	sld [smem:$0x3FAB]  }
0x30: {  	s3 =	sld [smem:$0x3FAE]  }
0x31: {  	[smem:$0x3FB7] =	sst s10  }
0x32: {  	s10 =	sld [smem:$0x3FB5];
	_ =	sdelay $0x3  }
0x33: {  	p0 =	seq.s32 s10, $0x1;
	s10 =	sld [smem:$0x3FB7];
	_ =	sdelay $0x3  }
0x34: {  	[smem:$0x3FB7] =	sst s10  }
0x35: {  	s10 =	sld [smem:$0x3FB6];
	_ =	sdelay $0x3  }
0x36: {  	p1 =	seq.s32 s10, $0x1;
	s10 =	sld [smem:$0x3FB7];
	_ =	sdelay $0x3  }
0x37: {  	[smem:$0x3FB7] =	sst s10  }
0x38: {  	s10 =	sld [smem:$0x3FB8]  }
0x39: {  	_ = 	snop;
	(pc) =	sbr.ind lr, $3  }
0x3a: {  	_ = 	snop  }
0x3b: {  	_ = 	snop  }
0x3c: {  	p2 =	seq.s32 s10, $0x1;
	s10 =	sld [smem:$0x3FB7]  }
0x3d: {  	_ =	shalt  }
0x3e: {  	_ =	shalt  }
0x3f: {  	_ =	shalt  }
0x40: {  	_ =	shalt  }
0x41: {  	_ =	shalt  }
0x42: {  	_ =	shalt  }
0x43: {  	_ =	shalt  }
0x44: {  	_ =	shalt  }
0x45: {  	_ =	shalt  }
0x46: {  	_ =	shalt  }
0x47: {  	_ =	shalt  }
0x48: {  	_ =	shalt  }
0x49: {  	_ =	shalt  }
0x4a: {  	_ =	shalt  }
0x4b: {  	_ =	shalt  }
0x4c: {  	_ =	shalt  }
0x4d: {  	_ =	shalt  }
0x4e: {  	_ =	shalt  }
0x4f: {  	_ =	shalt  }
0x50: {  	_ =	shalt  }
0x51: {  	_ =	shalt  }
0x52: {  	_ =	shalt  }
0x53: {  	_ =	shalt  }
0x54: {  	_ =	shalt  }
0x55: {  	_ =	shalt  }
0x56: {  	_ =	shalt  }
0x57: {  	_ =	shalt  }
0x58: {  	_ =	shalt  }
0x59: {  	_ =	shalt  }
0x5a: {  	_ =	shalt  }
0x5b: {  	_ =	shalt  }
0x5c: {  	_ =	shalt  }
0x5d: {  	_ =	shalt  }
0x5e: {  	_ =	shalt  }
0x5f: {  	_ =	shalt  }
0x60: {  	_ =	shalt  }
0x61: {  	_ =	shalt  }
0x62: {  	_ =	shalt  }
0x63: {  	_ =	shalt  }
0x64: {  	_ =	shalt  }
0x65: {  	_ =	shalt  }
0x66: {  	_ =	shalt  }
0x67: {  	_ =	shalt  }
0x68: {  	_ =	shalt  }
0x69: {  	_ =	shalt  }
0x6a: {  	_ =	shalt  }
0x6b: {  	_ =	shalt  }
0x6c: {  	_ =	shalt  }
0x6d: {  	_ =	shalt  }
0x6e: {  	_ =	shalt  }
0x6f: {  	_ =	shalt  }
0x70: {  	_ =	shalt  }
0x71: {  	_ =	shalt  }
0x72: {  	_ =	shalt  }
0x73: {  	_ =	shalt  }
0x74: {  	_ =	shalt  }
0x75: {  	_ =	shalt  }
0x76: {  	_ =	shalt  }
0x77: {  	_ =	shalt  }
0x78: {  	_ =	shalt  }
0x79: {  	_ =	shalt  }
0x7a: {  	_ =	shalt  }
0x7b: {  	_ =	shalt  }
0x7c: {  	_ =	shalt  }
0x7d: {  	_ =	shalt  }
0x7e: {  	_ =	shalt  }
0x7f: {  	_ =	shalt  }
0x80: {  	_ =	shalt  }
0x81: {  	_ =	shalt  }
0x82: {  	_ =	shalt  }
0x83: {  	_ =	shalt  }
0x84: {  	_ =	shalt  }
0x85: {  	_ =	shalt  }
0x86: {  	_ =	shalt  }
0x87: {  	_ =	shalt  }
.Lfunc_end0:
.L_simem_size_0:
called_computation_lowered:
.L_overlay_start_0:
0x88: {  	s2 =	sld [smem:$0x3FD9]  }
0x89: {  	s3 =	sld [smem:$0x3FFE];
	_ =	sdelay $0x1  }
0x8a: {  	s1 =	srdreg.scid  }
0x8b: {  	s0 =	sand.u32 $0x1, s1  }
0x8c: {  	s17 =	sshll.u32 s0, $0xA;
	s2 =	sadd.s32 s3, s2  }
0x8d: {  	s2 =	sadd.s32 s2, s17  }
0x8e: {  	[smem:$0x3FC3] =	sst s2  }
0x8f: {  	_ = 	snop  }
0x90: {  	s2 =	sld [smem:$0x3FC9]  }
0x91: {  	s18 =	sld [smem:$0x3FC8];
	(tm) =	ssettm $0x1  }
0x92: {  	s4 =	sld [smem:$0x3FFB];
	_ =	sdelay $0x3  }
0x93: {  	_ =	strace s4  }
0x94: {  	s4 =	sld [smem:$0x3FFC];
	_ =	sdelay $0x3  }
0x95: {  	_ =	strace s4  }
0x96: {  	s4 =	sld [smem:$0x3FFD];
	_ =	sdelay $0x3  }
0x97: {  	_ =	strace s4  }
0x98: {  	_ =	strace $0x8FFFFFFF  }
0x99: {  	s19 =	sld [smem:$0x3FDB];
	_ =	sdelay $0x1  }
0x9a: {  	s5 =	simm.s32 $_scs_section_size  }
0x9b: {  	s6 =	simm.s32 $_size__tile_overlayer_lowered;
	s7 =	simm.s32 $_tile_overlayer_lowered  }
0x9c: {  	s22 =	simm.s32 $0x1BFF;
	s21 =	sshll.u32 s7, $0x1;
	s4 =	sadd.s32 s5, s19  }
0x9d: {  	s8 =	simm.s32 $0x0;
	s20 =	sshll.u32 s6, $0x1;
	s6 =	sadd.s32 s21, s4  }
0x9e: {  	[timem:s8], [sflag:s22] =	dma.local [hbm:s6], s20  }
0x9f: {  	_ =	swait.ge [sflag:s22], s20  }
0xa0: {  	s5 =	ssub.s32 $0x0, s20;
	[sflag:s22] =	ssyncset.done $0x0  }
0xa1: {  	[sflag:s22] =	ssyncadd.s32 s5;
	_ =	sdelay $0x1  }
0xa2: {  	s23 =	simm.s32 $0x1B8B  }
0xa3: {  	_ =	swait.ge [sflag:s23], $0x1  }
0xa4: {  	[sflag:s23] =	ssyncset.done $0x0  }
0xa5: {  	s25 =	simm.s32 $0x1B8E;
	s24 =	sld [smem:$0x3FFE];
	[sflag:s23] =	ssyncadd.s32 $0xFFFFFFFF  }
0xa6: {  	s26 =	simm.s32 $execute0_lowered;
	[smem:$0x3FD2] =	sst s25  }
0xa7: {  	s6 =	sshll.u32 s26, $0x1;
	_ =	strace $0x80000046;
	[dreg:$0x1] =	wrdreg $0xFFFFFFFF  }
0xa8: {  	s28 =	simm.s32 $_size_execute0_lowered;
	s4 =	sadd.s32 s4, s6;
	[dreg:$0x0] =	wrdreg $0x0  }
0xa9: {  	s6 =	sshll.u32 s28, $0x1;
	[dreg:$0x2] =	wrdreg s4  }
0xaa: {  	[dreg:$0x3] =	wrdreg s6  }
0xab: {  	[dreg:$0x4] =	wrdreg $0xC0  }
0xac: {  	_ =	task [dreg:s8], $0x5FFFF  }
0xad: {  	[dreg:$0x1] =	wrdreg $0xFFFFFFFF  }
0xae: {  	[dreg:$0x0] =	wrdreg $0x60  }
0xaf: {  	[dreg:$0x2] =	wrdreg s24  }
0xb0: {  	[dreg:$0x3] =	wrdreg s2  }
0xb1: {  	[dreg:$0x4] =	wrdreg s18  }
0xb2: {  	[dreg:$0x5] =	wrdreg $0x9  }
0xb3: {  	_ =	task.clear_ibuf [dreg:s8], $0x6FFFF;
	_ =	strace $0x90000046  }
0xb4: {  	s29 =	simm.s32 $0x9;
	_ =	strace $0x80000048  }
0xb5: {  	_ =	swait.ge [sflag:s29], $0x1  }
0xb6: {  	[sflag:s29] =	ssyncadd.s32 $0xFFFFFFFF  }
0xb7: {  	_ =	strace $0x90000048  }
0xb8: {  	_ =	sfence  }
0xb9: {  	s30 =	sld [smem:$0x0];
	_ =	sdelay $0x2  }
0xba: {  	s31 =	sshll.u32 s1, $0xD;
	s1 =	sshrl.u32 s1, $0x2  }
0xbb: {  	s3 =	sand.u32 $0x4000, s31;
	s1 =	sadd.s32 s1, s30  }
0xbc: {  	s0 =	sor.u32 s3, s0;
	s1 =	sshll.u32 s1, $0x11  }
0xbd: {  	s0 =	sor.u32 s1, s0  }
0xbe: {  	s0 =	sadd.s32 $0x8F2B, s0  }
0xbf: {  	[sflag:s0] =	ssyncadd.remote.s32 $0x1  }
0xc0: {  	_ =	sfence.sel $0xFFFF  }
0xc1: {  	[dreg:$0x0] =	wrdreg $0xFFFFFFFF;
	(pc) =	sbr.abs _section_cstart, $3  }
0xc2: {  	[dreg:$0x1] =	wrdreg $0xFFFFFFFF  }
0xc3: {  	_ =	task.clear_ibuf [dreg:s8], $0x2FFFF;
	_ =	strace $0x9FFFFFFF  }
0xc4: {  	(tm) =	ssettm $0x7FFFFFFF  }
0xc5: {  	_ =	shalt  }
tec
execute0_lowered:
.L_overlay_start_1:
0x0: {  	(tag) =	ssettag $0x1  }
0x1: {  	s0 =	rddreg [dreg:$0x0];
	v0 =	vlaneseq.u32  }
0x2: {  	s1 =	rddreg [dreg:$0x1];
	v1 =	vmul.u32 $0x80, v0  }
0x3: {  	s5 =	rddreg [dreg:$0x2];
	s2 =	simm.s32 $0x0  }
0x4: {  	s3 =	srdreg.scid;
	[smem:$0x7FF] =	sst s2;
	v0 =	vor.u32 $0x1, v1  }
0x5: {  	s4 =	stileid.u32;
	s18 =	simm.s32 $0x3;
	_ =	strace $0x80000047;
	[tilespmem:$0x1FF50] =	vst v0;
	v0 =	vor.u32 $0x2, v1  }
0x6: {  	s19 =	simm.s32 $0x4400;
	s6 =	sand.u32 $0x1, s3;
	s25 =	sshll.u32 s4, $0x1;
	v13 =	vor.u32 $0xC, v1;
	[tilespmem:$0x1FF60] =	vst v0;
	v0 =	vor.u32 $0x3, v1  }
0x7: {  	s20 =	simm.s32 $0x3400;
	s21 =	simm.s32 $0xEC00;
	s7 =	sor.u32 s6, s25;
	v14 =	vor.u32 $0xD, v1;
	v15 =	vor.u32 $0xE, v1;
	[tilespmem:$0x1FF70] =	vst v0;
	v0 =	vor.u32 $0x4, v1  }
0x8: {  	s3 =	sadd.s32 $0xA600, s0;
	s6 =	ssub.s32 $0x2, s6;
	s8 =	smul.u32 $0x500, s7;
	v16 =	vor.u32 $0xF, v1;
	v17 =	vor.u32 $0x10, v1;
	[tilespmem:$0x1FF80] =	vst v0;
	v0 =	vor.u32 $0x5, v1  }
0x9: {  	s9 =	sshll.u32 s7, $0x9;
	s26 =	sshrl.u32 s6, $0x1;
	s7 =	sshll.u32 s7, $0x6;
	v18 =	vor.u32 $0x11, v1;
	v19 =	vor.u32 $0x12, v1;
	[tilespmem:$0x1FF90] =	vst v0;
	v0 =	vor.u32 $0x6, v1  }
0xa: {  	s4 =	sadd.s32 $0xF4CA00, s0;
	v20 =	vor.u32 $0x13, v1;
	v21 =	vor.u32 $0x14, v1;
	s6 =	ssub.s32 s6, s26;
	s1 =	sadd.s32 s1, s7;
	[tilespmem:$0x1FFA0] =	vst v0;
	v0 =	vor.u32 $0x7, v1  }
.Ltmp0:
0xb: {  	v22 =	vor.u32 $0x15, v1;
	v23 =	vor.u32 $0x16, v1;
	s28 =	sadd.s32 s5, s7;
	[dreg:$0x4] =	wrdreg s1;
	[tilespmem:$0x1FFB0] =	vst v0;
	v0 =	vor.u32 $0x8, v1;
	(pc) =	sbr.rel .LBB2_1-.Ltmp0, $4  }
0xc: {  	v24 =	vor.u32 $0x17, v1;
	v25 =	vor.u32 $0x18, v1;
	s8 =	sadd.s32 s8, s0;
	[dreg:$0x5] =	wrdreg s28;
	s30 =	smax.u32 s6, $0x1;
	[tilespmem:$0x1FFC0] =	vst v0;
	v0 =	vor.u32 $0x9, v1  }
0xd: {  	v26 =	vor.u32 $0x19, v1;
	v27 =	vor.u32 $0x1A, v1;
	s0 =	sadd.s32 s9, s0;
	s29 =	sadd.s32 $0x600, s8;
	[dreg:$0x8] =	wrdreg s30;
	[tilespmem:$0x1FFD0] =	vst v0;
	v0 =	vor.u32 $0xA, v1  }
0xe: {  	s31 =	simm.s32 $0x2;
	v28 =	vor.u32 $0x1B, v1;
	v29 =	vor.u32 $0x1C, v1;
	s0 =	sadd.s32 $0x1E8EE00, s0;
	[dreg:$0x6] =	wrdreg s29;
	[tilespmem:$0x1FFE0] =	vst v0;
	v0 =	vor.u32 $0xB, v1  }
0xf: {  	v30 =	vor.u32 $0x1D, v1;
	v31 =	vor.u32 $0x1E, v1;
	v32 =	vor.u32 $0x1F, v1;
	s6 =	simm.s32 $0x0;
	[dreg:$0x7] =	wrdreg s0;
	s0 =	simm.s32 $0x4C00;
	[tilespmem:$0x1FFF0] =	vst v0  }
.LBB2_22:
0x10: {  	s1 =	rddreg [dreg:$0x7];
	s5 =	simm.s32 $0x1000  }
0x11: {  	s6 =	simm.s32 $0x20000;
	s7 =	simm.s32 $0x19C00;
	s28 =	simm.s32 $0x4  }
0x12: {  	[hbm4b:s1+s5] =	stream.strided.scatter [tilespmem:s7], [sflag:$0x4], $0x3000, s6, s5, $0x38;
	[tilespmem:$0x1CC00] =	vst v63  }
0x13: {  	_ =	swait.ge [sflag:s28], $0x3000  }
0x14: {  	s29 =	rddreg [dreg:$0x9]  }
0x15: {  	s30 =	rddreg [dreg:$0x8];
	s6 =	sadd.s32 $0x1, s29  }
0x16: {  	p0 =	sne.s32 s6, s30  }
.Ltmp1:
0x17: {  	_ = 	snop;
	(pc) =	sbr.rel @!p0 .LBB2_23-.Ltmp1, $3  }
0x18: {  	_ =	sdelay $0x1  }
0x19: {  	[sflag:s28] =	ssyncset.done $0x0  }
0x1a: {  	[sflag:s28] =	ssyncadd.s32 $0xFFFFD000  }
.LBB2_1:
0x1b: {  	[dreg:$0x9] =	wrdreg s6  }
0x1c: {  	s1 =	rddreg [dreg:$0x4]  }
0x1d: {  	[tilespmem:s2], [sflag:$0x1] =	stream.linear.gather [hbm4b:s1+s2], $0x200, $0x38;
	[tilespmem:$0x1CC00] =	vst v63  }
0x1e: {  	s23 =	rddreg [dreg:$0x5];
	s5 =	simm.s32 $0x200  }
0x1f: {  	[tilespmem:s5], [sflag:$0x1] =	stream.linear.gather [hbm4b:s23+s2], $0x200, $0x38;
	[tilespmem:$0x1CC00] =	vst v63  }
0x20: {  	s24 =	rddreg [dreg:$0x6];
	s25 =	simm.s32 $0x1;
	s5 =	simm.s32 $0x400  }
0x21: {  	[tilespmem:s5], [sflag:$0x1] =	stream.linear.gather [hbm4b:s24+s2], $0x2800, $0x38;
	[tilespmem:$0x1CC00] =	vst v63  }
0x22: {  	_ =	swait.ge [sflag:s25], $0x200  }
0x23: {  	[sflag:s25] =	ssyncset.done $0x0  }
0x24: {  	[sflag:s25] =	ssyncadd.s32 $0xFFFFFE00  }
0x25: {  	_ =	swait.ge [sflag:s25], $0x200  }
0x26: {  	[sflag:s25] =	ssyncset.done $0x0  }
0x27: {  	[sflag:s25] =	ssyncadd.s32 $0xFFFFFE00  }
0x28: {  	_ =	swait.ge [sflag:s25], $0x2800  }
0x29: {  	[sflag:s25] =	ssyncset.done $0x0  }
0x2a: {  	[sflag:s25] =	ssyncadd.s32 $0xFFFFD800  }
0x2b: {  	v33 =	vld [tilespmem:$0x0];
	_ =	sdelay $0x4  }
0x2c: {  	v34 =	vshll.u32 v33, $0x4  }
0x2d: {  	(v2sf) =	vpush v34, $0x0;
	_ =	sdelay $0x4  }
0x2e: {  	v35 =	vld [tilespmem:$0x200];
	_ =	sdelay $0x4  }
0x2f: {  	v62 =	vshll.u32 v35, $0x4  }
0x30: {  	(v2sf) =	vpush v62, $0x0  }
0x31: {  	(v2sf) =	vpush v34, $0x1;
	_ =	sdelay $0x1  }
0x32: {  	(v2sf) =	vpush v62, $0x1  }
0x33: {  	s26 =	spop (v2sf);
	(v2sf) =	vpush v34, $0x2;
	_ =	sdelay $0x1  }
0x34: {  	(v2sf) =	vpush v62, $0x2;
	_ =	sdelay $0x1  }
0x35: {  	(v2sf) =	vpush v34, $0x3;
	_ =	sdelay $0x2  }
0x36: {  	(v2sf) =	vpush v62, $0x3;
	_ =	sdelay $0x3  }
0x37: {  	s1 =	sand.u32 $0x1FFFFFF0, s26;
	s29 =	spop (v2sf)  }
0x38: {  	s28 =	simm.s32 $0x2C00;
	s1 =	sadd.s32 s3, s1;
	s6 =	spop (v2sf)  }
0x39: {  	[tilespmem:s28], [sflag:$0x2] =	stream.linear.gather [hbm4b:s1+s2], $0x80, $0x38;
	[tilespmem:$0x1CC00] =	vst v63  }
0x3a: {  	s8 =	spop (v2sf)  }
0x3b: {  	s10 =	spop (v2sf);
	(v2sf) =	vpush v34, $0x4  }
0x3c: {  	s1 =	sand.u32 $0x1FFFFFF0, s29  }
0x3d: {  	s30 =	simm.s32 $0x3C00;
	s1 =	sadd.s32 s4, s1;
	s12 =	spop (v2sf);
	(v2sf) =	vpush v62, $0x4  }
0x3e: {  	[tilespmem:s30], [sflag:$0x2] =	stream.linear.gather [hbm4b:s1+s2], $0x80, $0x38;
	[tilespmem:$0x1CC00] =	vst v63  }
0x3f: {  	s1 =	sand.u32 $0x1FFFFFF0, s6;
	s14 =	spop (v2sf);
	(v2sf) =	vpush v34, $0x5  }
0x40: {  	s7 =	simm.s32 $0x2C80;
	s1 =	sadd.s32 s3, s1  }
0x41: {  	[tilespmem:s7], [sflag:$0x2] =	stream.linear.gather [hbm4b:s1+s2], $0x80, $0x38;
	[tilespmem:$0x1CC00] =	vst v63  }
0x42: {  	s16 =	spop (v2sf);
	(v2sf) =	vpush v62, $0x5  }
0x43: {  	s1 =	sand.u32 $0x1FFFFFF0, s8  }
0x44: {  	s9 =	simm.s32 $0x3C80;
	s1 =	sadd.s32 s4, s1  }
0x45: {  	[tilespmem:s9], [sflag:$0x2] =	stream.linear.gather [hbm4b:s1+s2], $0x80, $0x38;
	[tilespmem:$0x1CC00] =	vst v63  }
0x46: {  	s1 =	sand.u32 $0x1FFFFFF0, s10  }
0x47: {  	s11 =	simm.s32 $0x2D00;
	s1 =	sadd.s32 s3, s1  }
0x48: {  	[tilespmem:s11], [sflag:$0x2] =	stream.linear.gather [hbm4b:s1+s2], $0x80, $0x38;
	[tilespmem:$0x1CC00] =	vst v63  }
0x49: {  	s1 =	sand.u32 $0x1FFFFFF0, s12  }
0x4a: {  	s13 =	simm.s32 $0x3D00;
	s1 =	sadd.s32 s4, s1;
	s22 =	spop (v2sf);
	(v2sf) =	vpush v34, $0x6  }
0x4b: {  	[tilespmem:s13], [sflag:$0x2] =	stream.linear.gather [hbm4b:s1+s2], $0x80, $0x38;
	[tilespmem:$0x1CC00] =	vst v63  }
0x4c: {  	s24 =	spop (v2sf);
	(v2sf) =	vpush v62, $0x6  }
0x4d: {  	s1 =	sand.u32 $0x1FFFFFF0, s14  }
0x4e: {  	s15 =	simm.s32 $0x2D80;
	s1 =	sadd.s32 s3, s1;
	s26 =	spop (v2sf);
	(v2sf) =	vpush v34, $0x7  }
0x4f: {  	[tilespmem:s15], [sflag:$0x2] =	stream.linear.gather [hbm4b:s1+s2], $0x80, $0x38;
	[tilespmem:$0x1CC00] =	vst v63  }
0x50: {  	s1 =	sand.u32 $0x1FFFFFF0, s16  }
0x51: {  	s17 =	simm.s32 $0x3D80;
	s1 =	sadd.s32 s4, s1;
	s29 =	spop (v2sf);
	(v2sf) =	vpush v62, $0x7  }
0x52: {  	[tilespmem:s17], [sflag:$0x2] =	stream.linear.gather [hbm4b:s1+s2], $0x80, $0x38;
	[tilespmem:$0x1CC00] =	vst v63  }
0x53: {  	s1 =	sand.u32 $0x1FFFFFF0, s22  }
0x54: {  	s23 =	simm.s32 $0x2E00;
	s1 =	sadd.s32 s3, s1  }
0x55: {  	[tilespmem:s23], [sflag:$0x2] =	stream.linear.gather [hbm4b:s1+s2], $0x80, $0x38;
	[tilespmem:$0x1CC00] =	vst v63  }
0x56: {  	s1 =	sand.u32 $0x1FFFFFF0, s24  }
0x57: {  	s25 =	simm.s32 $0x3E00;
	s1 =	sadd.s32 s4, s1  }
0x58: {  	[tilespmem:s25], [sflag:$0x2] =	stream.linear.gather [hbm4b:s1+s2], $0x80, $0x38;
	[tilespmem:$0x1CC00] =	vst v63  }
0x59: {  	s6 =	spop (v2sf);
	(v2sf) =	vpush v34, $0x8  }
0x5a: {  	s1 =	sand.u32 $0x1FFFFFF0, s26  }
0x5b: {  	s28 =	simm.s32 $0x2E80;
	s1 =	sadd.s32 s3, s1;
	s8 =	spop (v2sf);
	(v2sf) =	vpush v62, $0x8  }
0x5c: {  	[tilespmem:s28], [sflag:$0x2] =	stream.linear.gather [hbm4b:s1+s2], $0x80, $0x38;
	[tilespmem:$0x1CC00] =	vst v63  }
0x5d: {  	s1 =	sand.u32 $0x1FFFFFF0, s29;
	s10 =	spop (v2sf);
	(v2sf) =	vpush v34, $0x9  }
0x5e: {  	s30 =	simm.s32 $0x3E80;
	s1 =	sadd.s32 s4, s1  }
0x5f: {  	[tilespmem:s30], [sflag:$0x2] =	stream.linear.gather [hbm4b:s1+s2], $0x80, $0x38;
	[tilespmem:$0x1CC00] =	vst v63  }
0x60: {  	s12 =	spop (v2sf);
	(v2sf) =	vpush v62, $0x9  }
0x61: {  	s1 =	sand.u32 $0x1FFFFFF0, s6  }
0x62: {  	s7 =	simm.s32 $0x2F00;
	s1 =	sadd.s32 s3, s1  }
0x63: {  	[tilespmem:s7], [sflag:$0x2] =	stream.linear.gather [hbm4b:s1+s2], $0x80, $0x38;
	[tilespmem:$0x1CC00] =	vst v63  }
0x64: {  	s1 =	sand.u32 $0x1FFFFFF0, s8  }
0x65: {  	s9 =	simm.s32 $0x3F00;
	s1 =	sadd.s32 s4, s1  }
0x66: {  	[tilespmem:s9], [sflag:$0x2] =	stream.linear.gather [hbm4b:s1+s2], $0x80, $0x38;
	[tilespmem:$0x1CC00] =	vst v63  }
0x67: {  	s1 =	sand.u32 $0x1FFFFFF0, s10  }
0x68: {  	s11 =	simm.s32 $0x2F80;
	s1 =	sadd.s32 s3, s1;
	s14 =	spop (v2sf);
	(v2sf) =	vpush v34, $0xA  }
0x69: {  	[tilespmem:s11], [sflag:$0x2] =	stream.linear.gather [hbm4b:s1+s2], $0x80, $0x38;
	[tilespmem:$0x1CC00] =	vst v63  }
0x6a: {  	s16 =	spop (v2sf);
	(v2sf) =	vpush v62, $0xA  }
0x6b: {  	s1 =	sand.u32 $0x1FFFFFF0, s12  }
0x6c: {  	s13 =	simm.s32 $0x3F80;
	s1 =	sadd.s32 s4, s1;
	s22 =	spop (v2sf);
	(v2sf) =	vpush v34, $0xB  }
0x6d: {  	[tilespmem:s13], [sflag:$0x2] =	stream.linear.gather [hbm4b:s1+s2], $0x80, $0x38;
	[tilespmem:$0x1CC00] =	vst v63  }
0x6e: {  	s1 =	sand.u32 $0x1FFFFFF0, s14  }
0x6f: {  	s15 =	simm.s32 $0x3000;
	s1 =	sadd.s32 s3, s1;
	s24 =	spop (v2sf);
	(v2sf) =	vpush v62, $0xB  }
0x70: {  	[tilespmem:s15], [sflag:$0x2] =	stream.linear.gather [hbm4b:s1+s2], $0x80, $0x38;
	[tilespmem:$0x1CC00] =	vst v63  }
0x71: {  	s1 =	sand.u32 $0x1FFFFFF0, s16  }
0x72: {  	s17 =	simm.s32 $0x4000;
	s1 =	sadd.s32 s4, s1  }
0x73: {  	[tilespmem:s17], [sflag:$0x2] =	stream.linear.gather [hbm4b:s1+s2], $0x80, $0x38;
	[tilespmem:$0x1CC00] =	vst v63  }
0x74: {  	s1 =	sand.u32 $0x1FFFFFF0, s22  }
0x75: {  	s23 =	simm.s32 $0x3080;
	s1 =	sadd.s32 s3, s1  }
0x76: {  	[tilespmem:s23], [sflag:$0x2] =	stream.linear.gather [hbm4b:s1+s2], $0x80, $0x38;
	[tilespmem:$0x1CC00] =	vst v63  }
0x77: {  	s26 =	spop (v2sf);
	(v2sf) =	vpush v34, $0xC  }
0x78: {  	s1 =	sand.u32 $0x1FFFFFF0, s24  }
0x79: {  	s25 =	simm.s32 $0x4080;
	s1 =	sadd.s32 s4, s1;
	s29 =	spop (v2sf);
	(v2sf) =	vpush v62, $0xC  }
0x7a: {  	[tilespmem:s25], [sflag:$0x2] =	stream.linear.gather [hbm4b:s1+s2], $0x80, $0x38;
	[tilespmem:$0x1CC00] =	vst v63  }
0x7b: {  	s1 =	sand.u32 $0x1FFFFFF0, s26;
	s6 =	spop (v2sf);
	(v2sf) =	vpush v34, $0xD  }
0x7c: {  	s28 =	simm.s32 $0x3100;
	s1 =	sadd.s32 s3, s1  }
0x7d: {  	[tilespmem:s28], [sflag:$0x2] =	stream.linear.gather [hbm4b:s1+s2], $0x80, $0x38;
	[tilespmem:$0x1CC00] =	vst v63  }
0x7e: {  	s8 =	spop (v2sf);
	(v2sf) =	vpush v62, $0xD  }
0x7f: {  	s1 =	sand.u32 $0x1FFFFFF0, s29  }
0x80: {  	s30 =	simm.s32 $0x4100;
	s1 =	sadd.s32 s4, s1  }
0x81: {  	[tilespmem:s30], [sflag:$0x2] =	stream.linear.gather [hbm4b:s1+s2], $0x80, $0x38;
	[tilespmem:$0x1CC00] =	vst v63  }
0x82: {  	s1 =	sand.u32 $0x1FFFFFF0, s6  }
0x83: {  	s7 =	simm.s32 $0x3180;
	s1 =	sadd.s32 s3, s1  }
0x84: {  	[tilespmem:s7], [sflag:$0x2] =	stream.linear.gather [hbm4b:s1+s2], $0x80, $0x38;
	[tilespmem:$0x1CC00] =	vst v63  }
0x85: {  	s1 =	sand.u32 $0x1FFFFFF0, s8  }
0x86: {  	s9 =	simm.s32 $0x4180;
	s1 =	sadd.s32 s4, s1;
	s10 =	spop (v2sf);
	(v2sf) =	vpush v34, $0xE  }
0x87: {  	[tilespmem:s9], [sflag:$0x2] =	stream.linear.gather [hbm4b:s1+s2], $0x80, $0x38;
	[tilespmem:$0x1CC00] =	vst v63  }
0x88: {  	s12 =	spop (v2sf);
	(v2sf) =	vpush v62, $0xE  }
0x89: {  	s1 =	sand.u32 $0x1FFFFFF0, s10  }
0x8a: {  	s11 =	simm.s32 $0x3200;
	s1 =	sadd.s32 s3, s1;
	s14 =	spop (v2sf)  }
0x8b: {  	(v2sf) =	vpush v34, $0xF;
	[tilespmem:s11], [sflag:$0x2] =	stream.linear.gather [hbm4b:s1+s2], $0x80, $0x38;
	[tilespmem:$0x1CC00] =	vst v63  }
0x8c: {  	s1 =	sand.u32 $0x1FFFFFF0, s12  }
0x8d: {  	s13 =	simm.s32 $0x4200;
	s16 =	spop (v2sf);
	s1 =	sadd.s32 s4, s1  }
0x8e: {  	(v2sf) =	vpush v62, $0xF;
	[tilespmem:s13], [sflag:$0x2] =	stream.linear.gather [hbm4b:s1+s2], $0x80, $0x38;
	[tilespmem:$0x1CC00] =	vst v63  }
0x8f: {  	s1 =	sand.u32 $0x1FFFFFF0, s14  }
0x90: {  	s15 =	simm.s32 $0x3280;
	s1 =	sadd.s32 s3, s1  }
0x91: {  	[tilespmem:s15], [sflag:$0x2] =	stream.linear.gather [hbm4b:s1+s2], $0x80, $0x38;
	[tilespmem:$0x1CC00] =	vst v63  }
0x92: {  	s1 =	sand.u32 $0x1FFFFFF0, s16  }
0x93: {  	s17 =	simm.s32 $0x4280;
	s1 =	sadd.s32 s4, s1  }
0x94: {  	[tilespmem:s17], [sflag:$0x2] =	stream.linear.gather [hbm4b:s1+s2], $0x80, $0x38;
	[tilespmem:$0x1CC00] =	vst v63  }
0x95: {  	s22 =	spop (v2sf)  }
0x96: {  	s1 =	sand.u32 $0x1FFFFFF0, s22  }
0x97: {  	s23 =	simm.s32 $0x3300;
	s24 =	spop (v2sf);
	s1 =	sadd.s32 s3, s1  }
0x98: {  	[tilespmem:s23], [sflag:$0x2] =	stream.linear.gather [hbm4b:s1+s2], $0x80, $0x38;
	[tilespmem:$0x1CC00] =	vst v63  }
0x99: {  	s1 =	sand.u32 $0x1FFFFFF0, s24  }
0x9a: {  	s25 =	simm.s32 $0x4300;
	s26 =	spop (v2sf);
	s1 =	sadd.s32 s4, s1  }
0x9b: {  	[tilespmem:s25], [sflag:$0x2] =	stream.linear.gather [hbm4b:s1+s2], $0x80, $0x38;
	[tilespmem:$0x1CC00] =	vst v63  }
0x9c: {  	s1 =	sand.u32 $0x1FFFFFF0, s26  }
0x9d: {  	s28 =	simm.s32 $0x3380;
	s29 =	spop (v2sf);
	s1 =	sadd.s32 s3, s1  }
0x9e: {  	[tilespmem:s28], [sflag:$0x2] =	stream.linear.gather [hbm4b:s1+s2], $0x80, $0x38;
	[tilespmem:$0x1CC00] =	vst v63  }
0x9f: {  	s1 =	sand.u32 $0x1FFFFFF0, s29  }
0xa0: {  	s30 =	simm.s32 $0x4380;
	s1 =	sadd.s32 s4, s1  }
0xa1: {  	[tilespmem:s30], [sflag:$0x2] =	stream.linear.gather [hbm4b:s1+s2], $0x80, $0x38;
	[tilespmem:$0x1CC00] =	vst v63  }
0xa2: {  	v63 =	vld [tilespmem:s5+$0x0];
	_ =	sdelay $0x4  }
0xa3: {  	v33 =	vshll.u32 v63, $0x4  }
0xa4: {  	(v2sf) =	vpush v33, $0x0  }
0xa5: {  	(v2sf) =	vpush v33, $0x1  }
0xa6: {  	(v2sf) =	vpush v33, $0x2;
	_ =	sdelay $0x1  }
0xa7: {  	(v2sf) =	vpush v33, $0x4;
	_ =	sdelay $0x1  }
0xa8: {  	(v2sf) =	vpush v33, $0x3  }
0xa9: {  	(v2sf) =	vpush v33, $0x5  }
0xaa: {  	s6 =	simm.s32 $0x0;
	s7 =	simm.s32 $0x2000;
	(v2sf) =	vpush v33, $0x6  }
.LBB2_2:
0xab: {  	p0 =	sne.s32 s7, $0x26000  }
0xac: {  	s23 =	sadd.s32 $0x4C80, s6;
	s11 =	sadd.s32 $0x5180, s6;
	s8 =	smov.u32 s7  }
0xad: {  	s7 =	sadd.s32 $0x2000, s7;
	s16 =	sadd.s32 $0x4F80, s6;
	s9 =	sadd.s32 $0x5200, s6;
	(v2sf) =	vpush v33, $0x7  }
0xae: {  	s22 =	sadd.s32 $0x4E80, s6;
	s14 =	sadd.s32 $0x5000, s6;
	s10 =	sadd.s32 $0x5280, s6  }
0xaf: {  	s24 =	sadd.s32 $0x4C00, s6;
	s25 =	sadd.s32 $0x4E00, s6;
	(v2sf) =	vpush v33, $0x8  }
0xb0: {  	s1 =	simm.s32 $0x0;
	s26 =	sadd.s32 $0x4F00, s6;
	s5 =	sadd.s32 $0x10, s5  }
0xb1: {  	s28 =	sadd.s32 $0x4D00, s6;
	s15 =	sadd.s32 $0x5100, s6;
	s17 =	spop (v2sf);
	(v2sf) =	vpush v33, $0x9  }
0xb2: {  	s29 =	sand.u32 $0x1FFFFFF0, s17;
	s17 =	sadd.s32 $0x5080, s6;
	s30 =	spop (v2sf)  }
0xb3: {  	s29 =	sadd.s32 s4, s29;
	s30 =	sand.u32 $0x1FFFFFF0, s30;
	s12 =	spop (v2sf);
	(v2sf) =	vpush v33, $0xA  }
0xb4: {  	[tilespmem:s24], [sflag:$0x2] =	stream.linear.gather [hbm4b:s29+s1], $0x80, $0x38;
	[tilespmem:$0x1CC00] =	vst v63  }
0xb5: {  	s24 =	sadd.s32 s4, s30;
	s29 =	sadd.s32 $0x4D80, s6;
	s30 =	spop (v2sf);
	(v2sf) =	vpush v33, $0xB  }
0xb6: {  	[tilespmem:s23], [sflag:$0x2] =	stream.linear.gather [hbm4b:s24+s1], $0x80, $0x38;
	[tilespmem:$0x1CC00] =	vst v63  }
0xb7: {  	s12 =	sand.u32 $0x1FFFFFF0, s12;
	s23 =	sand.u32 $0x1FFFFFF0, s30;
	s24 =	spop (v2sf);
	(v2sf) =	vpush v33, $0xC  }
0xb8: {  	s12 =	sadd.s32 s4, s12;
	s24 =	sand.u32 $0x1FFFFFF0, s24;
	s30 =	spop (v2sf)  }
0xb9: {  	[tilespmem:s28], [sflag:$0x2] =	stream.linear.gather [hbm4b:s12+s1], $0x80, $0x38;
	(v2sf) =	vpush v33, $0xD;
	[tilespmem:$0x1CC00] =	vst v63  }
0xba: {  	s12 =	sadd.s32 s4, s24;
	s24 =	sand.u32 $0x1FFFFFF0, s30;
	s28 =	spop (v2sf)  }
0xbb: {  	[tilespmem:s29], [sflag:$0x2] =	stream.linear.gather [hbm4b:s12+s1], $0x80, $0x38;
	(v2sf) =	vpush v33, $0xE;
	[tilespmem:$0x1CC00] =	vst v63  }
0xbc: {  	s12 =	sadd.s32 s4, s23;
	s23 =	sand.u32 $0x1FFFFFF0, s28;
	s28 =	spop (v2sf)  }
0xbd: {  	[tilespmem:s25], [sflag:$0x2] =	stream.linear.gather [hbm4b:s12+s1], $0x80, $0x38;
	(v2sf) =	vpush v33, $0xF;
	[tilespmem:$0x1CC00] =	vst v63  }
0xbe: {  	s12 =	sadd.s32 s4, s24;
	s24 =	sand.u32 $0x1FFFFFF0, s28;
	s25 =	spop (v2sf)  }
0xbf: {  	[tilespmem:s22], [sflag:$0x2] =	stream.linear.gather [hbm4b:s12+s1], $0x80, $0x38;
	[tilespmem:$0x1CC00] =	vst v63  }
0xc0: {  	s12 =	sadd.s32 s4, s23;
	s22 =	sand.u32 $0x1FFFFFF0, s25;
	s23 =	spop (v2sf)  }
0xc1: {  	[tilespmem:s26], [sflag:$0x2] =	stream.linear.gather [hbm4b:s12+s1], $0x80, $0x38;
	[tilespmem:$0x1CC00] =	vst v63  }
0xc2: {  	s12 =	sadd.s32 s4, s24;
	s23 =	sand.u32 $0x1FFFFFF0, s23;
	s24 =	spop (v2sf)  }
0xc3: {  	[tilespmem:s16], [sflag:$0x2] =	stream.linear.gather [hbm4b:s12+s1], $0x80, $0x38;
	[tilespmem:$0x1CC00] =	vst v63  }
0xc4: {  	s12 =	sadd.s32 s4, s22;
	s16 =	sand.u32 $0x1FFFFFF0, s24;
	s22 =	spop (v2sf)  }
0xc5: {  	[tilespmem:s14], [sflag:$0x2] =	stream.linear.gather [hbm4b:s12+s1], $0x80, $0x38;
	[tilespmem:$0x1CC00] =	vst v63  }
0xc6: {  	s12 =	sadd.s32 s4, s23;
	s14 =	sand.u32 $0x1FFFFFF0, s22;
	s22 =	spop (v2sf)  }
0xc7: {  	[tilespmem:s17], [sflag:$0x2] =	stream.linear.gather [hbm4b:s12+s1], $0x80, $0x38;
	[tilespmem:$0x1CC00] =	vst v63  }
0xc8: {  	s12 =	sadd.s32 s4, s16;
	s16 =	sand.u32 $0x1FFFFFF0, s22;
	s17 =	spop (v2sf)  }
0xc9: {  	[tilespmem:s15], [sflag:$0x2] =	stream.linear.gather [hbm4b:s12+s1], $0x80, $0x38;
	[tilespmem:$0x1CC00] =	vst v63  }
0xca: {  	s12 =	sadd.s32 s4, s14;
	s14 =	sand.u32 $0x1FFFFFF0, s17;
	s15 =	spop (v2sf)  }
0xcb: {  	[tilespmem:s11], [sflag:$0x2] =	stream.linear.gather [hbm4b:s12+s1], $0x80, $0x38;
	[tilespmem:$0x1CC00] =	vst v63  }
0xcc: {  	s11 =	sadd.s32 s4, s16;
	s12 =	sand.u32 $0x1FFFFFF0, s15;
	s15 =	spop (v2sf)  }
0xcd: {  	[tilespmem:s9], [sflag:$0x2] =	stream.linear.gather [hbm4b:s11+s1], $0x80, $0x38;
	[tilespmem:$0x1CC00] =	vst v63  }
0xce: {  	s9 =	sadd.s32 s4, s14;
	s11 =	sand.u32 $0x1FFFFFF0, s15  }
0xcf: {  	[tilespmem:s10], [sflag:$0x2] =	stream.linear.gather [hbm4b:s9+s1], $0x80, $0x38;
	[tilespmem:$0x1CC00] =	vst v63  }
0xd0: {  	s9 =	sadd.s32 $0x5300, s6;
	s10 =	sadd.s32 s4, s12  }
0xd1: {  	[tilespmem:s9], [sflag:$0x2] =	stream.linear.gather [hbm4b:s10+s1], $0x80, $0x38;
	[tilespmem:$0x1CC00] =	vst v63  }
0xd2: {  	s6 =	sadd.s32 $0x5380, s6;
	s9 =	sadd.s32 s4, s11  }
0xd3: {  	[tilespmem:s6], [sflag:$0x2] =	stream.linear.gather [hbm4b:s9+s1], $0x80, $0x38;
	[tilespmem:$0x1CC00] =	vst v63  }
0xd4: {  	v33 =	vld [tilespmem:s5+$0x0];
	_ =	sdelay $0x4  }
0xd5: {  	v33 =	vshll.u32 v33, $0x4  }
0xd6: {  	(v2sf) =	vpush v33, $0x0  }
0xd7: {  	(v2sf) =	vpush v33, $0x1  }
0xd8: {  	(v2sf) =	vpush v33, $0x2;
	_ =	sdelay $0x1  }
0xd9: {  	(v2sf) =	vpush v33, $0x4  }
.Ltmp2:
0xda: {  	(pc) =	sbr.rel @p0 .LBB2_2-.Ltmp2, $3  }
0xdb: {  	(v2sf) =	vpush v33, $0x3  }
0xdc: {  	(v2sf) =	vpush v33, $0x5;
	_ =	sdelay $0x1  }
0xdd: {  	s6 =	sshra.s32 s8, $0x2;
	(v2sf) =	vpush v33, $0x6  }
0xde: {  	_ =	sdelay $0x2  }
0xdf: {  	s9 =	sadd.s32 $0x4C80, s6;
	s8 =	sadd.s32 $0x5180, s6;
	s10 =	sadd.s32 $0x4F80, s6;
	(v2sf) =	vpush v33, $0x7  }
0xe0: {  	s11 =	sadd.s32 $0x4E80, s6;
	s12 =	sadd.s32 $0x5000, s6;
	s14 =	sadd.s32 $0x4C00, s6  }
0xe1: {  	s15 =	sadd.s32 $0x4E00, s6;
	s16 =	sadd.s32 $0x4F00, s6;
	(v2sf) =	vpush v33, $0x8;
	s17 =	spop (v2sf)  }
0xe2: {  	s22 =	sadd.s32 $0x4D00, s6;
	s17 =	sand.u32 $0x1FFFFFF0, s17;
	s23 =	spop (v2sf)  }
0xe3: {  	(v2sf) =	vpush v33, $0x9;
	s17 =	sadd.s32 s4, s17;
	s23 =	sand.u32 $0x1FFFFFF0, s23;
	s24 =	spop (v2sf)  }
0xe4: {  	[tilespmem:s14], [sflag:$0x2] =	stream.linear.gather [hbm4b:s17+s1], $0x80, $0x38;
	[tilespmem:$0x1CC00] =	vst v63  }
0xe5: {  	s25 =	sadd.s32 $0x4D80, s6;
	(v2sf) =	vpush v33, $0xA;
	s29 =	sadd.s32 s4, s23;
	s13 =	spop (v2sf)  }
0xe6: {  	[tilespmem:s9], [sflag:$0x2] =	stream.linear.gather [hbm4b:s29+s1], $0x80, $0x38;
	[tilespmem:$0x1CC00] =	vst v63  }
0xe7: {  	s14 =	sadd.s32 $0x5100, s6;
	s26 =	sand.u32 $0x1FFFFFF0, s24;
	(v2sf) =	vpush v33, $0xB;
	s28 =	spop (v2sf)  }
0xe8: {  	s17 =	sadd.s32 s4, s26;
	s9 =	sadd.s32 $0x5080, s6;
	s24 =	sand.u32 $0x1FFFFFF0, s28  }
0xe9: {  	(v2sf) =	vpush v33, $0xC;
	[tilespmem:s22], [sflag:$0x2] =	stream.linear.gather [hbm4b:s17+s1], $0x80, $0x38;
	[tilespmem:$0x1CC00] =	vst v63  }
0xea: {  	s29 =	sand.u32 $0x1FFFFFF0, s13;
	s13 =	spop (v2sf);
	s26 =	sadd.s32 s4, s24  }
0xeb: {  	(v2sf) =	vpush v33, $0xD;
	[tilespmem:s25], [sflag:$0x2] =	stream.linear.gather [hbm4b:s26+s1], $0x80, $0x38;
	[tilespmem:$0x1CC00] =	vst v63  }
0xec: {  	s17 =	sadd.s32 s4, s29;
	s22 =	sand.u32 $0x1FFFFFF0, s13;
	s28 =	spop (v2sf)  }
0xed: {  	[tilespmem:s15], [sflag:$0x2] =	stream.linear.gather [hbm4b:s17+s1], $0x80, $0x38;
	[tilespmem:$0x1CC00] =	vst v63  }
0xee: {  	s22 =	sadd.s32 s4, s22;
	s29 =	sand.u32 $0x1FFFFFF0, s28;
	s13 =	spop (v2sf)  }
0xef: {  	(v2sf) =	vpush v33, $0xE;
	[tilespmem:s11], [sflag:$0x2] =	stream.linear.gather [hbm4b:s22+s1], $0x80, $0x38;
	[tilespmem:$0x1CC00] =	vst v63  }
0xf0: {  	s23 =	spop (v2sf);
	s15 =	sadd.s32 s4, s29;
	s22 =	sand.u32 $0x1FFFFFF0, s13  }
0xf1: {  	(v2sf) =	vpush v33, $0xF;
	[tilespmem:s16], [sflag:$0x2] =	stream.linear.gather [hbm4b:s15+s1], $0x80, $0x38;
	[tilespmem:$0x1CC00] =	vst v63  }
0xf2: {  	s24 =	sand.u32 $0x1FFFFFF0, s23;
	s11 =	sadd.s32 s4, s22;
	s25 =	spop (v2sf)  }
0xf3: {  	[tilespmem:s10], [sflag:$0x2] =	stream.linear.gather [hbm4b:s11+s1], $0x80, $0x38;
	[tilespmem:$0x1CC00] =	vst v63  }
0xf4: {  	s15 =	sadd.s32 s4, s24;
	s26 =	sand.u32 $0x1FFFFFF0, s25;
	s28 =	spop (v2sf)  }
0xf5: {  	[tilespmem:s12], [sflag:$0x2] =	stream.linear.gather [hbm4b:s15+s1], $0x80, $0x38;
	[tilespmem:$0x1CC00] =	vst v63  }
0xf6: {  	s11 =	sand.u32 $0x1FFFFFF0, s28;
	s10 =	sadd.s32 s4, s26;
	s29 =	spop (v2sf)  }
0xf7: {  	[tilespmem:s9], [sflag:$0x2] =	stream.linear.gather [hbm4b:s10+s1], $0x80, $0x38;
	[tilespmem:$0x1CC00] =	vst v63  }
0xf8: {  	s11 =	sadd.s32 s4, s11;
	s13 =	sand.u32 $0x1FFFFFF0, s29;
	s15 =	spop (v2sf)  }
0xf9: {  	[tilespmem:s14], [sflag:$0x2] =	stream.linear.gather [hbm4b:s11+s1], $0x80, $0x38;
	[tilespmem:$0x1CC00] =	vst v63  }
0xfa: {  	s9 =	sadd.s32 s4, s13;
	s10 =	sand.u32 $0x1FFFFFF0, s15;
	s16 =	spop (v2sf)  }
0xfb: {  	[tilespmem:s8], [sflag:$0x2] =	stream.linear.gather [hbm4b:s9+s1], $0x80, $0x38;
	[tilespmem:$0x1CC00] =	vst v63  }
0xfc: {  	s5 =	sadd.s32 $0x5200, s6;
	s17 =	sand.u32 $0x1FFFFFF0, s16;
	s10 =	sadd.s32 s4, s10  }
0xfd: {  	[tilespmem:s5], [sflag:$0x2] =	stream.linear.gather [hbm4b:s10+s1], $0x80, $0x38;
	[tilespmem:$0x1CC00] =	vst v63  }
0xfe: {  	s7 =	sadd.s32 $0x5280, s6;
	s22 =	spop (v2sf);
	s8 =	sadd.s32 s4, s17  }
0xff: {  	[tilespmem:s7], [sflag:$0x2] =	stream.linear.gather [hbm4b:s8+s1], $0x80, $0x38;
	[tilespmem:$0x1CC00] =	vst v63  }
.Ltmp3:
0x100: {  	s23 =	sand.u32 $0x1FFFFFF0, s22;
	s24 =	spop (v2sf);
	(pc) =	sbr.rel .LBB2_4-.Ltmp3, $4  }
0x101: {  	s26 =	sadd.s32 $0x5300, s6;
	s25 =	sand.u32 $0x1FFFFFF0, s24;
	s5 =	sadd.s32 s4, s23  }
0x102: {  	[tilespmem:s26], [sflag:$0x2] =	stream.linear.gather [hbm4b:s5+s1], $0x80, $0x38;
	[tilespmem:$0x1CC00] =	vst v63  }
0x103: {  	s30 =	simm.s32 $0x540;
	s28 =	sadd.s32 $0x5380, s6;
	s29 =	sadd.s32 s4, s25  }
0x104: {  	[tilespmem:s28], [sflag:$0x2] =	stream.linear.gather [hbm4b:s29+s1], $0x80, $0x38;
	[tilespmem:$0x1CC00] =	vst v63  }
.LBB2_21:
0x105: {  	s1 =	sadd.s32 $0x1, s1  }
0x106: {  	p0 =	sne.s32 s1, $0x20  }
.Ltmp4:
0x107: {  	_ = 	snop;
	(pc) =	sbr.rel @!p0 .LBB2_22-.Ltmp4, $2  }
0x108: {  	_ =	sdelay $0x2  }
0x109: {  	s30 =	sadd.s32 $0x140, s30  }
.LBB2_4:
0x10a: {  	s5 =	sand.u32 $0x1, s1  }
0x10b: {  	p0 =	seq.s32 s5, $0x1  }
.Ltmp5:
0x10c: {  	_ = 	snop;
	(pc) =	sbr.rel @p0 .LBB2_12-.Ltmp5, $1  }
0x10d: {  	_ =	sdelay $0x3  }
0x10e: {  	s6 =	sshll.u32 s1, $0x4  }
0x10f: {  	s7 =	sor.u32 $0x10, s6  }
0x110: {  	v33 =	vld [tilespmem:s7+$0x0];
	_ =	sdelay $0x4  }
0x111: {  	v34 =	vshll.u32 v33, $0x4  }
0x112: {  	(v2sf) =	vpush v34, $0x0;
	_ =	sdelay $0x4  }
0x113: {  	v35 =	vld [tilespmem:s6+$0x210];
	_ =	sdelay $0x4  }
0x114: {  	v62 =	vshll.u32 v35, $0x4  }
0x115: {  	(v2sf) =	vpush v62, $0x0  }
0x116: {  	(v2sf) =	vpush v34, $0x1;
	_ =	sdelay $0x1  }
0x117: {  	(v2sf) =	vpush v62, $0x1  }
0x118: {  	s11 =	spop (v2sf);
	(v2sf) =	vpush v34, $0x2;
	_ =	sdelay $0x1  }
0x119: {  	(v2sf) =	vpush v62, $0x2;
	_ =	sdelay $0x1  }
0x11a: {  	(v2sf) =	vpush v34, $0x3;
	_ =	sdelay $0x2  }
0x11b: {  	(v2sf) =	vpush v62, $0x3;
	_ =	sdelay $0x3  }
0x11c: {  	s7 =	sand.u32 $0x1FFFFFF0, s11;
	s12 =	spop (v2sf)  }
0x11d: {  	s8 =	sadd.s32 s3, s7;
	s7 =	simm.s32 $0x0;
	s13 =	spop (v2sf)  }
0x11e: {  	[tilespmem:s20], [sflag:$0x3] =	stream.linear.gather [hbm4b:s8+s7], $0x80, $0x38;
	[tilespmem:$0x1CC00] =	vst v63  }
0x11f: {  	s15 =	spop (v2sf)  }
0x120: {  	s17 =	spop (v2sf);
	(v2sf) =	vpush v34, $0x4  }
0x121: {  	s8 =	sand.u32 $0x1FFFFFF0, s12  }
0x122: {  	s8 =	sadd.s32 s4, s8;
	s23 =	spop (v2sf);
	(v2sf) =	vpush v62, $0x4  }
0x123: {  	[tilespmem:s19], [sflag:$0x3] =	stream.linear.gather [hbm4b:s8+s7], $0x80, $0x38;
	[tilespmem:$0x1CC00] =	vst v63  }
0x124: {  	s8 =	sand.u32 $0x1FFFFFF0, s13;
	s25 =	spop (v2sf);
	(v2sf) =	vpush v34, $0x5  }
0x125: {  	s14 =	simm.s32 $0x3480;
	s8 =	sadd.s32 s3, s8  }
0x126: {  	[tilespmem:s14], [sflag:$0x3] =	stream.linear.gather [hbm4b:s8+s7], $0x80, $0x38;
	[tilespmem:$0x1CC00] =	vst v63  }
0x127: {  	s28 =	spop (v2sf);
	(v2sf) =	vpush v62, $0x5  }
0x128: {  	s8 =	sand.u32 $0x1FFFFFF0, s15  }
0x129: {  	s16 =	simm.s32 $0x4480;
	s8 =	sadd.s32 s4, s8  }
0x12a: {  	[tilespmem:s16], [sflag:$0x3] =	stream.linear.gather [hbm4b:s8+s7], $0x80, $0x38;
	[tilespmem:$0x1CC00] =	vst v63  }
0x12b: {  	s8 =	sand.u32 $0x1FFFFFF0, s17  }
0x12c: {  	s22 =	simm.s32 $0x3500;
	s8 =	sadd.s32 s3, s8  }
0x12d: {  	[tilespmem:s22], [sflag:$0x3] =	stream.linear.gather [hbm4b:s8+s7], $0x80, $0x38;
	[tilespmem:$0x1CC00] =	vst v63  }
0x12e: {  	s8 =	sand.u32 $0x1FFFFFF0, s23  }
0x12f: {  	s24 =	simm.s32 $0x4500;
	s8 =	sadd.s32 s4, s8;
	s9 =	spop (v2sf);
	(v2sf) =	vpush v34, $0x6  }
0x130: {  	[tilespmem:s24], [sflag:$0x3] =	stream.linear.gather [hbm4b:s8+s7], $0x80, $0x38;
	[tilespmem:$0x1CC00] =	vst v63  }
0x131: {  	s11 =	spop (v2sf);
	(v2sf) =	vpush v62, $0x6  }
0x132: {  	s8 =	sand.u32 $0x1FFFFFF0, s25  }
0x133: {  	s26 =	simm.s32 $0x3580;
	s8 =	sadd.s32 s3, s8;
	s13 =	spop (v2sf);
	(v2sf) =	vpush v34, $0x7  }
0x134: {  	[tilespmem:s26], [sflag:$0x3] =	stream.linear.gather [hbm4b:s8+s7], $0x80, $0x38;
	[tilespmem:$0x1CC00] =	vst v63  }
0x135: {  	s8 =	sand.u32 $0x1FFFFFF0, s28  }
0x136: {  	s29 =	simm.s32 $0x4580;
	s8 =	sadd.s32 s4, s8;
	s15 =	spop (v2sf);
	(v2sf) =	vpush v62, $0x7  }
0x137: {  	[tilespmem:s29], [sflag:$0x3] =	stream.linear.gather [hbm4b:s8+s7], $0x80, $0x38;
	[tilespmem:$0x1CC00] =	vst v63  }
0x138: {  	s8 =	sand.u32 $0x1FFFFFF0, s9  }
0x139: {  	s10 =	simm.s32 $0x3600;
	s8 =	sadd.s32 s3, s8  }
0x13a: {  	[tilespmem:s10], [sflag:$0x3] =	stream.linear.gather [hbm4b:s8+s7], $0x80, $0x38;
	[tilespmem:$0x1CC00] =	vst v63  }
0x13b: {  	s8 =	sand.u32 $0x1FFFFFF0, s11  }
0x13c: {  	s12 =	simm.s32 $0x4600;
	s8 =	sadd.s32 s4, s8  }
0x13d: {  	[tilespmem:s12], [sflag:$0x3] =	stream.linear.gather [hbm4b:s8+s7], $0x80, $0x38;
	[tilespmem:$0x1CC00] =	vst v63  }
0x13e: {  	s17 =	spop (v2sf);
	(v2sf) =	vpush v34, $0x8  }
0x13f: {  	s8 =	sand.u32 $0x1FFFFFF0, s13  }
0x140: {  	s14 =	simm.s32 $0x3680;
	s8 =	sadd.s32 s3, s8;
	s23 =	spop (v2sf);
	(v2sf) =	vpush v62, $0x8  }
0x141: {  	[tilespmem:s14], [sflag:$0x3] =	stream.linear.gather [hbm4b:s8+s7], $0x80, $0x38;
	[tilespmem:$0x1CC00] =	vst v63  }
0x142: {  	s8 =	sand.u32 $0x1FFFFFF0, s15;
	s25 =	spop (v2sf);
	(v2sf) =	vpush v34, $0x9  }
0x143: {  	s16 =	simm.s32 $0x4680;
	s8 =	sadd.s32 s4, s8  }
0x144: {  	[tilespmem:s16], [sflag:$0x3] =	stream.linear.gather [hbm4b:s8+s7], $0x80, $0x38;
	[tilespmem:$0x1CC00] =	vst v63  }
0x145: {  	s28 =	spop (v2sf);
	(v2sf) =	vpush v62, $0x9  }
0x146: {  	s8 =	sand.u32 $0x1FFFFFF0, s17  }
0x147: {  	s22 =	simm.s32 $0x3700;
	s8 =	sadd.s32 s3, s8  }
0x148: {  	[tilespmem:s22], [sflag:$0x3] =	stream.linear.gather [hbm4b:s8+s7], $0x80, $0x38;
	[tilespmem:$0x1CC00] =	vst v63  }
0x149: {  	s8 =	sand.u32 $0x1FFFFFF0, s23  }
0x14a: {  	s24 =	simm.s32 $0x4700;
	s8 =	sadd.s32 s4, s8  }
0x14b: {  	[tilespmem:s24], [sflag:$0x3] =	stream.linear.gather [hbm4b:s8+s7], $0x80, $0x38;
	[tilespmem:$0x1CC00] =	vst v63  }
0x14c: {  	s8 =	sand.u32 $0x1FFFFFF0, s25  }
0x14d: {  	s26 =	simm.s32 $0x3780;
	s8 =	sadd.s32 s3, s8;
	s9 =	spop (v2sf);
	(v2sf) =	vpush v34, $0xA  }
0x14e: {  	[tilespmem:s26], [sflag:$0x3] =	stream.linear.gather [hbm4b:s8+s7], $0x80, $0x38;
	[tilespmem:$0x1CC00] =	vst v63  }
0x14f: {  	s11 =	spop (v2sf);
	(v2sf) =	vpush v62, $0xA  }
0x150: {  	s8 =	sand.u32 $0x1FFFFFF0, s28  }
0x151: {  	s29 =	simm.s32 $0x4780;
	s8 =	sadd.s32 s4, s8;
	s13 =	spop (v2sf);
	(v2sf) =	vpush v34, $0xB  }
0x152: {  	[tilespmem:s29], [sflag:$0x3] =	stream.linear.gather [hbm4b:s8+s7], $0x80, $0x38;
	[tilespmem:$0x1CC00] =	vst v63  }
0x153: {  	s8 =	sand.u32 $0x1FFFFFF0, s9  }
0x154: {  	s10 =	simm.s32 $0x3800;
	s8 =	sadd.s32 s3, s8;
	s15 =	spop (v2sf);
	(v2sf) =	vpush v62, $0xB  }
0x155: {  	[tilespmem:s10], [sflag:$0x3] =	stream.linear.gather [hbm4b:s8+s7], $0x80, $0x38;
	[tilespmem:$0x1CC00] =	vst v63  }
0x156: {  	s8 =	sand.u32 $0x1FFFFFF0, s11  }
0x157: {  	s12 =	simm.s32 $0x4800;
	s8 =	sadd.s32 s4, s8  }
0x158: {  	[tilespmem:s12], [sflag:$0x3] =	stream.linear.gather [hbm4b:s8+s7], $0x80, $0x38;
	[tilespmem:$0x1CC00] =	vst v63  }
0x159: {  	s8 =	sand.u32 $0x1FFFFFF0, s13  }
0x15a: {  	s14 =	simm.s32 $0x3880;
	s8 =	sadd.s32 s3, s8  }
0x15b: {  	[tilespmem:s14], [sflag:$0x3] =	stream.linear.gather [hbm4b:s8+s7], $0x80, $0x38;
	[tilespmem:$0x1CC00] =	vst v63  }
0x15c: {  	s17 =	spop (v2sf);
	(v2sf) =	vpush v34, $0xC  }
0x15d: {  	s8 =	sand.u32 $0x1FFFFFF0, s15  }
0x15e: {  	s16 =	simm.s32 $0x4880;
	s8 =	sadd.s32 s4, s8;
	s23 =	spop (v2sf);
	(v2sf) =	vpush v62, $0xC  }
0x15f: {  	[tilespmem:s16], [sflag:$0x3] =	stream.linear.gather [hbm4b:s8+s7], $0x80, $0x38;
	[tilespmem:$0x1CC00] =	vst v63  }
0x160: {  	s8 =	sand.u32 $0x1FFFFFF0, s17;
	s25 =	spop (v2sf);
	(v2sf) =	vpush v34, $0xD  }
0x161: {  	s22 =	simm.s32 $0x3900;
	s8 =	sadd.s32 s3, s8  }
0x162: {  	[tilespmem:s22], [sflag:$0x3] =	stream.linear.gather [hbm4b:s8+s7], $0x80, $0x38;
	[tilespmem:$0x1CC00] =	vst v63  }
0x163: {  	s28 =	spop (v2sf);
	(v2sf) =	vpush v62, $0xD  }
0x164: {  	s8 =	sand.u32 $0x1FFFFFF0, s23  }
0x165: {  	s24 =	simm.s32 $0x4900;
	s8 =	sadd.s32 s4, s8  }
0x166: {  	[tilespmem:s24], [sflag:$0x3] =	stream.linear.gather [hbm4b:s8+s7], $0x80, $0x38;
	[tilespmem:$0x1CC00] =	vst v63  }
0x167: {  	s8 =	sand.u32 $0x1FFFFFF0, s25  }
0x168: {  	s26 =	simm.s32 $0x3980;
	s8 =	sadd.s32 s3, s8  }
0x169: {  	[tilespmem:s26], [sflag:$0x3] =	stream.linear.gather [hbm4b:s8+s7], $0x80, $0x38;
	[tilespmem:$0x1CC00] =	vst v63  }
0x16a: {  	s8 =	sand.u32 $0x1FFFFFF0, s28  }
0x16b: {  	s29 =	simm.s32 $0x4980;
	s8 =	sadd.s32 s4, s8;
	s9 =	spop (v2sf);
	(v2sf) =	vpush v34, $0xE  }
0x16c: {  	[tilespmem:s29], [sflag:$0x3] =	stream.linear.gather [hbm4b:s8+s7], $0x80, $0x38;
	[tilespmem:$0x1CC00] =	vst v63  }
0x16d: {  	s11 =	spop (v2sf);
	(v2sf) =	vpush v62, $0xE  }
0x16e: {  	s8 =	sand.u32 $0x1FFFFFF0, s9  }
0x16f: {  	s10 =	simm.s32 $0x3A00;
	s8 =	sadd.s32 s3, s8;
	s13 =	spop (v2sf)  }
0x170: {  	(v2sf) =	vpush v34, $0xF;
	[tilespmem:s10], [sflag:$0x3] =	stream.linear.gather [hbm4b:s8+s7], $0x80, $0x38;
	[tilespmem:$0x1CC00] =	vst v63  }
0x171: {  	s8 =	sand.u32 $0x1FFFFFF0, s11  }
0x172: {  	s12 =	simm.s32 $0x4A00;
	s15 =	spop (v2sf);
	s8 =	sadd.s32 s4, s8  }
0x173: {  	(v2sf) =	vpush v62, $0xF;
	[tilespmem:s12], [sflag:$0x3] =	stream.linear.gather [hbm4b:s8+s7], $0x80, $0x38;
	[tilespmem:$0x1CC00] =	vst v63  }
0x174: {  	s8 =	sand.u32 $0x1FFFFFF0, s13  }
0x175: {  	s14 =	simm.s32 $0x3A80;
	s8 =	sadd.s32 s3, s8  }
0x176: {  	[tilespmem:s14], [sflag:$0x3] =	stream.linear.gather [hbm4b:s8+s7], $0x80, $0x38;
	[tilespmem:$0x1CC00] =	vst v63  }
0x177: {  	s8 =	sand.u32 $0x1FFFFFF0, s15  }
0x178: {  	s16 =	simm.s32 $0x4A80;
	s8 =	sadd.s32 s4, s8  }
0x179: {  	[tilespmem:s16], [sflag:$0x3] =	stream.linear.gather [hbm4b:s8+s7], $0x80, $0x38;
	[tilespmem:$0x1CC00] =	vst v63  }
0x17a: {  	s17 =	spop (v2sf)  }
0x17b: {  	s8 =	sand.u32 $0x1FFFFFF0, s17  }
0x17c: {  	s22 =	simm.s32 $0x3B00;
	s23 =	spop (v2sf);
	s8 =	sadd.s32 s3, s8  }
0x17d: {  	[tilespmem:s22], [sflag:$0x3] =	stream.linear.gather [hbm4b:s8+s7], $0x80, $0x38;
	[tilespmem:$0x1CC00] =	vst v63  }
0x17e: {  	s8 =	sand.u32 $0x1FFFFFF0, s23  }
0x17f: {  	s24 =	simm.s32 $0x4B00;
	s25 =	spop (v2sf);
	s8 =	sadd.s32 s4, s8  }
0x180: {  	[tilespmem:s24], [sflag:$0x3] =	stream.linear.gather [hbm4b:s8+s7], $0x80, $0x38;
	[tilespmem:$0x1CC00] =	vst v63  }
0x181: {  	s8 =	sand.u32 $0x1FFFFFF0, s25  }
0x182: {  	s26 =	simm.s32 $0x3B80;
	s28 =	spop (v2sf);
	s8 =	sadd.s32 s3, s8  }
0x183: {  	[tilespmem:s26], [sflag:$0x3] =	stream.linear.gather [hbm4b:s8+s7], $0x80, $0x38;
	[tilespmem:$0x1CC00] =	vst v63  }
0x184: {  	s8 =	sand.u32 $0x1FFFFFF0, s28  }
0x185: {  	s29 =	simm.s32 $0x4B80;
	s8 =	sadd.s32 s4, s8  }
0x186: {  	[tilespmem:s29], [sflag:$0x3] =	stream.linear.gather [hbm4b:s8+s7], $0x80, $0x38;
	[tilespmem:$0x1CC00] =	vst v63  }
0x187: {  	v63 =	vld [tilespmem:s30+$0x0];
	_ =	sdelay $0x4  }
0x188: {  	v33 =	vshll.u32 v63, $0x4  }
0x189: {  	(v2sf) =	vpush v33, $0x0  }
0x18a: {  	(v2sf) =	vpush v33, $0x1  }
0x18b: {  	(v2sf) =	vpush v33, $0x2;
	_ =	sdelay $0x1  }
0x18c: {  	(v2sf) =	vpush v33, $0x4;
	_ =	sdelay $0x1  }
0x18d: {  	[dreg:$0xb] =	wrdreg s5;
	(v2sf) =	vpush v33, $0x3  }
0x18e: {  	[dreg:$0xa] =	wrdreg s30;
	(v2sf) =	vpush v33, $0x5  }
0x18f: {  	s9 =	smov.u32 s30;
	s8 =	simm.s32 $0x2000;
	s7 =	simm.s32 $0x0;
	(v2sf) =	vpush v33, $0x6  }
.LBB2_6:
0x190: {  	p0 =	sne.s32 s8, $0x26000  }
0x191: {  	s12 =	sadd.s32 $0xEC80, s7;
	s16 =	sadd.s32 $0xF180, s7;
	s11 =	smov.u32 s8  }
0x192: {  	s8 =	sadd.s32 $0x2000, s8;
	s23 =	sadd.s32 $0xEF80, s7;
	s14 =	sadd.s32 $0xF200, s7;
	(v2sf) =	vpush v33, $0x7  }
0x193: {  	s25 =	sadd.s32 $0xEE80, s7;
	s22 =	sadd.s32 $0xF000, s7;
	s15 =	sadd.s32 $0xF280, s7  }
0x194: {  	s26 =	sadd.s32 $0xEC00, s7;
	s28 =	sadd.s32 $0xEE00, s7;
	(v2sf) =	vpush v33, $0x8  }
0x195: {  	s29 =	sadd.s32 $0xEF00, s7;
	s9 =	sadd.s32 $0x10, s9  }
0x196: {  	s30 =	sadd.s32 $0xED00, s7;
	s17 =	sadd.s32 $0xF100, s7;
	s24 =	spop (v2sf);
	(v2sf) =	vpush v33, $0x9  }
0x197: {  	s5 =	sand.u32 $0x1FFFFFF0, s24;
	s24 =	sadd.s32 $0xF080, s7;
	s13 =	spop (v2sf)  }
0x198: {  	s5 =	sadd.s32 s4, s5;
	s13 =	sand.u32 $0x1FFFFFF0, s13;
	s10 =	spop (v2sf);
	(v2sf) =	vpush v33, $0xA  }
0x199: {  	[tilespmem:s26], [sflag:$0x3] =	stream.linear.gather [hbm4b:s5+s2], $0x80, $0x38;
	[tilespmem:$0x1CC00] =	vst v63  }
0x19a: {  	s5 =	sadd.s32 s4, s13;
	s13 =	sadd.s32 $0xED80, s7;
	s26 =	spop (v2sf);
	(v2sf) =	vpush v33, $0xB  }
0x19b: {  	[tilespmem:s12], [sflag:$0x3] =	stream.linear.gather [hbm4b:s5+s2], $0x80, $0x38;
	[tilespmem:$0x1CC00] =	vst v63  }
0x19c: {  	s5 =	sand.u32 $0x1FFFFFF0, s10;
	s10 =	sand.u32 $0x1FFFFFF0, s26;
	s12 =	spop (v2sf);
	(v2sf) =	vpush v33, $0xC  }
0x19d: {  	s5 =	sadd.s32 s4, s5;
	s12 =	sand.u32 $0x1FFFFFF0, s12;
	s26 =	spop (v2sf)  }
0x19e: {  	[tilespmem:s30], [sflag:$0x3] =	stream.linear.gather [hbm4b:s5+s2], $0x80, $0x38;
	(v2sf) =	vpush v33, $0xD;
	[tilespmem:$0x1CC00] =	vst v63  }
0x19f: {  	s5 =	sadd.s32 s4, s12;
	s12 =	sand.u32 $0x1FFFFFF0, s26;
	s26 =	spop (v2sf)  }
0x1a0: {  	[tilespmem:s13], [sflag:$0x3] =	stream.linear.gather [hbm4b:s5+s2], $0x80, $0x38;
	(v2sf) =	vpush v33, $0xE;
	[tilespmem:$0x1CC00] =	vst v63  }
0x1a1: {  	s5 =	sadd.s32 s4, s10;
	s10 =	sand.u32 $0x1FFFFFF0, s26;
	s13 =	spop (v2sf)  }
0x1a2: {  	[tilespmem:s28], [sflag:$0x3] =	stream.linear.gather [hbm4b:s5+s2], $0x80, $0x38;
	(v2sf) =	vpush v33, $0xF;
	[tilespmem:$0x1CC00] =	vst v63  }
0x1a3: {  	s5 =	sadd.s32 s4, s12;
	s12 =	sand.u32 $0x1FFFFFF0, s13;
	s13 =	spop (v2sf)  }
0x1a4: {  	[tilespmem:s25], [sflag:$0x3] =	stream.linear.gather [hbm4b:s5+s2], $0x80, $0x38;
	[tilespmem:$0x1CC00] =	vst v63  }
0x1a5: {  	s5 =	sadd.s32 s4, s10;
	s10 =	sand.u32 $0x1FFFFFF0, s13;
	s13 =	spop (v2sf)  }
0x1a6: {  	[tilespmem:s29], [sflag:$0x3] =	stream.linear.gather [hbm4b:s5+s2], $0x80, $0x38;
	[tilespmem:$0x1CC00] =	vst v63  }
0x1a7: {  	s5 =	sadd.s32 s4, s12;
	s12 =	sand.u32 $0x1FFFFFF0, s13;
	s13 =	spop (v2sf)  }
0x1a8: {  	[tilespmem:s23], [sflag:$0x3] =	stream.linear.gather [hbm4b:s5+s2], $0x80, $0x38;
	[tilespmem:$0x1CC00] =	vst v63  }
0x1a9: {  	s5 =	sadd.s32 s4, s10;
	s10 =	sand.u32 $0x1FFFFFF0, s13;
	s13 =	spop (v2sf)  }
0x1aa: {  	[tilespmem:s22], [sflag:$0x3] =	stream.linear.gather [hbm4b:s5+s2], $0x80, $0x38;
	[tilespmem:$0x1CC00] =	vst v63  }
0x1ab: {  	s5 =	sadd.s32 s4, s12;
	s12 =	sand.u32 $0x1FFFFFF0, s13;
	s13 =	spop (v2sf)  }
0x1ac: {  	[tilespmem:s24], [sflag:$0x3] =	stream.linear.gather [hbm4b:s5+s2], $0x80, $0x38;
	[tilespmem:$0x1CC00] =	vst v63  }
0x1ad: {  	s5 =	sadd.s32 s4, s10;
	s10 =	sand.u32 $0x1FFFFFF0, s13;
	s13 =	spop (v2sf)  }
0x1ae: {  	[tilespmem:s17], [sflag:$0x3] =	stream.linear.gather [hbm4b:s5+s2], $0x80, $0x38;
	[tilespmem:$0x1CC00] =	vst v63  }
0x1af: {  	s5 =	sadd.s32 s4, s12;
	s12 =	sand.u32 $0x1FFFFFF0, s13;
	s13 =	spop (v2sf)  }
0x1b0: {  	[tilespmem:s16], [sflag:$0x3] =	stream.linear.gather [hbm4b:s5+s2], $0x80, $0x38;
	[tilespmem:$0x1CC00] =	vst v63  }
0x1b1: {  	s5 =	sadd.s32 s4, s10;
	s10 =	sand.u32 $0x1FFFFFF0, s13;
	s13 =	spop (v2sf)  }
0x1b2: {  	[tilespmem:s14], [sflag:$0x3] =	stream.linear.gather [hbm4b:s5+s2], $0x80, $0x38;
	[tilespmem:$0x1CC00] =	vst v63  }
0x1b3: {  	s5 =	sadd.s32 s4, s12;
	s12 =	sand.u32 $0x1FFFFFF0, s13  }
0x1b4: {  	[tilespmem:s15], [sflag:$0x3] =	stream.linear.gather [hbm4b:s5+s2], $0x80, $0x38;
	[tilespmem:$0x1CC00] =	vst v63  }
0x1b5: {  	s10 =	sadd.s32 s4, s10;
	s5 =	sadd.s32 $0xF300, s7  }
0x1b6: {  	[tilespmem:s5], [sflag:$0x3] =	stream.linear.gather [hbm4b:s10+s2], $0x80, $0x38;
	[tilespmem:$0x1CC00] =	vst v63  }
0x1b7: {  	s5 =	sadd.s32 $0xF380, s7;
	s7 =	sadd.s32 s4, s12  }
0x1b8: {  	[tilespmem:s5], [sflag:$0x3] =	stream.linear.gather [hbm4b:s7+s2], $0x80, $0x38;
	[tilespmem:$0x1CC00] =	vst v63  }
0x1b9: {  	v33 =	vld [tilespmem:s9+$0x0];
	_ =	sdelay $0x4  }
0x1ba: {  	v33 =	vshll.u32 v33, $0x4  }
0x1bb: {  	(v2sf) =	vpush v33, $0x0  }
0x1bc: {  	(v2sf) =	vpush v33, $0x1  }
0x1bd: {  	(v2sf) =	vpush v33, $0x2;
	_ =	sdelay $0x1  }
0x1be: {  	(v2sf) =	vpush v33, $0x4  }
.Ltmp6:
0x1bf: {  	(pc) =	sbr.rel @p0 .LBB2_6-.Ltmp6, $3  }
0x1c0: {  	(v2sf) =	vpush v33, $0x3  }
0x1c1: {  	(v2sf) =	vpush v33, $0x5;
	_ =	sdelay $0x1  }
0x1c2: {  	s7 =	sshra.s32 s11, $0x2;
	(v2sf) =	vpush v33, $0x6  }
0x1c3: {  	_ =	sdelay $0x1  }
0x1c4: {  	s5 =	sadd.s32 $0xEC80, s7;
	s11 =	sadd.s32 $0xF180, s7  }
0x1c5: {  	s10 =	sadd.s32 $0xEF80, s7;
	s8 =	sadd.s32 $0xF200, s7;
	(v2sf) =	vpush v33, $0x7;
	s12 =	sadd.s32 $0xEE80, s7  }
0x1c6: {  	s13 =	sadd.s32 $0xF000, s7;
	s9 =	sadd.s32 $0xF280, s7;
	s14 =	sadd.s32 $0xEC00, s7  }
0x1c7: {  	s15 =	sadd.s32 $0xEE00, s7;
	s16 =	sadd.s32 $0xEF00, s7;
	(v2sf) =	vpush v33, $0x8;
	s17 =	spop (v2sf)  }
0x1c8: {  	s22 =	sadd.s32 $0xED00, s7;
	s17 =	sand.u32 $0x1FFFFFF0, s17;
	s23 =	spop (v2sf)  }
0x1c9: {  	(v2sf) =	vpush v33, $0x9;
	s17 =	sadd.s32 s4, s17;
	s23 =	sand.u32 $0x1FFFFFF0, s23;
	s24 =	spop (v2sf)  }
0x1ca: {  	[tilespmem:s14], [sflag:$0x3] =	stream.linear.gather [hbm4b:s17+s2], $0x80, $0x38;
	[tilespmem:$0x1CC00] =	vst v63  }
0x1cb: {  	(v2sf) =	vpush v33, $0xA;
	s25 =	sadd.s32 s4, s23;
	s28 =	sand.u32 $0x1FFFFFF0, s24;
	s26 =	spop (v2sf)  }
0x1cc: {  	[tilespmem:s5], [sflag:$0x3] =	stream.linear.gather [hbm4b:s25+s2], $0x80, $0x38;
	[tilespmem:$0x1CC00] =	vst v63  }
0x1cd: {  	s14 =	sadd.s32 $0xF100, s7;
	(v2sf) =	vpush v33, $0xB;
	s17 =	sadd.s32 s4, s28;
	s29 =	spop (v2sf)  }
0x1ce: {  	s5 =	sadd.s32 $0xF080, s7;
	s25 =	sadd.s32 $0xED80, s7;
	s24 =	sand.u32 $0x1FFFFFF0, s29  }
0x1cf: {  	(v2sf) =	vpush v33, $0xC;
	[tilespmem:s22], [sflag:$0x3] =	stream.linear.gather [hbm4b:s17+s2], $0x80, $0x38;
	[tilespmem:$0x1CC00] =	vst v63  }
0x1d0: {  	s30 =	sand.u32 $0x1FFFFFF0, s26;
	s26 =	spop (v2sf);
	s28 =	sadd.s32 s4, s24  }
0x1d1: {  	(v2sf) =	vpush v33, $0xD;
	[tilespmem:s25], [sflag:$0x3] =	stream.linear.gather [hbm4b:s28+s2], $0x80, $0x38;
	[tilespmem:$0x1CC00] =	vst v63  }
0x1d2: {  	s17 =	sadd.s32 s4, s30;
	s22 =	sand.u32 $0x1FFFFFF0, s26;
	s29 =	spop (v2sf)  }
0x1d3: {  	(v2sf) =	vpush v33, $0xE;
	[tilespmem:s15], [sflag:$0x3] =	stream.linear.gather [hbm4b:s17+s2], $0x80, $0x38;
	[tilespmem:$0x1CC00] =	vst v63  }
0x1d4: {  	s22 =	sadd.s32 s4, s22;
	s30 =	sand.u32 $0x1FFFFFF0, s29;
	s23 =	spop (v2sf)  }
0x1d5: {  	(v2sf) =	vpush v33, $0xF;
	[tilespmem:s12], [sflag:$0x3] =	stream.linear.gather [hbm4b:s22+s2], $0x80, $0x38;
	[tilespmem:$0x1CC00] =	vst v63  }
0x1d6: {  	s24 =	sand.u32 $0x1FFFFFF0, s23;
	s25 =	spop (v2sf);
	s15 =	sadd.s32 s4, s30  }
0x1d7: {  	[tilespmem:s16], [sflag:$0x3] =	stream.linear.gather [hbm4b:s15+s2], $0x80, $0x38;
	[tilespmem:$0x1CC00] =	vst v63  }
0x1d8: {  	s26 =	sand.u32 $0x1FFFFFF0, s25;
	s12 =	sadd.s32 s4, s24;
	s28 =	spop (v2sf)  }
0x1d9: {  	[tilespmem:s10], [sflag:$0x3] =	stream.linear.gather [hbm4b:s12+s2], $0x80, $0x38;
	[tilespmem:$0x1CC00] =	vst v63  }
0x1da: {  	s15 =	sadd.s32 s4, s26;
	s29 =	sand.u32 $0x1FFFFFF0, s28;
	s30 =	spop (v2sf)  }
0x1db: {  	[tilespmem:s13], [sflag:$0x3] =	stream.linear.gather [hbm4b:s15+s2], $0x80, $0x38;
	[tilespmem:$0x1CC00] =	vst v63  }
0x1dc: {  	s12 =	sand.u32 $0x1FFFFFF0, s30;
	s10 =	sadd.s32 s4, s29;
	s15 =	spop (v2sf)  }
0x1dd: {  	[tilespmem:s5], [sflag:$0x3] =	stream.linear.gather [hbm4b:s10+s2], $0x80, $0x38;
	[tilespmem:$0x1CC00] =	vst v63  }
0x1de: {  	s12 =	sadd.s32 s4, s12;
	s16 =	sand.u32 $0x1FFFFFF0, s15;
	s17 =	spop (v2sf)  }
0x1df: {  	[tilespmem:s14], [sflag:$0x3] =	stream.linear.gather [hbm4b:s12+s2], $0x80, $0x38;
	[tilespmem:$0x1CC00] =	vst v63  }
0x1e0: {  	s5 =	sadd.s32 s4, s16;
	s10 =	sand.u32 $0x1FFFFFF0, s17;
	s22 =	spop (v2sf)  }
0x1e1: {  	[tilespmem:s11], [sflag:$0x3] =	stream.linear.gather [hbm4b:s5+s2], $0x80, $0x38;
	[tilespmem:$0x1CC00] =	vst v63  }
0x1e2: {  	s23 =	sand.u32 $0x1FFFFFF0, s22;
	s10 =	sadd.s32 s4, s10;
	s24 =	spop (v2sf)  }
0x1e3: {  	[tilespmem:s8], [sflag:$0x3] =	stream.linear.gather [hbm4b:s10+s2], $0x80, $0x38;
	[tilespmem:$0x1CC00] =	vst v63  }
0x1e4: {  	s25 =	sand.u32 $0x1FFFFFF0, s24;
	s26 =	spop (v2sf);
	s5 =	sadd.s32 s4, s23  }
0x1e5: {  	[tilespmem:s9], [sflag:$0x3] =	stream.linear.gather [hbm4b:s5+s2], $0x80, $0x38;
	[tilespmem:$0x1CC00] =	vst v63  }
0x1e6: {  	s29 =	sadd.s32 $0xF300, s7;
	s28 =	sand.u32 $0x1FFFFFF0, s26;
	s8 =	sadd.s32 s4, s25  }
0x1e7: {  	[tilespmem:s29], [sflag:$0x3] =	stream.linear.gather [hbm4b:s8+s2], $0x80, $0x38;
	[tilespmem:$0x1CC00] =	vst v63  }
0x1e8: {  	s30 =	sadd.s32 $0xF380, s7;
	s5 =	sadd.s32 s4, s28  }
0x1e9: {  	[tilespmem:s30], [sflag:$0x3] =	stream.linear.gather [hbm4b:s5+s2], $0x80, $0x38;
	[tilespmem:$0x1CC00] =	vst v63  }
0x1ea: {  	_ =	swait.ge [sflag:s31], $0x80  }
0x1eb: {  	s7 =	simm.s32 $0x15F;
	[sflag:s31] =	ssyncset.done $0x0  }
.LBB2_8:
0x1ec: {  	p0 =	sne.s32 s7, $0x1;
	s7 =	sadd.s32 $0xFFFFFFFF, s7;
	[sflag:s31] =	ssyncadd.s32 $0xFFFFFF80  }
.Ltmp7:
0x1ed: {  	(pc) =	sbr.rel @p0 .LBB2_8-.Ltmp7, $3  }
0x1ee: {  	_ =	sdelay $0x1  }
0x1ef: {  	_ =	swait.ge [sflag:s31], $0x80  }
0x1f0: {  	[sflag:s31] =	ssyncset.done $0x0  }
0x1f1: {  	_ =	sdelay $0x1  }
0x1f2: {  	v0 =	vld [tilespmem:$0x1FF50]  }
0x1f3: {  	[sflag:s31] =	ssyncadd.s32 $0xFFFFFF80;
	s7 =	simm.s32 $0x3C00  }
0x1f4: {  	v33 =	vld.idx.msk [tilespmem:v1+s7+$0x0], $0xffff;
	_ =	sdelay $0x3  }
0x1f5: {  	s5 =	simm.s32 $0x2C00  }
0x1f6: {  	v34 =	vld.idx.msk [tilespmem:v1+s5+$0x0], $0xffff;
	[tilespmem:$0x18C00] =	vst v33  }
0x1f7: {  	v35 =	vld.idx.msk [tilespmem:v0+s7+$0x0], $0xffff  }
0x1f8: {  	v36 =	vld.idx.msk [tilespmem:v0+s5+$0x0], $0xffff  }
0x1f9: {  	v0 =	vld [tilespmem:$0x1FF60];
	_ =	sdelay $0x6  }
0x1fa: {  	[tilespmem:$0x18C80] =	vst v35  }
0x1fb: {  	v37 =	vld.idx.msk [tilespmem:v0+s7+$0x0], $0xffff  }
0x1fc: {  	v38 =	vld.idx.msk [tilespmem:v0+s5+$0x0], $0xffff  }
0x1fd: {  	v0 =	vld [tilespmem:$0x1FF70];
	_ =	sdelay $0x6  }
0x1fe: {  	[tilespmem:$0x18D00] =	vst v37  }
0x1ff: {  	v39 =	vld.idx.msk [tilespmem:v0+s7+$0x0], $0xffff  }
0x200: {  	v40 =	vld.idx.msk [tilespmem:v0+s5+$0x0], $0xffff  }
0x201: {  	v0 =	vld [tilespmem:$0x1FF80];
	_ =	sdelay $0x6  }
0x202: {  	[tilespmem:$0x18D80] =	vst v39  }
0x203: {  	v41 =	vld.idx.msk [tilespmem:v0+s7+$0x0], $0xffff  }
0x204: {  	v42 =	vld.idx.msk [tilespmem:v0+s5+$0x0], $0xffff  }
0x205: {  	v0 =	vld [tilespmem:$0x1FF90];
	_ =	sdelay $0x6  }
0x206: {  	[tilespmem:$0x18E00] =	vst v41  }
0x207: {  	v43 =	vld.idx.msk [tilespmem:v0+s7+$0x0], $0xffff  }
0x208: {  	v44 =	vld.idx.msk [tilespmem:v0+s5+$0x0], $0xffff  }
0x209: {  	v0 =	vld [tilespmem:$0x1FFA0];
	_ =	sdelay $0x6  }
0x20a: {  	[tilespmem:$0x18E80] =	vst v43  }
0x20b: {  	v45 =	vld.idx.msk [tilespmem:v0+s7+$0x0], $0xffff  }
0x20c: {  	v46 =	vld.idx.msk [tilespmem:v0+s5+$0x0], $0xffff  }
0x20d: {  	v0 =	vld [tilespmem:$0x1FFB0];
	_ =	sdelay $0x6  }
0x20e: {  	[tilespmem:$0x18F00] =	vst v45  }
0x20f: {  	v47 =	vld.idx.msk [tilespmem:v0+s7+$0x0], $0xffff  }
0x210: {  	v48 =	vld.idx.msk [tilespmem:v0+s5+$0x0], $0xffff  }
0x211: {  	v0 =	vld [tilespmem:$0x1FFC0];
	_ =	sdelay $0x6  }
0x212: {  	[tilespmem:$0x18F80] =	vst v47  }
0x213: {  	v49 =	vld.idx.msk [tilespmem:v0+s7+$0x0], $0xffff  }
0x214: {  	v50 =	vld.idx.msk [tilespmem:v0+s5+$0x0], $0xffff  }
0x215: {  	v0 =	vld [tilespmem:$0x1FFD0];
	_ =	sdelay $0x6  }
0x216: {  	[tilespmem:$0x19000] =	vst v49  }
0x217: {  	v51 =	vld.idx.msk [tilespmem:v0+s7+$0x0], $0xffff  }
0x218: {  	v52 =	vld.idx.msk [tilespmem:v0+s5+$0x0], $0xffff  }
0x219: {  	v0 =	vld [tilespmem:$0x1FFE0];
	_ =	sdelay $0x6  }
0x21a: {  	[tilespmem:$0x19080] =	vst v51  }
0x21b: {  	v53 =	vld.idx.msk [tilespmem:v0+s7+$0x0], $0xffff  }
0x21c: {  	v54 =	vld.idx.msk [tilespmem:v0+s5+$0x0], $0xffff  }
0x21d: {  	v0 =	vld [tilespmem:$0x1FFF0];
	_ =	sdelay $0x6  }
0x21e: {  	[tilespmem:$0x19100] =	vst v53  }
0x21f: {  	v55 =	vld.idx.msk [tilespmem:v0+s7+$0x0], $0xffff;
	_ =	sdelay $0x4  }
0x220: {  	v56 =	vld.idx.msk [tilespmem:v0+s5+$0x0], $0xffff;
	[tilespmem:$0x19180] =	vst v55  }
0x221: {  	v57 =	vld.idx.msk [tilespmem:v13+s7+$0x0], $0xffff;
	_ =	sdelay $0x4  }
0x222: {  	v58 =	vld.idx.msk [tilespmem:v13+s5+$0x0], $0xffff;
	[tilespmem:$0x19200] =	vst v57  }
0x223: {  	v59 =	vld.idx.msk [tilespmem:v14+s7+$0x0], $0xffff;
	_ =	sdelay $0x4  }
0x224: {  	v60 =	vld.idx.msk [tilespmem:v14+s5+$0x0], $0xffff;
	[tilespmem:$0x19280] =	vst v59  }
0x225: {  	v61 =	vld.idx.msk [tilespmem:v15+s7+$0x0], $0xffff;
	_ =	sdelay $0x4  }
0x226: {  	v62 =	vld.idx.msk [tilespmem:v15+s5+$0x0], $0xffff;
	[tilespmem:$0x19300] =	vst v61  }
0x227: {  	v63 =	vld.idx.msk [tilespmem:v16+s7+$0x0], $0xffff;
	_ =	sdelay $0x4  }
0x228: {  	v0 =	vld.idx.msk [tilespmem:v16+s5+$0x0], $0xffff;
	[tilespmem:$0x19380] =	vst v63  }
0x229: {  	v2 =	vld.idx.msk [tilespmem:v17+s7+$0x0], $0xffff;
	_ =	sdelay $0x4  }
0x22a: {  	v3 =	vld.idx.msk [tilespmem:v17+s5+$0x0], $0xffff;
	[tilespmem:$0x19400] =	vst v2  }
0x22b: {  	v4 =	vld.idx.msk [tilespmem:v18+s7+$0x0], $0xffff;
	_ =	sdelay $0x4  }
0x22c: {  	v5 =	vld.idx.msk [tilespmem:v18+s5+$0x0], $0xffff;
	[tilespmem:$0x19480] =	vst v4  }
0x22d: {  	v6 =	vld.idx.msk [tilespmem:v19+s7+$0x0], $0xffff;
	_ =	sdelay $0x4  }
0x22e: {  	v7 =	vld.idx.msk [tilespmem:v19+s5+$0x0], $0xffff;
	[tilespmem:$0x19500] =	vst v6  }
0x22f: {  	v8 =	vld.idx.msk [tilespmem:v20+s7+$0x0], $0xffff;
	_ =	sdelay $0x4  }
0x230: {  	v9 =	vld.idx.msk [tilespmem:v20+s5+$0x0], $0xffff;
	[tilespmem:$0x19580] =	vst v8  }
0x231: {  	v10 =	vld.idx.msk [tilespmem:v21+s7+$0x0], $0xffff;
	_ =	sdelay $0x4  }
0x232: {  	v11 =	vld.idx.msk [tilespmem:v21+s5+$0x0], $0xffff;
	[tilespmem:$0x19600] =	vst v10  }
0x233: {  	v12 =	vld.idx.msk [tilespmem:v22+s7+$0x0], $0xffff;
	_ =	sdelay $0x2  }
0x234: {  	v33 =	vmul.f32 v34, v33;
	_ =	sdelay $0x1  }
0x235: {  	v33 =	vadd.f32 $0.0e+00, v33;
	v35 =	vmul.f32 v36, v35;
	v34 =	vld.idx.msk [tilespmem:v22+s5+$0x0], $0xffff;
	[tilespmem:$0x19680] =	vst v12  }
0x236: {  	v36 =	vld.idx.msk [tilespmem:v23+s7+$0x0], $0xffff  }
0x237: {  	v33 =	vadd.f32 v35, v33;
	v38 =	vmul.f32 v38, v37;
	_ =	sdelay $0x1  }
0x238: {  	v33 =	vadd.f32 v38, v33;
	v40 =	vmul.f32 v40, v39;
	_ =	sdelay $0x1  }
0x239: {  	v33 =	vadd.f32 v40, v33;
	v42 =	vmul.f32 v42, v41;
	v37 =	vld.idx.msk [tilespmem:v23+s5+$0x0], $0xffff;
	[tilespmem:$0x19700] =	vst v36  }
0x23a: {  	v38 =	vld.idx.msk [tilespmem:v24+s7+$0x0], $0xffff  }
0x23b: {  	v33 =	vadd.f32 v42, v33;
	v44 =	vmul.f32 v44, v43;
	_ =	sdelay $0x1  }
0x23c: {  	v33 =	vadd.f32 v44, v33;
	v46 =	vmul.f32 v46, v45;
	_ =	sdelay $0x1  }
0x23d: {  	v33 =	vadd.f32 v46, v33;
	v47 =	vmul.f32 v48, v47;
	v39 =	vld.idx.msk [tilespmem:v24+s5+$0x0], $0xffff;
	[tilespmem:$0x19780] =	vst v38  }
0x23e: {  	v48 =	vld.idx.msk [tilespmem:v25+s7+$0x0], $0xffff  }
0x23f: {  	v33 =	vadd.f32 v47, v33;
	v50 =	vmul.f32 v50, v49;
	_ =	sdelay $0x1  }
0x240: {  	v33 =	vadd.f32 v50, v33;
	v51 =	vmul.f32 v52, v51;
	_ =	sdelay $0x1  }
0x241: {  	v33 =	vadd.f32 v51, v33;
	v53 =	vmul.f32 v54, v53;
	v52 =	vld.idx.msk [tilespmem:v25+s5+$0x0], $0xffff;
	[tilespmem:$0x19800] =	vst v48  }
0x242: {  	v54 =	vld.idx.msk [tilespmem:v26+s7+$0x0], $0xffff  }
0x243: {  	v33 =	vadd.f32 v53, v33;
	v56 =	vmul.f32 v56, v55;
	_ =	sdelay $0x1  }
0x244: {  	v33 =	vadd.f32 v56, v33;
	v57 =	vmul.f32 v58, v57;
	_ =	sdelay $0x1  }
0x245: {  	v33 =	vadd.f32 v57, v33;
	v59 =	vmul.f32 v60, v59;
	v58 =	vld.idx.msk [tilespmem:v26+s5+$0x0], $0xffff;
	[tilespmem:$0x19880] =	vst v54  }
0x246: {  	v60 =	vld.idx.msk [tilespmem:v27+s7+$0x0], $0xffff  }
0x247: {  	v33 =	vadd.f32 v59, v33;
	v61 =	vmul.f32 v62, v61;
	_ =	sdelay $0x1  }
0x248: {  	v33 =	vadd.f32 v61, v33;
	v0 =	vmul.f32 v0, v63;
	_ =	sdelay $0x1  }
0x249: {  	v0 =	vadd.f32 v0, v33;
	v2 =	vmul.f32 v3, v2;
	v62 =	vld.idx.msk [tilespmem:v27+s5+$0x0], $0xffff;
	[tilespmem:$0x19900] =	vst v60  }
0x24a: {  	v3 =	vld.idx.msk [tilespmem:v28+s7+$0x0], $0xffff  }
0x24b: {  	v0 =	vadd.f32 v2, v0;
	v2 =	vmul.f32 v5, v4;
	_ =	sdelay $0x1  }
0x24c: {  	v0 =	vadd.f32 v2, v0;
	v2 =	vmul.f32 v7, v6;
	_ =	sdelay $0x1  }
0x24d: {  	v0 =	vadd.f32 v2, v0;
	v2 =	vmul.f32 v9, v8;
	v63 =	vld.idx.msk [tilespmem:v28+s5+$0x0], $0xffff;
	[tilespmem:$0x19980] =	vst v3  }
0x24e: {  	v33 =	vld.idx.msk [tilespmem:v29+s7+$0x0], $0xffff  }
0x24f: {  	v0 =	vadd.f32 v2, v0;
	v2 =	vmul.f32 v11, v10;
	_ =	sdelay $0x1  }
0x250: {  	v0 =	vadd.f32 v2, v0;
	v2 =	vmul.f32 v34, v12;
	_ =	sdelay $0x1  }
0x251: {  	v0 =	vadd.f32 v2, v0;
	v2 =	vmul.f32 v37, v36;
	v34 =	vld.idx.msk [tilespmem:v29+s5+$0x0], $0xffff;
	[tilespmem:$0x19A00] =	vst v33  }
0x252: {  	v37 =	vld.idx.msk [tilespmem:v30+s7+$0x0], $0xffff  }
0x253: {  	v0 =	vadd.f32 v2, v0;
	v2 =	vmul.f32 v39, v38;
	_ =	sdelay $0x1  }
0x254: {  	v0 =	vadd.f32 v2, v0;
	v2 =	vmul.f32 v52, v48;
	_ =	sdelay $0x1  }
0x255: {  	v0 =	vadd.f32 v2, v0;
	v2 =	vmul.f32 v58, v54;
	v41 =	vld.idx.msk [tilespmem:v30+s5+$0x0], $0xffff;
	[tilespmem:$0x19A80] =	vst v37  }
0x256: {  	v43 =	vld.idx.msk [tilespmem:v31+s7+$0x0], $0xffff  }
0x257: {  	v0 =	vadd.f32 v2, v0;
	v2 =	vmul.f32 v62, v60;
	_ =	sdelay $0x1  }
0x258: {  	v0 =	vadd.f32 v2, v0;
	v2 =	vmul.f32 v63, v3  }
0x259: {  	v3 =	vld.idx.msk [tilespmem:v31+s5+$0x0], $0xffff  }
0x25a: {  	v0 =	vadd.f32 v2, v0;
	v2 =	vmul.f32 v34, v33;
	[tilespmem:$0x19B00] =	vst v43  }
0x25b: {  	v45 =	vld.idx.msk [tilespmem:v32+s7+$0x0], $0xffff  }
0x25c: {  	v0 =	vadd.f32 v2, v0;
	v2 =	vmul.f32 v41, v37;
	v46 =	vld.idx.msk [tilespmem:v32+s5+$0x0], $0xffff;
	_ =	sdelay $0x1  }
0x25d: {  	s25 =	simm.s32 $0x0;
	v0 =	vadd.f32 v2, v0;
	v2 =	vmul.f32 v3, v43;
	v3 =	vlaneseq.u32  }
0x25e: {  	v34 =	vmul.u32 $0xA00, v3;
	v3 =	vmov s25  }
0x25f: {  	v3 =	vshll.u32 v3, $0x7  }
0x260: {  	s26 =	sshll.u32 s1, $0x7;
	v0 =	vadd.f32 v2, v0;
	v33 =	vadd.s32 v34, v3;
	v2 =	vmul.f32 v46, v45  }
0x261: {  	s5 =	sand.u32 $0xC00, s26  }
0x262: {  	s28 =	sand.u32 $0x60, s6;
	s6 =	sadd.s32 $0x19C00, s5;
	v0 =	vadd.f32 v2, v0  }
0x263: {  	s5 =	sor.u32 s28, s6;
	[tilespmem:$0x19B80] =	vst v45;
	v2 =	vor.u32 $0x1, v33  }
0x264: {  	[tilespmem:s5+$0x0] =	vst v0  }
0x265: {  	v0 =	vor.u32 $0x2, v33;
	v3 =	vld.idx.msk [tilespmem:v33+s0+$0x0], $0xffff  }
0x266: {  	v48 =	vor.u32 $0x3, v33;
	v47 =	vld [tilespmem:$0x18C00]  }
0x267: {  	v49 =	vld [tilespmem:$0x18C80]  }
0x268: {  	v50 =	vor.u32 $0x4, v33;
	v2 =	vld.idx.msk [tilespmem:v2+s0+$0x0], $0xffff  }
0x269: {  	v51 =	vld [tilespmem:$0x18D00]  }
0x26a: {  	v0 =	vld.idx.msk [tilespmem:v0+s0+$0x0], $0xffff  }
0x26b: {  	v52 =	vor.u32 $0x5, v33;
	v53 =	vld.idx.msk [tilespmem:v48+s0+$0x0], $0xffff;
	v3 =	vmul.f32 v47, v3  }
0x26c: {  	v55 =	vor.u32 $0x6, v33;
	v54 =	vld [tilespmem:$0x18D80]  }
0x26d: {  	v56 =	vld.idx.msk [tilespmem:v50+s0+$0x0], $0xffff;
	v3 =	vadd.f32 $0.0e+00, v3;
	v2 =	vmul.f32 v49, v2  }
0x26e: {  	v58 =	vor.u32 $0x7, v33;
	v57 =	vld [tilespmem:$0x18E00]  }
0x26f: {  	v59 =	vld [tilespmem:$0x18E80];
	v2 =	vadd.f32 v2, v3;
	v0 =	vmul.f32 v51, v0  }
0x270: {  	v3 =	vld.idx.msk [tilespmem:v52+s0+$0x0], $0xffff  }
0x271: {  	v60 =	vor.u32 $0x8, v33;
	v61 =	vld.idx.msk [tilespmem:v55+s0+$0x0], $0xffff;
	v0 =	vadd.f32 v0, v2;
	v2 =	vmul.f32 v54, v53  }
0x272: {  	v63 =	vor.u32 $0x9, v33;
	v62 =	vld [tilespmem:$0x18F00]  }
0x273: {  	v35 =	vld.idx.msk [tilespmem:v58+s0+$0x0], $0xffff;
	v0 =	vadd.f32 v2, v0;
	v2 =	vmul.f32 v57, v56  }
0x274: {  	v37 =	vor.u32 $0xA, v33;
	v36 =	vld [tilespmem:$0x18F80]  }
0x275: {  	v38 =	vld [tilespmem:$0x19000];
	v0 =	vadd.f32 v2, v0;
	v2 =	vmul.f32 v59, v3  }
0x276: {  	v3 =	vld.idx.msk [tilespmem:v60+s0+$0x0], $0xffff  }
0x277: {  	v39 =	vor.u32 $0xB, v33;
	v40 =	vld.idx.msk [tilespmem:v63+s0+$0x0], $0xffff;
	v0 =	vadd.f32 v2, v0;
	v2 =	vmul.f32 v62, v61  }
0x278: {  	v42 =	vor.u32 $0xC, v33;
	v41 =	vld [tilespmem:$0x19080]  }
0x279: {  	v43 =	vld.idx.msk [tilespmem:v37+s0+$0x0], $0xffff;
	v0 =	vadd.f32 v2, v0;
	v2 =	vmul.f32 v36, v35  }
0x27a: {  	v45 =	vor.u32 $0xD, v33;
	v44 =	vld [tilespmem:$0x19100]  }
0x27b: {  	v46 =	vld [tilespmem:$0x19180];
	v0 =	vadd.f32 v2, v0;
	v2 =	vmul.f32 v38, v3  }
0x27c: {  	v3 =	vld.idx.msk [tilespmem:v39+s0+$0x0], $0xffff  }
0x27d: {  	v48 =	vld.idx.msk [tilespmem:v42+s0+$0x0], $0xffff;
	v47 =	vor.u32 $0xE, v33;
	v0 =	vadd.f32 v2, v0;
	v2 =	vmul.f32 v41, v40  }
0x27e: {  	v50 =	vor.u32 $0xF, v33;
	v49 =	vld [tilespmem:$0x19200]  }
0x27f: {  	v51 =	vld.idx.msk [tilespmem:v45+s0+$0x0], $0xffff;
	v0 =	vadd.f32 v2, v0;
	v2 =	vmul.f32 v44, v43  }
0x280: {  	v52 =	vld [tilespmem:$0x19280]  }
0x281: {  	v53 =	vor.u32 $0x10, v33;
	v54 =	vld [tilespmem:$0x19300];
	v0 =	vadd.f32 v2, v0;
	v2 =	vmul.f32 v46, v3  }
0x282: {  	v3 =	vld.idx.msk [tilespmem:v47+s0+$0x0], $0xffff  }
0x283: {  	v55 =	vor.u32 $0x11, v33;
	v56 =	vld.idx.msk [tilespmem:v50+s0+$0x0], $0xffff;
	v0 =	vadd.f32 v2, v0;
	v2 =	vmul.f32 v49, v48  }
0x284: {  	v58 =	vor.u32 $0x12, v33;
	v57 =	vld [tilespmem:$0x19380]  }
0x285: {  	v60 =	vld [tilespmem:$0x19400];
	v0 =	vadd.f32 v2, v0;
	v2 =	vmul.f32 v52, v51  }
0x286: {  	v59 =	vld.idx.msk [tilespmem:v53+s0+$0x0], $0xffff  }
0x287: {  	v61 =	vor.u32 $0x13, v33;
	v62 =	vld [tilespmem:$0x19480];
	v0 =	vadd.f32 v2, v0;
	v2 =	vmul.f32 v54, v3  }
0x288: {  	v3 =	vld.idx.msk [tilespmem:v55+s0+$0x0], $0xffff  }
0x289: {  	v63 =	vor.u32 $0x14, v33;
	v35 =	vld.idx.msk [tilespmem:v58+s0+$0x0], $0xffff;
	v0 =	vadd.f32 v2, v0;
	v2 =	vmul.f32 v57, v56  }
0x28a: {  	v37 =	vor.u32 $0x15, v33;
	v36 =	vld [tilespmem:$0x19500]  }
0x28b: {  	v39 =	vld [tilespmem:$0x19580];
	v0 =	vadd.f32 v2, v0;
	v2 =	vmul.f32 v60, v59  }
0x28c: {  	v38 =	vld.idx.msk [tilespmem:v61+s0+$0x0], $0xffff  }
0x28d: {  	v40 =	vor.u32 $0x16, v33;
	v41 =	vld [tilespmem:$0x19600];
	v0 =	vadd.f32 v2, v0;
	v2 =	vmul.f32 v62, v3  }
0x28e: {  	v3 =	vld.idx.msk [tilespmem:v63+s0+$0x0], $0xffff  }
0x28f: {  	v42 =	vor.u32 $0x17, v33;
	v43 =	vld.idx.msk [tilespmem:v37+s0+$0x0], $0xffff;
	v0 =	vadd.f32 v2, v0;
	v2 =	vmul.f32 v36, v35  }
0x290: {  	v45 =	vor.u32 $0x18, v33;
	v44 =	vld [tilespmem:$0x19680]  }
0x291: {  	v47 =	vld [tilespmem:$0x19700];
	v0 =	vadd.f32 v2, v0;
	v2 =	vmul.f32 v39, v38  }
0x292: {  	v46 =	vld.idx.msk [tilespmem:v40+s0+$0x0], $0xffff  }
0x293: {  	v48 =	vor.u32 $0x19, v33;
	v49 =	vld [tilespmem:$0x19780];
	v0 =	vadd.f32 v2, v0;
	v2 =	vmul.f32 v41, v3  }
0x294: {  	v3 =	vld.idx.msk [tilespmem:v42+s0+$0x0], $0xffff  }
0x295: {  	v50 =	vor.u32 $0x1A, v33;
	v51 =	vld.idx.msk [tilespmem:v45+s0+$0x0], $0xffff;
	v0 =	vadd.f32 v2, v0;
	v2 =	vmul.f32 v44, v43  }
0x296: {  	v53 =	vor.u32 $0x1B, v33;
	v52 =	vld [tilespmem:$0x19800]  }
0x297: {  	v55 =	vld [tilespmem:$0x19880];
	v0 =	vadd.f32 v2, v0;
	v2 =	vmul.f32 v47, v46  }
0x298: {  	v54 =	vld.idx.msk [tilespmem:v48+s0+$0x0], $0xffff  }
0x299: {  	v56 =	vor.u32 $0x1C, v33;
	v57 =	vld [tilespmem:$0x19900];
	v0 =	vadd.f32 v2, v0;
	v2 =	vmul.f32 v49, v3  }
0x29a: {  	v3 =	vld.idx.msk [tilespmem:v50+s0+$0x0], $0xffff  }
0x29b: {  	v58 =	vor.u32 $0x1D, v33;
	v59 =	vld.idx.msk [tilespmem:v53+s0+$0x0], $0xffff;
	v0 =	vadd.f32 v2, v0;
	v2 =	vmul.f32 v52, v51  }
0x29c: {  	v61 =	vor.u32 $0x1E, v33;
	v60 =	vld [tilespmem:$0x19980]  }
0x29d: {  	v63 =	vld [tilespmem:$0x19A00];
	v0 =	vadd.f32 v2, v0;
	v2 =	vmul.f32 v55, v54  }
0x29e: {  	v62 =	vld.idx.msk [tilespmem:v56+s0+$0x0], $0xffff  }
0x29f: {  	v35 =	vor.u32 $0x1F, v33;
	v36 =	vld [tilespmem:$0x19A80];
	v0 =	vadd.f32 v2, v0;
	v2 =	vmul.f32 v57, v3  }
0x2a0: {  	v3 =	vld.idx.msk [tilespmem:v58+s0+$0x0], $0xffff  }
0x2a1: {  	v37 =	vld.idx.msk [tilespmem:v61+s0+$0x0], $0xffff;
	v0 =	vadd.f32 v2, v0;
	v2 =	vmul.f32 v60, v59  }
0x2a2: {  	v38 =	vld [tilespmem:$0x19B00]  }
0x2a3: {  	v40 =	vld [tilespmem:$0x19B80];
	v0 =	vadd.f32 v2, v0;
	v2 =	vmul.f32 v63, v62  }
0x2a4: {  	v39 =	vld.idx.msk [tilespmem:v35+s0+$0x0], $0xffff  }
0x2a5: {  	v0 =	vadd.f32 v2, v0;
	v2 =	vmul.f32 v36, v3  }
0x2a6: {  	s29 =	simm.s32 $0x1  }
0x2a7: {  	v3 =	vmov s29;
	v0 =	vadd.f32 v2, v0;
	v2 =	vmul.f32 v38, v37  }
0x2a8: {  	v33 =	vmov s28;
	v3 =	vshll.u32 v3, $0x7  }
0x2a9: {  	s30 =	simm.s32 $0x200;
	v35 =	vadd.s32 v34, v3;
	v0 =	vadd.f32 v2, v0;
	v2 =	vmul.f32 v40, v39  }
0x2aa: {  	s7 =	simm.s32 $0x80;
	s5 =	sand.u32 $0x7000, s30  }
0x2ab: {  	s8 =	sand.u32 $0x380, s7;
	s5 =	sadd.s32 s5, s6;
	v3 =	vor.u32 $0x1, v35;
	v0 =	vadd.f32 v2, v0  }
0x2ac: {  	s5 =	sadd.s32 s8, s5  }
0x2ad: {  	[tilespmem:v33+s5+$0x0 ss:$0x1] =	vst.idx.msk $0xffff, v0  }
0x2ae: {  	v2 =	vor.u32 $0x2, v35;
	v0 =	vld.idx.msk [tilespmem:v35+s0+$0x0], $0xffff  }
0x2af: {  	v42 =	vor.u32 $0x3, v35;
	v41 =	vld [tilespmem:$0x18C00]  }
0x2b0: {  	v3 =	vld.idx.msk [tilespmem:v3+s0+$0x0], $0xffff  }
0x2b1: {  	v44 =	vor.u32 $0x4, v35;
	v43 =	vld [tilespmem:$0x18C80]  }
0x2b2: {  	v45 =	vld [tilespmem:$0x18D00]  }
0x2b3: {  	v2 =	vld.idx.msk [tilespmem:v2+s0+$0x0], $0xffff  }
0x2b4: {  	v46 =	vor.u32 $0x5, v35;
	v47 =	vld.idx.msk [tilespmem:v42+s0+$0x0], $0xffff;
	v0 =	vmul.f32 v41, v0  }
0x2b5: {  	v49 =	vor.u32 $0x6, v35;
	v48 =	vld [tilespmem:$0x18D80]  }
0x2b6: {  	v50 =	vld.idx.msk [tilespmem:v44+s0+$0x0], $0xffff;
	v3 =	vmul.f32 v43, v3;
	v0 =	vadd.f32 $0.0e+00, v0  }
0x2b7: {  	v52 =	vor.u32 $0x7, v35;
	v51 =	vld [tilespmem:$0x18E00]  }
0x2b8: {  	v53 =	vld [tilespmem:$0x18E80];
	v2 =	vmul.f32 v45, v2;
	v0 =	vadd.f32 v3, v0  }
0x2b9: {  	v3 =	vld.idx.msk [tilespmem:v46+s0+$0x0], $0xffff  }
0x2ba: {  	v54 =	vor.u32 $0x8, v35;
	v55 =	vld.idx.msk [tilespmem:v49+s0+$0x0], $0xffff;
	v0 =	vadd.f32 v2, v0;
	v2 =	vmul.f32 v48, v47  }
0x2bb: {  	v57 =	vor.u32 $0x9, v35;
	v56 =	vld [tilespmem:$0x18F00]  }
0x2bc: {  	v58 =	vld.idx.msk [tilespmem:v52+s0+$0x0], $0xffff;
	v0 =	vadd.f32 v2, v0;
	v2 =	vmul.f32 v51, v50  }
0x2bd: {  	v60 =	vor.u32 $0xA, v35;
	v59 =	vld [tilespmem:$0x18F80]  }
0x2be: {  	v61 =	vld [tilespmem:$0x19000];
	v0 =	vadd.f32 v2, v0;
	v2 =	vmul.f32 v53, v3  }
0x2bf: {  	v3 =	vld.idx.msk [tilespmem:v54+s0+$0x0], $0xffff  }
0x2c0: {  	v62 =	vor.u32 $0xB, v35;
	v63 =	vld.idx.msk [tilespmem:v57+s0+$0x0], $0xffff;
	v0 =	vadd.f32 v2, v0;
	v2 =	vmul.f32 v56, v55  }
0x2c1: {  	v36 =	vld [tilespmem:$0x19080]  }
0x2c2: {  	v37 =	vor.u32 $0xC, v35;
	v38 =	vld.idx.msk [tilespmem:v60+s0+$0x0], $0xffff;
	v0 =	vadd.f32 v2, v0;
	v2 =	vmul.f32 v59, v58  }
0x2c3: {  	v40 =	vor.u32 $0xD, v35;
	v39 =	vld [tilespmem:$0x19100]  }
0x2c4: {  	v41 =	vld [tilespmem:$0x19180];
	v0 =	vadd.f32 v2, v0;
	v2 =	vmul.f32 v61, v3  }
0x2c5: {  	v3 =	vld.idx.msk [tilespmem:v62+s0+$0x0], $0xffff  }
0x2c6: {  	v42 =	vor.u32 $0xE, v35;
	v44 =	vld [tilespmem:$0x19200];
	v0 =	vadd.f32 v2, v0;
	v2 =	vmul.f32 v36, v63  }
0x2c7: {  	v43 =	vld.idx.msk [tilespmem:v37+s0+$0x0], $0xffff  }
0x2c8: {  	v45 =	vor.u32 $0xF, v35;
	v46 =	vld.idx.msk [tilespmem:v40+s0+$0x0], $0xffff;
	v0 =	vadd.f32 v2, v0;
	v2 =	vmul.f32 v39, v38  }
0x2c9: {  	v47 =	vld [tilespmem:$0x19280];
	v48 =	vor.u32 $0x10, v35  }
0x2ca: {  	v49 =	vld [tilespmem:$0x19300];
	v0 =	vadd.f32 v2, v0;
	v2 =	vmul.f32 v41, v3  }
0x2cb: {  	v3 =	vld.idx.msk [tilespmem:v42+s0+$0x0], $0xffff  }
0x2cc: {  	v52 =	vld [tilespmem:$0x19380];
	v50 =	vor.u32 $0x11, v35;
	v0 =	vadd.f32 v2, v0;
	v2 =	vmul.f32 v44, v43  }
0x2cd: {  	v51 =	vld.idx.msk [tilespmem:v45+s0+$0x0], $0xffff  }
0x2ce: {  	v53 =	vor.u32 $0x12, v35;
	v54 =	vld.idx.msk [tilespmem:v48+s0+$0x0], $0xffff;
	v0 =	vadd.f32 v2, v0;
	v2 =	vmul.f32 v47, v46  }
0x2cf: {  	v55 =	vld [tilespmem:$0x19400];
	v56 =	vor.u32 $0x13, v35  }
0x2d0: {  	v57 =	vld [tilespmem:$0x19480];
	v0 =	vadd.f32 v2, v0;
	v2 =	vmul.f32 v49, v3  }
0x2d1: {  	v3 =	vld.idx.msk [tilespmem:v50+s0+$0x0], $0xffff  }
0x2d2: {  	v60 =	vld [tilespmem:$0x19500];
	v58 =	vor.u32 $0x14, v35;
	v0 =	vadd.f32 v2, v0;
	v2 =	vmul.f32 v52, v51  }
0x2d3: {  	v59 =	vld.idx.msk [tilespmem:v53+s0+$0x0], $0xffff  }
0x2d4: {  	v61 =	vor.u32 $0x15, v35;
	v62 =	vld.idx.msk [tilespmem:v56+s0+$0x0], $0xffff;
	v0 =	vadd.f32 v2, v0;
	v2 =	vmul.f32 v55, v54  }
0x2d5: {  	v63 =	vld [tilespmem:$0x19580];
	v36 =	vor.u32 $0x16, v35  }
0x2d6: {  	v37 =	vld [tilespmem:$0x19600];
	v0 =	vadd.f32 v2, v0;
	v2 =	vmul.f32 v57, v3  }
0x2d7: {  	v3 =	vld.idx.msk [tilespmem:v58+s0+$0x0], $0xffff  }
0x2d8: {  	v40 =	vld [tilespmem:$0x19680];
	v38 =	vor.u32 $0x17, v35;
	v0 =	vadd.f32 v2, v0;
	v2 =	vmul.f32 v60, v59  }
0x2d9: {  	v39 =	vld.idx.msk [tilespmem:v61+s0+$0x0], $0xffff  }
0x2da: {  	v41 =	vor.u32 $0x18, v35;
	v42 =	vld.idx.msk [tilespmem:v36+s0+$0x0], $0xffff;
	v0 =	vadd.f32 v2, v0;
	v2 =	vmul.f32 v63, v62  }
0x2db: {  	v43 =	vld [tilespmem:$0x19700];
	v44 =	vor.u32 $0x19, v35  }
0x2dc: {  	v45 =	vld [tilespmem:$0x19780];
	v0 =	vadd.f32 v2, v0;
	v2 =	vmul.f32 v37, v3  }
0x2dd: {  	v3 =	vld.idx.msk [tilespmem:v38+s0+$0x0], $0xffff  }
0x2de: {  	v48 =	vld [tilespmem:$0x19800];
	v46 =	vor.u32 $0x1A, v35;
	v0 =	vadd.f32 v2, v0;
	v2 =	vmul.f32 v40, v39  }
0x2df: {  	v47 =	vld.idx.msk [tilespmem:v41+s0+$0x0], $0xffff  }
0x2e0: {  	v49 =	vor.u32 $0x1B, v35;
	v50 =	vld.idx.msk [tilespmem:v44+s0+$0x0], $0xffff;
	v0 =	vadd.f32 v2, v0;
	v2 =	vmul.f32 v43, v42  }
0x2e1: {  	v51 =	vld [tilespmem:$0x19880];
	v52 =	vor.u32 $0x1C, v35  }
0x2e2: {  	v53 =	vld [tilespmem:$0x19900];
	v0 =	vadd.f32 v2, v0;
	v2 =	vmul.f32 v45, v3  }
0x2e3: {  	v3 =	vld.idx.msk [tilespmem:v46+s0+$0x0], $0xffff  }
0x2e4: {  	v56 =	vld [tilespmem:$0x19980];
	v54 =	vor.u32 $0x1D, v35;
	v0 =	vadd.f32 v2, v0;
	v2 =	vmul.f32 v48, v47  }
0x2e5: {  	v55 =	vld.idx.msk [tilespmem:v49+s0+$0x0], $0xffff  }
0x2e6: {  	v57 =	vor.u32 $0x1E, v35;
	v58 =	vld.idx.msk [tilespmem:v52+s0+$0x0], $0xffff;
	v0 =	vadd.f32 v2, v0;
	v2 =	vmul.f32 v51, v50  }
0x2e7: {  	v61 =	vor.u32 $0x1F, v35;
	v59 =	vld [tilespmem:$0x19A00]  }
0x2e8: {  	v60 =	vld [tilespmem:$0x19A80];
	v0 =	vadd.f32 v2, v0;
	v2 =	vmul.f32 v53, v3  }
0x2e9: {  	v3 =	vld.idx.msk [tilespmem:v54+s0+$0x0], $0xffff  }
0x2ea: {  	v63 =	vld [tilespmem:$0x19B00];
	v0 =	vadd.f32 v2, v0;
	v2 =	vmul.f32 v56, v55  }
0x2eb: {  	v62 =	vld.idx.msk [tilespmem:v57+s0+$0x0], $0xffff  }
0x2ec: {  	v36 =	vld.idx.msk [tilespmem:v61+s0+$0x0], $0xffff;
	v0 =	vadd.f32 v2, v0;
	v2 =	vmul.f32 v59, v58  }
0x2ed: {  	v37 =	vld [tilespmem:$0x19B80]  }
0x2ee: {  	v0 =	vadd.f32 v2, v0;
	v2 =	vmul.f32 v60, v3  }
0x2ef: {  	s11 =	simm.s32 $0x2  }
0x2f0: {  	s9 =	simm.s32 $0x400;
	s14 =	simm.s32 $0x800;
	s8 =	simm.s32 $0x600;
	v35 =	vmov s11;
	v39 =	vmul.f32 v63, v62;
	v38 =	vadd.f32 v2, v0  }
.LBB2_10:
0x2f1: {  	p0 =	sne.s32 s14, $0x2800;
	v0 =	vshll.u32 v35, $0x7  }
0x2f2: {  	v35 =	vadd.s32 v34, v0;
	v0 =	vadd.f32 v39, v38;
	v2 =	vmul.f32 v37, v36  }
0x2f3: {  	s5 =	sand.u32 $0x7000, s9;
	s7 =	sadd.s32 $0x80, s7;
	s9 =	smov.u32 s8  }
0x2f4: {  	s8 =	smov.u32 s14;
	s10 =	sand.u32 $0x380, s7;
	s5 =	sadd.s32 s5, s6;
	v3 =	vor.u32 $0x1, v35;
	v0 =	vadd.f32 v2, v0  }
0x2f5: {  	s5 =	sadd.s32 s10, s5  }
0x2f6: {  	v2 =	vor.u32 $0x2, v35;
	[tilespmem:v33+s5+$0x0 ss:$0x1] =	vst.idx.msk $0xffff, v0  }
0x2f7: {  	v0 =	vld.idx.msk [tilespmem:v35+s0+$0x0], $0xffff  }
0x2f8: {  	v5 =	vor.u32 $0x3, v35;
	v4 =	vld [tilespmem:$0x18C00]  }
0x2f9: {  	v3 =	vld.idx.msk [tilespmem:v3+s0+$0x0], $0xffff  }
0x2fa: {  	v7 =	vor.u32 $0x4, v35;
	v6 =	vld [tilespmem:$0x18C80]  }
0x2fb: {  	v2 =	vld.idx.msk [tilespmem:v2+s0+$0x0], $0xffff  }
0x2fc: {  	v9 =	vor.u32 $0x5, v35;
	v8 =	vld [tilespmem:$0x18D00]  }
0x2fd: {  	v0 =	vmul.f32 v4, v0;
	v4 =	vld.idx.msk [tilespmem:v5+s0+$0x0], $0xffff  }
0x2fe: {  	v10 =	vor.u32 $0x6, v35;
	v5 =	vld [tilespmem:$0x18D80]  }
0x2ff: {  	v0 =	vadd.f32 $0.0e+00, v0;
	v3 =	vmul.f32 v6, v3;
	v6 =	vld.idx.msk [tilespmem:v7+s0+$0x0], $0xffff  }
0x300: {  	v11 =	vor.u32 $0x7, v35;
	v7 =	vld [tilespmem:$0x18E00]  }
0x301: {  	v0 =	vadd.f32 v3, v0;
	v2 =	vmul.f32 v8, v2;
	v3 =	vld.idx.msk [tilespmem:v9+s0+$0x0], $0xffff  }
0x302: {  	v9 =	vor.u32 $0x8, v35;
	v8 =	vld [tilespmem:$0x18E80]  }
0x303: {  	v0 =	vadd.f32 v2, v0;
	v2 =	vmul.f32 v5, v4;
	v4 =	vld.idx.msk [tilespmem:v10+s0+$0x0], $0xffff  }
0x304: {  	v10 =	vor.u32 $0x9, v35;
	v5 =	vld [tilespmem:$0x18F00]  }
0x305: {  	v0 =	vadd.f32 v2, v0;
	v2 =	vmul.f32 v7, v6;
	v6 =	vld.idx.msk [tilespmem:v11+s0+$0x0], $0xffff  }
0x306: {  	v11 =	vor.u32 $0xA, v35;
	v7 =	vld [tilespmem:$0x18F80]  }
0x307: {  	v0 =	vadd.f32 v2, v0;
	v2 =	vmul.f32 v8, v3;
	v3 =	vld.idx.msk [tilespmem:v9+s0+$0x0], $0xffff  }
0x308: {  	v9 =	vor.u32 $0xB, v35;
	v8 =	vld [tilespmem:$0x19000]  }
0x309: {  	v0 =	vadd.f32 v2, v0;
	v2 =	vmul.f32 v5, v4;
	v4 =	vld.idx.msk [tilespmem:v10+s0+$0x0], $0xffff  }
0x30a: {  	v10 =	vor.u32 $0xC, v35;
	v5 =	vld [tilespmem:$0x19080]  }
0x30b: {  	v0 =	vadd.f32 v2, v0;
	v2 =	vmul.f32 v7, v6;
	v6 =	vld.idx.msk [tilespmem:v11+s0+$0x0], $0xffff  }
0x30c: {  	v11 =	vor.u32 $0xD, v35;
	v7 =	vld [tilespmem:$0x19100]  }
0x30d: {  	v0 =	vadd.f32 v2, v0;
	v2 =	vmul.f32 v8, v3;
	v3 =	vld.idx.msk [tilespmem:v9+s0+$0x0], $0xffff  }
0x30e: {  	v9 =	vor.u32 $0xE, v35;
	v8 =	vld [tilespmem:$0x19180]  }
0x30f: {  	v0 =	vadd.f32 v2, v0;
	v2 =	vmul.f32 v5, v4;
	v4 =	vld.idx.msk [tilespmem:v10+s0+$0x0], $0xffff  }
0x310: {  	v10 =	vor.u32 $0xF, v35;
	v5 =	vld [tilespmem:$0x19200]  }
0x311: {  	v0 =	vadd.f32 v2, v0;
	v2 =	vmul.f32 v7, v6;
	v6 =	vld.idx.msk [tilespmem:v11+s0+$0x0], $0xffff  }
0x312: {  	v11 =	vor.u32 $0x10, v35;
	v7 =	vld [tilespmem:$0x19280]  }
0x313: {  	v0 =	vadd.f32 v2, v0;
	v2 =	vmul.f32 v8, v3;
	v3 =	vld.idx.msk [tilespmem:v9+s0+$0x0], $0xffff  }
0x314: {  	v9 =	vor.u32 $0x11, v35;
	v8 =	vld [tilespmem:$0x19300]  }
0x315: {  	v0 =	vadd.f32 v2, v0;
	v2 =	vmul.f32 v5, v4;
	v4 =	vld.idx.msk [tilespmem:v10+s0+$0x0], $0xffff  }
0x316: {  	v10 =	vor.u32 $0x12, v35;
	v5 =	vld [tilespmem:$0x19380]  }
0x317: {  	v0 =	vadd.f32 v2, v0;
	v2 =	vmul.f32 v7, v6;
	v6 =	vld.idx.msk [tilespmem:v11+s0+$0x0], $0xffff  }
0x318: {  	v11 =	vor.u32 $0x13, v35;
	v7 =	vld [tilespmem:$0x19400]  }
0x319: {  	v0 =	vadd.f32 v2, v0;
	v2 =	vmul.f32 v8, v3;
	v3 =	vld.idx.msk [tilespmem:v9+s0+$0x0], $0xffff  }
0x31a: {  	v9 =	vor.u32 $0x14, v35;
	v8 =	vld [tilespmem:$0x19480]  }
0x31b: {  	v0 =	vadd.f32 v2, v0;
	v2 =	vmul.f32 v5, v4;
	v4 =	vld.idx.msk [tilespmem:v10+s0+$0x0], $0xffff  }
0x31c: {  	v10 =	vor.u32 $0x15, v35;
	v5 =	vld [tilespmem:$0x19500]  }
0x31d: {  	v0 =	vadd.f32 v2, v0;
	v2 =	vmul.f32 v7, v6;
	v6 =	vld.idx.msk [tilespmem:v11+s0+$0x0], $0xffff  }
0x31e: {  	v11 =	vor.u32 $0x16, v35;
	v7 =	vld [tilespmem:$0x19580]  }
0x31f: {  	v0 =	vadd.f32 v2, v0;
	v2 =	vmul.f32 v8, v3;
	v3 =	vld.idx.msk [tilespmem:v9+s0+$0x0], $0xffff  }
0x320: {  	v9 =	vor.u32 $0x17, v35;
	v8 =	vld [tilespmem:$0x19600]  }
0x321: {  	v0 =	vadd.f32 v2, v0;
	v2 =	vmul.f32 v5, v4;
	v4 =	vld.idx.msk [tilespmem:v10+s0+$0x0], $0xffff  }
0x322: {  	v10 =	vor.u32 $0x18, v35;
	v5 =	vld [tilespmem:$0x19680]  }
0x323: {  	v0 =	vadd.f32 v2, v0;
	v2 =	vmul.f32 v7, v6;
	v6 =	vld.idx.msk [tilespmem:v11+s0+$0x0], $0xffff  }
0x324: {  	v11 =	vor.u32 $0x19, v35;
	v7 =	vld [tilespmem:$0x19700]  }
0x325: {  	v0 =	vadd.f32 v2, v0;
	v2 =	vmul.f32 v8, v3;
	v3 =	vld.idx.msk [tilespmem:v9+s0+$0x0], $0xffff  }
0x326: {  	v9 =	vor.u32 $0x1A, v35;
	v8 =	vld [tilespmem:$0x19780]  }
0x327: {  	v0 =	vadd.f32 v2, v0;
	v2 =	vmul.f32 v5, v4;
	v4 =	vld.idx.msk [tilespmem:v10+s0+$0x0], $0xffff  }
0x328: {  	v10 =	vor.u32 $0x1B, v35;
	v5 =	vld [tilespmem:$0x19800]  }
0x329: {  	v0 =	vadd.f32 v2, v0;
	v2 =	vmul.f32 v7, v6;
	v6 =	vld.idx.msk [tilespmem:v11+s0+$0x0], $0xffff  }
0x32a: {  	v11 =	vor.u32 $0x1C, v35;
	v7 =	vld [tilespmem:$0x19880]  }
0x32b: {  	v0 =	vadd.f32 v2, v0;
	v2 =	vmul.f32 v8, v3;
	v3 =	vld.idx.msk [tilespmem:v9+s0+$0x0], $0xffff  }
0x32c: {  	v9 =	vor.u32 $0x1D, v35;
	v8 =	vld [tilespmem:$0x19900]  }
0x32d: {  	v0 =	vadd.f32 v2, v0;
	v2 =	vmul.f32 v5, v4;
	v4 =	vld.idx.msk [tilespmem:v10+s0+$0x0], $0xffff  }
0x32e: {  	v10 =	vor.u32 $0x1E, v35;
	v5 =	vld [tilespmem:$0x19980]  }
0x32f: {  	v0 =	vadd.f32 v2, v0;
	v2 =	vmul.f32 v7, v6;
	v6 =	vld.idx.msk [tilespmem:v11+s0+$0x0], $0xffff  }
0x330: {  	v11 =	vor.u32 $0x1F, v35;
	v7 =	vld [tilespmem:$0x19A00]  }
0x331: {  	v0 =	vadd.f32 v2, v0;
	v2 =	vmul.f32 v8, v3;
	v3 =	vld.idx.msk [tilespmem:v9+s0+$0x0], $0xffff  }
0x332: {  	v8 =	vld [tilespmem:$0x19A80]  }
0x333: {  	v0 =	vadd.f32 v2, v0;
	v2 =	vmul.f32 v5, v4;
	v4 =	vld.idx.msk [tilespmem:v10+s0+$0x0], $0xffff  }
0x334: {  	v5 =	vld [tilespmem:$0x19B00]  }
.Ltmp8:
0x335: {  	v0 =	vadd.f32 v2, v0;
	v2 =	vmul.f32 v7, v6;
	v36 =	vld.idx.msk [tilespmem:v11+s0+$0x0], $0xffff;
	(pc) =	sbr.rel @p0 .LBB2_10-.Ltmp8, $4  }
0x336: {  	v37 =	vld [tilespmem:$0x19B80]  }
0x337: {  	v0 =	vadd.f32 v2, v0;
	v2 =	vmul.f32 v8, v3  }
0x338: {  	s11 =	sadd.s32 $0x1, s11  }
0x339: {  	s14 =	sadd.s32 $0x200, s14;
	v35 =	vmov s11;
	v38 =	vadd.f32 v2, v0;
	v39 =	vmul.f32 v5, v4  }
0x33a: {  	v0 =	vshll.u32 v35, $0x7  }
0x33b: {  	v34 =	vadd.s32 v34, v0;
	v0 =	vadd.f32 v39, v38;
	v2 =	vmul.f32 v37, v36  }
0x33c: {  	s5 =	sand.u32 $0x7000, s9;
	s7 =	sadd.s32 $0x80, s7  }
0x33d: {  	s26 =	sand.u32 $0x380, s7;
	s5 =	sadd.s32 s5, s6;
	v0 =	vadd.f32 v2, v0  }
0x33e: {  	v3 =	vor.u32 $0x1, v34;
	s5 =	sadd.s32 s26, s5  }
0x33f: {  	[tilespmem:v33+s5+$0x0 ss:$0x1] =	vst.idx.msk $0xffff, v0  }
0x340: {  	v2 =	vor.u32 $0x2, v34;
	v0 =	vld.idx.msk [tilespmem:v34+s0+$0x0], $0xffff  }
0x341: {  	v4 =	vld [tilespmem:$0x18C00]  }
0x342: {  	v5 =	vor.u32 $0x3, v34;
	v6 =	vld [tilespmem:$0x18C80]  }
0x343: {  	v3 =	vld.idx.msk [tilespmem:v3+s0+$0x0], $0xffff  }
0x344: {  	v7 =	vor.u32 $0x4, v34;
	v8 =	vld [tilespmem:$0x18D00]  }
0x345: {  	v2 =	vld.idx.msk [tilespmem:v2+s0+$0x0], $0xffff  }
0x346: {  	v9 =	vor.u32 $0x5, v34;
	v50 =	vld [tilespmem:$0x18D80];
	v0 =	vmul.f32 v4, v0  }
0x347: {  	v49 =	vld.idx.msk [tilespmem:v5+s0+$0x0], $0xffff  }
0x348: {  	v10 =	vor.u32 $0x6, v34;
	v52 =	vld [tilespmem:$0x18E00];
	v3 =	vmul.f32 v6, v3;
	v0 =	vadd.f32 $0.0e+00, v0  }
0x349: {  	v51 =	vld.idx.msk [tilespmem:v7+s0+$0x0], $0xffff  }
0x34a: {  	v11 =	vor.u32 $0x7, v34;
	v53 =	vld [tilespmem:$0x18E80];
	v2 =	vmul.f32 v8, v2;
	v0 =	vadd.f32 v3, v0  }
0x34b: {  	v3 =	vld.idx.msk [tilespmem:v9+s0+$0x0], $0xffff  }
0x34c: {  	v54 =	vor.u32 $0x8, v34;
	v56 =	vld [tilespmem:$0x18F00];
	v0 =	vadd.f32 v2, v0;
	v2 =	vmul.f32 v50, v49  }
0x34d: {  	v55 =	vld.idx.msk [tilespmem:v10+s0+$0x0], $0xffff  }
0x34e: {  	v57 =	vor.u32 $0x9, v34;
	v59 =	vld [tilespmem:$0x18F80];
	v0 =	vadd.f32 v2, v0;
	v2 =	vmul.f32 v52, v51  }
0x34f: {  	v58 =	vld.idx.msk [tilespmem:v11+s0+$0x0], $0xffff  }
0x350: {  	v60 =	vor.u32 $0xA, v34;
	v61 =	vld [tilespmem:$0x19000];
	v0 =	vadd.f32 v2, v0;
	v2 =	vmul.f32 v53, v3  }
0x351: {  	v3 =	vld.idx.msk [tilespmem:v54+s0+$0x0], $0xffff  }
0x352: {  	v62 =	vor.u32 $0xB, v34;
	v35 =	vld [tilespmem:$0x19080];
	v0 =	vadd.f32 v2, v0;
	v2 =	vmul.f32 v56, v55  }
0x353: {  	v63 =	vld.idx.msk [tilespmem:v57+s0+$0x0], $0xffff  }
0x354: {  	v36 =	vor.u32 $0xC, v34;
	v38 =	vld [tilespmem:$0x19100];
	v0 =	vadd.f32 v2, v0;
	v2 =	vmul.f32 v59, v58  }
0x355: {  	v37 =	vld.idx.msk [tilespmem:v60+s0+$0x0], $0xffff  }
0x356: {  	v39 =	vor.u32 $0xD, v34;
	v40 =	vld [tilespmem:$0x19180];
	v0 =	vadd.f32 v2, v0;
	v2 =	vmul.f32 v61, v3  }
0x357: {  	v3 =	vld.idx.msk [tilespmem:v62+s0+$0x0], $0xffff  }
0x358: {  	v41 =	vor.u32 $0xE, v34;
	v43 =	vld [tilespmem:$0x19200];
	v0 =	vadd.f32 v2, v0;
	v2 =	vmul.f32 v35, v63  }
0x359: {  	v44 =	vor.u32 $0xF, v34;
	v42 =	vld.idx.msk [tilespmem:v36+s0+$0x0], $0xffff  }
0x35a: {  	v46 =	vld [tilespmem:$0x19280];
	v0 =	vadd.f32 v2, v0;
	v2 =	vmul.f32 v38, v37  }
0x35b: {  	v47 =	vor.u32 $0x10, v34;
	v45 =	vld.idx.msk [tilespmem:v39+s0+$0x0], $0xffff  }
0x35c: {  	v48 =	vld [tilespmem:$0x19300];
	v0 =	vadd.f32 v2, v0;
	v2 =	vmul.f32 v40, v3  }
0x35d: {  	v3 =	vld.idx.msk [tilespmem:v41+s0+$0x0], $0xffff  }
0x35e: {  	v49 =	vor.u32 $0x11, v34;
	v50 =	vld.idx.msk [tilespmem:v44+s0+$0x0], $0xffff;
	v0 =	vadd.f32 v2, v0;
	v2 =	vmul.f32 v43, v42  }
0x35f: {  	v51 =	vld [tilespmem:$0x19380];
	v52 =	vor.u32 $0x12, v34  }
0x360: {  	v53 =	vld.idx.msk [tilespmem:v47+s0+$0x0], $0xffff;
	v0 =	vadd.f32 v2, v0;
	v2 =	vmul.f32 v46, v45  }
0x361: {  	v54 =	vld [tilespmem:$0x19400]  }
0x362: {  	v55 =	vor.u32 $0x13, v34;
	v56 =	vld [tilespmem:$0x19480];
	v0 =	vadd.f32 v2, v0;
	v2 =	vmul.f32 v48, v3  }
0x363: {  	v3 =	vld.idx.msk [tilespmem:v49+s0+$0x0], $0xffff  }
0x364: {  	v57 =	vor.u32 $0x14, v34;
	v58 =	vld.idx.msk [tilespmem:v52+s0+$0x0], $0xffff;
	v0 =	vadd.f32 v2, v0;
	v2 =	vmul.f32 v51, v50  }
0x365: {  	v60 =	vor.u32 $0x15, v34;
	v59 =	vld [tilespmem:$0x19500]  }
0x366: {  	v62 =	vld [tilespmem:$0x19580];
	v0 =	vadd.f32 v2, v0;
	v2 =	vmul.f32 v54, v53  }
0x367: {  	v61 =	vld.idx.msk [tilespmem:v55+s0+$0x0], $0xffff  }
0x368: {  	v63 =	vor.u32 $0x16, v34;
	v35 =	vld [tilespmem:$0x19600];
	v0 =	vadd.f32 v2, v0;
	v2 =	vmul.f32 v56, v3  }
0x369: {  	v3 =	vld.idx.msk [tilespmem:v57+s0+$0x0], $0xffff  }
0x36a: {  	v36 =	vor.u32 $0x17, v34;
	v37 =	vld.idx.msk [tilespmem:v60+s0+$0x0], $0xffff;
	v0 =	vadd.f32 v2, v0;
	v2 =	vmul.f32 v59, v58  }
0x36b: {  	v39 =	vor.u32 $0x18, v34;
	v38 =	vld [tilespmem:$0x19680]  }
0x36c: {  	v41 =	vld [tilespmem:$0x19700];
	v0 =	vadd.f32 v2, v0;
	v2 =	vmul.f32 v62, v61  }
0x36d: {  	v40 =	vld.idx.msk [tilespmem:v63+s0+$0x0], $0xffff  }
0x36e: {  	v42 =	vor.u32 $0x19, v34;
	v43 =	vld [tilespmem:$0x19780];
	v0 =	vadd.f32 v2, v0;
	v2 =	vmul.f32 v35, v3  }
0x36f: {  	v3 =	vld.idx.msk [tilespmem:v36+s0+$0x0], $0xffff  }
0x370: {  	v44 =	vor.u32 $0x1A, v34;
	v45 =	vld.idx.msk [tilespmem:v39+s0+$0x0], $0xffff;
	v0 =	vadd.f32 v2, v0;
	v2 =	vmul.f32 v38, v37  }
0x371: {  	v47 =	vor.u32 $0x1B, v34;
	v46 =	vld [tilespmem:$0x19800]  }
0x372: {  	v49 =	vld [tilespmem:$0x19880];
	v0 =	vadd.f32 v2, v0;
	v2 =	vmul.f32 v41, v40  }
0x373: {  	v48 =	vld.idx.msk [tilespmem:v42+s0+$0x0], $0xffff  }
0x374: {  	v50 =	vor.u32 $0x1C, v34;
	v51 =	vld [tilespmem:$0x19900];
	v0 =	vadd.f32 v2, v0;
	v2 =	vmul.f32 v43, v3  }
0x375: {  	v3 =	vld.idx.msk [tilespmem:v44+s0+$0x0], $0xffff  }
0x376: {  	v52 =	vor.u32 $0x1D, v34;
	v53 =	vld.idx.msk [tilespmem:v47+s0+$0x0], $0xffff;
	v0 =	vadd.f32 v2, v0;
	v2 =	vmul.f32 v46, v45  }
0x377: {  	v55 =	vor.u32 $0x1E, v34;
	v54 =	vld [tilespmem:$0x19980]  }
0x378: {  	v57 =	vld [tilespmem:$0x19A00];
	v0 =	vadd.f32 v2, v0;
	v2 =	vmul.f32 v49, v48  }
0x379: {  	v56 =	vld.idx.msk [tilespmem:v50+s0+$0x0], $0xffff  }
0x37a: {  	v58 =	vor.u32 $0x1F, v34;
	v59 =	vld [tilespmem:$0x19A80];
	v0 =	vadd.f32 v2, v0;
	v2 =	vmul.f32 v51, v3  }
0x37b: {  	v3 =	vld.idx.msk [tilespmem:v52+s0+$0x0], $0xffff  }
0x37c: {  	v60 =	vld.idx.msk [tilespmem:v55+s0+$0x0], $0xffff;
	v0 =	vadd.f32 v2, v0;
	v2 =	vmul.f32 v54, v53  }
0x37d: {  	v61 =	vld [tilespmem:$0x19B00]  }
0x37e: {  	v63 =	vld [tilespmem:$0x19B80];
	v0 =	vadd.f32 v2, v0;
	v2 =	vmul.f32 v57, v56  }
0x37f: {  	v62 =	vld.idx.msk [tilespmem:v58+s0+$0x0], $0xffff  }
0x380: {  	v0 =	vadd.f32 v2, v0;
	v2 =	vmul.f32 v59, v3;
	_ =	sdelay $0x1  }
0x381: {  	s29 =	rddreg [dreg:$0xb];
	v0 =	vadd.f32 v2, v0;
	v2 =	vmul.f32 v61, v60  }
0x382: {  	p0 =	seq.s32 s29, $0x0  }
.Ltmp9:
0x383: {  	v0 =	vadd.f32 v2, v0;
	v2 =	vmul.f32 v63, v62;
	(pc) =	sbr.rel @p0 .LBB2_21-.Ltmp9, $4  }
0x384: {  	s28 =	sand.u32 $0x7000, s8;
	s7 =	sadd.s32 $0x80, s7  }
0x385: {  	s7 =	sand.u32 $0x380, s7;
	s5 =	sadd.s32 s28, s6;
	v0 =	vadd.f32 v2, v0  }
0x386: {  	s5 =	sadd.s32 s7, s5  }
0x387: {  	s30 =	rddreg [dreg:$0xa];
	[tilespmem:v33+s5+$0x0 ss:$0x1] =	vst.idx.msk $0xffff, v0  }
.LBB2_12:
0x388: {  	p0 =	seq.s32 s1, $0x1F  }
.Ltmp10:
0x389: {  	_ = 	snop;
	(pc) =	sbr.rel @p0 .LBB2_16-.Ltmp10, $1  }
0x38a: {  	_ =	sdelay $0x3  }
0x38b: {  	s5 =	sshll.u32 s1, $0x4  }
0x38c: {  	v0 =	vld [tilespmem:s5+$0x10];
	_ =	sdelay $0x4  }
0x38d: {  	v34 =	vshll.u32 v0, $0x4  }
0x38e: {  	(v2sf) =	vpush v34, $0x0;
	_ =	sdelay $0x4  }
0x38f: {  	v2 =	vld [tilespmem:s5+$0x210];
	_ =	sdelay $0x4  }
0x390: {  	v33 =	vshll.u32 v2, $0x4  }
0x391: {  	(v2sf) =	vpush v33, $0x0  }
0x392: {  	(v2sf) =	vpush v34, $0x1;
	_ =	sdelay $0x1  }
0x393: {  	(v2sf) =	vpush v33, $0x1  }
0x394: {  	s16 =	spop (v2sf);
	(v2sf) =	vpush v34, $0x2;
	_ =	sdelay $0x1  }
0x395: {  	(v2sf) =	vpush v33, $0x2;
	_ =	sdelay $0x1  }
0x396: {  	(v2sf) =	vpush v34, $0x3;
	_ =	sdelay $0x2  }
0x397: {  	(v2sf) =	vpush v33, $0x3;
	_ =	sdelay $0x3  }
0x398: {  	s7 =	simm.s32 $0x2C00;
	s5 =	sand.u32 $0x1FFFFFF0, s16;
	s17 =	spop (v2sf)  }
0x399: {  	s6 =	sadd.s32 s3, s5;
	s5 =	simm.s32 $0x0;
	s23 =	spop (v2sf)  }
0x39a: {  	[tilespmem:s7], [sflag:$0x2] =	stream.linear.gather [hbm4b:s6+s5], $0x80, $0x38;
	[tilespmem:$0x1CC00] =	vst v63  }
0x39b: {  	s25 =	spop (v2sf)  }
0x39c: {  	s28 =	spop (v2sf);
	(v2sf) =	vpush v34, $0x4  }
0x39d: {  	s6 =	sand.u32 $0x1FFFFFF0, s17  }
0x39e: {  	s22 =	simm.s32 $0x3C00;
	s6 =	sadd.s32 s4, s6;
	s7 =	spop (v2sf);
	(v2sf) =	vpush v33, $0x4  }
0x39f: {  	[tilespmem:s22], [sflag:$0x2] =	stream.linear.gather [hbm4b:s6+s5], $0x80, $0x38;
	[tilespmem:$0x1CC00] =	vst v63  }
0x3a0: {  	s6 =	sand.u32 $0x1FFFFFF0, s23;
	s9 =	spop (v2sf);
	(v2sf) =	vpush v34, $0x5  }
0x3a1: {  	s24 =	simm.s32 $0x2C80;
	s6 =	sadd.s32 s3, s6  }
0x3a2: {  	[tilespmem:s24], [sflag:$0x2] =	stream.linear.gather [hbm4b:s6+s5], $0x80, $0x38;
	[tilespmem:$0x1CC00] =	vst v63  }
0x3a3: {  	s11 =	spop (v2sf);
	(v2sf) =	vpush v33, $0x5  }
0x3a4: {  	s6 =	sand.u32 $0x1FFFFFF0, s25  }
0x3a5: {  	s26 =	simm.s32 $0x3C80;
	s6 =	sadd.s32 s4, s6  }
0x3a6: {  	[tilespmem:s26], [sflag:$0x2] =	stream.linear.gather [hbm4b:s6+s5], $0x80, $0x38;
	[tilespmem:$0x1CC00] =	vst v63  }
0x3a7: {  	s6 =	sand.u32 $0x1FFFFFF0, s28  }
0x3a8: {  	s29 =	simm.s32 $0x2D00;
	s6 =	sadd.s32 s3, s6  }
0x3a9: {  	[tilespmem:s29], [sflag:$0x2] =	stream.linear.gather [hbm4b:s6+s5], $0x80, $0x38;
	[tilespmem:$0x1CC00] =	vst v63  }
0x3aa: {  	s6 =	sand.u32 $0x1FFFFFF0, s7  }
0x3ab: {  	s8 =	simm.s32 $0x3D00;
	s6 =	sadd.s32 s4, s6;
	s13 =	spop (v2sf);
	(v2sf) =	vpush v34, $0x6  }
0x3ac: {  	[tilespmem:s8], [sflag:$0x2] =	stream.linear.gather [hbm4b:s6+s5], $0x80, $0x38;
	[tilespmem:$0x1CC00] =	vst v63  }
0x3ad: {  	s15 =	spop (v2sf);
	(v2sf) =	vpush v33, $0x6  }
0x3ae: {  	s6 =	sand.u32 $0x1FFFFFF0, s9  }
0x3af: {  	s10 =	simm.s32 $0x2D80;
	s6 =	sadd.s32 s3, s6;
	s17 =	spop (v2sf);
	(v2sf) =	vpush v34, $0x7  }
0x3b0: {  	[tilespmem:s10], [sflag:$0x2] =	stream.linear.gather [hbm4b:s6+s5], $0x80, $0x38;
	[tilespmem:$0x1CC00] =	vst v63  }
0x3b1: {  	s6 =	sand.u32 $0x1FFFFFF0, s11  }
0x3b2: {  	s12 =	simm.s32 $0x3D80;
	s6 =	sadd.s32 s4, s6;
	s23 =	spop (v2sf);
	(v2sf) =	vpush v33, $0x7  }
0x3b3: {  	[tilespmem:s12], [sflag:$0x2] =	stream.linear.gather [hbm4b:s6+s5], $0x80, $0x38;
	[tilespmem:$0x1CC00] =	vst v63  }
0x3b4: {  	s6 =	sand.u32 $0x1FFFFFF0, s13  }
0x3b5: {  	s14 =	simm.s32 $0x2E00;
	s6 =	sadd.s32 s3, s6  }
0x3b6: {  	[tilespmem:s14], [sflag:$0x2] =	stream.linear.gather [hbm4b:s6+s5], $0x80, $0x38;
	[tilespmem:$0x1CC00] =	vst v63  }
0x3b7: {  	s6 =	sand.u32 $0x1FFFFFF0, s15  }
0x3b8: {  	s16 =	simm.s32 $0x3E00;
	s6 =	sadd.s32 s4, s6  }
0x3b9: {  	[tilespmem:s16], [sflag:$0x2] =	stream.linear.gather [hbm4b:s6+s5], $0x80, $0x38;
	[tilespmem:$0x1CC00] =	vst v63  }
0x3ba: {  	s25 =	spop (v2sf);
	(v2sf) =	vpush v34, $0x8  }
0x3bb: {  	s6 =	sand.u32 $0x1FFFFFF0, s17  }
0x3bc: {  	s22 =	simm.s32 $0x2E80;
	s6 =	sadd.s32 s3, s6;
	s28 =	spop (v2sf);
	(v2sf) =	vpush v33, $0x8  }
0x3bd: {  	[tilespmem:s22], [sflag:$0x2] =	stream.linear.gather [hbm4b:s6+s5], $0x80, $0x38;
	[tilespmem:$0x1CC00] =	vst v63  }
0x3be: {  	s6 =	sand.u32 $0x1FFFFFF0, s23;
	s7 =	spop (v2sf);
	(v2sf) =	vpush v34, $0x9  }
0x3bf: {  	s24 =	simm.s32 $0x3E80;
	s6 =	sadd.s32 s4, s6  }
0x3c0: {  	[tilespmem:s24], [sflag:$0x2] =	stream.linear.gather [hbm4b:s6+s5], $0x80, $0x38;
	[tilespmem:$0x1CC00] =	vst v63  }
0x3c1: {  	s9 =	spop (v2sf);
	(v2sf) =	vpush v33, $0x9  }
0x3c2: {  	s6 =	sand.u32 $0x1FFFFFF0, s25  }
0x3c3: {  	s26 =	simm.s32 $0x2F00;
	s6 =	sadd.s32 s3, s6  }
0x3c4: {  	[tilespmem:s26], [sflag:$0x2] =	stream.linear.gather [hbm4b:s6+s5], $0x80, $0x38;
	[tilespmem:$0x1CC00] =	vst v63  }
0x3c5: {  	s6 =	sand.u32 $0x1FFFFFF0, s28  }
0x3c6: {  	s29 =	simm.s32 $0x3F00;
	s6 =	sadd.s32 s4, s6  }
0x3c7: {  	[tilespmem:s29], [sflag:$0x2] =	stream.linear.gather [hbm4b:s6+s5], $0x80, $0x38;
	[tilespmem:$0x1CC00] =	vst v63  }
0x3c8: {  	s6 =	sand.u32 $0x1FFFFFF0, s7  }
0x3c9: {  	s8 =	simm.s32 $0x2F80;
	s6 =	sadd.s32 s3, s6;
	s11 =	spop (v2sf);
	(v2sf) =	vpush v34, $0xA  }
0x3ca: {  	[tilespmem:s8], [sflag:$0x2] =	stream.linear.gather [hbm4b:s6+s5], $0x80, $0x38;
	[tilespmem:$0x1CC00] =	vst v63  }
0x3cb: {  	s13 =	spop (v2sf);
	(v2sf) =	vpush v33, $0xA  }
0x3cc: {  	s6 =	sand.u32 $0x1FFFFFF0, s9  }
0x3cd: {  	s10 =	simm.s32 $0x3F80;
	s6 =	sadd.s32 s4, s6;
	s15 =	spop (v2sf);
	(v2sf) =	vpush v34, $0xB  }
0x3ce: {  	[tilespmem:s10], [sflag:$0x2] =	stream.linear.gather [hbm4b:s6+s5], $0x80, $0x38;
	[tilespmem:$0x1CC00] =	vst v63  }
0x3cf: {  	s6 =	sand.u32 $0x1FFFFFF0, s11  }
0x3d0: {  	s12 =	simm.s32 $0x3000;
	s6 =	sadd.s32 s3, s6;
	s17 =	spop (v2sf);
	(v2sf) =	vpush v33, $0xB  }
0x3d1: {  	[tilespmem:s12], [sflag:$0x2] =	stream.linear.gather [hbm4b:s6+s5], $0x80, $0x38;
	[tilespmem:$0x1CC00] =	vst v63  }
0x3d2: {  	s6 =	sand.u32 $0x1FFFFFF0, s13  }
0x3d3: {  	s14 =	simm.s32 $0x4000;
	s6 =	sadd.s32 s4, s6  }
0x3d4: {  	[tilespmem:s14], [sflag:$0x2] =	stream.linear.gather [hbm4b:s6+s5], $0x80, $0x38;
	[tilespmem:$0x1CC00] =	vst v63  }
0x3d5: {  	s6 =	sand.u32 $0x1FFFFFF0, s15  }
0x3d6: {  	s16 =	simm.s32 $0x3080;
	s6 =	sadd.s32 s3, s6  }
0x3d7: {  	[tilespmem:s16], [sflag:$0x2] =	stream.linear.gather [hbm4b:s6+s5], $0x80, $0x38;
	[tilespmem:$0x1CC00] =	vst v63  }
0x3d8: {  	s23 =	spop (v2sf);
	(v2sf) =	vpush v34, $0xC  }
0x3d9: {  	s6 =	sand.u32 $0x1FFFFFF0, s17  }
0x3da: {  	s22 =	simm.s32 $0x4080;
	s6 =	sadd.s32 s4, s6;
	s25 =	spop (v2sf);
	(v2sf) =	vpush v33, $0xC  }
0x3db: {  	[tilespmem:s22], [sflag:$0x2] =	stream.linear.gather [hbm4b:s6+s5], $0x80, $0x38;
	[tilespmem:$0x1CC00] =	vst v63  }
0x3dc: {  	s6 =	sand.u32 $0x1FFFFFF0, s23;
	s28 =	spop (v2sf);
	(v2sf) =	vpush v34, $0xD  }
0x3dd: {  	s24 =	simm.s32 $0x3100;
	s6 =	sadd.s32 s3, s6  }
0x3de: {  	[tilespmem:s24], [sflag:$0x2] =	stream.linear.gather [hbm4b:s6+s5], $0x80, $0x38;
	[tilespmem:$0x1CC00] =	vst v63  }
0x3df: {  	s7 =	spop (v2sf);
	(v2sf) =	vpush v33, $0xD  }
0x3e0: {  	s6 =	sand.u32 $0x1FFFFFF0, s25  }
0x3e1: {  	s26 =	simm.s32 $0x4100;
	s6 =	sadd.s32 s4, s6  }
0x3e2: {  	[tilespmem:s26], [sflag:$0x2] =	stream.linear.gather [hbm4b:s6+s5], $0x80, $0x38;
	[tilespmem:$0x1CC00] =	vst v63  }
0x3e3: {  	s6 =	sand.u32 $0x1FFFFFF0, s28  }
0x3e4: {  	s29 =	simm.s32 $0x3180;
	s6 =	sadd.s32 s3, s6  }
0x3e5: {  	[tilespmem:s29], [sflag:$0x2] =	stream.linear.gather [hbm4b:s6+s5], $0x80, $0x38;
	[tilespmem:$0x1CC00] =	vst v63  }
0x3e6: {  	s6 =	sand.u32 $0x1FFFFFF0, s7  }
0x3e7: {  	s8 =	simm.s32 $0x4180;
	s6 =	sadd.s32 s4, s6;
	s9 =	spop (v2sf);
	(v2sf) =	vpush v34, $0xE  }
0x3e8: {  	[tilespmem:s8], [sflag:$0x2] =	stream.linear.gather [hbm4b:s6+s5], $0x80, $0x38;
	[tilespmem:$0x1CC00] =	vst v63  }
0x3e9: {  	s11 =	spop (v2sf);
	(v2sf) =	vpush v33, $0xE  }
0x3ea: {  	s6 =	sand.u32 $0x1FFFFFF0, s9  }
0x3eb: {  	s10 =	simm.s32 $0x3200;
	s6 =	sadd.s32 s3, s6;
	s13 =	spop (v2sf)  }
0x3ec: {  	(v2sf) =	vpush v34, $0xF;
	[tilespmem:s10], [sflag:$0x2] =	stream.linear.gather [hbm4b:s6+s5], $0x80, $0x38;
	[tilespmem:$0x1CC00] =	vst v63  }
0x3ed: {  	s6 =	sand.u32 $0x1FFFFFF0, s11  }
0x3ee: {  	s12 =	simm.s32 $0x4200;
	s15 =	spop (v2sf);
	s6 =	sadd.s32 s4, s6  }
0x3ef: {  	(v2sf) =	vpush v33, $0xF;
	[tilespmem:s12], [sflag:$0x2] =	stream.linear.gather [hbm4b:s6+s5], $0x80, $0x38;
	[tilespmem:$0x1CC00] =	vst v63  }
0x3f0: {  	s6 =	sand.u32 $0x1FFFFFF0, s13  }
0x3f1: {  	s14 =	simm.s32 $0x3280;
	s6 =	sadd.s32 s3, s6  }
0x3f2: {  	[tilespmem:s14], [sflag:$0x2] =	stream.linear.gather [hbm4b:s6+s5], $0x80, $0x38;
	[tilespmem:$0x1CC00] =	vst v63  }
0x3f3: {  	s6 =	sand.u32 $0x1FFFFFF0, s15  }
0x3f4: {  	s16 =	simm.s32 $0x4280;
	s6 =	sadd.s32 s4, s6  }
0x3f5: {  	[tilespmem:s16], [sflag:$0x2] =	stream.linear.gather [hbm4b:s6+s5], $0x80, $0x38;
	[tilespmem:$0x1CC00] =	vst v63  }
0x3f6: {  	s17 =	spop (v2sf)  }
0x3f7: {  	s6 =	sand.u32 $0x1FFFFFF0, s17  }
0x3f8: {  	s22 =	simm.s32 $0x3300;
	s23 =	spop (v2sf);
	s6 =	sadd.s32 s3, s6  }
0x3f9: {  	[tilespmem:s22], [sflag:$0x2] =	stream.linear.gather [hbm4b:s6+s5], $0x80, $0x38;
	[tilespmem:$0x1CC00] =	vst v63  }
0x3fa: {  	s6 =	sand.u32 $0x1FFFFFF0, s23  }
0x3fb: {  	s24 =	simm.s32 $0x4300;
	s25 =	spop (v2sf);
	s6 =	sadd.s32 s4, s6  }
0x3fc: {  	[tilespmem:s24], [sflag:$0x2] =	stream.linear.gather [hbm4b:s6+s5], $0x80, $0x38;
	[tilespmem:$0x1CC00] =	vst v63  }
0x3fd: {  	s6 =	sand.u32 $0x1FFFFFF0, s25  }
0x3fe: {  	s26 =	simm.s32 $0x3380;
	s28 =	spop (v2sf);
	s6 =	sadd.s32 s3, s6  }
0x3ff: {  	[tilespmem:s26], [sflag:$0x2] =	stream.linear.gather [hbm4b:s6+s5], $0x80, $0x38;
	[tilespmem:$0x1CC00] =	vst v63  }
0x400: {  	s6 =	sand.u32 $0x1FFFFFF0, s28  }
0x401: {  	s29 =	simm.s32 $0x4380;
	s6 =	sadd.s32 s4, s6  }
0x402: {  	[tilespmem:s29], [sflag:$0x2] =	stream.linear.gather [hbm4b:s6+s5], $0x80, $0x38;
	[tilespmem:$0x1CC00] =	vst v63  }
0x403: {  	v0 =	vld [tilespmem:s30+$0x0];
	_ =	sdelay $0x4  }
0x404: {  	v33 =	vshll.u32 v0, $0x4  }
0x405: {  	(v2sf) =	vpush v33, $0x0  }
0x406: {  	(v2sf) =	vpush v33, $0x1  }
0x407: {  	(v2sf) =	vpush v33, $0x2;
	_ =	sdelay $0x1  }
0x408: {  	(v2sf) =	vpush v33, $0x4;
	_ =	sdelay $0x1  }
0x409: {  	(v2sf) =	vpush v33, $0x3  }
0x40a: {  	(v2sf) =	vpush v33, $0x5  }
0x40b: {  	s7 =	smov.u32 s30;
	s6 =	simm.s32 $0x2000;
	s5 =	simm.s32 $0x0;
	(v2sf) =	vpush v33, $0x6  }
.LBB2_14:
0x40c: {  	p0 =	sne.s32 s6, $0x26000  }
0x40d: {  	s10 =	sadd.s32 $0x4C80, s5;
	s14 =	sadd.s32 $0x5180, s5;
	s8 =	smov.u32 s6  }
0x40e: {  	s6 =	sadd.s32 $0x2000, s6;
	s17 =	sadd.s32 $0x4F80, s5;
	s9 =	sadd.s32 $0x5200, s5;
	(v2sf) =	vpush v33, $0x7  }
0x40f: {  	s23 =	sadd.s32 $0x4E80, s5;
	s16 =	sadd.s32 $0x5000, s5;
	s11 =	sadd.s32 $0x5280, s5  }
0x410: {  	s12 =	sadd.s32 $0x4C00, s5;
	s13 =	sadd.s32 $0x4E00, s5;
	(v2sf) =	vpush v33, $0x8  }
0x411: {  	s24 =	sadd.s32 $0x4F00, s5;
	s7 =	sadd.s32 $0x10, s7  }
0x412: {  	s25 =	sadd.s32 $0x4D00, s5;
	s15 =	sadd.s32 $0x5100, s5;
	s22 =	spop (v2sf);
	(v2sf) =	vpush v33, $0x9  }
0x413: {  	s26 =	sand.u32 $0x1FFFFFF0, s22;
	s22 =	sadd.s32 $0x5080, s5;
	s28 =	spop (v2sf)  }
0x414: {  	s26 =	sadd.s32 s4, s26;
	s28 =	sand.u32 $0x1FFFFFF0, s28;
	s29 =	spop (v2sf);
	(v2sf) =	vpush v33, $0xA  }
0x415: {  	[tilespmem:s12], [sflag:$0x2] =	stream.linear.gather [hbm4b:s26+s2], $0x80, $0x38;
	[tilespmem:$0x1CC00] =	vst v63  }
0x416: {  	s12 =	sadd.s32 s4, s28;
	s26 =	sadd.s32 $0x4D80, s5;
	s28 =	spop (v2sf);
	(v2sf) =	vpush v33, $0xB  }
0x417: {  	[tilespmem:s10], [sflag:$0x2] =	stream.linear.gather [hbm4b:s12+s2], $0x80, $0x38;
	[tilespmem:$0x1CC00] =	vst v63  }
0x418: {  	s10 =	sand.u32 $0x1FFFFFF0, s29;
	s12 =	sand.u32 $0x1FFFFFF0, s28;
	s28 =	spop (v2sf);
	(v2sf) =	vpush v33, $0xC  }
0x419: {  	s10 =	sadd.s32 s4, s10;
	s28 =	sand.u32 $0x1FFFFFF0, s28;
	s29 =	spop (v2sf)  }
0x41a: {  	[tilespmem:s25], [sflag:$0x2] =	stream.linear.gather [hbm4b:s10+s2], $0x80, $0x38;
	(v2sf) =	vpush v33, $0xD;
	[tilespmem:$0x1CC00] =	vst v63  }
0x41b: {  	s10 =	sadd.s32 s4, s28;
	s25 =	sand.u32 $0x1FFFFFF0, s29;
	s28 =	spop (v2sf)  }
0x41c: {  	[tilespmem:s26], [sflag:$0x2] =	stream.linear.gather [hbm4b:s10+s2], $0x80, $0x38;
	(v2sf) =	vpush v33, $0xE;
	[tilespmem:$0x1CC00] =	vst v63  }
0x41d: {  	s10 =	sadd.s32 s4, s12;
	s12 =	sand.u32 $0x1FFFFFF0, s28;
	s26 =	spop (v2sf)  }
0x41e: {  	[tilespmem:s13], [sflag:$0x2] =	stream.linear.gather [hbm4b:s10+s2], $0x80, $0x38;
	(v2sf) =	vpush v33, $0xF;
	[tilespmem:$0x1CC00] =	vst v63  }
0x41f: {  	s10 =	sadd.s32 s4, s25;
	s13 =	sand.u32 $0x1FFFFFF0, s26;
	s25 =	spop (v2sf)  }
0x420: {  	[tilespmem:s23], [sflag:$0x2] =	stream.linear.gather [hbm4b:s10+s2], $0x80, $0x38;
	[tilespmem:$0x1CC00] =	vst v63  }
0x421: {  	s10 =	sadd.s32 s4, s12;
	s12 =	sand.u32 $0x1FFFFFF0, s25;
	s23 =	spop (v2sf)  }
0x422: {  	[tilespmem:s24], [sflag:$0x2] =	stream.linear.gather [hbm4b:s10+s2], $0x80, $0x38;
	[tilespmem:$0x1CC00] =	vst v63  }
0x423: {  	s10 =	sadd.s32 s4, s13;
	s13 =	sand.u32 $0x1FFFFFF0, s23;
	s23 =	spop (v2sf)  }
0x424: {  	[tilespmem:s17], [sflag:$0x2] =	stream.linear.gather [hbm4b:s10+s2], $0x80, $0x38;
	[tilespmem:$0x1CC00] =	vst v63  }
0x425: {  	s10 =	sadd.s32 s4, s12;
	s12 =	sand.u32 $0x1FFFFFF0, s23;
	s17 =	spop (v2sf)  }
0x426: {  	[tilespmem:s16], [sflag:$0x2] =	stream.linear.gather [hbm4b:s10+s2], $0x80, $0x38;
	[tilespmem:$0x1CC00] =	vst v63  }
0x427: {  	s10 =	sadd.s32 s4, s13;
	s13 =	sand.u32 $0x1FFFFFF0, s17;
	s16 =	spop (v2sf)  }
0x428: {  	[tilespmem:s22], [sflag:$0x2] =	stream.linear.gather [hbm4b:s10+s2], $0x80, $0x38;
	[tilespmem:$0x1CC00] =	vst v63  }
0x429: {  	s10 =	sadd.s32 s4, s12;
	s12 =	sand.u32 $0x1FFFFFF0, s16;
	s16 =	spop (v2sf)  }
0x42a: {  	[tilespmem:s15], [sflag:$0x2] =	stream.linear.gather [hbm4b:s10+s2], $0x80, $0x38;
	[tilespmem:$0x1CC00] =	vst v63  }
0x42b: {  	s10 =	sadd.s32 s4, s13;
	s13 =	sand.u32 $0x1FFFFFF0, s16;
	s15 =	spop (v2sf)  }
0x42c: {  	[tilespmem:s14], [sflag:$0x2] =	stream.linear.gather [hbm4b:s10+s2], $0x80, $0x38;
	[tilespmem:$0x1CC00] =	vst v63  }
0x42d: {  	s10 =	sadd.s32 s4, s12;
	s12 =	sand.u32 $0x1FFFFFF0, s15;
	s14 =	spop (v2sf)  }
0x42e: {  	[tilespmem:s9], [sflag:$0x2] =	stream.linear.gather [hbm4b:s10+s2], $0x80, $0x38;
	[tilespmem:$0x1CC00] =	vst v63  }
0x42f: {  	s9 =	sadd.s32 s4, s13;
	s10 =	sand.u32 $0x1FFFFFF0, s14  }
0x430: {  	[tilespmem:s11], [sflag:$0x2] =	stream.linear.gather [hbm4b:s9+s2], $0x80, $0x38;
	[tilespmem:$0x1CC00] =	vst v63  }
0x431: {  	s9 =	sadd.s32 $0x5300, s5;
	s11 =	sadd.s32 s4, s12  }
0x432: {  	[tilespmem:s9], [sflag:$0x2] =	stream.linear.gather [hbm4b:s11+s2], $0x80, $0x38;
	[tilespmem:$0x1CC00] =	vst v63  }
0x433: {  	s5 =	sadd.s32 $0x5380, s5;
	s9 =	sadd.s32 s4, s10  }
0x434: {  	[tilespmem:s5], [sflag:$0x2] =	stream.linear.gather [hbm4b:s9+s2], $0x80, $0x38;
	[tilespmem:$0x1CC00] =	vst v63  }
0x435: {  	v0 =	vld [tilespmem:s7+$0x0];
	_ =	sdelay $0x4  }
0x436: {  	v33 =	vshll.u32 v0, $0x4  }
0x437: {  	(v2sf) =	vpush v33, $0x0  }
0x438: {  	(v2sf) =	vpush v33, $0x1  }
0x439: {  	(v2sf) =	vpush v33, $0x2;
	_ =	sdelay $0x1  }
0x43a: {  	(v2sf) =	vpush v33, $0x4  }
.Ltmp11:
0x43b: {  	(pc) =	sbr.rel @p0 .LBB2_14-.Ltmp11, $3  }
0x43c: {  	(v2sf) =	vpush v33, $0x3  }
0x43d: {  	(v2sf) =	vpush v33, $0x5;
	_ =	sdelay $0x1  }
0x43e: {  	s5 =	sshra.s32 s8, $0x2;
	(v2sf) =	vpush v33, $0x6  }
0x43f: {  	_ =	sdelay $0x1  }
0x440: {  	s9 =	sadd.s32 $0x4C80, s5;
	s8 =	sadd.s32 $0x5180, s5  }
0x441: {  	s10 =	sadd.s32 $0x4F80, s5;
	s6 =	sadd.s32 $0x5200, s5;
	(v2sf) =	vpush v33, $0x7;
	s11 =	sadd.s32 $0x4E80, s5  }
0x442: {  	s12 =	sadd.s32 $0x5000, s5;
	s7 =	sadd.s32 $0x5280, s5;
	s13 =	sadd.s32 $0x4C00, s5  }
0x443: {  	s14 =	sadd.s32 $0x4E00, s5;
	s15 =	sadd.s32 $0x4F00, s5;
	(v2sf) =	vpush v33, $0x8;
	s16 =	spop (v2sf)  }
0x444: {  	s17 =	sadd.s32 $0x4D00, s5;
	s16 =	sand.u32 $0x1FFFFFF0, s16;
	s22 =	spop (v2sf)  }
0x445: {  	(v2sf) =	vpush v33, $0x9;
	s16 =	sadd.s32 s4, s16;
	s22 =	sand.u32 $0x1FFFFFF0, s22;
	s23 =	spop (v2sf)  }
0x446: {  	[tilespmem:s13], [sflag:$0x2] =	stream.linear.gather [hbm4b:s16+s2], $0x80, $0x38;
	[tilespmem:$0x1CC00] =	vst v63  }
0x447: {  	s24 =	sadd.s32 $0x4D80, s5;
	(v2sf) =	vpush v33, $0xA;
	s28 =	sadd.s32 s4, s22;
	s29 =	spop (v2sf)  }
0x448: {  	[tilespmem:s9], [sflag:$0x2] =	stream.linear.gather [hbm4b:s28+s2], $0x80, $0x38;
	[tilespmem:$0x1CC00] =	vst v63  }
0x449: {  	s13 =	sadd.s32 $0x5100, s5;
	s25 =	sand.u32 $0x1FFFFFF0, s23;
	(v2sf) =	vpush v33, $0xB;
	s26 =	spop (v2sf)  }
0x44a: {  	s16 =	sadd.s32 s4, s25;
	s9 =	sadd.s32 $0x5080, s5;
	s23 =	sand.u32 $0x1FFFFFF0, s26  }
0x44b: {  	(v2sf) =	vpush v33, $0xC;
	[tilespmem:s17], [sflag:$0x2] =	stream.linear.gather [hbm4b:s16+s2], $0x80, $0x38;
	[tilespmem:$0x1CC00] =	vst v63  }
0x44c: {  	s28 =	sand.u32 $0x1FFFFFF0, s29;
	s29 =	spop (v2sf);
	s25 =	sadd.s32 s4, s23  }
0x44d: {  	(v2sf) =	vpush v33, $0xD;
	[tilespmem:s24], [sflag:$0x2] =	stream.linear.gather [hbm4b:s25+s2], $0x80, $0x38;
	[tilespmem:$0x1CC00] =	vst v63  }
0x44e: {  	s16 =	sadd.s32 s4, s28;
	s17 =	sand.u32 $0x1FFFFFF0, s29;
	s26 =	spop (v2sf)  }
0x44f: {  	(v2sf) =	vpush v33, $0xE;
	[tilespmem:s14], [sflag:$0x2] =	stream.linear.gather [hbm4b:s16+s2], $0x80, $0x38;
	[tilespmem:$0x1CC00] =	vst v63  }
0x450: {  	s17 =	sadd.s32 s4, s17;
	s28 =	sand.u32 $0x1FFFFFF0, s26;
	s29 =	spop (v2sf)  }
0x451: {  	(v2sf) =	vpush v33, $0xF;
	[tilespmem:s11], [sflag:$0x2] =	stream.linear.gather [hbm4b:s17+s2], $0x80, $0x38;
	[tilespmem:$0x1CC00] =	vst v63  }
0x452: {  	s22 =	sand.u32 $0x1FFFFFF0, s29;
	s23 =	spop (v2sf);
	s14 =	sadd.s32 s4, s28  }
0x453: {  	[tilespmem:s15], [sflag:$0x2] =	stream.linear.gather [hbm4b:s14+s2], $0x80, $0x38;
	[tilespmem:$0x1CC00] =	vst v63  }
0x454: {  	s24 =	sand.u32 $0x1FFFFFF0, s23;
	s11 =	sadd.s32 s4, s22;
	s25 =	spop (v2sf)  }
0x455: {  	[tilespmem:s10], [sflag:$0x2] =	stream.linear.gather [hbm4b:s11+s2], $0x80, $0x38;
	[tilespmem:$0x1CC00] =	vst v63  }
0x456: {  	s14 =	sadd.s32 s4, s24;
	s26 =	sand.u32 $0x1FFFFFF0, s25;
	s28 =	spop (v2sf)  }
0x457: {  	[tilespmem:s12], [sflag:$0x2] =	stream.linear.gather [hbm4b:s14+s2], $0x80, $0x38;
	[tilespmem:$0x1CC00] =	vst v63  }
0x458: {  	s11 =	sand.u32 $0x1FFFFFF0, s28;
	s10 =	sadd.s32 s4, s26;
	s29 =	spop (v2sf)  }
0x459: {  	[tilespmem:s9], [sflag:$0x2] =	stream.linear.gather [hbm4b:s10+s2], $0x80, $0x38;
	[tilespmem:$0x1CC00] =	vst v63  }
0x45a: {  	s11 =	sadd.s32 s4, s11;
	s14 =	sand.u32 $0x1FFFFFF0, s29;
	s15 =	spop (v2sf)  }
0x45b: {  	[tilespmem:s13], [sflag:$0x2] =	stream.linear.gather [hbm4b:s11+s2], $0x80, $0x38;
	[tilespmem:$0x1CC00] =	vst v63  }
0x45c: {  	s9 =	sadd.s32 s4, s14;
	s10 =	sand.u32 $0x1FFFFFF0, s15;
	s16 =	spop (v2sf)  }
0x45d: {  	[tilespmem:s8], [sflag:$0x2] =	stream.linear.gather [hbm4b:s9+s2], $0x80, $0x38;
	[tilespmem:$0x1CC00] =	vst v63  }
0x45e: {  	s17 =	sand.u32 $0x1FFFFFF0, s16;
	s10 =	sadd.s32 s4, s10;
	s22 =	spop (v2sf)  }
0x45f: {  	[tilespmem:s6], [sflag:$0x2] =	stream.linear.gather [hbm4b:s10+s2], $0x80, $0x38;
	[tilespmem:$0x1CC00] =	vst v63  }
0x460: {  	s23 =	sand.u32 $0x1FFFFFF0, s22;
	s24 =	spop (v2sf);
	s8 =	sadd.s32 s4, s17  }
0x461: {  	[tilespmem:s7], [sflag:$0x2] =	stream.linear.gather [hbm4b:s8+s2], $0x80, $0x38;
	[tilespmem:$0x1CC00] =	vst v63  }
0x462: {  	s26 =	sadd.s32 $0x5300, s5;
	s25 =	sand.u32 $0x1FFFFFF0, s24;
	s6 =	sadd.s32 s4, s23  }
0x463: {  	[tilespmem:s26], [sflag:$0x2] =	stream.linear.gather [hbm4b:s6+s2], $0x80, $0x38;
	[tilespmem:$0x1CC00] =	vst v63  }
0x464: {  	s28 =	sadd.s32 $0x5380, s5;
	s29 =	sadd.s32 s4, s25  }
0x465: {  	[tilespmem:s28], [sflag:$0x2] =	stream.linear.gather [hbm4b:s29+s2], $0x80, $0x38;
	[tilespmem:$0x1CC00] =	vst v63  }
.LBB2_16:
0x466: {  	_ =	swait.ge [sflag:s18], $0x80  }
0x467: {  	s5 =	simm.s32 $0x15F;
	[sflag:s18] =	ssyncset.done $0x0  }
.LBB2_17:
0x468: {  	p0 =	sne.s32 s5, $0x1;
	s5 =	sadd.s32 $0xFFFFFFFF, s5;
	[sflag:s18] =	ssyncadd.s32 $0xFFFFFF80  }
.Ltmp12:
0x469: {  	(pc) =	sbr.rel @p0 .LBB2_17-.Ltmp12, $3  }
0x46a: {  	_ =	sdelay $0x1  }
0x46b: {  	_ =	swait.ge [sflag:s18], $0x80  }
0x46c: {  	[sflag:s18] =	ssyncset.done $0x0  }
0x46d: {  	_ =	sdelay $0x1  }
0x46e: {  	v4 =	vld [tilespmem:$0x1FF50]  }
0x46f: {  	[sflag:s18] =	ssyncadd.s32 $0xFFFFFF80  }
0x470: {  	v0 =	vld.idx.msk [tilespmem:v1+s19+$0x0], $0xffff;
	_ =	sdelay $0x3  }
0x471: {  	v6 =	vld [tilespmem:$0x1FF60]  }
0x472: {  	v2 =	vld.idx.msk [tilespmem:v1+s20+$0x0], $0xffff;
	[tilespmem:$0x18C00] =	vst v0  }
0x473: {  	v3 =	vld.idx.msk [tilespmem:v4+s19+$0x0], $0xffff;
	_ =	sdelay $0x3  }
0x474: {  	v8 =	vld [tilespmem:$0x1FF70]  }
0x475: {  	v4 =	vld.idx.msk [tilespmem:v4+s20+$0x0], $0xffff;
	[tilespmem:$0x18C80] =	vst v3  }
0x476: {  	v5 =	vld.idx.msk [tilespmem:v6+s19+$0x0], $0xffff;
	_ =	sdelay $0x3  }
0x477: {  	v10 =	vld [tilespmem:$0x1FF80]  }
0x478: {  	v6 =	vld.idx.msk [tilespmem:v6+s20+$0x0], $0xffff;
	[tilespmem:$0x18D00] =	vst v5  }
0x479: {  	v7 =	vld.idx.msk [tilespmem:v8+s19+$0x0], $0xffff;
	_ =	sdelay $0x3  }
0x47a: {  	v12 =	vld [tilespmem:$0x1FF90]  }
0x47b: {  	v8 =	vld.idx.msk [tilespmem:v8+s20+$0x0], $0xffff;
	[tilespmem:$0x18D80] =	vst v7  }
0x47c: {  	v9 =	vld.idx.msk [tilespmem:v10+s19+$0x0], $0xffff;
	_ =	sdelay $0x3  }
0x47d: {  	v34 =	vld [tilespmem:$0x1FFA0]  }
0x47e: {  	v10 =	vld.idx.msk [tilespmem:v10+s20+$0x0], $0xffff;
	[tilespmem:$0x18E00] =	vst v9  }
0x47f: {  	v11 =	vld.idx.msk [tilespmem:v12+s19+$0x0], $0xffff;
	_ =	sdelay $0x3  }
0x480: {  	v36 =	vld [tilespmem:$0x1FFB0]  }
0x481: {  	v12 =	vld.idx.msk [tilespmem:v12+s20+$0x0], $0xffff;
	[tilespmem:$0x18E80] =	vst v11  }
0x482: {  	v33 =	vld.idx.msk [tilespmem:v34+s19+$0x0], $0xffff;
	_ =	sdelay $0x3  }
0x483: {  	v38 =	vld [tilespmem:$0x1FFC0]  }
0x484: {  	v34 =	vld.idx.msk [tilespmem:v34+s20+$0x0], $0xffff;
	[tilespmem:$0x18F00] =	vst v33  }
0x485: {  	v35 =	vld.idx.msk [tilespmem:v36+s19+$0x0], $0xffff;
	_ =	sdelay $0x3  }
0x486: {  	v40 =	vld [tilespmem:$0x1FFD0]  }
0x487: {  	v36 =	vld.idx.msk [tilespmem:v36+s20+$0x0], $0xffff;
	[tilespmem:$0x18F80] =	vst v35  }
0x488: {  	v37 =	vld.idx.msk [tilespmem:v38+s19+$0x0], $0xffff;
	_ =	sdelay $0x3  }
0x489: {  	v42 =	vld [tilespmem:$0x1FFE0]  }
0x48a: {  	v38 =	vld.idx.msk [tilespmem:v38+s20+$0x0], $0xffff;
	[tilespmem:$0x19000] =	vst v37  }
0x48b: {  	v39 =	vld.idx.msk [tilespmem:v40+s19+$0x0], $0xffff;
	_ =	sdelay $0x3  }
0x48c: {  	v44 =	vld [tilespmem:$0x1FFF0]  }
0x48d: {  	v40 =	vld.idx.msk [tilespmem:v40+s20+$0x0], $0xffff;
	[tilespmem:$0x19080] =	vst v39  }
0x48e: {  	v41 =	vld.idx.msk [tilespmem:v42+s19+$0x0], $0xffff;
	_ =	sdelay $0x4  }
0x48f: {  	v42 =	vld.idx.msk [tilespmem:v42+s20+$0x0], $0xffff;
	[tilespmem:$0x19100] =	vst v41  }
0x490: {  	v43 =	vld.idx.msk [tilespmem:v44+s19+$0x0], $0xffff;
	_ =	sdelay $0x4  }
0x491: {  	v44 =	vld.idx.msk [tilespmem:v44+s20+$0x0], $0xffff;
	[tilespmem:$0x19180] =	vst v43  }
0x492: {  	v45 =	vld.idx.msk [tilespmem:v13+s19+$0x0], $0xffff;
	_ =	sdelay $0x4  }
0x493: {  	v46 =	vld.idx.msk [tilespmem:v13+s20+$0x0], $0xffff;
	[tilespmem:$0x19200] =	vst v45  }
0x494: {  	v47 =	vld.idx.msk [tilespmem:v14+s19+$0x0], $0xffff;
	_ =	sdelay $0x4  }
0x495: {  	v48 =	vld.idx.msk [tilespmem:v14+s20+$0x0], $0xffff;
	[tilespmem:$0x19280] =	vst v47  }
0x496: {  	v49 =	vld.idx.msk [tilespmem:v15+s19+$0x0], $0xffff;
	_ =	sdelay $0x4  }
0x497: {  	v50 =	vld.idx.msk [tilespmem:v15+s20+$0x0], $0xffff;
	[tilespmem:$0x19300] =	vst v49  }
0x498: {  	v51 =	vld.idx.msk [tilespmem:v16+s19+$0x0], $0xffff;
	_ =	sdelay $0x4  }
0x499: {  	v52 =	vld.idx.msk [tilespmem:v16+s20+$0x0], $0xffff;
	[tilespmem:$0x19380] =	vst v51  }
0x49a: {  	v53 =	vld.idx.msk [tilespmem:v17+s19+$0x0], $0xffff;
	_ =	sdelay $0x4  }
0x49b: {  	v54 =	vld.idx.msk [tilespmem:v17+s20+$0x0], $0xffff;
	[tilespmem:$0x19400] =	vst v53  }
0x49c: {  	v55 =	vld.idx.msk [tilespmem:v18+s19+$0x0], $0xffff;
	_ =	sdelay $0x4  }
0x49d: {  	v56 =	vld.idx.msk [tilespmem:v18+s20+$0x0], $0xffff;
	[tilespmem:$0x19480] =	vst v55  }
0x49e: {  	v57 =	vld.idx.msk [tilespmem:v19+s19+$0x0], $0xffff;
	_ =	sdelay $0x4  }
0x49f: {  	v58 =	vld.idx.msk [tilespmem:v19+s20+$0x0], $0xffff;
	[tilespmem:$0x19500] =	vst v57  }
0x4a0: {  	v59 =	vld.idx.msk [tilespmem:v20+s19+$0x0], $0xffff;
	_ =	sdelay $0x4  }
0x4a1: {  	v60 =	vld.idx.msk [tilespmem:v20+s20+$0x0], $0xffff;
	[tilespmem:$0x19580] =	vst v59  }
0x4a2: {  	v61 =	vld.idx.msk [tilespmem:v21+s19+$0x0], $0xffff;
	_ =	sdelay $0x4  }
0x4a3: {  	v62 =	vld.idx.msk [tilespmem:v21+s20+$0x0], $0xffff;
	[tilespmem:$0x19600] =	vst v61  }
0x4a4: {  	v63 =	vld.idx.msk [tilespmem:v22+s19+$0x0], $0xffff;
	_ =	sdelay $0x3  }
0x4a5: {  	v0 =	vmul.f32 v2, v0  }
0x4a6: {  	v2 =	vld.idx.msk [tilespmem:v22+s20+$0x0], $0xffff;
	[tilespmem:$0x19680] =	vst v63  }
0x4a7: {  	v0 =	vadd.f32 $0.0e+00, v0;
	v3 =	vmul.f32 v4, v3;
	v4 =	vld.idx.msk [tilespmem:v23+s19+$0x0], $0xffff;
	_ =	sdelay $0x1  }
0x4a8: {  	v0 =	vadd.f32 v3, v0;
	v3 =	vmul.f32 v6, v5;
	_ =	sdelay $0x1  }
0x4a9: {  	v0 =	vadd.f32 v3, v0;
	v3 =	vmul.f32 v8, v7  }
0x4aa: {  	v5 =	vld.idx.msk [tilespmem:v23+s20+$0x0], $0xffff;
	[tilespmem:$0x19700] =	vst v4  }
0x4ab: {  	v0 =	vadd.f32 v3, v0;
	v3 =	vmul.f32 v10, v9;
	v6 =	vld.idx.msk [tilespmem:v24+s19+$0x0], $0xffff;
	_ =	sdelay $0x1  }
0x4ac: {  	v0 =	vadd.f32 v3, v0;
	v3 =	vmul.f32 v12, v11;
	_ =	sdelay $0x1  }
0x4ad: {  	v0 =	vadd.f32 v3, v0;
	v3 =	vmul.f32 v34, v33  }
0x4ae: {  	v7 =	vld.idx.msk [tilespmem:v24+s20+$0x0], $0xffff;
	[tilespmem:$0x19780] =	vst v6  }
0x4af: {  	v0 =	vadd.f32 v3, v0;
	v3 =	vmul.f32 v36, v35;
	v8 =	vld.idx.msk [tilespmem:v25+s19+$0x0], $0xffff;
	_ =	sdelay $0x1  }
0x4b0: {  	v0 =	vadd.f32 v3, v0;
	v3 =	vmul.f32 v38, v37;
	_ =	sdelay $0x1  }
0x4b1: {  	v0 =	vadd.f32 v3, v0;
	v3 =	vmul.f32 v40, v39  }
0x4b2: {  	v9 =	vld.idx.msk [tilespmem:v25+s20+$0x0], $0xffff;
	[tilespmem:$0x19800] =	vst v8  }
0x4b3: {  	v0 =	vadd.f32 v3, v0;
	v3 =	vmul.f32 v42, v41;
	v10 =	vld.idx.msk [tilespmem:v26+s19+$0x0], $0xffff;
	_ =	sdelay $0x1  }
0x4b4: {  	v0 =	vadd.f32 v3, v0;
	v3 =	vmul.f32 v44, v43;
	_ =	sdelay $0x1  }
0x4b5: {  	v0 =	vadd.f32 v3, v0;
	v3 =	vmul.f32 v46, v45  }
0x4b6: {  	v46 =	vld.idx.msk [tilespmem:v26+s20+$0x0], $0xffff;
	[tilespmem:$0x19880] =	vst v10  }
0x4b7: {  	v0 =	vadd.f32 v3, v0;
	v3 =	vmul.f32 v48, v47;
	v12 =	vld.idx.msk [tilespmem:v27+s19+$0x0], $0xffff;
	_ =	sdelay $0x1  }
0x4b8: {  	v0 =	vadd.f32 v3, v0;
	v3 =	vmul.f32 v50, v49;
	_ =	sdelay $0x1  }
0x4b9: {  	v0 =	vadd.f32 v3, v0;
	v3 =	vmul.f32 v52, v51  }
0x4ba: {  	v52 =	vld.idx.msk [tilespmem:v27+s20+$0x0], $0xffff;
	[tilespmem:$0x19900] =	vst v12  }
0x4bb: {  	v0 =	vadd.f32 v3, v0;
	v3 =	vmul.f32 v54, v53;
	v54 =	vld.idx.msk [tilespmem:v28+s19+$0x0], $0xffff;
	_ =	sdelay $0x1  }
0x4bc: {  	v0 =	vadd.f32 v3, v0;
	v3 =	vmul.f32 v56, v55;
	_ =	sdelay $0x1  }
0x4bd: {  	v0 =	vadd.f32 v3, v0;
	v3 =	vmul.f32 v58, v57  }
0x4be: {  	v58 =	vld.idx.msk [tilespmem:v28+s20+$0x0], $0xffff;
	[tilespmem:$0x19980] =	vst v54  }
0x4bf: {  	v0 =	vadd.f32 v3, v0;
	v3 =	vmul.f32 v60, v59;
	v40 =	vld.idx.msk [tilespmem:v29+s19+$0x0], $0xffff;
	_ =	sdelay $0x1  }
0x4c0: {  	v0 =	vadd.f32 v3, v0;
	v3 =	vmul.f32 v62, v61;
	_ =	sdelay $0x1  }
0x4c1: {  	v0 =	vadd.f32 v3, v0;
	v2 =	vmul.f32 v2, v63  }
0x4c2: {  	v3 =	vld.idx.msk [tilespmem:v29+s20+$0x0], $0xffff;
	[tilespmem:$0x19A00] =	vst v40  }
0x4c3: {  	v0 =	vadd.f32 v2, v0;
	v2 =	vmul.f32 v5, v4;
	v41 =	vld.idx.msk [tilespmem:v30+s19+$0x0], $0xffff;
	_ =	sdelay $0x1  }
0x4c4: {  	v0 =	vadd.f32 v2, v0;
	v2 =	vmul.f32 v7, v6;
	_ =	sdelay $0x1  }
0x4c5: {  	v0 =	vadd.f32 v2, v0;
	v2 =	vmul.f32 v9, v8  }
0x4c6: {  	v42 =	vld.idx.msk [tilespmem:v30+s20+$0x0], $0xffff;
	[tilespmem:$0x19A80] =	vst v41  }
0x4c7: {  	v0 =	vadd.f32 v2, v0;
	v2 =	vmul.f32 v46, v10;
	v43 =	vld.idx.msk [tilespmem:v31+s19+$0x0], $0xffff;
	_ =	sdelay $0x1  }
0x4c8: {  	v0 =	vadd.f32 v2, v0;
	v2 =	vmul.f32 v52, v12;
	_ =	sdelay $0x1  }
0x4c9: {  	v0 =	vadd.f32 v2, v0;
	v2 =	vmul.f32 v58, v54  }
0x4ca: {  	v44 =	vld.idx.msk [tilespmem:v31+s20+$0x0], $0xffff;
	[tilespmem:$0x19B00] =	vst v43  }
0x4cb: {  	v0 =	vadd.f32 v2, v0;
	v2 =	vmul.f32 v3, v40;
	v3 =	vld.idx.msk [tilespmem:v32+s19+$0x0], $0xffff  }
0x4cc: {  	v45 =	vld.idx.msk [tilespmem:v32+s20+$0x0], $0xffff  }
0x4cd: {  	s5 =	simm.s32 $0x0;
	v0 =	vadd.f32 v2, v0;
	v2 =	vmul.f32 v42, v41  }
0x4ce: {  	v47 =	vmov s5;
	v46 =	vlaneseq.u32  }
0x4cf: {  	v34 =	vmul.u32 $0xA00, v46;
	v0 =	vadd.f32 v2, v0;
	v2 =	vmul.f32 v44, v43  }
0x4d0: {  	v5 =	vshll.u32 v47, $0x7  }
0x4d1: {  	s26 =	sshll.u32 s1, $0x7;
	v33 =	vadd.s32 v34, v5;
	v0 =	vadd.f32 v2, v0;
	v2 =	vmul.f32 v45, v3  }
0x4d2: {  	s6 =	sshll.u32 s1, $0x4;
	s5 =	sand.u32 $0xC00, s26  }
0x4d3: {  	s6 =	sand.u32 $0x70, s6;
	s5 =	sadd.s32 $0x19C00, s5;
	v0 =	vadd.f32 v2, v0  }
0x4d4: {  	s7 =	sor.u32 s6, s5;
	[tilespmem:$0x19B80] =	vst v3;
	v2 =	vor.u32 $0x1, v33  }
0x4d5: {  	[tilespmem:s7+$0x0] =	vst v0  }
0x4d6: {  	v0 =	vor.u32 $0x2, v33;
	v3 =	vld.idx.msk [tilespmem:v33+s21+$0x0], $0xffff  }
0x4d7: {  	v5 =	vor.u32 $0x3, v33;
	v48 =	vld [tilespmem:$0x18C00]  }
0x4d8: {  	v49 =	vld [tilespmem:$0x18C80]  }
0x4d9: {  	v50 =	vor.u32 $0x4, v33;
	v2 =	vld.idx.msk [tilespmem:v2+s21+$0x0], $0xffff  }
0x4da: {  	v51 =	vld [tilespmem:$0x18D00]  }
0x4db: {  	v0 =	vld.idx.msk [tilespmem:v0+s21+$0x0], $0xffff  }
0x4dc: {  	v52 =	vor.u32 $0x5, v33;
	v53 =	vld.idx.msk [tilespmem:v5+s21+$0x0], $0xffff;
	v3 =	vmul.f32 v48, v3  }
0x4dd: {  	v55 =	vor.u32 $0x6, v33;
	v54 =	vld [tilespmem:$0x18D80]  }
0x4de: {  	v56 =	vld.idx.msk [tilespmem:v50+s21+$0x0], $0xffff;
	v3 =	vadd.f32 $0.0e+00, v3;
	v2 =	vmul.f32 v49, v2  }
0x4df: {  	v58 =	vor.u32 $0x7, v33;
	v57 =	vld [tilespmem:$0x18E00]  }
0x4e0: {  	v59 =	vld [tilespmem:$0x18E80];
	v2 =	vadd.f32 v2, v3;
	v0 =	vmul.f32 v51, v0  }
0x4e1: {  	v3 =	vld.idx.msk [tilespmem:v52+s21+$0x0], $0xffff  }
0x4e2: {  	v60 =	vor.u32 $0x8, v33;
	v61 =	vld.idx.msk [tilespmem:v55+s21+$0x0], $0xffff;
	v0 =	vadd.f32 v0, v2;
	v2 =	vmul.f32 v54, v53  }
0x4e3: {  	v63 =	vor.u32 $0x9, v33;
	v62 =	vld [tilespmem:$0x18F00]  }
0x4e4: {  	v35 =	vld.idx.msk [tilespmem:v58+s21+$0x0], $0xffff;
	v0 =	vadd.f32 v2, v0;
	v2 =	vmul.f32 v57, v56  }
0x4e5: {  	v37 =	vor.u32 $0xA, v33;
	v36 =	vld [tilespmem:$0x18F80]  }
0x4e6: {  	v38 =	vld [tilespmem:$0x19000];
	v0 =	vadd.f32 v2, v0;
	v2 =	vmul.f32 v59, v3  }
0x4e7: {  	v3 =	vld.idx.msk [tilespmem:v60+s21+$0x0], $0xffff  }
0x4e8: {  	v39 =	vor.u32 $0xB, v33;
	v40 =	vld.idx.msk [tilespmem:v63+s21+$0x0], $0xffff;
	v0 =	vadd.f32 v2, v0;
	v2 =	vmul.f32 v62, v61  }
0x4e9: {  	v42 =	vor.u32 $0xC, v33;
	v41 =	vld [tilespmem:$0x19080]  }
0x4ea: {  	v43 =	vld.idx.msk [tilespmem:v37+s21+$0x0], $0xffff;
	v0 =	vadd.f32 v2, v0;
	v2 =	vmul.f32 v36, v35  }
0x4eb: {  	v45 =	vor.u32 $0xD, v33;
	v44 =	vld [tilespmem:$0x19100]  }
0x4ec: {  	v46 =	vld [tilespmem:$0x19180];
	v0 =	vadd.f32 v2, v0;
	v2 =	vmul.f32 v38, v3  }
0x4ed: {  	v3 =	vld.idx.msk [tilespmem:v39+s21+$0x0], $0xffff  }
0x4ee: {  	v47 =	vor.u32 $0xE, v33;
	v48 =	vld.idx.msk [tilespmem:v42+s21+$0x0], $0xffff;
	v0 =	vadd.f32 v2, v0;
	v2 =	vmul.f32 v41, v40  }
0x4ef: {  	v50 =	vor.u32 $0xF, v33;
	v49 =	vld [tilespmem:$0x19200]  }
0x4f0: {  	v51 =	vld.idx.msk [tilespmem:v45+s21+$0x0], $0xffff;
	v0 =	vadd.f32 v2, v0;
	v2 =	vmul.f32 v44, v43  }
0x4f1: {  	v52 =	vld [tilespmem:$0x19280]  }
0x4f2: {  	v53 =	vor.u32 $0x10, v33;
	v54 =	vld [tilespmem:$0x19300];
	v0 =	vadd.f32 v2, v0;
	v2 =	vmul.f32 v46, v3  }
0x4f3: {  	v3 =	vld.idx.msk [tilespmem:v47+s21+$0x0], $0xffff  }
0x4f4: {  	v55 =	vor.u32 $0x11, v33;
	v56 =	vld.idx.msk [tilespmem:v50+s21+$0x0], $0xffff;
	v0 =	vadd.f32 v2, v0;
	v2 =	vmul.f32 v49, v48  }
0x4f5: {  	v58 =	vor.u32 $0x12, v33;
	v57 =	vld [tilespmem:$0x19380]  }
0x4f6: {  	v60 =	vld [tilespmem:$0x19400];
	v0 =	vadd.f32 v2, v0;
	v2 =	vmul.f32 v52, v51  }
0x4f7: {  	v59 =	vld.idx.msk [tilespmem:v53+s21+$0x0], $0xffff  }
0x4f8: {  	v61 =	vor.u32 $0x13, v33;
	v62 =	vld [tilespmem:$0x19480];
	v0 =	vadd.f32 v2, v0;
	v2 =	vmul.f32 v54, v3  }
0x4f9: {  	v3 =	vld.idx.msk [tilespmem:v55+s21+$0x0], $0xffff  }
0x4fa: {  	v63 =	vor.u32 $0x14, v33;
	v35 =	vld.idx.msk [tilespmem:v58+s21+$0x0], $0xffff;
	v0 =	vadd.f32 v2, v0;
	v2 =	vmul.f32 v57, v56  }
0x4fb: {  	v37 =	vor.u32 $0x15, v33;
	v36 =	vld [tilespmem:$0x19500]  }
0x4fc: {  	v39 =	vld [tilespmem:$0x19580];
	v0 =	vadd.f32 v2, v0;
	v2 =	vmul.f32 v60, v59  }
0x4fd: {  	v38 =	vld.idx.msk [tilespmem:v61+s21+$0x0], $0xffff  }
0x4fe: {  	v40 =	vor.u32 $0x16, v33;
	v41 =	vld [tilespmem:$0x19600];
	v0 =	vadd.f32 v2, v0;
	v2 =	vmul.f32 v62, v3  }
0x4ff: {  	v3 =	vld.idx.msk [tilespmem:v63+s21+$0x0], $0xffff  }
0x500: {  	v42 =	vor.u32 $0x17, v33;
	v43 =	vld.idx.msk [tilespmem:v37+s21+$0x0], $0xffff;
	v0 =	vadd.f32 v2, v0;
	v2 =	vmul.f32 v36, v35  }
0x501: {  	v45 =	vor.u32 $0x18, v33;
	v44 =	vld [tilespmem:$0x19680]  }
0x502: {  	v47 =	vld [tilespmem:$0x19700];
	v0 =	vadd.f32 v2, v0;
	v2 =	vmul.f32 v39, v38  }
0x503: {  	v46 =	vld.idx.msk [tilespmem:v40+s21+$0x0], $0xffff  }
0x504: {  	v48 =	vor.u32 $0x19, v33;
	v49 =	vld [tilespmem:$0x19780];
	v0 =	vadd.f32 v2, v0;
	v2 =	vmul.f32 v41, v3  }
0x505: {  	v3 =	vld.idx.msk [tilespmem:v42+s21+$0x0], $0xffff  }
0x506: {  	v50 =	vor.u32 $0x1A, v33;
	v51 =	vld.idx.msk [tilespmem:v45+s21+$0x0], $0xffff;
	v0 =	vadd.f32 v2, v0;
	v2 =	vmul.f32 v44, v43  }
0x507: {  	v53 =	vor.u32 $0x1B, v33;
	v52 =	vld [tilespmem:$0x19800]  }
0x508: {  	v55 =	vld [tilespmem:$0x19880];
	v0 =	vadd.f32 v2, v0;
	v2 =	vmul.f32 v47, v46  }
0x509: {  	v54 =	vld.idx.msk [tilespmem:v48+s21+$0x0], $0xffff  }
0x50a: {  	v56 =	vor.u32 $0x1C, v33;
	v57 =	vld [tilespmem:$0x19900];
	v0 =	vadd.f32 v2, v0;
	v2 =	vmul.f32 v49, v3  }
0x50b: {  	v3 =	vld.idx.msk [tilespmem:v50+s21+$0x0], $0xffff  }
0x50c: {  	v58 =	vor.u32 $0x1D, v33;
	v59 =	vld.idx.msk [tilespmem:v53+s21+$0x0], $0xffff;
	v0 =	vadd.f32 v2, v0;
	v2 =	vmul.f32 v52, v51  }
0x50d: {  	v61 =	vor.u32 $0x1E, v33;
	v60 =	vld [tilespmem:$0x19980]  }
0x50e: {  	v63 =	vld [tilespmem:$0x19A00];
	v0 =	vadd.f32 v2, v0;
	v2 =	vmul.f32 v55, v54  }
0x50f: {  	v62 =	vld.idx.msk [tilespmem:v56+s21+$0x0], $0xffff  }
0x510: {  	v35 =	vor.u32 $0x1F, v33;
	v36 =	vld [tilespmem:$0x19A80];
	v0 =	vadd.f32 v2, v0;
	v2 =	vmul.f32 v57, v3  }
0x511: {  	v3 =	vld.idx.msk [tilespmem:v58+s21+$0x0], $0xffff  }
0x512: {  	v37 =	vld.idx.msk [tilespmem:v61+s21+$0x0], $0xffff;
	v0 =	vadd.f32 v2, v0;
	v2 =	vmul.f32 v60, v59  }
0x513: {  	v38 =	vld [tilespmem:$0x19B00]  }
0x514: {  	v40 =	vld [tilespmem:$0x19B80];
	v0 =	vadd.f32 v2, v0;
	v2 =	vmul.f32 v63, v62  }
0x515: {  	v39 =	vld.idx.msk [tilespmem:v35+s21+$0x0], $0xffff  }
0x516: {  	v0 =	vadd.f32 v2, v0;
	v2 =	vmul.f32 v36, v3  }
0x517: {  	s28 =	simm.s32 $0x1  }
0x518: {  	v3 =	vmov s28;
	v0 =	vadd.f32 v2, v0;
	v2 =	vmul.f32 v38, v37  }
0x519: {  	v33 =	vmov s6;
	v3 =	vshll.u32 v3, $0x7  }
0x51a: {  	s29 =	simm.s32 $0x200;
	v35 =	vadd.s32 v34, v3;
	v0 =	vadd.f32 v2, v0;
	v2 =	vmul.f32 v40, v39  }
0x51b: {  	s7 =	sand.u32 $0x7000, s29;
	s6 =	simm.s32 $0x80  }
0x51c: {  	s7 =	sadd.s32 s7, s5;
	s8 =	sand.u32 $0x380, s6;
	v3 =	vor.u32 $0x1, v35;
	v0 =	vadd.f32 v2, v0  }
0x51d: {  	s7 =	sadd.s32 s8, s7  }
0x51e: {  	[tilespmem:v33+s7+$0x0 ss:$0x1] =	vst.idx.msk $0xffff, v0  }
0x51f: {  	v2 =	vor.u32 $0x2, v35;
	v0 =	vld.idx.msk [tilespmem:v35+s21+$0x0], $0xffff  }
0x520: {  	v42 =	vor.u32 $0x3, v35;
	v41 =	vld [tilespmem:$0x18C00]  }
0x521: {  	v3 =	vld.idx.msk [tilespmem:v3+s21+$0x0], $0xffff  }
0x522: {  	v44 =	vor.u32 $0x4, v35;
	v43 =	vld [tilespmem:$0x18C80]  }
0x523: {  	v45 =	vld [tilespmem:$0x18D00]  }
0x524: {  	v2 =	vld.idx.msk [tilespmem:v2+s21+$0x0], $0xffff  }
0x525: {  	v46 =	vor.u32 $0x5, v35;
	v47 =	vld.idx.msk [tilespmem:v42+s21+$0x0], $0xffff;
	v0 =	vmul.f32 v41, v0  }
0x526: {  	v49 =	vor.u32 $0x6, v35;
	v48 =	vld [tilespmem:$0x18D80]  }
0x527: {  	v50 =	vld.idx.msk [tilespmem:v44+s21+$0x0], $0xffff;
	v3 =	vmul.f32 v43, v3;
	v0 =	vadd.f32 $0.0e+00, v0  }
0x528: {  	v52 =	vor.u32 $0x7, v35;
	v51 =	vld [tilespmem:$0x18E00]  }
0x529: {  	v53 =	vld [tilespmem:$0x18E80];
	v2 =	vmul.f32 v45, v2;
	v0 =	vadd.f32 v3, v0  }
0x52a: {  	v3 =	vld.idx.msk [tilespmem:v46+s21+$0x0], $0xffff  }
0x52b: {  	v54 =	vor.u32 $0x8, v35;
	v55 =	vld.idx.msk [tilespmem:v49+s21+$0x0], $0xffff;
	v0 =	vadd.f32 v2, v0;
	v2 =	vmul.f32 v48, v47  }
0x52c: {  	v57 =	vor.u32 $0x9, v35;
	v56 =	vld [tilespmem:$0x18F00]  }
0x52d: {  	v58 =	vld.idx.msk [tilespmem:v52+s21+$0x0], $0xffff;
	v0 =	vadd.f32 v2, v0;
	v2 =	vmul.f32 v51, v50  }
0x52e: {  	v60 =	vor.u32 $0xA, v35;
	v59 =	vld [tilespmem:$0x18F80]  }
0x52f: {  	v61 =	vld [tilespmem:$0x19000];
	v0 =	vadd.f32 v2, v0;
	v2 =	vmul.f32 v53, v3  }
0x530: {  	v3 =	vld.idx.msk [tilespmem:v54+s21+$0x0], $0xffff  }
0x531: {  	v62 =	vor.u32 $0xB, v35;
	v63 =	vld.idx.msk [tilespmem:v57+s21+$0x0], $0xffff;
	v0 =	vadd.f32 v2, v0;
	v2 =	vmul.f32 v56, v55  }
0x532: {  	v36 =	vld [tilespmem:$0x19080]  }
0x533: {  	v37 =	vor.u32 $0xC, v35;
	v38 =	vld.idx.msk [tilespmem:v60+s21+$0x0], $0xffff;
	v0 =	vadd.f32 v2, v0;
	v2 =	vmul.f32 v59, v58  }
0x534: {  	v40 =	vor.u32 $0xD, v35;
	v39 =	vld [tilespmem:$0x19100]  }
0x535: {  	v41 =	vld [tilespmem:$0x19180];
	v0 =	vadd.f32 v2, v0;
	v2 =	vmul.f32 v61, v3  }
0x536: {  	v3 =	vld.idx.msk [tilespmem:v62+s21+$0x0], $0xffff  }
0x537: {  	v42 =	vor.u32 $0xE, v35;
	v44 =	vld [tilespmem:$0x19200];
	v0 =	vadd.f32 v2, v0;
	v2 =	vmul.f32 v36, v63  }
0x538: {  	v43 =	vld.idx.msk [tilespmem:v37+s21+$0x0], $0xffff  }
0x539: {  	v45 =	vor.u32 $0xF, v35;
	v46 =	vld.idx.msk [tilespmem:v40+s21+$0x0], $0xffff;
	v0 =	vadd.f32 v2, v0;
	v2 =	vmul.f32 v39, v38  }
0x53a: {  	v47 =	vld [tilespmem:$0x19280];
	v48 =	vor.u32 $0x10, v35  }
0x53b: {  	v49 =	vld [tilespmem:$0x19300];
	v0 =	vadd.f32 v2, v0;
	v2 =	vmul.f32 v41, v3  }
0x53c: {  	v3 =	vld.idx.msk [tilespmem:v42+s21+$0x0], $0xffff  }
0x53d: {  	v52 =	vld [tilespmem:$0x19380];
	v50 =	vor.u32 $0x11, v35;
	v0 =	vadd.f32 v2, v0;
	v2 =	vmul.f32 v44, v43  }
0x53e: {  	v51 =	vld.idx.msk [tilespmem:v45+s21+$0x0], $0xffff  }
0x53f: {  	v53 =	vor.u32 $0x12, v35;
	v54 =	vld.idx.msk [tilespmem:v48+s21+$0x0], $0xffff;
	v0 =	vadd.f32 v2, v0;
	v2 =	vmul.f32 v47, v46  }
0x540: {  	v55 =	vld [tilespmem:$0x19400];
	v56 =	vor.u32 $0x13, v35  }
0x541: {  	v57 =	vld [tilespmem:$0x19480];
	v0 =	vadd.f32 v2, v0;
	v2 =	vmul.f32 v49, v3  }
0x542: {  	v3 =	vld.idx.msk [tilespmem:v50+s21+$0x0], $0xffff  }
0x543: {  	v60 =	vld [tilespmem:$0x19500];
	v58 =	vor.u32 $0x14, v35;
	v0 =	vadd.f32 v2, v0;
	v2 =	vmul.f32 v52, v51  }
0x544: {  	v59 =	vld.idx.msk [tilespmem:v53+s21+$0x0], $0xffff  }
0x545: {  	v61 =	vor.u32 $0x15, v35;
	v62 =	vld.idx.msk [tilespmem:v56+s21+$0x0], $0xffff;
	v0 =	vadd.f32 v2, v0;
	v2 =	vmul.f32 v55, v54  }
0x546: {  	v63 =	vld [tilespmem:$0x19580];
	v36 =	vor.u32 $0x16, v35  }
0x547: {  	v37 =	vld [tilespmem:$0x19600];
	v0 =	vadd.f32 v2, v0;
	v2 =	vmul.f32 v57, v3  }
0x548: {  	v3 =	vld.idx.msk [tilespmem:v58+s21+$0x0], $0xffff  }
0x549: {  	v40 =	vld [tilespmem:$0x19680];
	v38 =	vor.u32 $0x17, v35;
	v0 =	vadd.f32 v2, v0;
	v2 =	vmul.f32 v60, v59  }
0x54a: {  	v39 =	vld.idx.msk [tilespmem:v61+s21+$0x0], $0xffff  }
0x54b: {  	v41 =	vor.u32 $0x18, v35;
	v42 =	vld.idx.msk [tilespmem:v36+s21+$0x0], $0xffff;
	v0 =	vadd.f32 v2, v0;
	v2 =	vmul.f32 v63, v62  }
0x54c: {  	v43 =	vld [tilespmem:$0x19700];
	v44 =	vor.u32 $0x19, v35  }
0x54d: {  	v45 =	vld [tilespmem:$0x19780];
	v0 =	vadd.f32 v2, v0;
	v2 =	vmul.f32 v37, v3  }
0x54e: {  	v3 =	vld.idx.msk [tilespmem:v38+s21+$0x0], $0xffff  }
0x54f: {  	v48 =	vld [tilespmem:$0x19800];
	v46 =	vor.u32 $0x1A, v35;
	v0 =	vadd.f32 v2, v0;
	v2 =	vmul.f32 v40, v39  }
0x550: {  	v47 =	vld.idx.msk [tilespmem:v41+s21+$0x0], $0xffff  }
0x551: {  	v49 =	vor.u32 $0x1B, v35;
	v50 =	vld.idx.msk [tilespmem:v44+s21+$0x0], $0xffff;
	v0 =	vadd.f32 v2, v0;
	v2 =	vmul.f32 v43, v42  }
0x552: {  	v51 =	vld [tilespmem:$0x19880];
	v52 =	vor.u32 $0x1C, v35  }
0x553: {  	v53 =	vld [tilespmem:$0x19900];
	v0 =	vadd.f32 v2, v0;
	v2 =	vmul.f32 v45, v3  }
0x554: {  	v3 =	vld.idx.msk [tilespmem:v46+s21+$0x0], $0xffff  }
0x555: {  	v56 =	vld [tilespmem:$0x19980];
	v54 =	vor.u32 $0x1D, v35;
	v0 =	vadd.f32 v2, v0;
	v2 =	vmul.f32 v48, v47  }
0x556: {  	v55 =	vld.idx.msk [tilespmem:v49+s21+$0x0], $0xffff  }
0x557: {  	v57 =	vor.u32 $0x1E, v35;
	v58 =	vld.idx.msk [tilespmem:v52+s21+$0x0], $0xffff;
	v0 =	vadd.f32 v2, v0;
	v2 =	vmul.f32 v51, v50  }
0x558: {  	v61 =	vor.u32 $0x1F, v35;
	v59 =	vld [tilespmem:$0x19A00]  }
0x559: {  	v60 =	vld [tilespmem:$0x19A80];
	v0 =	vadd.f32 v2, v0;
	v2 =	vmul.f32 v53, v3  }
0x55a: {  	v3 =	vld.idx.msk [tilespmem:v54+s21+$0x0], $0xffff  }
0x55b: {  	v63 =	vld [tilespmem:$0x19B00];
	v0 =	vadd.f32 v2, v0;
	v2 =	vmul.f32 v56, v55  }
0x55c: {  	v62 =	vld.idx.msk [tilespmem:v57+s21+$0x0], $0xffff  }
0x55d: {  	v36 =	vld.idx.msk [tilespmem:v61+s21+$0x0], $0xffff;
	v0 =	vadd.f32 v2, v0;
	v2 =	vmul.f32 v59, v58  }
0x55e: {  	v37 =	vld [tilespmem:$0x19B80]  }
0x55f: {  	v0 =	vadd.f32 v2, v0;
	v2 =	vmul.f32 v60, v3  }
0x560: {  	s9 =	simm.s32 $0x2  }
0x561: {  	s11 =	simm.s32 $0x800;
	s8 =	simm.s32 $0x400;
	s7 =	simm.s32 $0x600;
	v35 =	vmov s9;
	v39 =	vmul.f32 v63, v62;
	v38 =	vadd.f32 v2, v0  }
.LBB2_19:
0x562: {  	p0 =	sne.s32 s11, $0x2800;
	v0 =	vshll.u32 v35, $0x7  }
0x563: {  	v35 =	vadd.s32 v34, v0;
	v0 =	vadd.f32 v39, v38;
	v2 =	vmul.f32 v37, v36  }
0x564: {  	s10 =	sand.u32 $0x7000, s8;
	s6 =	sadd.s32 $0x80, s6;
	s8 =	smov.u32 s7  }
0x565: {  	s7 =	smov.u32 s11;
	s12 =	sand.u32 $0x380, s6;
	s10 =	sadd.s32 s10, s5;
	v3 =	vor.u32 $0x1, v35;
	v0 =	vadd.f32 v2, v0  }
0x566: {  	s10 =	sadd.s32 s12, s10  }
0x567: {  	v2 =	vor.u32 $0x2, v35;
	[tilespmem:v33+s10+$0x0 ss:$0x1] =	vst.idx.msk $0xffff, v0  }
0x568: {  	v0 =	vld.idx.msk [tilespmem:v35+s21+$0x0], $0xffff  }
0x569: {  	v5 =	vor.u32 $0x3, v35;
	v4 =	vld [tilespmem:$0x18C00]  }
0x56a: {  	v3 =	vld.idx.msk [tilespmem:v3+s21+$0x0], $0xffff  }
0x56b: {  	v7 =	vor.u32 $0x4, v35;
	v6 =	vld [tilespmem:$0x18C80]  }
0x56c: {  	v2 =	vld.idx.msk [tilespmem:v2+s21+$0x0], $0xffff  }
0x56d: {  	v9 =	vor.u32 $0x5, v35;
	v8 =	vld [tilespmem:$0x18D00]  }
0x56e: {  	v0 =	vmul.f32 v4, v0;
	v4 =	vld.idx.msk [tilespmem:v5+s21+$0x0], $0xffff  }
0x56f: {  	v10 =	vor.u32 $0x6, v35;
	v5 =	vld [tilespmem:$0x18D80]  }
0x570: {  	v0 =	vadd.f32 $0.0e+00, v0;
	v3 =	vmul.f32 v6, v3;
	v6 =	vld.idx.msk [tilespmem:v7+s21+$0x0], $0xffff  }
0x571: {  	v11 =	vor.u32 $0x7, v35;
	v7 =	vld [tilespmem:$0x18E00]  }
0x572: {  	v0 =	vadd.f32 v3, v0;
	v2 =	vmul.f32 v8, v2;
	v3 =	vld.idx.msk [tilespmem:v9+s21+$0x0], $0xffff  }
0x573: {  	v9 =	vor.u32 $0x8, v35;
	v8 =	vld [tilespmem:$0x18E80]  }
0x574: {  	v0 =	vadd.f32 v2, v0;
	v2 =	vmul.f32 v5, v4;
	v4 =	vld.idx.msk [tilespmem:v10+s21+$0x0], $0xffff  }
0x575: {  	v10 =	vor.u32 $0x9, v35;
	v5 =	vld [tilespmem:$0x18F00]  }
0x576: {  	v0 =	vadd.f32 v2, v0;
	v2 =	vmul.f32 v7, v6;
	v6 =	vld.idx.msk [tilespmem:v11+s21+$0x0], $0xffff  }
0x577: {  	v11 =	vor.u32 $0xA, v35;
	v7 =	vld [tilespmem:$0x18F80]  }
0x578: {  	v0 =	vadd.f32 v2, v0;
	v2 =	vmul.f32 v8, v3;
	v3 =	vld.idx.msk [tilespmem:v9+s21+$0x0], $0xffff  }
0x579: {  	v9 =	vor.u32 $0xB, v35;
	v8 =	vld [tilespmem:$0x19000]  }
0x57a: {  	v0 =	vadd.f32 v2, v0;
	v2 =	vmul.f32 v5, v4;
	v4 =	vld.idx.msk [tilespmem:v10+s21+$0x0], $0xffff  }
0x57b: {  	v10 =	vor.u32 $0xC, v35;
	v5 =	vld [tilespmem:$0x19080]  }
0x57c: {  	v0 =	vadd.f32 v2, v0;
	v2 =	vmul.f32 v7, v6;
	v6 =	vld.idx.msk [tilespmem:v11+s21+$0x0], $0xffff  }
0x57d: {  	v11 =	vor.u32 $0xD, v35;
	v7 =	vld [tilespmem:$0x19100]  }
0x57e: {  	v0 =	vadd.f32 v2, v0;
	v2 =	vmul.f32 v8, v3;
	v3 =	vld.idx.msk [tilespmem:v9+s21+$0x0], $0xffff  }
0x57f: {  	v9 =	vor.u32 $0xE, v35;
	v8 =	vld [tilespmem:$0x19180]  }
0x580: {  	v0 =	vadd.f32 v2, v0;
	v2 =	vmul.f32 v5, v4;
	v4 =	vld.idx.msk [tilespmem:v10+s21+$0x0], $0xffff  }
0x581: {  	v10 =	vor.u32 $0xF, v35;
	v5 =	vld [tilespmem:$0x19200]  }
0x582: {  	v0 =	vadd.f32 v2, v0;
	v2 =	vmul.f32 v7, v6;
	v6 =	vld.idx.msk [tilespmem:v11+s21+$0x0], $0xffff  }
0x583: {  	v11 =	vor.u32 $0x10, v35;
	v7 =	vld [tilespmem:$0x19280]  }
0x584: {  	v0 =	vadd.f32 v2, v0;
	v2 =	vmul.f32 v8, v3;
	v3 =	vld.idx.msk [tilespmem:v9+s21+$0x0], $0xffff  }
0x585: {  	v9 =	vor.u32 $0x11, v35;
	v8 =	vld [tilespmem:$0x19300]  }
0x586: {  	v0 =	vadd.f32 v2, v0;
	v2 =	vmul.f32 v5, v4;
	v4 =	vld.idx.msk [tilespmem:v10+s21+$0x0], $0xffff  }
0x587: {  	v10 =	vor.u32 $0x12, v35;
	v5 =	vld [tilespmem:$0x19380]  }
0x588: {  	v0 =	vadd.f32 v2, v0;
	v2 =	vmul.f32 v7, v6;
	v6 =	vld.idx.msk [tilespmem:v11+s21+$0x0], $0xffff  }
0x589: {  	v11 =	vor.u32 $0x13, v35;
	v7 =	vld [tilespmem:$0x19400]  }
0x58a: {  	v0 =	vadd.f32 v2, v0;
	v2 =	vmul.f32 v8, v3;
	v3 =	vld.idx.msk [tilespmem:v9+s21+$0x0], $0xffff  }
0x58b: {  	v9 =	vor.u32 $0x14, v35;
	v8 =	vld [tilespmem:$0x19480]  }
0x58c: {  	v0 =	vadd.f32 v2, v0;
	v2 =	vmul.f32 v5, v4;
	v4 =	vld.idx.msk [tilespmem:v10+s21+$0x0], $0xffff  }
0x58d: {  	v10 =	vor.u32 $0x15, v35;
	v5 =	vld [tilespmem:$0x19500]  }
0x58e: {  	v0 =	vadd.f32 v2, v0;
	v2 =	vmul.f32 v7, v6;
	v6 =	vld.idx.msk [tilespmem:v11+s21+$0x0], $0xffff  }
0x58f: {  	v11 =	vor.u32 $0x16, v35;
	v7 =	vld [tilespmem:$0x19580]  }
0x590: {  	v0 =	vadd.f32 v2, v0;
	v2 =	vmul.f32 v8, v3;
	v3 =	vld.idx.msk [tilespmem:v9+s21+$0x0], $0xffff  }
0x591: {  	v9 =	vor.u32 $0x17, v35;
	v8 =	vld [tilespmem:$0x19600]  }
0x592: {  	v0 =	vadd.f32 v2, v0;
	v2 =	vmul.f32 v5, v4;
	v4 =	vld.idx.msk [tilespmem:v10+s21+$0x0], $0xffff  }
0x593: {  	v10 =	vor.u32 $0x18, v35;
	v5 =	vld [tilespmem:$0x19680]  }
0x594: {  	v0 =	vadd.f32 v2, v0;
	v2 =	vmul.f32 v7, v6;
	v6 =	vld.idx.msk [tilespmem:v11+s21+$0x0], $0xffff  }
0x595: {  	v11 =	vor.u32 $0x19, v35;
	v7 =	vld [tilespmem:$0x19700]  }
0x596: {  	v0 =	vadd.f32 v2, v0;
	v2 =	vmul.f32 v8, v3;
	v3 =	vld.idx.msk [tilespmem:v9+s21+$0x0], $0xffff  }
0x597: {  	v9 =	vor.u32 $0x1A, v35;
	v8 =	vld [tilespmem:$0x19780]  }
0x598: {  	v0 =	vadd.f32 v2, v0;
	v2 =	vmul.f32 v5, v4;
	v4 =	vld.idx.msk [tilespmem:v10+s21+$0x0], $0xffff  }
0x599: {  	v10 =	vor.u32 $0x1B, v35;
	v5 =	vld [tilespmem:$0x19800]  }
0x59a: {  	v0 =	vadd.f32 v2, v0;
	v2 =	vmul.f32 v7, v6;
	v6 =	vld.idx.msk [tilespmem:v11+s21+$0x0], $0xffff  }
0x59b: {  	v11 =	vor.u32 $0x1C, v35;
	v7 =	vld [tilespmem:$0x19880]  }
0x59c: {  	v0 =	vadd.f32 v2, v0;
	v2 =	vmul.f32 v8, v3;
	v3 =	vld.idx.msk [tilespmem:v9+s21+$0x0], $0xffff  }
0x59d: {  	v9 =	vor.u32 $0x1D, v35;
	v8 =	vld [tilespmem:$0x19900]  }
0x59e: {  	v0 =	vadd.f32 v2, v0;
	v2 =	vmul.f32 v5, v4;
	v4 =	vld.idx.msk [tilespmem:v10+s21+$0x0], $0xffff  }
0x59f: {  	v10 =	vor.u32 $0x1E, v35;
	v5 =	vld [tilespmem:$0x19980]  }
0x5a0: {  	v0 =	vadd.f32 v2, v0;
	v2 =	vmul.f32 v7, v6;
	v6 =	vld.idx.msk [tilespmem:v11+s21+$0x0], $0xffff  }
0x5a1: {  	v11 =	vor.u32 $0x1F, v35;
	v7 =	vld [tilespmem:$0x19A00]  }
0x5a2: {  	v0 =	vadd.f32 v2, v0;
	v2 =	vmul.f32 v8, v3;
	v3 =	vld.idx.msk [tilespmem:v9+s21+$0x0], $0xffff  }
0x5a3: {  	v8 =	vld [tilespmem:$0x19A80]  }
0x5a4: {  	v0 =	vadd.f32 v2, v0;
	v2 =	vmul.f32 v5, v4;
	v4 =	vld.idx.msk [tilespmem:v10+s21+$0x0], $0xffff  }
0x5a5: {  	v5 =	vld [tilespmem:$0x19B00]  }
.Ltmp13:
0x5a6: {  	v0 =	vadd.f32 v2, v0;
	v2 =	vmul.f32 v7, v6;
	v36 =	vld.idx.msk [tilespmem:v11+s21+$0x0], $0xffff;
	(pc) =	sbr.rel @p0 .LBB2_19-.Ltmp13, $4  }
0x5a7: {  	v37 =	vld [tilespmem:$0x19B80]  }
0x5a8: {  	v0 =	vadd.f32 v2, v0;
	v2 =	vmul.f32 v8, v3  }
0x5a9: {  	s9 =	sadd.s32 $0x1, s9  }
0x5aa: {  	s11 =	sadd.s32 $0x200, s11;
	v35 =	vmov s9;
	v38 =	vadd.f32 v2, v0;
	v39 =	vmul.f32 v5, v4  }
0x5ab: {  	v0 =	vshll.u32 v35, $0x7  }
0x5ac: {  	v34 =	vadd.s32 v34, v0;
	v0 =	vadd.f32 v39, v38;
	v2 =	vmul.f32 v37, v36  }
0x5ad: {  	s8 =	sand.u32 $0x7000, s8;
	s6 =	sadd.s32 $0x80, s6  }
0x5ae: {  	s9 =	sand.u32 $0x380, s6;
	s8 =	sadd.s32 s8, s5;
	v0 =	vadd.f32 v2, v0  }
0x5af: {  	v3 =	vor.u32 $0x1, v34;
	s8 =	sadd.s32 s9, s8  }
0x5b0: {  	[tilespmem:v33+s8+$0x0 ss:$0x1] =	vst.idx.msk $0xffff, v0  }
0x5b1: {  	v2 =	vor.u32 $0x2, v34;
	v0 =	vld.idx.msk [tilespmem:v34+s21+$0x0], $0xffff  }
0x5b2: {  	v4 =	vld [tilespmem:$0x18C00]  }
0x5b3: {  	v5 =	vor.u32 $0x3, v34;
	v6 =	vld [tilespmem:$0x18C80]  }
0x5b4: {  	v3 =	vld.idx.msk [tilespmem:v3+s21+$0x0], $0xffff  }
0x5b5: {  	v7 =	vor.u32 $0x4, v34;
	v8 =	vld [tilespmem:$0x18D00]  }
0x5b6: {  	v2 =	vld.idx.msk [tilespmem:v2+s21+$0x0], $0xffff  }
0x5b7: {  	v9 =	vor.u32 $0x5, v34;
	v50 =	vld [tilespmem:$0x18D80];
	v0 =	vmul.f32 v4, v0  }
0x5b8: {  	v49 =	vld.idx.msk [tilespmem:v5+s21+$0x0], $0xffff  }
0x5b9: {  	v10 =	vor.u32 $0x6, v34;
	v52 =	vld [tilespmem:$0x18E00];
	v3 =	vmul.f32 v6, v3;
	v0 =	vadd.f32 $0.0e+00, v0  }
0x5ba: {  	v51 =	vld.idx.msk [tilespmem:v7+s21+$0x0], $0xffff  }
0x5bb: {  	v11 =	vor.u32 $0x7, v34;
	v53 =	vld [tilespmem:$0x18E80];
	v2 =	vmul.f32 v8, v2;
	v0 =	vadd.f32 v3, v0  }
0x5bc: {  	v3 =	vld.idx.msk [tilespmem:v9+s21+$0x0], $0xffff  }
0x5bd: {  	v54 =	vor.u32 $0x8, v34;
	v56 =	vld [tilespmem:$0x18F00];
	v0 =	vadd.f32 v2, v0;
	v2 =	vmul.f32 v50, v49  }
0x5be: {  	v55 =	vld.idx.msk [tilespmem:v10+s21+$0x0], $0xffff  }
0x5bf: {  	v57 =	vor.u32 $0x9, v34;
	v59 =	vld [tilespmem:$0x18F80];
	v0 =	vadd.f32 v2, v0;
	v2 =	vmul.f32 v52, v51  }
0x5c0: {  	v58 =	vld.idx.msk [tilespmem:v11+s21+$0x0], $0xffff  }
0x5c1: {  	v60 =	vor.u32 $0xA, v34;
	v61 =	vld [tilespmem:$0x19000];
	v0 =	vadd.f32 v2, v0;
	v2 =	vmul.f32 v53, v3  }
0x5c2: {  	v3 =	vld.idx.msk [tilespmem:v54+s21+$0x0], $0xffff  }
0x5c3: {  	v62 =	vor.u32 $0xB, v34;
	v35 =	vld [tilespmem:$0x19080];
	v0 =	vadd.f32 v2, v0;
	v2 =	vmul.f32 v56, v55  }
0x5c4: {  	v63 =	vld.idx.msk [tilespmem:v57+s21+$0x0], $0xffff  }
0x5c5: {  	v36 =	vor.u32 $0xC, v34;
	v38 =	vld [tilespmem:$0x19100];
	v0 =	vadd.f32 v2, v0;
	v2 =	vmul.f32 v59, v58  }
0x5c6: {  	v37 =	vld.idx.msk [tilespmem:v60+s21+$0x0], $0xffff  }
0x5c7: {  	v39 =	vor.u32 $0xD, v34;
	v40 =	vld [tilespmem:$0x19180];
	v0 =	vadd.f32 v2, v0;
	v2 =	vmul.f32 v61, v3  }
0x5c8: {  	v3 =	vld.idx.msk [tilespmem:v62+s21+$0x0], $0xffff  }
0x5c9: {  	v41 =	vor.u32 $0xE, v34;
	v43 =	vld [tilespmem:$0x19200];
	v0 =	vadd.f32 v2, v0;
	v2 =	vmul.f32 v35, v63  }
0x5ca: {  	v44 =	vor.u32 $0xF, v34;
	v42 =	vld.idx.msk [tilespmem:v36+s21+$0x0], $0xffff  }
0x5cb: {  	v46 =	vld [tilespmem:$0x19280];
	v0 =	vadd.f32 v2, v0;
	v2 =	vmul.f32 v38, v37  }
0x5cc: {  	v47 =	vor.u32 $0x10, v34;
	v45 =	vld.idx.msk [tilespmem:v39+s21+$0x0], $0xffff  }
0x5cd: {  	v48 =	vld [tilespmem:$0x19300];
	v0 =	vadd.f32 v2, v0;
	v2 =	vmul.f32 v40, v3  }
0x5ce: {  	v3 =	vld.idx.msk [tilespmem:v41+s21+$0x0], $0xffff  }
0x5cf: {  	v49 =	vor.u32 $0x11, v34;
	v50 =	vld.idx.msk [tilespmem:v44+s21+$0x0], $0xffff;
	v0 =	vadd.f32 v2, v0;
	v2 =	vmul.f32 v43, v42  }
0x5d0: {  	v51 =	vld [tilespmem:$0x19380];
	v52 =	vor.u32 $0x12, v34  }
0x5d1: {  	v53 =	vld.idx.msk [tilespmem:v47+s21+$0x0], $0xffff;
	v0 =	vadd.f32 v2, v0;
	v2 =	vmul.f32 v46, v45  }
0x5d2: {  	v54 =	vld [tilespmem:$0x19400]  }
0x5d3: {  	v55 =	vor.u32 $0x13, v34;
	v56 =	vld [tilespmem:$0x19480];
	v0 =	vadd.f32 v2, v0;
	v2 =	vmul.f32 v48, v3  }
0x5d4: {  	v3 =	vld.idx.msk [tilespmem:v49+s21+$0x0], $0xffff  }
0x5d5: {  	v57 =	vor.u32 $0x14, v34;
	v58 =	vld.idx.msk [tilespmem:v52+s21+$0x0], $0xffff;
	v0 =	vadd.f32 v2, v0;
	v2 =	vmul.f32 v51, v50  }
0x5d6: {  	v60 =	vor.u32 $0x15, v34;
	v59 =	vld [tilespmem:$0x19500]  }
0x5d7: {  	v62 =	vld [tilespmem:$0x19580];
	v0 =	vadd.f32 v2, v0;
	v2 =	vmul.f32 v54, v53  }
0x5d8: {  	v61 =	vld.idx.msk [tilespmem:v55+s21+$0x0], $0xffff  }
0x5d9: {  	v63 =	vor.u32 $0x16, v34;
	v35 =	vld [tilespmem:$0x19600];
	v0 =	vadd.f32 v2, v0;
	v2 =	vmul.f32 v56, v3  }
0x5da: {  	v3 =	vld.idx.msk [tilespmem:v57+s21+$0x0], $0xffff  }
0x5db: {  	v36 =	vor.u32 $0x17, v34;
	v37 =	vld.idx.msk [tilespmem:v60+s21+$0x0], $0xffff;
	v0 =	vadd.f32 v2, v0;
	v2 =	vmul.f32 v59, v58  }
0x5dc: {  	v39 =	vor.u32 $0x18, v34;
	v38 =	vld [tilespmem:$0x19680]  }
0x5dd: {  	v41 =	vld [tilespmem:$0x19700];
	v0 =	vadd.f32 v2, v0;
	v2 =	vmul.f32 v62, v61  }
0x5de: {  	v40 =	vld.idx.msk [tilespmem:v63+s21+$0x0], $0xffff  }
0x5df: {  	v42 =	vor.u32 $0x19, v34;
	v43 =	vld [tilespmem:$0x19780];
	v0 =	vadd.f32 v2, v0;
	v2 =	vmul.f32 v35, v3  }
0x5e0: {  	v3 =	vld.idx.msk [tilespmem:v36+s21+$0x0], $0xffff  }
0x5e1: {  	v44 =	vor.u32 $0x1A, v34;
	v45 =	vld.idx.msk [tilespmem:v39+s21+$0x0], $0xffff;
	v0 =	vadd.f32 v2, v0;
	v2 =	vmul.f32 v38, v37  }
0x5e2: {  	v47 =	vor.u32 $0x1B, v34;
	v46 =	vld [tilespmem:$0x19800]  }
0x5e3: {  	v49 =	vld [tilespmem:$0x19880];
	v0 =	vadd.f32 v2, v0;
	v2 =	vmul.f32 v41, v40  }
0x5e4: {  	v48 =	vld.idx.msk [tilespmem:v42+s21+$0x0], $0xffff  }
0x5e5: {  	v50 =	vor.u32 $0x1C, v34;
	v51 =	vld [tilespmem:$0x19900];
	v0 =	vadd.f32 v2, v0;
	v2 =	vmul.f32 v43, v3  }
0x5e6: {  	v3 =	vld.idx.msk [tilespmem:v44+s21+$0x0], $0xffff  }
0x5e7: {  	v52 =	vor.u32 $0x1D, v34;
	v53 =	vld.idx.msk [tilespmem:v47+s21+$0x0], $0xffff;
	v0 =	vadd.f32 v2, v0;
	v2 =	vmul.f32 v46, v45  }
0x5e8: {  	v55 =	vor.u32 $0x1E, v34;
	v54 =	vld [tilespmem:$0x19980]  }
0x5e9: {  	v57 =	vld [tilespmem:$0x19A00];
	v0 =	vadd.f32 v2, v0;
	v2 =	vmul.f32 v49, v48  }
0x5ea: {  	v56 =	vld.idx.msk [tilespmem:v50+s21+$0x0], $0xffff  }
0x5eb: {  	v58 =	vor.u32 $0x1F, v34;
	v59 =	vld [tilespmem:$0x19A80];
	v0 =	vadd.f32 v2, v0;
	v2 =	vmul.f32 v51, v3  }
0x5ec: {  	v3 =	vld.idx.msk [tilespmem:v52+s21+$0x0], $0xffff  }
0x5ed: {  	v60 =	vld.idx.msk [tilespmem:v55+s21+$0x0], $0xffff;
	v0 =	vadd.f32 v2, v0;
	v2 =	vmul.f32 v54, v53  }
0x5ee: {  	v61 =	vld [tilespmem:$0x19B00]  }
0x5ef: {  	v63 =	vld [tilespmem:$0x19B80];
	v0 =	vadd.f32 v2, v0;
	v2 =	vmul.f32 v57, v56  }
0x5f0: {  	v62 =	vld.idx.msk [tilespmem:v58+s21+$0x0], $0xffff  }
0x5f1: {  	v0 =	vadd.f32 v2, v0;
	v2 =	vmul.f32 v59, v3;
	_ =	sdelay $0x1  }
0x5f2: {  	v0 =	vadd.f32 v2, v0;
	v2 =	vmul.f32 v61, v60;
	_ =	sdelay $0x1  }
.Ltmp14:
0x5f3: {  	v0 =	vadd.f32 v2, v0;
	v2 =	vmul.f32 v63, v62;
	(pc) =	sbr.rel .LBB2_21-.Ltmp14, $4  }
0x5f4: {  	s7 =	sand.u32 $0x7000, s7;
	s6 =	sadd.s32 $0x80, s6  }
0x5f5: {  	s29 =	sadd.s32 s7, s5;
	s6 =	sand.u32 $0x380, s6;
	v0 =	vadd.f32 v2, v0  }
0x5f6: {  	s5 =	sadd.s32 s6, s29  }
0x5f7: {  	[tilespmem:v33+s5+$0x0 ss:$0x1] =	vst.idx.msk $0xffff, v0  }
.LBB2_23:
0x5f8: {  	_ =	sfence.sel $0x180000  }
0x5f9: {  	[bflag:$0x0] =	sbarrier.arrive $0xFFFF  }
0x5fa: {  	_ =	strace $0x90000047  }
0x5fb: {  	s0 =	stileid.u32;
	[bflag:$0x2] =	sbarrier.arrive $0xFFFF  }
0x5fc: {  	p0 =	sne.s32 s0, $0x0;
	s0 =	rddreg [dreg:$0x3]  }
0x5fd: {  	s0 =	sadd.s32 @!p0 $0x100000, s0  }
0x5fe: {  	[sflag:s0] =	ssyncadd.tile.s32 @!p0 $0x1;
	_ =	shalt  }
.Lfunc_end2:
_tile_overlayer_lowered:
.L_overlay_start_2:
0x5ff: {  	(tag) =	ssettag $0x2  }
0x600: {  	s0 =	rddreg [dreg:$0x0];
	s2 =	stileid.u32  }
0x601: {  	s1 =	rddreg [dreg:$0x1];
	p0 =	sne.s32 s2, $0x0  }
0x602: {  	s3 =	rddreg [dreg:$0x2];
	[bflag:$0x3] =	sbarrier.arrive $0xFFFF;
	s2 =	simm.s32 @!p0 $0x1C04  }
0x603: {  	[timem:s3], [sflag:s2] =	dma.local @!p0 [hbm:s0], s1  }
0x604: {  	s0 =	simm.s32 @!p0 $0x4  }
0x605: {  	_ =	swait.ge @!p0 [sflag:s0], s1  }
0x606: {  	s1 =	ssub.s32 @!p0 $0x0, s1;
	[sflag:s0] =	ssyncset.done @!p0 $0x0  }
0x607: {  	[sflag:s0] =	ssyncadd.s32 @!p0 s1  }
0x608: {  	[bflag:$0x3] =	sbarrier.arrive $0xFFFF  }
0x609: {  	_ =	shalt  }

</sc_bundles>
